<compile_context>
chip_gen: v7x
topology: tpu7x:2x2x1
jax: 0.10.2.dev20260603
libtpu: 0.0.44.dev20260713+nightly
codegen_flags: <defaults>
</compile_context>

<pallas_src>
import functools

import jax
import jax.numpy as jnp
from jax import lax
from jax.experimental import pallas as pl
from jax.experimental.pallas import tpu as pltpu
from jax.experimental.pallas import tpu_sc as plsc

N = 10000
NP = 10240
E = 320000
D = 128
C = 40
CP = 128

NC = 2
NS = 16
NW = NC * NS
B = 128
CH = 80
EP = NW * CH * B
RPT = NP // NS
_CHH = 8
CH0 = 152
CH1 = 8

_ROWBLK = 512

_mesh = plsc.VectorSubcoreMesh(core_axis_name="c", subcore_axis_name="s")


def _deg_body(src_hbm, dst_hbm, outs_hbm, outd_hbm, idx_v, rows, acc):
    c = lax.axis_index("c")
    s = lax.axis_index("s")
    wid = c * NS + s
    base = s * RPT

    def zero_rows(i, _):
        for k in range(D // 16):
            rows[i, pl.ds(k * 16, 16)] = jnp.zeros((16,), jnp.float32)
        return 0

    def one_rows(i, _):
        for k in range(D // 16):
            rows[i, pl.ds(k * 16, 16)] = jnp.ones((16,), jnp.float32)
        return 0

    def hist_phase(edges_hbm, out_hbm):
        lax.fori_loop(0, B, zero_rows, 0)
        for k in range(RPT // B):
            pltpu.sync_copy(rows, acc.at[pl.ds(base + k * B, B)])
        plsc.subcore_barrier()
        lax.fori_loop(0, B, one_rows, 0)
        pltpu.sync_copy(edges_hbm.at[pl.ds(wid * CH, CH)], idx_v)

        def body(j, _):
            pltpu.sync_copy(rows, acc.at[idx_v.at[j]], add=True)
            return 0

        lax.fori_loop(0, CH, body, 0)
        plsc.subcore_barrier()
        pltpu.sync_copy(acc.at[pl.ds(base, RPT)],
                        out_hbm.at[c, pl.ds(base, RPT)])
        plsc.subcore_barrier()

    hist_phase(src_hbm, outs_hbm)
    hist_phase(dst_hbm, outd_hbm)


_deg_call = pl.kernel(
    _deg_body,
    mesh=_mesh,
    out_type=[
        jax.ShapeDtypeStruct((NC, NP, D), jnp.float32),
        jax.ShapeDtypeStruct((NC, NP, D), jnp.float32),
    ],
    scratch_types=[
        pltpu.VMEM((CH, B), jnp.int32),
        pltpu.VMEM((B, D), jnp.float32),
        pltpu.VMEM_SHARED((NP, D), jnp.float32),
    ],
)


def _agg_body(h_hbm, src_hbm, dst_hbm, out_hbm,
              idx_s, idx_d, rows0, rows1, acc, gsem, ssem):
    c = lax.axis_index("c")
    s = lax.axis_index("s")
    w = rows0.shape[-1]

    def zfill(i, _):
            for k in range(w // 16):
                rows0[i, pl.ds(k * 16, 16)] = jnp.zeros((16,), jnp.float32)
            return 0

    lax.fori_loop(0, B, zfill, 0)

    base = s * RPT
    for k in range(RPT // B):
        pltpu.sync_copy(rows0, acc.at[pl.ds(base + k * B, B)])
    plsc.subcore_barrier()

    off = jnp.where(c == 0, s * CH0, NS * CH0 + s * CH1)
    ngrp = jnp.where(c == 0, CH0 // _CHH, CH1 // _CHH)

    def group(h, _):
        pltpu.sync_copy(src_hbm.at[pl.ds(off + h * _CHH, _CHH)], idx_s)
        pltpu.sync_copy(dst_hbm.at[pl.ds(off + h * _CHH, _CHH)], idx_d)
        for q in range(_CHH // 2):
            j0 = 2 * q
            j1 = 2 * q + 1
            g0 = pltpu.async_copy(h_hbm.at[idx_s.at[j0]], rows0, gsem)
            g1 = pltpu.async_copy(h_hbm.at[idx_s.at[j1]], rows1, gsem)
            g0.wait()
            s0 = pltpu.async_copy(rows0, acc.at[idx_d.at[j0]], ssem, add=True)
            g1.wait()
            s1 = pltpu.async_copy(rows1, acc.at[idx_d.at[j1]], ssem, add=True)
            s0.wait()
            s1.wait()
        return 0

    lax.fori_loop(0, ngrp, group, 0)
    plsc.subcore_barrier()

    pltpu.sync_copy(acc.at[pl.ds(base, RPT)], out_hbm.at[c, pl.ds(base, RPT)])


def _make_agg_call(width):
    return pl.kernel(
        _agg_body,
        mesh=_mesh,
        out_type=jax.ShapeDtypeStruct((NC, NP, width), jnp.float32),
        scratch_types=[
            pltpu.VMEM((_CHH, B), jnp.int32),
            pltpu.VMEM((_CHH, B), jnp.int32),
            pltpu.VMEM((B, width), jnp.float32),
            pltpu.VMEM((B, width), jnp.float32),
            pltpu.VMEM_SHARED((NP, width), jnp.float32),
            pltpu.SemaphoreType.DMA,
            pltpu.SemaphoreType.DMA,
        ],
    )


_agg_call_d = _make_agg_call(D)
_agg_call_c = _agg_call_d if CP == D else _make_agg_call(CP)


def _norm_col(deg_ref):
    d = jnp.sum(deg_ref[...], axis=0)
    return lax.rsqrt(jnp.maximum(d, 1.0))


def _tc1_body(degs_ref, x_ref, w_ref, out_ref):
    nsrc = _norm_col(degs_ref)
    out_ref[...] = jnp.dot(
        x_ref[...], w_ref[...], preferred_element_type=jnp.float32) * nsrc


_tc1_call = pl.pallas_call(
    _tc1_body,
    grid=(NP // _ROWBLK,),
    in_specs=[
        pl.BlockSpec((NC, _ROWBLK, 1), lambda i: (0, i, 0)),
        pl.BlockSpec((_ROWBLK, D), lambda i: (i, 0)),
        pl.BlockSpec((D, D), lambda i: (0, 0)),
    ],
    out_specs=pl.BlockSpec((_ROWBLK, D), lambda i: (i, 0)),
    out_shape=jax.ShapeDtypeStruct((NP, D), jnp.float32),
)


def _tc2_body(p_ref, degd_ref, degs_ref, b1_ref, w2_ref, out_ref):
    ndst = _norm_col(degd_ref)
    nsrc = _norm_col(degs_ref)
    z = (p_ref[0] + p_ref[1]) * ndst + b1_ref[...]
    z = jnp.maximum(z, 0.0)
    out_ref[...] = jnp.dot(
        z, w2_ref[...], preferred_element_type=jnp.float32) * nsrc


_tc2_call = pl.pallas_call(
    _tc2_body,
    grid=(NP // _ROWBLK,),
    in_specs=[
        pl.BlockSpec((NC, _ROWBLK, D), lambda i: (0, i, 0)),
        pl.BlockSpec((NC, _ROWBLK, 1), lambda i: (0, i, 0)),
        pl.BlockSpec((NC, _ROWBLK, 1), lambda i: (0, i, 0)),
        pl.BlockSpec((1, D), lambda i: (0, 0)),
        pl.BlockSpec((D, CP), lambda i: (0, 0)),
    ],
    out_specs=pl.BlockSpec((_ROWBLK, CP), lambda i: (i, 0)),
    out_shape=jax.ShapeDtypeStruct((NP, CP), jnp.float32),
)


def _tc3_body(p_ref, degd_ref, b2_ref, out_ref):
    ndst = _norm_col(degd_ref)
    z = (p_ref[0] + p_ref[1]) * ndst + b2_ref[...]
    col = lax.broadcasted_iota(jnp.int32, z.shape, 1)
    mask = col < C
    m = jnp.max(jnp.where(mask, z, -jnp.inf), axis=1, keepdims=True)
    e = jnp.where(mask, jnp.exp(z - m), 0.0)
    lse = jnp.log(jnp.sum(e, axis=1, keepdims=True))
    out_ref[...] = z - m - lse


_tc3_call = pl.pallas_call(
    _tc3_body,
    grid=(NP // _ROWBLK,),
    in_specs=[
        pl.BlockSpec((NC, _ROWBLK, CP), lambda i: (0, i, 0)),
        pl.BlockSpec((NC, _ROWBLK, 1), lambda i: (0, i, 0)),
        pl.BlockSpec((1, CP), lambda i: (0, 0)),
    ],
    out_specs=pl.BlockSpec((_ROWBLK, CP), lambda i: (i, 0)),
    out_shape=jax.ShapeDtypeStruct((NP, CP), jnp.float32),
)


def kernel(x, edge_index, W1, b1, W2, b2):
    src = edge_index[0]
    dst = edge_index[1]
    pad_e = EP - E
    srcp = jnp.concatenate(
        [src, jnp.full((pad_e,), N, jnp.int32)]).reshape(NW * CH, B)
    dstp = jnp.concatenate(
        [dst, jnp.full((pad_e,), N, jnp.int32)]).reshape(NW * CH, B)
    xp = jnp.pad(x, ((0, NP - N), (0, 0)))
    w2p = jnp.pad(W2, ((0, 0), (0, CP - C)))
    b1r = b1.reshape(1, D)
    b2r = jnp.pad(b2, (0, CP - C)).reshape(1, CP)

    degs_f, degd_f = _deg_call(srcp, dstp)
    degs = degs_f[:, :, :1]
    degd = degd_f[:, :, :1]
    h1 = _tc1_call(degs, xp, W1)
    p1 = _agg_call_d(h1, srcp, dstp)
    h2 = _tc2_call(p1, degd, degs, b1r, w2p)
    p2 = _agg_call_c(h2, srcp, dstp)
    outp = _tc3_call(p2, degd, b2r)
    return outp[:N, :C]

# --- scband reference (transcript-rebuilt; emitter-appended) ---
"""Pipeline reference for scband-gcn-34643206210128 (READ-ONLY COPY).

The authoritative reference and input builder live on the scoring server;
editing this copy changes nothing except your own understanding.
"""

import jax, jax.numpy as jnp
import numpy as np

N = 10000
E = 320000
D_IN = 128
D_HID = 128
N_CLASS = 40


def setup_inputs(seed: int = 0) -> dict:
    key = jax.random.key(seed)
    k1, k2, k3, k4, k5, k6 = jax.random.split(key, 6)
    x = jax.random.normal(k1, (N, D_IN), dtype=jnp.float32)
    edge_index = jax.random.randint(k2, (2, E), 0, N, dtype=jnp.int32)
    # GraphConv params (glorot-ish init)
    W1 = jax.random.normal(k3, (D_IN, D_HID), dtype=jnp.float32) * (1.0 / np.sqrt(D_IN))
    b1 = jnp.zeros((D_HID,), dtype=jnp.float32)
    W2 = jax.random.normal(k4, (D_HID, N_CLASS), dtype=jnp.float32) * (1.0 / np.sqrt(D_HID))
    b2 = jnp.zeros((N_CLASS,), dtype=jnp.float32)
    return {"x": x, "edge_index": edge_index, "W1": W1, "b1": b1, "W2": W2, "b2": b2}


def _gcn_layer(x, W, b, src, dst, n):
    # DGL GraphConv with norm='both': D_out^{-1/2} on src, sum-aggregate, D_in^{-1/2} on dst
    ones = jnp.ones(src.shape[0], dtype=x.dtype)
    deg_out = jax.ops.segment_sum(ones, src, num_segments=n)
    deg_in = jax.ops.segment_sum(ones, dst, num_segments=n)
    norm_src = jax.lax.rsqrt(jnp.maximum(deg_out, 1.0))
    norm_dst = jax.lax.rsqrt(jnp.maximum(deg_in, 1.0))
    h = x * norm_src[:, None]
    h = h @ W
    msg = jnp.take(h, src, axis=0)
    agg = jax.ops.segment_sum(msg, dst, num_segments=n)
    return agg * norm_dst[:, None] + b


def reference(x, edge_index, W1, b1, W2, b2):
    # eval mode: dropout is identity
    src = edge_index[0]
    dst = edge_index[1]
    n = x.shape[0]
    h = jax.nn.relu(_gcn_layer(x, W1, b1, src, dst, n))
    h = _gcn_layer(h, W2, b2, src, dst, n)
    return jax.nn.log_softmax(h, axis=1)

if __name__ == "__main__":
    import jax
    _d = setup_inputs()
    print(jax.jit(kernel)(*tuple(_d.values())))

</pallas_src>

<mosaic_0001>
#map = affine_map<(d0, d1) -> (0, 0)>
#map1 = affine_map<(d0, d1) -> (0, 0, 0)>
module attributes {stable_mosaic.version = 14 : i64} {
  func.func @_agg_body(%arg0: i32, %arg1: i32, %arg2: memref<10240x128xf32, #tpu.memory_space<hbm>>, %arg3: memref<2560x128xi32, #tpu.memory_space<hbm>>, %arg4: memref<2560x128xi32, #tpu.memory_space<hbm>>, %arg5: memref<2x10240x128xf32, #tpu.memory_space<hbm>>, %arg6: memref<8x128xi32, #tpu.memory_space<vmem>>, %arg7: memref<8x128xi32, #tpu.memory_space<vmem>>, %arg8: memref<128x128xf32, #tpu.memory_space<vmem>>, %arg9: memref<128x128xf32, #tpu.memory_space<vmem>>, %arg10: memref<10240x128xf32, #tpu.memory_space<vmem_shared>>, %arg11: memref<!tpu.dma_semaphore, #tpu.memory_space<semaphore_mem>>, %arg12: memref<!tpu.dma_semaphore, #tpu.memory_space<semaphore_mem>>) attributes {dimension_semantics = [#tpu.dimension_semantics<core_parallel>, #tpu.dimension_semantics<subcore_parallel>], iteration_bounds = array<i64: 2, 16>, scalar_prefetch = 0 : i64, scratch_operands = 7 : i64, tpu.core_type = #tpu.core_type<sc_vector_subcore>, window_params = [{transform_indices = #map}, {transform_indices = #map}, {transform_indices = #map}, {transform_indices = #map1}]} {
    %scan3A = arith.constant 0 : i32
    %scan3A_0 = arith.constant 0 : i32
    %scan3A_1 = arith.constant 128 : i32
    %scan3A_2 = arith.addi %scan3A_0, %scan3A_1 : i32
    %scan3A_3 = arith.constant 1 : i32
    %scan3A_4 = scf.for %scan3A_39 = %scan3A_0 to %scan3A_2 step %scan3A_3 iter_args(%scan3A_40 = %scan3A) -> (i32)  : i32 {
      %broadcast_in_dim3A = arith.constant 0.000000e+00 : f32
      %broadcast_in_dim3A_41 = vector.broadcast %broadcast_in_dim3A : f32 to vector<16xf32>
      %swap3A = arith.index_cast %scan3A_39 : i32 to index
      %swap3A_42 = arith.constant 0 : index
      %swap3A_43 = tpu.vector_load %arg8[%swap3A, %swap3A_42] {strides = array<i32>} : memref<128x128xf32, #tpu.memory_space<vmem>>, vector<1x16xf32>,
      %swap3A_44 = vector.shape_cast %swap3A_43 : vector<1x16xf32> to vector<16xf32>
      %swap3A_45 = vector.shape_cast %broadcast_in_dim3A_41 : vector<16xf32> to vector<1x16xf32>
      tpu.vector_store %arg8[%swap3A, %swap3A_42], %swap3A_45 {strides = array<i32>} : memref<128x128xf32, #tpu.memory_space<vmem>>, vector<1x16xf32>,
      %broadcast_in_dim3A_46 = arith.constant 0.000000e+00 : f32
      %broadcast_in_dim3A_47 = vector.broadcast %broadcast_in_dim3A_46 : f32 to vector<16xf32>
      %swap3A_48 = arith.index_cast %scan3A_39 : i32 to index
      %swap3A_49 = arith.constant 16 : index
      %swap3A_50 = tpu.vector_load %arg8[%swap3A_48, %swap3A_49] {strides = array<i32>} : memref<128x128xf32, #tpu.memory_space<vmem>>, vector<1x16xf32>,
      %swap3A_51 = vector.shape_cast %swap3A_50 : vector<1x16xf32> to vector<16xf32>
      %swap3A_52 = vector.shape_cast %broadcast_in_dim3A_47 : vector<16xf32> to vector<1x16xf32>
      tpu.vector_store %arg8[%swap3A_48, %swap3A_49], %swap3A_52 {strides = array<i32>} : memref<128x128xf32, #tpu.memory_space<vmem>>, vector<1x16xf32>,
      %broadcast_in_dim3A_53 = arith.constant 0.000000e+00 : f32
      %broadcast_in_dim3A_54 = vector.broadcast %broadcast_in_dim3A_53 : f32 to vector<16xf32>
      %swap3A_55 = arith.index_cast %scan3A_39 : i32 to index
      %swap3A_56 = arith.constant 32 : index
      %swap3A_57 = tpu.vector_load %arg8[%swap3A_55, %swap3A_56] {strides = array<i32>} : memref<128x128xf32, #tpu.memory_space<vmem>>, vector<1x16xf32>,
      %swap3A_58 = vector.shape_cast %swap3A_57 : vector<1x16xf32> to vector<16xf32>
      %swap3A_59 = vector.shape_cast %broadcast_in_dim3A_54 : vector<16xf32> to vector<1x16xf32>
      tpu.vector_store %arg8[%swap3A_55, %swap3A_56], %swap3A_59 {strides = array<i32>} : memref<128x128xf32, #tpu.memory_space<vmem>>, vector<1x16xf32>,
      %broadcast_in_dim3A_60 = arith.constant 0.000000e+00 : f32
      %broadcast_in_dim3A_61 = vector.broadcast %broadcast_in_dim3A_60 : f32 to vector<16xf32>
      %swap3A_62 = arith.index_cast %scan3A_39 : i32 to index
      %swap3A_63 = arith.constant 48 : index
      %swap3A_64 = tpu.vector_load %arg8[%swap3A_62, %swap3A_63] {strides = array<i32>} : memref<128x128xf32, #tpu.memory_space<vmem>>, vector<1x16xf32>,
      %swap3A_65 = vector.shape_cast %swap3A_64 : vector<1x16xf32> to vector<16xf32>
      %swap3A_66 = vector.shape_cast %broadcast_in_dim3A_61 : vector<16xf32> to vector<1x16xf32>
      tpu.vector_store %arg8[%swap3A_62, %swap3A_63], %swap3A_66 {strides = array<i32>} : memref<128x128xf32, #tpu.memory_space<vmem>>, vector<1x16xf32>,
      %broadcast_in_dim3A_67 = arith.constant 0.000000e+00 : f32
      %broadcast_in_dim3A_68 = vector.broadcast %broadcast_in_dim3A_67 : f32 to vector<16xf32>
      %swap3A_69 = arith.index_cast %scan3A_39 : i32 to index
      %swap3A_70 = arith.constant 64 : index
      %swap3A_71 = tpu.vector_load %arg8[%swap3A_69, %swap3A_70] {strides = array<i32>} : memref<128x128xf32, #tpu.memory_space<vmem>>, vector<1x16xf32>,
      %swap3A_72 = vector.shape_cast %swap3A_71 : vector<1x16xf32> to vector<16xf32>
      %swap3A_73 = vector.shape_cast %broadcast_in_dim3A_68 : vector<16xf32> to vector<1x16xf32>
      tpu.vector_store %arg8[%swap3A_69, %swap3A_70], %swap3A_73 {strides = array<i32>} : memref<128x128xf32, #tpu.memory_space<vmem>>, vector<1x16xf32>,
      %broadcast_in_dim3A_74 = arith.constant 0.000000e+00 : f32
      %broadcast_in_dim3A_75 = vector.broadcast %broadcast_in_dim3A_74 : f32 to vector<16xf32>
      %swap3A_76 = arith.index_cast %scan3A_39 : i32 to index
      %swap3A_77 = arith.constant 80 : index
      %swap3A_78 = tpu.vector_load %arg8[%swap3A_76, %swap3A_77] {strides = array<i32>} : memref<128x128xf32, #tpu.memory_space<vmem>>, vector<1x16xf32>,
      %swap3A_79 = vector.shape_cast %swap3A_78 : vector<1x16xf32> to vector<16xf32>
      %swap3A_80 = vector.shape_cast %broadcast_in_dim3A_75 : vector<16xf32> to vector<1x16xf32>
      tpu.vector_store %arg8[%swap3A_76, %swap3A_77], %swap3A_80 {strides = array<i32>} : memref<128x128xf32, #tpu.memory_space<vmem>>, vector<1x16xf32>,
      %broadcast_in_dim3A_81 = arith.constant 0.000000e+00 : f32
      %broadcast_in_dim3A_82 = vector.broadcast %broadcast_in_dim3A_81 : f32 to vector<16xf32>
      %swap3A_83 = arith.index_cast %scan3A_39 : i32 to index
      %swap3A_84 = arith.constant 96 : index
      %swap3A_85 = tpu.vector_load %arg8[%swap3A_83, %swap3A_84] {strides = array<i32>} : memref<128x128xf32, #tpu.memory_space<vmem>>, vector<1x16xf32>,
      %swap3A_86 = vector.shape_cast %swap3A_85 : vector<1x16xf32> to vector<16xf32>
      %swap3A_87 = vector.shape_cast %broadcast_in_dim3A_82 : vector<16xf32> to vector<1x16xf32>
      tpu.vector_store %arg8[%swap3A_83, %swap3A_84], %swap3A_87 {strides = array<i32>} : memref<128x128xf32, #tpu.memory_space<vmem>>, vector<1x16xf32>,
      %broadcast_in_dim3A_88 = arith.constant 0.000000e+00 : f32
      %broadcast_in_dim3A_89 = vector.broadcast %broadcast_in_dim3A_88 : f32 to vector<16xf32>
      %swap3A_90 = arith.index_cast %scan3A_39 : i32 to index
      %swap3A_91 = arith.constant 112 : index
      %swap3A_92 = tpu.vector_load %arg8[%swap3A_90, %swap3A_91] {strides = array<i32>} : memref<128x128xf32, #tpu.memory_space<vmem>>, vector<1x16xf32>,
      %swap3A_93 = vector.shape_cast %swap3A_92 : vector<1x16xf32> to vector<16xf32>
      %swap3A_94 = vector.shape_cast %broadcast_in_dim3A_89 : vector<16xf32> to vector<1x16xf32>
      tpu.vector_store %arg8[%swap3A_90, %swap3A_91], %swap3A_94 {strides = array<i32>} : memref<128x128xf32, #tpu.memory_space<vmem>>, vector<1x16xf32>,
      %scan3A_95 = arith.constant 0 : i32
      scf.yield %scan3A_95 : i32
    }
    %scan3A_5 = arith.constant 128 : i32
    %mul3A = arith.constant 640 : i32
    %mul3A_6 = arith.muli %arg1, %mul3A : i32
    %add3A = arith.constant 0 : i32
    %add3A_7 = arith.addi %mul3A_6, %add3A : i32
    "tpu.region"() ({
      %run_scoped3A = tpu.sem_alloc : memref<!tpu.dma_semaphore, #tpu.memory_space<semaphore_mem>>
      %dma_start3A = arith.constant 0 : i32
      %dma_start3A_39 = tpu.memref_slice %arg10[%add3A_7, %dma_start3A] : memref<10240x128xf32, #tpu.memory_space<vmem_shared>> -> memref<128x128xf32, #tpu.memory_space<vmem_shared>>
      %dma_start3A_40 = arith.constant 0 : i32
      %dma_start3A_41 = tpu.memref_slice %arg10[%add3A_7, %dma_start3A_40] : memref<10240x128xf32, #tpu.memory_space<vmem_shared>> -> memref<128x128xf32, #tpu.memory_space<vmem_shared>>
      tpu.enqueue_dma source(%arg8 : memref<128x128xf32, #tpu.memory_space<vmem>>) target(%dma_start3A_41 : memref<128x128xf32, #tpu.memory_space<vmem_shared>>) target_semaphore(%run_scoped3A : memref<!tpu.dma_semaphore, #tpu.memory_space<semaphore_mem>>)
      %dma_wait3A = arith.constant 0 : i32
      %dma_wait3A_42 = tpu.memref_slice %arg10[%add3A_7, %dma_wait3A] : memref<10240x128xf32, #tpu.memory_space<vmem_shared>> -> memref<128x128xf32, #tpu.memory_space<vmem_shared>>
      %dma_wait3A_43 = arith.constant 0 : i32
      %dma_wait3A_44 = tpu.memref_slice %arg10[%add3A_7, %dma_wait3A_43] : memref<10240x128xf32, #tpu.memory_space<vmem_shared>> -> memref<128x128xf32, #tpu.memory_space<vmem_shared>>
      tpu.wait_dma2 semaphore(%run_scoped3A : memref<!tpu.dma_semaphore, #tpu.memory_space<semaphore_mem>>) src(%arg8 : memref<128x128xf32, #tpu.memory_space<vmem>>) dst(%dma_wait3A_44 : memref<128x128xf32, #tpu.memory_space<vmem_shared>>)
      tpu.yield
    }) : () -> ()
    %add3A_8 = arith.constant 128 : i32
    %add3A_9 = arith.addi %mul3A_6, %add3A_8 : i32
    "tpu.region"() ({
      %run_scoped3A = tpu.sem_alloc : memref<!tpu.dma_semaphore, #tpu.memory_space<semaphore_mem>>
      %dma_start3A = arith.constant 0 : i32
      %dma_start3A_39 = tpu.memref_slice %arg10[%add3A_9, %dma_start3A] : memref<10240x128xf32, #tpu.memory_space<vmem_shared>> -> memref<128x128xf32, #tpu.memory_space<vmem_shared>>
      %dma_start3A_40 = arith.constant 0 : i32
      %dma_start3A_41 = tpu.memref_slice %arg10[%add3A_9, %dma_start3A_40] : memref<10240x128xf32, #tpu.memory_space<vmem_shared>> -> memref<128x128xf32, #tpu.memory_space<vmem_shared>>
      tpu.enqueue_dma source(%arg8 : memref<128x128xf32, #tpu.memory_space<vmem>>) target(%dma_start3A_41 : memref<128x128xf32, #tpu.memory_space<vmem_shared>>) target_semaphore(%run_scoped3A : memref<!tpu.dma_semaphore, #tpu.memory_space<semaphore_mem>>)
      %dma_wait3A = arith.constant 0 : i32
      %dma_wait3A_42 = tpu.memref_slice %arg10[%add3A_9, %dma_wait3A] : memref<10240x128xf32, #tpu.memory_space<vmem_shared>> -> memref<128x128xf32, #tpu.memory_space<vmem_shared>>
      %dma_wait3A_43 = arith.constant 0 : i32
      %dma_wait3A_44 = tpu.memref_slice %arg10[%add3A_9, %dma_wait3A_43] : memref<10240x128xf32, #tpu.memory_space<vmem_shared>> -> memref<128x128xf32, #tpu.memory_space<vmem_shared>>
      tpu.wait_dma2 semaphore(%run_scoped3A : memref<!tpu.dma_semaphore, #tpu.memory_space<semaphore_mem>>) src(%arg8 : memref<128x128xf32, #tpu.memory_space<vmem>>) dst(%dma_wait3A_44 : memref<128x128xf32, #tpu.memory_space<vmem_shared>>)
      tpu.yield
    }) : () -> ()
    %add3A_10 = arith.constant 256 : i32
    %add3A_11 = arith.addi %mul3A_6, %add3A_10 : i32
    "tpu.region"() ({
      %run_scoped3A = tpu.sem_alloc : memref<!tpu.dma_semaphore, #tpu.memory_space<semaphore_mem>>
      %dma_start3A = arith.constant 0 : i32
      %dma_start3A_39 = tpu.memref_slice %arg10[%add3A_11, %dma_start3A] : memref<10240x128xf32, #tpu.memory_space<vmem_shared>> -> memref<128x128xf32, #tpu.memory_space<vmem_shared>>
      %dma_start3A_40 = arith.constant 0 : i32
      %dma_start3A_41 = tpu.memref_slice %arg10[%add3A_11, %dma_start3A_40] : memref<10240x128xf32, #tpu.memory_space<vmem_shared>> -> memref<128x128xf32, #tpu.memory_space<vmem_shared>>
      tpu.enqueue_dma source(%arg8 : memref<128x128xf32, #tpu.memory_space<vmem>>) target(%dma_start3A_41 : memref<128x128xf32, #tpu.memory_space<vmem_shared>>) target_semaphore(%run_scoped3A : memref<!tpu.dma_semaphore, #tpu.memory_space<semaphore_mem>>)
      %dma_wait3A = arith.constant 0 : i32
      %dma_wait3A_42 = tpu.memref_slice %arg10[%add3A_11, %dma_wait3A] : memref<10240x128xf32, #tpu.memory_space<vmem_shared>> -> memref<128x128xf32, #tpu.memory_space<vmem_shared>>
      %dma_wait3A_43 = arith.constant 0 : i32
      %dma_wait3A_44 = tpu.memref_slice %arg10[%add3A_11, %dma_wait3A_43] : memref<10240x128xf32, #tpu.memory_space<vmem_shared>> -> memref<128x128xf32, #tpu.memory_space<vmem_shared>>
      tpu.wait_dma2 semaphore(%run_scoped3A : memref<!tpu.dma_semaphore, #tpu.memory_space<semaphore_mem>>) src(%arg8 : memref<128x128xf32, #tpu.memory_space<vmem>>) dst(%dma_wait3A_44 : memref<128x128xf32, #tpu.memory_space<vmem_shared>>)
      tpu.yield
    }) : () -> ()
    %add3A_12 = arith.constant 384 : i32
    %add3A_13 = arith.addi %mul3A_6, %add3A_12 : i32
    "tpu.region"() ({
      %run_scoped3A = tpu.sem_alloc : memref<!tpu.dma_semaphore, #tpu.memory_space<semaphore_mem>>
      %dma_start3A = arith.constant 0 : i32
      %dma_start3A_39 = tpu.memref_slice %arg10[%add3A_13, %dma_start3A] : memref<10240x128xf32, #tpu.memory_space<vmem_shared>> -> memref<128x128xf32, #tpu.memory_space<vmem_shared>>
      %dma_start3A_40 = arith.constant 0 : i32
      %dma_start3A_41 = tpu.memref_slice %arg10[%add3A_13, %dma_start3A_40] : memref<10240x128xf32, #tpu.memory_space<vmem_shared>> -> memref<128x128xf32, #tpu.memory_space<vmem_shared>>
      tpu.enqueue_dma source(%arg8 : memref<128x128xf32, #tpu.memory_space<vmem>>) target(%dma_start3A_41 : memref<128x128xf32, #tpu.memory_space<vmem_shared>>) target_semaphore(%run_scoped3A : memref<!tpu.dma_semaphore, #tpu.memory_space<semaphore_mem>>)
      %dma_wait3A = arith.constant 0 : i32
      %dma_wait3A_42 = tpu.memref_slice %arg10[%add3A_13, %dma_wait3A] : memref<10240x128xf32, #tpu.memory_space<vmem_shared>> -> memref<128x128xf32, #tpu.memory_space<vmem_shared>>
      %dma_wait3A_43 = arith.constant 0 : i32
      %dma_wait3A_44 = tpu.memref_slice %arg10[%add3A_13, %dma_wait3A_43] : memref<10240x128xf32, #tpu.memory_space<vmem_shared>> -> memref<128x128xf32, #tpu.memory_space<vmem_shared>>
      tpu.wait_dma2 semaphore(%run_scoped3A : memref<!tpu.dma_semaphore, #tpu.memory_space<semaphore_mem>>) src(%arg8 : memref<128x128xf32, #tpu.memory_space<vmem>>) dst(%dma_wait3A_44 : memref<128x128xf32, #tpu.memory_space<vmem_shared>>)
      tpu.yield
    }) : () -> ()
    %add3A_14 = arith.constant 512 : i32
    %add3A_15 = arith.addi %mul3A_6, %add3A_14 : i32
    "tpu.region"() ({
      %run_scoped3A = tpu.sem_alloc : memref<!tpu.dma_semaphore, #tpu.memory_space<semaphore_mem>>
      %dma_start3A = arith.constant 0 : i32
      %dma_start3A_39 = tpu.memref_slice %arg10[%add3A_15, %dma_start3A] : memref<10240x128xf32, #tpu.memory_space<vmem_shared>> -> memref<128x128xf32, #tpu.memory_space<vmem_shared>>
      %dma_start3A_40 = arith.constant 0 : i32
      %dma_start3A_41 = tpu.memref_slice %arg10[%add3A_15, %dma_start3A_40] : memref<10240x128xf32, #tpu.memory_space<vmem_shared>> -> memref<128x128xf32, #tpu.memory_space<vmem_shared>>
      tpu.enqueue_dma source(%arg8 : memref<128x128xf32, #tpu.memory_space<vmem>>) target(%dma_start3A_41 : memref<128x128xf32, #tpu.memory_space<vmem_shared>>) target_semaphore(%run_scoped3A : memref<!tpu.dma_semaphore, #tpu.memory_space<semaphore_mem>>)
      %dma_wait3A = arith.constant 0 : i32
      %dma_wait3A_42 = tpu.memref_slice %arg10[%add3A_15, %dma_wait3A] : memref<10240x128xf32, #tpu.memory_space<vmem_shared>> -> memref<128x128xf32, #tpu.memory_space<vmem_shared>>
      %dma_wait3A_43 = arith.constant 0 : i32
      %dma_wait3A_44 = tpu.memref_slice %arg10[%add3A_15, %dma_wait3A_43] : memref<10240x128xf32, #tpu.memory_space<vmem_shared>> -> memref<128x128xf32, #tpu.memory_space<vmem_shared>>
      tpu.wait_dma2 semaphore(%run_scoped3A : memref<!tpu.dma_semaphore, #tpu.memory_space<semaphore_mem>>) src(%arg8 : memref<128x128xf32, #tpu.memory_space<vmem>>) dst(%dma_wait3A_44 : memref<128x128xf32, #tpu.memory_space<vmem_shared>>)
      tpu.yield
    }) : () -> ()
    %barrier3A = arith.constant 0 : index
    tpu.barrier barrier_id(%barrier3A)
    %eq3A = arith.constant 0 : i32
    %eq3A_16 = arith.cmpi eq, %arg0, %eq3A : i32
    %mul3A_17 = arith.constant 152 : i32
    %mul3A_18 = arith.muli %arg1, %mul3A_17 : i32
    %mul3A_19 = arith.constant 8 : i32
    %mul3A_20 = arith.muli %arg1, %mul3A_19 : i32
    %add3A_21 = arith.constant 2432 : i32
    %add3A_22 = arith.addi %add3A_21, %mul3A_20 : i32
    %select_n3A = arith.select %eq3A_16, %mul3A_18, %add3A_22 : i32
    %eq3A_23 = arith.constant 0 : i32
    %eq3A_24 = arith.cmpi eq, %arg0, %eq3A_23 : i32
    %jit3A = arith.constant 19 : i32
    %jit3A_25 = arith.constant 1 : i32
    %select_n3A_26 = arith.select %eq3A_24, %jit3A, %jit3A_25 : i32
    %while3A = arith.constant 0 : i32
    %while3A_27 = arith.constant 0 : i32
    %while3A_28 = arith.subi %select_n3A_26, %while3A : i32
    %while3A_29 = arith.addi %while3A, %while3A_28 : i32
    %while3A_30 = arith.constant 1 : i32
    %while3A_31 = arith.divsi %while3A_28, %while3A_30 : i32
    %while3A_32 = arith.muli %while3A_31, %while3A_30 : i32
    %while3A_33 = arith.addi %while3A, %while3A_32 : i32
    %while3A_34 = arith.constant 1 : i32
    %while3A_35 = scf.for %while3A_39 = %while3A to %while3A_33 step %while3A_34 iter_args(%while3A_40 = %while3A_27) -> (i32)  : i32 {
      %mul3A_41 = arith.constant 8 : i32
      %mul3A_42 = arith.muli %while3A_39, %mul3A_41 : i32
      %add3A_43 = arith.addi %select_n3A, %mul3A_42 : i32
      "tpu.region"() ({
        %run_scoped3A = tpu.sem_alloc : memref<!tpu.dma_semaphore, #tpu.memory_space<semaphore_mem>>
        %dma_start3A_270 = arith.constant 0 : i32
        %dma_start3A_271 = tpu.memref_slice %arg3[%add3A_43, %dma_start3A_270] : memref<2560x128xi32, #tpu.memory_space<hbm>> -> memref<8x128xi32, #tpu.memory_space<hbm>>
        %dma_start3A_272 = arith.constant 0 : i32
        %dma_start3A_273 = tpu.memref_slice %arg3[%add3A_43, %dma_start3A_272] : memref<2560x128xi32, #tpu.memory_space<hbm>> -> memref<8x128xi32, #tpu.memory_space<hbm>>
        tpu.enqueue_dma source(%dma_start3A_273 : memref<8x128xi32, #tpu.memory_space<hbm>>) target(%arg6 : memref<8x128xi32, #tpu.memory_space<vmem>>) target_semaphore(%run_scoped3A : memref<!tpu.dma_semaphore, #tpu.memory_space<semaphore_mem>>)
        %dma_wait3A_274 = arith.constant 0 : i32
        %dma_wait3A_275 = tpu.memref_slice %arg3[%add3A_43, %dma_wait3A_274] : memref<2560x128xi32, #tpu.memory_space<hbm>> -> memref<8x128xi32, #tpu.memory_space<hbm>>
        %dma_wait3A_276 = arith.constant 0 : i32
        %dma_wait3A_277 = tpu.memref_slice %arg3[%add3A_43, %dma_wait3A_276] : memref<2560x128xi32, #tpu.memory_space<hbm>> -> memref<8x128xi32, #tpu.memory_space<hbm>>
        tpu.wait_dma2 semaphore(%run_scoped3A : memref<!tpu.dma_semaphore, #tpu.memory_space<semaphore_mem>>) src(%dma_wait3A_277 : memref<8x128xi32, #tpu.memory_space<hbm>>) dst(%arg6 : memref<8x128xi32, #tpu.memory_space<vmem>>)
        tpu.yield
      }) : () -> ()
      %mul3A_44 = arith.constant 8 : i32
      %mul3A_45 = arith.muli %while3A_39, %mul3A_44 : i32
      %add3A_46 = arith.addi %select_n3A, %mul3A_45 : i32
      "tpu.region"() ({
        %run_scoped3A = tpu.sem_alloc : memref<!tpu.dma_semaphore, #tpu.memory_space<semaphore_mem>>
        %dma_start3A_270 = arith.constant 0 : i32
        %dma_start3A_271 = tpu.memref_slice %arg4[%add3A_46, %dma_start3A_270] : memref<2560x128xi32, #tpu.memory_space<hbm>> -> memref<8x128xi32, #tpu.memory_space<hbm>>
        %dma_start3A_272 = arith.constant 0 : i32
        %dma_start3A_273 = tpu.memref_slice %arg4[%add3A_46, %dma_start3A_272] : memref<2560x128xi32, #tpu.memory_space<hbm>> -> memref<8x128xi32, #tpu.memory_space<hbm>>
        tpu.enqueue_dma source(%dma_start3A_273 : memref<8x128xi32, #tpu.memory_space<hbm>>) target(%arg7 : memref<8x128xi32, #tpu.memory_space<vmem>>) target_semaphore(%run_scoped3A : memref<!tpu.dma_semaphore, #tpu.memory_space<semaphore_mem>>)
        %dma_wait3A_274 = arith.constant 0 : i32
        %dma_wait3A_275 = tpu.memref_slice %arg4[%add3A_46, %dma_wait3A_274] : memref<2560x128xi32, #tpu.memory_space<hbm>> -> memref<8x128xi32, #tpu.memory_space<hbm>>
        %dma_wait3A_276 = arith.constant 0 : i32
        %dma_wait3A_277 = tpu.memref_slice %arg4[%add3A_46, %dma_wait3A_276] : memref<2560x128xi32, #tpu.memory_space<hbm>> -> memref<8x128xi32, #tpu.memory_space<hbm>>
        tpu.wait_dma2 semaphore(%run_scoped3A : memref<!tpu.dma_semaphore, #tpu.memory_space<semaphore_mem>>) src(%dma_wait3A_277 : memref<8x128xi32, #tpu.memory_space<hbm>>) dst(%arg7 : memref<8x128xi32, #tpu.memory_space<vmem>>)
        tpu.yield
      }) : () -> ()
      %dma_start3A = arith.constant 0 : i32
      %dma_start3A_47 = arith.constant 0 : i32
      %dma_start3A_48 = tpu.memref_slice %arg6[%dma_start3A, %dma_start3A_47] : memref<8x128xi32, #tpu.memory_space<vmem>> -> memref<1x128xi32, #tpu.memory_space<vmem>>
      %dma_start3A_49 = tpu.memref_squeeze %dma_start3A_48 : memref<1x128xi32, #tpu.memory_space<vmem>> -> memref<128xi32, #tpu.memory_space<vmem>>
      %dma_start3A_50 = arith.constant 0 : i32
      %dma_start3A_51 = arith.constant 0 : i32
      %dma_start3A_52 = tpu.memref_slice %arg2[%dma_start3A_50, %dma_start3A_51] : memref<10240x128xf32, #tpu.memory_space<hbm>> -> memref<10240x128xf32, #tpu.memory_space<hbm>>
      tpu.enqueue_indirect_dma source(%dma_start3A_52 : memref<10240x128xf32, #tpu.memory_space<hbm>>) target(%arg8 : memref<128x128xf32, #tpu.memory_space<vmem>>) offsets(%dma_start3A_49 : memref<128xi32, #tpu.memory_space<vmem>>) semaphore(%arg11 : memref<!tpu.dma_semaphore, #tpu.memory_space<semaphore_mem>>)
      %dma_start3A_53 = arith.constant 1 : i32
      %dma_start3A_54 = arith.constant 0 : i32
      %dma_start3A_55 = tpu.memref_slice %arg6[%dma_start3A_53, %dma_start3A_54] : memref<8x128xi32, #tpu.memory_space<vmem>> -> memref<1x128xi32, #tpu.memory_space<vmem>>
      %dma_start3A_56 = tpu.memref_squeeze %dma_start3A_55 : memref<1x128xi32, #tpu.memory_space<vmem>> -> memref<128xi32, #tpu.memory_space<vmem>>
      %dma_start3A_57 = arith.constant 0 : i32
      %dma_start3A_58 = arith.constant 0 : i32
      %dma_start3A_59 = tpu.memref_slice %arg2[%dma_start3A_57, %dma_start3A_58] : memref<10240x128xf32, #tpu.memory_space<hbm>> -> memref<10240x128xf32, #tpu.memory_space<hbm>>
      tpu.enqueue_indirect_dma source(%dma_start3A_59 : memref<10240x128xf32, #tpu.memory_space<hbm>>) target(%arg9 : memref<128x128xf32, #tpu.memory_space<vmem>>) offsets(%dma_start3A_56 : memref<128xi32, #tpu.memory_space<vmem>>) semaphore(%arg11 : memref<!tpu.dma_semaphore, #tpu.memory_space<semaphore_mem>>)
      %dma_wait3A = arith.constant 0 : i32
      %dma_wait3A_60 = arith.constant 0 : i32
      %dma_wait3A_61 = tpu.memref_slice %arg6[%dma_wait3A, %dma_wait3A_60] : memref<8x128xi32, #tpu.memory_space<vmem>> -> memref<1x128xi32, #tpu.memory_space<vmem>>
      %dma_wait3A_62 = tpu.memref_squeeze %dma_wait3A_61 : memref<1x128xi32, #tpu.memory_space<vmem>> -> memref<128xi32, #tpu.memory_space<vmem>>
      %dma_wait3A_63 = arith.constant 0 : i32
      %dma_wait3A_64 = arith.constant 0 : i32
      %dma_wait3A_65 = tpu.memref_slice %arg2[%dma_wait3A_63, %dma_wait3A_64] : memref<10240x128xf32, #tpu.memory_space<hbm>> -> memref<10240x128xf32, #tpu.memory_space<hbm>>
      tpu.wait_indirect_dma semaphore(%arg11 : memref<!tpu.dma_semaphore, #tpu.memory_space<semaphore_mem>>) src(%dma_wait3A_65 : memref<10240x128xf32, #tpu.memory_space<hbm>>) dst(%arg8 : memref<128x128xf32, #tpu.memory_space<vmem>>)
      %dma_start3A_66 = arith.constant 0 : i32
      %dma_start3A_67 = arith.constant 0 : i32
      %dma_start3A_68 = tpu.memref_slice %arg7[%dma_start3A_66, %dma_start3A_67] : memref<8x128xi32, #tpu.memory_space<vmem>> -> memref<1x128xi32, #tpu.memory_space<vmem>>
      %dma_start3A_69 = tpu.memref_squeeze %dma_start3A_68 : memref<1x128xi32, #tpu.memory_space<vmem>> -> memref<128xi32, #tpu.memory_space<vmem>>
      %dma_start3A_70 = arith.constant 0 : i32
      %dma_start3A_71 = arith.constant 0 : i32
      %dma_start3A_72 = tpu.memref_slice %arg10[%dma_start3A_70, %dma_start3A_71] : memref<10240x128xf32, #tpu.memory_space<vmem_shared>> -> memref<10240x128xf32, #tpu.memory_space<vmem_shared>>
      tpu.enqueue_indirect_dma source(%arg8 : memref<128x128xf32, #tpu.memory_space<vmem>>) target(%dma_start3A_72 : memref<10240x128xf32, #tpu.memory_space<vmem_shared>>) offsets(%dma_start3A_69 : memref<128xi32, #tpu.memory_space<vmem>>) semaphore(%arg12 : memref<!tpu.dma_semaphore, #tpu.memory_space<semaphore_mem>>) {add = true}
      %dma_wait3A_73 = arith.constant 1 : i32
      %dma_wait3A_74 = arith.constant 0 : i32
      %dma_wait3A_75 = tpu.memref_slice %arg6[%dma_wait3A_73, %dma_wait3A_74] : memref<8x128xi32, #tpu.memory_space<vmem>> -> memref<1x128xi32, #tpu.memory_space<vmem>>
      %dma_wait3A_76 = tpu.memref_squeeze %dma_wait3A_75 : memref<1x128xi32, #tpu.memory_space<vmem>> -> memref<128xi32, #tpu.memory_space<vmem>>
      %dma_wait3A_77 = arith.constant 0 : i32
      %dma_wait3A_78 = arith.constant 0 : i32
      %dma_wait3A_79 = tpu.memref_slice %arg2[%dma_wait3A_77, %dma_wait3A_78] : memref<10240x128xf32, #tpu.memory_space<hbm>> -> memref<10240x128xf32, #tpu.memory_space<hbm>>
      tpu.wait_indirect_dma semaphore(%arg11 : memref<!tpu.dma_semaphore, #tpu.memory_space<semaphore_mem>>) src(%dma_wait3A_79 : memref<10240x128xf32, #tpu.memory_space<hbm>>) dst(%arg9 : memref<128x128xf32, #tpu.memory_space<vmem>>)
      %dma_start3A_80 = arith.constant 1 : i32
      %dma_start3A_81 = arith.constant 0 : i32
      %dma_start3A_82 = tpu.memref_slice %arg7[%dma_start3A_80, %dma_start3A_81] : memref<8x128xi32, #tpu.memory_space<vmem>> -> memref<1x128xi32, #tpu.memory_space<vmem>>
      %dma_start3A_83 = tpu.memref_squeeze %dma_start3A_82 : memref<1x128xi32, #tpu.memory_space<vmem>> -> memref<128xi32, #tpu.memory_space<vmem>>
      %dma_start3A_84 = arith.constant 0 : i32
      %dma_start3A_85 = arith.constant 0 : i32
      %dma_start3A_86 = tpu.memref_slice %arg10[%dma_start3A_84, %dma_start3A_85] : memref<10240x128xf32, #tpu.memory_space<vmem_shared>> -> memref<10240x128xf32, #tpu.memory_space<vmem_shared>>
      tpu.enqueue_indirect_dma source(%arg9 : memref<128x128xf32, #tpu.memory_space<vmem>>) target(%dma_start3A_86 : memref<10240x128xf32, #tpu.memory_space<vmem_shared>>) offsets(%dma_start3A_83 : memref<128xi32, #tpu.memory_space<vmem>>) semaphore(%arg12 : memref<!tpu.dma_semaphore, #tpu.memory_space<semaphore_mem>>) {add = true}
      %dma_wait3A_87 = arith.constant 0 : i32
      %dma_wait3A_88 = arith.constant 0 : i32
      %dma_wait3A_89 = tpu.memref_slice %arg7[%dma_wait3A_87, %dma_wait3A_88] : memref<8x128xi32, #tpu.memory_space<vmem>> -> memref<1x128xi32, #tpu.memory_space<vmem>>
      %dma_wait3A_90 = tpu.memref_squeeze %dma_wait3A_89 : memref<1x128xi32, #tpu.memory_space<vmem>> -> memref<128xi32, #tpu.memory_space<vmem>>
      %dma_wait3A_91 = arith.constant 0 : i32
      %dma_wait3A_92 = arith.constant 0 : i32
      %dma_wait3A_93 = tpu.memref_slice %arg10[%dma_wait3A_91, %dma_wait3A_92] : memref<10240x128xf32, #tpu.memory_space<vmem_shared>> -> memref<10240x128xf32, #tpu.memory_space<vmem_shared>>
      tpu.wait_indirect_dma semaphore(%arg12 : memref<!tpu.dma_semaphore, #tpu.memory_space<semaphore_mem>>) src(%arg8 : memref<128x128xf32, #tpu.memory_space<vmem>>) dst(%dma_wait3A_93 : memref<10240x128xf32, #tpu.memory_space<vmem_shared>>)
      %dma_wait3A_94 = arith.constant 1 : i32
      %dma_wait3A_95 = arith.constant 0 : i32
      %dma_wait3A_96 = tpu.memref_slice %arg7[%dma_wait3A_94, %dma_wait3A_95] : memref<8x128xi32, #tpu.memory_space<vmem>> -> memref<1x128xi32, #tpu.memory_space<vmem>>
      %dma_wait3A_97 = tpu.memref_squeeze %dma_wait3A_96 : memref<1x128xi32, #tpu.memory_space<vmem>> -> memref<128xi32, #tpu.memory_space<vmem>>
      %dma_wait3A_98 = arith.constant 0 : i32
      %dma_wait3A_99 = arith.constant 0 : i32
      %dma_wait3A_100 = tpu.memref_slice %arg10[%dma_wait3A_98, %dma_wait3A_99] : memref<10240x128xf32, #tpu.memory_space<vmem_shared>> -> memref<10240x128xf32, #tpu.memory_space<vmem_shared>>
      tpu.wait_indirect_dma semaphore(%arg12 : memref<!tpu.dma_semaphore, #tpu.memory_space<semaphore_mem>>) src(%arg9 : memref<128x128xf32, #tpu.memory_space<vmem>>) dst(%dma_wait3A_100 : memref<10240x128xf32, #tpu.memory_space<vmem_shared>>)
      %dma_start3A_101 = arith.constant 2 : i32
      %dma_start3A_102 = arith.constant 0 : i32
      %dma_start3A_103 = tpu.memref_slice %arg6[%dma_start3A_101, %dma_start3A_102] : memref<8x128xi32, #tpu.memory_space<vmem>> -> memref<1x128xi32, #tpu.memory_space<vmem>>
      %dma_start3A_104 = tpu.memref_squeeze %dma_start3A_103 : memref<1x128xi32, #tpu.memory_space<vmem>> -> memref<128xi32, #tpu.memory_space<vmem>>
      %dma_start3A_105 = arith.constant 0 : i32
      %dma_start3A_106 = arith.constant 0 : i32
      %dma_start3A_107 = tpu.memref_slice %arg2[%dma_start3A_105, %dma_start3A_106] : memref<10240x128xf32, #tpu.memory_space<hbm>> -> memref<10240x128xf32, #tpu.memory_space<hbm>>
      tpu.enqueue_indirect_dma source(%dma_start3A_107 : memref<10240x128xf32, #tpu.memory_space<hbm>>) target(%arg8 : memref<128x128xf32, #tpu.memory_space<vmem>>) offsets(%dma_start3A_104 : memref<128xi32, #tpu.memory_space<vmem>>) semaphore(%arg11 : memref<!tpu.dma_semaphore, #tpu.memory_space<semaphore_mem>>)
      %dma_start3A_108 = arith.constant 3 : i32
      %dma_start3A_109 = arith.constant 0 : i32
      %dma_start3A_110 = tpu.memref_slice %arg6[%dma_start3A_108, %dma_start3A_109] : memref<8x128xi32, #tpu.memory_space<vmem>> -> memref<1x128xi32, #tpu.memory_space<vmem>>
      %dma_start3A_111 = tpu.memref_squeeze %dma_start3A_110 : memref<1x128xi32, #tpu.memory_space<vmem>> -> memref<128xi32, #tpu.memory_space<vmem>>
      %dma_start3A_112 = arith.constant 0 : i32
      %dma_start3A_113 = arith.constant 0 : i32
      %dma_start3A_114 = tpu.memref_slice %arg2[%dma_start3A_112, %dma_start3A_113] : memref<10240x128xf32, #tpu.memory_space<hbm>> -> memref<10240x128xf32, #tpu.memory_space<hbm>>
      tpu.enqueue_indirect_dma source(%dma_start3A_114 : memref<10240x128xf32, #tpu.memory_space<hbm>>) target(%arg9 : memref<128x128xf32, #tpu.memory_space<vmem>>) offsets(%dma_start3A_111 : memref<128xi32, #tpu.memory_space<vmem>>) semaphore(%arg11 : memref<!tpu.dma_semaphore, #tpu.memory_space<semaphore_mem>>)
      %dma_wait3A_115 = arith.constant 2 : i32
      %dma_wait3A_116 = arith.constant 0 : i32
      %dma_wait3A_117 = tpu.memref_slice %arg6[%dma_wait3A_115, %dma_wait3A_116] : memref<8x128xi32, #tpu.memory_space<vmem>> -> memref<1x128xi32, #tpu.memory_space<vmem>>
      %dma_wait3A_118 = tpu.memref_squeeze %dma_wait3A_117 : memref<1x128xi32, #tpu.memory_space<vmem>> -> memref<128xi32, #tpu.memory_space<vmem>>
      %dma_wait3A_119 = arith.constant 0 : i32
      %dma_wait3A_120 = arith.constant 0 : i32
      %dma_wait3A_121 = tpu.memref_slice %arg2[%dma_wait3A_119, %dma_wait3A_120] : memref<10240x128xf32, #tpu.memory_space<hbm>> -> memref<10240x128xf32, #tpu.memory_space<hbm>>
      tpu.wait_indirect_dma semaphore(%arg11 : memref<!tpu.dma_semaphore, #tpu.memory_space<semaphore_mem>>) src(%dma_wait3A_121 : memref<10240x128xf32, #tpu.memory_space<hbm>>) dst(%arg8 : memref<128x128xf32, #tpu.memory_space<vmem>>)
      %dma_start3A_122 = arith.constant 2 : i32
      %dma_start3A_123 = arith.constant 0 : i32
      %dma_start3A_124 = tpu.memref_slice %arg7[%dma_start3A_122, %dma_start3A_123] : memref<8x128xi32, #tpu.memory_space<vmem>> -> memref<1x128xi32, #tpu.memory_space<vmem>>
      %dma_start3A_125 = tpu.memref_squeeze %dma_start3A_124 : memref<1x128xi32, #tpu.memory_space<vmem>> -> memref<128xi32, #tpu.memory_space<vmem>>
      %dma_start3A_126 = arith.constant 0 : i32
      %dma_start3A_127 = arith.constant 0 : i32
      %dma_start3A_128 = tpu.memref_slice %arg10[%dma_start3A_126, %dma_start3A_127] : memref<10240x128xf32, #tpu.memory_space<vmem_shared>> -> memref<10240x128xf32, #tpu.memory_space<vmem_shared>>
      tpu.enqueue_indirect_dma source(%arg8 : memref<128x128xf32, #tpu.memory_space<vmem>>) target(%dma_start3A_128 : memref<10240x128xf32, #tpu.memory_space<vmem_shared>>) offsets(%dma_start3A_125 : memref<128xi32, #tpu.memory_space<vmem>>) semaphore(%arg12 : memref<!tpu.dma_semaphore, #tpu.memory_space<semaphore_mem>>) {add = true}
      %dma_wait3A_129 = arith.constant 3 : i32
      %dma_wait3A_130 = arith.constant 0 : i32
      %dma_wait3A_131 = tpu.memref_slice %arg6[%dma_wait3A_129, %dma_wait3A_130] : memref<8x128xi32, #tpu.memory_space<vmem>> -> memref<1x128xi32, #tpu.memory_space<vmem>>
      %dma_wait3A_132 = tpu.memref_squeeze %dma_wait3A_131 : memref<1x128xi32, #tpu.memory_space<vmem>> -> memref<128xi32, #tpu.memory_space<vmem>>
      %dma_wait3A_133 = arith.constant 0 : i32
      %dma_wait3A_134 = arith.constant 0 : i32
      %dma_wait3A_135 = tpu.memref_slice %arg2[%dma_wait3A_133, %dma_wait3A_134] : memref<10240x128xf32, #tpu.memory_space<hbm>> -> memref<10240x128xf32, #tpu.memory_space<hbm>>
      tpu.wait_indirect_dma semaphore(%arg11 : memref<!tpu.dma_semaphore, #tpu.memory_space<semaphore_mem>>) src(%dma_wait3A_135 : memref<10240x128xf32, #tpu.memory_space<hbm>>) dst(%arg9 : memref<128x128xf32, #tpu.memory_space<vmem>>)
      %dma_start3A_136 = arith.constant 3 : i32
      %dma_start3A_137 = arith.constant 0 : i32
      %dma_start3A_138 = tpu.memref_slice %arg7[%dma_start3A_136, %dma_start3A_137] : memref<8x128xi32, #tpu.memory_space<vmem>> -> memref<1x128xi32, #tpu.memory_space<vmem>>
      %dma_start3A_139 = tpu.memref_squeeze %dma_start3A_138 : memref<1x128xi32, #tpu.memory_space<vmem>> -> memref<128xi32, #tpu.memory_space<vmem>>
      %dma_start3A_140 = arith.constant 0 : i32
      %dma_start3A_141 = arith.constant 0 : i32
      %dma_start3A_142 = tpu.memref_slice %arg10[%dma_start3A_140, %dma_start3A_141] : memref<10240x128xf32, #tpu.memory_space<vmem_shared>> -> memref<10240x128xf32, #tpu.memory_space<vmem_shared>>
      tpu.enqueue_indirect_dma source(%arg9 : memref<128x128xf32, #tpu.memory_space<vmem>>) target(%dma_start3A_142 : memref<10240x128xf32, #tpu.memory_space<vmem_shared>>) offsets(%dma_start3A_139 : memref<128xi32, #tpu.memory_space<vmem>>) semaphore(%arg12 : memref<!tpu.dma_semaphore, #tpu.memory_space<semaphore_mem>>) {add = true}
      %dma_wait3A_143 = arith.constant 2 : i32
      %dma_wait3A_144 = arith.constant 0 : i32
      %dma_wait3A_145 = tpu.memref_slice %arg7[%dma_wait3A_143, %dma_wait3A_144] : memref<8x128xi32, #tpu.memory_space<vmem>> -> memref<1x128xi32, #tpu.memory_space<vmem>>
      %dma_wait3A_146 = tpu.memref_squeeze %dma_wait3A_145 : memref<1x128xi32, #tpu.memory_space<vmem>> -> memref<128xi32, #tpu.memory_space<vmem>>
      %dma_wait3A_147 = arith.constant 0 : i32
      %dma_wait3A_148 = arith.constant 0 : i32
      %dma_wait3A_149 = tpu.memref_slice %arg10[%dma_wait3A_147, %dma_wait3A_148] : memref<10240x128xf32, #tpu.memory_space<vmem_shared>> -> memref<10240x128xf32, #tpu.memory_space<vmem_shared>>
      tpu.wait_indirect_dma semaphore(%arg12 : memref<!tpu.dma_semaphore, #tpu.memory_space<semaphore_mem>>) src(%arg8 : memref<128x128xf32, #tpu.memory_space<vmem>>) dst(%dma_wait3A_149 : memref<10240x128xf32, #tpu.memory_space<vmem_shared>>)
      %dma_wait3A_150 = arith.constant 3 : i32
      %dma_wait3A_151 = arith.constant 0 : i32
      %dma_wait3A_152 = tpu.memref_slice %arg7[%dma_wait3A_150, %dma_wait3A_151] : memref<8x128xi32, #tpu.memory_space<vmem>> -> memref<1x128xi32, #tpu.memory_space<vmem>>
      %dma_wait3A_153 = tpu.memref_squeeze %dma_wait3A_152 : memref<1x128xi32, #tpu.memory_space<vmem>> -> memref<128xi32, #tpu.memory_space<vmem>>
      %dma_wait3A_154 = arith.constant 0 : i32
      %dma_wait3A_155 = arith.constant 0 : i32
      %dma_wait3A_156 = tpu.memref_slice %arg10[%dma_wait3A_154, %dma_wait3A_155] : memref<10240x128xf32, #tpu.memory_space<vmem_shared>> -> memref<10240x128xf32, #tpu.memory_space<vmem_shared>>
      tpu.wait_indirect_dma semaphore(%arg12 : memref<!tpu.dma_semaphore, #tpu.memory_space<semaphore_mem>>) src(%arg9 : memref<128x128xf32, #tpu.memory_space<vmem>>) dst(%dma_wait3A_156 : memref<10240x128xf32, #tpu.memory_space<vmem_shared>>)
      %dma_start3A_157 = arith.constant 4 : i32
      %dma_start3A_158 = arith.constant 0 : i32
      %dma_start3A_159 = tpu.memref_slice %arg6[%dma_start3A_157, %dma_start3A_158] : memref<8x128xi32, #tpu.memory_space<vmem>> -> memref<1x128xi32, #tpu.memory_space<vmem>>
      %dma_start3A_160 = tpu.memref_squeeze %dma_start3A_159 : memref<1x128xi32, #tpu.memory_space<vmem>> -> memref<128xi32, #tpu.memory_space<vmem>>
      %dma_start3A_161 = arith.constant 0 : i32
      %dma_start3A_162 = arith.constant 0 : i32
      %dma_start3A_163 = tpu.memref_slice %arg2[%dma_start3A_161, %dma_start3A_162] : memref<10240x128xf32, #tpu.memory_space<hbm>> -> memref<10240x128xf32, #tpu.memory_space<hbm>>
      tpu.enqueue_indirect_dma source(%dma_start3A_163 : memref<10240x128xf32, #tpu.memory_space<hbm>>) target(%arg8 : memref<128x128xf32, #tpu.memory_space<vmem>>) offsets(%dma_start3A_160 : memref<128xi32, #tpu.memory_space<vmem>>) semaphore(%arg11 : memref<!tpu.dma_semaphore, #tpu.memory_space<semaphore_mem>>)
      %dma_start3A_164 = arith.constant 5 : i32
      %dma_start3A_165 = arith.constant 0 : i32
      %dma_start3A_166 = tpu.memref_slice %arg6[%dma_start3A_164, %dma_start3A_165] : memref<8x128xi32, #tpu.memory_space<vmem>> -> memref<1x128xi32, #tpu.memory_space<vmem>>
      %dma_start3A_167 = tpu.memref_squeeze %dma_start3A_166 : memref<1x128xi32, #tpu.memory_space<vmem>> -> memref<128xi32, #tpu.memory_space<vmem>>
      %dma_start3A_168 = arith.constant 0 : i32
      %dma_start3A_169 = arith.constant 0 : i32
      %dma_start3A_170 = tpu.memref_slice %arg2[%dma_start3A_168, %dma_start3A_169] : memref<10240x128xf32, #tpu.memory_space<hbm>> -> memref<10240x128xf32, #tpu.memory_space<hbm>>
      tpu.enqueue_indirect_dma source(%dma_start3A_170 : memref<10240x128xf32, #tpu.memory_space<hbm>>) target(%arg9 : memref<128x128xf32, #tpu.memory_space<vmem>>) offsets(%dma_start3A_167 : memref<128xi32, #tpu.memory_space<vmem>>) semaphore(%arg11 : memref<!tpu.dma_semaphore, #tpu.memory_space<semaphore_mem>>)
      %dma_wait3A_171 = arith.constant 4 : i32
      %dma_wait3A_172 = arith.constant 0 : i32
      %dma_wait3A_173 = tpu.memref_slice %arg6[%dma_wait3A_171, %dma_wait3A_172] : memref<8x128xi32, #tpu.memory_space<vmem>> -> memref<1x128xi32, #tpu.memory_space<vmem>>
      %dma_wait3A_174 = tpu.memref_squeeze %dma_wait3A_173 : memref<1x128xi32, #tpu.memory_space<vmem>> -> memref<128xi32, #tpu.memory_space<vmem>>
      %dma_wait3A_175 = arith.constant 0 : i32
      %dma_wait3A_176 = arith.constant 0 : i32
      %dma_wait3A_177 = tpu.memref_slice %arg2[%dma_wait3A_175, %dma_wait3A_176] : memref<10240x128xf32, #tpu.memory_space<hbm>> -> memref<10240x128xf32, #tpu.memory_space<hbm>>
      tpu.wait_indirect_dma semaphore(%arg11 : memref<!tpu.dma_semaphore, #tpu.memory_space<semaphore_mem>>) src(%dma_wait3A_177 : memref<10240x128xf32, #tpu.memory_space<hbm>>) dst(%arg8 : memref<128x128xf32, #tpu.memory_space<vmem>>)
      %dma_start3A_178 = arith.constant 4 : i32
      %dma_start3A_179 = arith.constant 0 : i32
      %dma_start3A_180 = tpu.memref_slice %arg7[%dma_start3A_178, %dma_start3A_179] : memref<8x128xi32, #tpu.memory_space<vmem>> -> memref<1x128xi32, #tpu.memory_space<vmem>>
      %dma_start3A_181 = tpu.memref_squeeze %dma_start3A_180 : memref<1x128xi32, #tpu.memory_space<vmem>> -> memref<128xi32, #tpu.memory_space<vmem>>
      %dma_start3A_182 = arith.constant 0 : i32
      %dma_start3A_183 = arith.constant 0 : i32
      %dma_start3A_184 = tpu.memref_slice %arg10[%dma_start3A_182, %dma_start3A_183] : memref<10240x128xf32, #tpu.memory_space<vmem_shared>> -> memref<10240x128xf32, #tpu.memory_space<vmem_shared>>
      tpu.enqueue_indirect_dma source(%arg8 : memref<128x128xf32, #tpu.memory_space<vmem>>) target(%dma_start3A_184 : memref<10240x128xf32, #tpu.memory_space<vmem_shared>>) offsets(%dma_start3A_181 : memref<128xi32, #tpu.memory_space<vmem>>) semaphore(%arg12 : memref<!tpu.dma_semaphore, #tpu.memory_space<semaphore_mem>>) {add = true}
      %dma_wait3A_185 = arith.constant 5 : i32
      %dma_wait3A_186 = arith.constant 0 : i32
      %dma_wait3A_187 = tpu.memref_slice %arg6[%dma_wait3A_185, %dma_wait3A_186] : memref<8x128xi32, #tpu.memory_space<vmem>> -> memref<1x128xi32, #tpu.memory_space<vmem>>
      %dma_wait3A_188 = tpu.memref_squeeze %dma_wait3A_187 : memref<1x128xi32, #tpu.memory_space<vmem>> -> memref<128xi32, #tpu.memory_space<vmem>>
      %dma_wait3A_189 = arith.constant 0 : i32
      %dma_wait3A_190 = arith.constant 0 : i32
      %dma_wait3A_191 = tpu.memref_slice %arg2[%dma_wait3A_189, %dma_wait3A_190] : memref<10240x128xf32, #tpu.memory_space<hbm>> -> memref<10240x128xf32, #tpu.memory_space<hbm>>
      tpu.wait_indirect_dma semaphore(%arg11 : memref<!tpu.dma_semaphore, #tpu.memory_space<semaphore_mem>>) src(%dma_wait3A_191 : memref<10240x128xf32, #tpu.memory_space<hbm>>) dst(%arg9 : memref<128x128xf32, #tpu.memory_space<vmem>>)
      %dma_start3A_192 = arith.constant 5 : i32
      %dma_start3A_193 = arith.constant 0 : i32
      %dma_start3A_194 = tpu.memref_slice %arg7[%dma_start3A_192, %dma_start3A_193] : memref<8x128xi32, #tpu.memory_space<vmem>> -> memref<1x128xi32, #tpu.memory_space<vmem>>
      %dma_start3A_195 = tpu.memref_squeeze %dma_start3A_194 : memref<1x128xi32, #tpu.memory_space<vmem>> -> memref<128xi32, #tpu.memory_space<vmem>>
      %dma_start3A_196 = arith.constant 0 : i32
      %dma_start3A_197 = arith.constant 0 : i32
      %dma_start3A_198 = tpu.memref_slice %arg10[%dma_start3A_196, %dma_start3A_197] : memref<10240x128xf32, #tpu.memory_space<vmem_shared>> -> memref<10240x128xf32, #tpu.memory_space<vmem_shared>>
      tpu.enqueue_indirect_dma source(%arg9 : memref<128x128xf32, #tpu.memory_space<vmem>>) target(%dma_start3A_198 : memref<10240x128xf32, #tpu.memory_space<vmem_shared>>) offsets(%dma_start3A_195 : memref<128xi32, #tpu.memory_space<vmem>>) semaphore(%arg12 : memref<!tpu.dma_semaphore, #tpu.memory_space<semaphore_mem>>) {add = true}
      %dma_wait3A_199 = arith.constant 4 : i32
      %dma_wait3A_200 = arith.constant 0 : i32
      %dma_wait3A_201 = tpu.memref_slice %arg7[%dma_wait3A_199, %dma_wait3A_200] : memref<8x128xi32, #tpu.memory_space<vmem>> -> memref<1x128xi32, #tpu.memory_space<vmem>>
      %dma_wait3A_202 = tpu.memref_squeeze %dma_wait3A_201 : memref<1x128xi32, #tpu.memory_space<vmem>> -> memref<128xi32, #tpu.memory_space<vmem>>
      %dma_wait3A_203 = arith.constant 0 : i32
      %dma_wait3A_204 = arith.constant 0 : i32
      %dma_wait3A_205 = tpu.memref_slice %arg10[%dma_wait3A_203, %dma_wait3A_204] : memref<10240x128xf32, #tpu.memory_space<vmem_shared>> -> memref<10240x128xf32, #tpu.memory_space<vmem_shared>>
      tpu.wait_indirect_dma semaphore(%arg12 : memref<!tpu.dma_semaphore, #tpu.memory_space<semaphore_mem>>) src(%arg8 : memref<128x128xf32, #tpu.memory_space<vmem>>) dst(%dma_wait3A_205 : memref<10240x128xf32, #tpu.memory_space<vmem_shared>>)
      %dma_wait3A_206 = arith.constant 5 : i32
      %dma_wait3A_207 = arith.constant 0 : i32
      %dma_wait3A_208 = tpu.memref_slice %arg7[%dma_wait3A_206, %dma_wait3A_207] : memref<8x128xi32, #tpu.memory_space<vmem>> -> memref<1x128xi32, #tpu.memory_space<vmem>>
      %dma_wait3A_209 = tpu.memref_squeeze %dma_wait3A_208 : memref<1x128xi32, #tpu.memory_space<vmem>> -> memref<128xi32, #tpu.memory_space<vmem>>
      %dma_wait3A_210 = arith.constant 0 : i32
      %dma_wait3A_211 = arith.constant 0 : i32
      %dma_wait3A_212 = tpu.memref_slice %arg10[%dma_wait3A_210, %dma_wait3A_211] : memref<10240x128xf32, #tpu.memory_space<vmem_shared>> -> memref<10240x128xf32, #tpu.memory_space<vmem_shared>>
      tpu.wait_indirect_dma semaphore(%arg12 : memref<!tpu.dma_semaphore, #tpu.memory_space<semaphore_mem>>) src(%arg9 : memref<128x128xf32, #tpu.memory_space<vmem>>) dst(%dma_wait3A_212 : memref<10240x128xf32, #tpu.memory_space<vmem_shared>>)
      %dma_start3A_213 = arith.constant 6 : i32
      %dma_start3A_214 = arith.constant 0 : i32
      %dma_start3A_215 = tpu.memref_slice %arg6[%dma_start3A_213, %dma_start3A_214] : memref<8x128xi32, #tpu.memory_space<vmem>> -> memref<1x128xi32, #tpu.memory_space<vmem>>
      %dma_start3A_216 = tpu.memref_squeeze %dma_start3A_215 : memref<1x128xi32, #tpu.memory_space<vmem>> -> memref<128xi32, #tpu.memory_space<vmem>>
      %dma_start3A_217 = arith.constant 0 : i32
      %dma_start3A_218 = arith.constant 0 : i32
      %dma_start3A_219 = tpu.memref_slice %arg2[%dma_start3A_217, %dma_start3A_218] : memref<10240x128xf32, #tpu.memory_space<hbm>> -> memref<10240x128xf32, #tpu.memory_space<hbm>>
      tpu.enqueue_indirect_dma source(%dma_start3A_219 : memref<10240x128xf32, #tpu.memory_space<hbm>>) target(%arg8 : memref<128x128xf32, #tpu.memory_space<vmem>>) offsets(%dma_start3A_216 : memref<128xi32, #tpu.memory_space<vmem>>) semaphore(%arg11 : memref<!tpu.dma_semaphore, #tpu.memory_space<semaphore_mem>>)
      %dma_start3A_220 = arith.constant 7 : i32
      %dma_start3A_221 = arith.constant 0 : i32
      %dma_start3A_222 = tpu.memref_slice %arg6[%dma_start3A_220, %dma_start3A_221] : memref<8x128xi32, #tpu.memory_space<vmem>> -> memref<1x128xi32, #tpu.memory_space<vmem>>
      %dma_start3A_223 = tpu.memref_squeeze %dma_start3A_222 : memref<1x128xi32, #tpu.memory_space<vmem>> -> memref<128xi32, #tpu.memory_space<vmem>>
      %dma_start3A_224 = arith.constant 0 : i32
      %dma_start3A_225 = arith.constant 0 : i32
      %dma_start3A_226 = tpu.memref_slice %arg2[%dma_start3A_224, %dma_start3A_225] : memref<10240x128xf32, #tpu.memory_space<hbm>> -> memref<10240x128xf32, #tpu.memory_space<hbm>>
      tpu.enqueue_indirect_dma source(%dma_start3A_226 : memref<10240x128xf32, #tpu.memory_space<hbm>>) target(%arg9 : memref<128x128xf32, #tpu.memory_space<vmem>>) offsets(%dma_start3A_223 : memref<128xi32, #tpu.memory_space<vmem>>) semaphore(%arg11 : memref<!tpu.dma_semaphore, #tpu.memory_space<semaphore_mem>>)
      %dma_wait3A_227 = arith.constant 6 : i32
      %dma_wait3A_228 = arith.constant 0 : i32
      %dma_wait3A_229 = tpu.memref_slice %arg6[%dma_wait3A_227, %dma_wait3A_228] : memref<8x128xi32, #tpu.memory_space<vmem>> -> memref<1x128xi32, #tpu.memory_space<vmem>>
      %dma_wait3A_230 = tpu.memref_squeeze %dma_wait3A_229 : memref<1x128xi32, #tpu.memory_space<vmem>> -> memref<128xi32, #tpu.memory_space<vmem>>
      %dma_wait3A_231 = arith.constant 0 : i32
      %dma_wait3A_232 = arith.constant 0 : i32
      %dma_wait3A_233 = tpu.memref_slice %arg2[%dma_wait3A_231, %dma_wait3A_232] : memref<10240x128xf32, #tpu.memory_space<hbm>> -> memref<10240x128xf32, #tpu.memory_space<hbm>>
      tpu.wait_indirect_dma semaphore(%arg11 : memref<!tpu.dma_semaphore, #tpu.memory_space<semaphore_mem>>) src(%dma_wait3A_233 : memref<10240x128xf32, #tpu.memory_space<hbm>>) dst(%arg8 : memref<128x128xf32, #tpu.memory_space<vmem>>)
      %dma_start3A_234 = arith.constant 6 : i32
      %dma_start3A_235 = arith.constant 0 : i32
      %dma_start3A_236 = tpu.memref_slice %arg7[%dma_start3A_234, %dma_start3A_235] : memref<8x128xi32, #tpu.memory_space<vmem>> -> memref<1x128xi32, #tpu.memory_space<vmem>>
      %dma_start3A_237 = tpu.memref_squeeze %dma_start3A_236 : memref<1x128xi32, #tpu.memory_space<vmem>> -> memref<128xi32, #tpu.memory_space<vmem>>
      %dma_start3A_238 = arith.constant 0 : i32
      %dma_start3A_239 = arith.constant 0 : i32
      %dma_start3A_240 = tpu.memref_slice %arg10[%dma_start3A_238, %dma_start3A_239] : memref<10240x128xf32, #tpu.memory_space<vmem_shared>> -> memref<10240x128xf32, #tpu.memory_space<vmem_shared>>
      tpu.enqueue_indirect_dma source(%arg8 : memref<128x128xf32, #tpu.memory_space<vmem>>) target(%dma_start3A_240 : memref<10240x128xf32, #tpu.memory_space<vmem_shared>>) offsets(%dma_start3A_237 : memref<128xi32, #tpu.memory_space<vmem>>) semaphore(%arg12 : memref<!tpu.dma_semaphore, #tpu.memory_space<semaphore_mem>>) {add = true}
      %dma_wait3A_241 = arith.constant 7 : i32
      %dma_wait3A_242 = arith.constant 0 : i32
      %dma_wait3A_243 = tpu.memref_slice %arg6[%dma_wait3A_241, %dma_wait3A_242] : memref<8x128xi32, #tpu.memory_space<vmem>> -> memref<1x128xi32, #tpu.memory_space<vmem>>
      %dma_wait3A_244 = tpu.memref_squeeze %dma_wait3A_243 : memref<1x128xi32, #tpu.memory_space<vmem>> -> memref<128xi32, #tpu.memory_space<vmem>>
      %dma_wait3A_245 = arith.constant 0 : i32
      %dma_wait3A_246 = arith.constant 0 : i32
      %dma_wait3A_247 = tpu.memref_slice %arg2[%dma_wait3A_245, %dma_wait3A_246] : memref<10240x128xf32, #tpu.memory_space<hbm>> -> memref<10240x128xf32, #tpu.memory_space<hbm>>
      tpu.wait_indirect_dma semaphore(%arg11 : memref<!tpu.dma_semaphore, #tpu.memory_space<semaphore_mem>>) src(%dma_wait3A_247 : memref<10240x128xf32, #tpu.memory_space<hbm>>) dst(%arg9 : memref<128x128xf32, #tpu.memory_space<vmem>>)
      %dma_start3A_248 = arith.constant 7 : i32
      %dma_start3A_249 = arith.constant 0 : i32
      %dma_start3A_250 = tpu.memref_slice %arg7[%dma_start3A_248, %dma_start3A_249] : memref<8x128xi32, #tpu.memory_space<vmem>> -> memref<1x128xi32, #tpu.memory_space<vmem>>
      %dma_start3A_251 = tpu.memref_squeeze %dma_start3A_250 : memref<1x128xi32, #tpu.memory_space<vmem>> -> memref<128xi32, #tpu.memory_space<vmem>>
      %dma_start3A_252 = arith.constant 0 : i32
      %dma_start3A_253 = arith.constant 0 : i32
      %dma_start3A_254 = tpu.memref_slice %arg10[%dma_start3A_252, %dma_start3A_253] : memref<10240x128xf32, #tpu.memory_space<vmem_shared>> -> memref<10240x128xf32, #tpu.memory_space<vmem_shared>>
      tpu.enqueue_indirect_dma source(%arg9 : memref<128x128xf32, #tpu.memory_space<vmem>>) target(%dma_start3A_254 : memref<10240x128xf32, #tpu.memory_space<vmem_shared>>) offsets(%dma_start3A_251 : memref<128xi32, #tpu.memory_space<vmem>>) semaphore(%arg12 : memref<!tpu.dma_semaphore, #tpu.memory_space<semaphore_mem>>) {add = true}
      %dma_wait3A_255 = arith.constant 6 : i32
      %dma_wait3A_256 = arith.constant 0 : i32
      %dma_wait3A_257 = tpu.memref_slice %arg7[%dma_wait3A_255, %dma_wait3A_256] : memref<8x128xi32, #tpu.memory_space<vmem>> -> memref<1x128xi32, #tpu.memory_space<vmem>>
      %dma_wait3A_258 = tpu.memref_squeeze %dma_wait3A_257 : memref<1x128xi32, #tpu.memory_space<vmem>> -> memref<128xi32, #tpu.memory_space<vmem>>
      %dma_wait3A_259 = arith.constant 0 : i32
      %dma_wait3A_260 = arith.constant 0 : i32
      %dma_wait3A_261 = tpu.memref_slice %arg10[%dma_wait3A_259, %dma_wait3A_260] : memref<10240x128xf32, #tpu.memory_space<vmem_shared>> -> memref<10240x128xf32, #tpu.memory_space<vmem_shared>>
      tpu.wait_indirect_dma semaphore(%arg12 : memref<!tpu.dma_semaphore, #tpu.memory_space<semaphore_mem>>) src(%arg8 : memref<128x128xf32, #tpu.memory_space<vmem>>) dst(%dma_wait3A_261 : memref<10240x128xf32, #tpu.memory_space<vmem_shared>>)
      %dma_wait3A_262 = arith.constant 7 : i32
      %dma_wait3A_263 = arith.constant 0 : i32
      %dma_wait3A_264 = tpu.memref_slice %arg7[%dma_wait3A_262, %dma_wait3A_263] : memref<8x128xi32, #tpu.memory_space<vmem>> -> memref<1x128xi32, #tpu.memory_space<vmem>>
      %dma_wait3A_265 = tpu.memref_squeeze %dma_wait3A_264 : memref<1x128xi32, #tpu.memory_space<vmem>> -> memref<128xi32, #tpu.memory_space<vmem>>
      %dma_wait3A_266 = arith.constant 0 : i32
      %dma_wait3A_267 = arith.constant 0 : i32
      %dma_wait3A_268 = tpu.memref_slice %arg10[%dma_wait3A_266, %dma_wait3A_267] : memref<10240x128xf32, #tpu.memory_space<vmem_shared>> -> memref<10240x128xf32, #tpu.memory_space<vmem_shared>>
      tpu.wait_indirect_dma semaphore(%arg12 : memref<!tpu.dma_semaphore, #tpu.memory_space<semaphore_mem>>) src(%arg9 : memref<128x128xf32, #tpu.memory_space<vmem>>) dst(%dma_wait3A_268 : memref<10240x128xf32, #tpu.memory_space<vmem_shared>>)
      %while3A_269 = arith.constant 0 : i32
      scf.yield %while3A_269 : i32
    }
    %while3A_36 = arith.constant 1 : i32
    %while3A_37 = scf.for %while3A_39 = %while3A_33 to %while3A_29 step %while3A_36 iter_args(%while3A_40 = %while3A_35) -> (i32)  : i32 {
      %mul3A_41 = arith.constant 8 : i32
      %mul3A_42 = arith.muli %while3A_39, %mul3A_41 : i32
      %add3A_43 = arith.addi %select_n3A, %mul3A_42 : i32
      "tpu.region"() ({
        %run_scoped3A = tpu.sem_alloc : memref<!tpu.dma_semaphore, #tpu.memory_space<semaphore_mem>>
        %dma_start3A_270 = arith.constant 0 : i32
        %dma_start3A_271 = tpu.memref_slice %arg3[%add3A_43, %dma_start3A_270] : memref<2560x128xi32, #tpu.memory_space<hbm>> -> memref<8x128xi32, #tpu.memory_space<hbm>>
        %dma_start3A_272 = arith.constant 0 : i32
        %dma_start3A_273 = tpu.memref_slice %arg3[%add3A_43, %dma_start3A_272] : memref<2560x128xi32, #tpu.memory_space<hbm>> -> memref<8x128xi32, #tpu.memory_space<hbm>>
        tpu.enqueue_dma source(%dma_start3A_273 : memref<8x128xi32, #tpu.memory_space<hbm>>) target(%arg6 : memref<8x128xi32, #tpu.memory_space<vmem>>) target_semaphore(%run_scoped3A : memref<!tpu.dma_semaphore, #tpu.memory_space<semaphore_mem>>)
        %dma_wait3A_274 = arith.constant 0 : i32
        %dma_wait3A_275 = tpu.memref_slice %arg3[%add3A_43, %dma_wait3A_274] : memref<2560x128xi32, #tpu.memory_space<hbm>> -> memref<8x128xi32, #tpu.memory_space<hbm>>
        %dma_wait3A_276 = arith.constant 0 : i32
        %dma_wait3A_277 = tpu.memref_slice %arg3[%add3A_43, %dma_wait3A_276] : memref<2560x128xi32, #tpu.memory_space<hbm>> -> memref<8x128xi32, #tpu.memory_space<hbm>>
        tpu.wait_dma2 semaphore(%run_scoped3A : memref<!tpu.dma_semaphore, #tpu.memory_space<semaphore_mem>>) src(%dma_wait3A_277 : memref<8x128xi32, #tpu.memory_space<hbm>>) dst(%arg6 : memref<8x128xi32, #tpu.memory_space<vmem>>)
        tpu.yield
      }) : () -> ()
      %mul3A_44 = arith.constant 8 : i32
      %mul3A_45 = arith.muli %while3A_39, %mul3A_44 : i32
      %add3A_46 = arith.addi %select_n3A, %mul3A_45 : i32
      "tpu.region"() ({
        %run_scoped3A = tpu.sem_alloc : memref<!tpu.dma_semaphore, #tpu.memory_space<semaphore_mem>>
        %dma_start3A_270 = arith.constant 0 : i32
        %dma_start3A_271 = tpu.memref_slice %arg4[%add3A_46, %dma_start3A_270] : memref<2560x128xi32, #tpu.memory_space<hbm>> -> memref<8x128xi32, #tpu.memory_space<hbm>>
        %dma_start3A_272 = arith.constant 0 : i32
        %dma_start3A_273 = tpu.memref_slice %arg4[%add3A_46, %dma_start3A_272] : memref<2560x128xi32, #tpu.memory_space<hbm>> -> memref<8x128xi32, #tpu.memory_space<hbm>>
        tpu.enqueue_dma source(%dma_start3A_273 : memref<8x128xi32, #tpu.memory_space<hbm>>) target(%arg7 : memref<8x128xi32, #tpu.memory_space<vmem>>) target_semaphore(%run_scoped3A : memref<!tpu.dma_semaphore, #tpu.memory_space<semaphore_mem>>)
        %dma_wait3A_274 = arith.constant 0 : i32
        %dma_wait3A_275 = tpu.memref_slice %arg4[%add3A_46, %dma_wait3A_274] : memref<2560x128xi32, #tpu.memory_space<hbm>> -> memref<8x128xi32, #tpu.memory_space<hbm>>
        %dma_wait3A_276 = arith.constant 0 : i32
        %dma_wait3A_277 = tpu.memref_slice %arg4[%add3A_46, %dma_wait3A_276] : memref<2560x128xi32, #tpu.memory_space<hbm>> -> memref<8x128xi32, #tpu.memory_space<hbm>>
        tpu.wait_dma2 semaphore(%run_scoped3A : memref<!tpu.dma_semaphore, #tpu.memory_space<semaphore_mem>>) src(%dma_wait3A_277 : memref<8x128xi32, #tpu.memory_space<hbm>>) dst(%arg7 : memref<8x128xi32, #tpu.memory_space<vmem>>)
        tpu.yield
      }) : () -> ()
      %dma_start3A = arith.constant 0 : i32
      %dma_start3A_47 = arith.constant 0 : i32
      %dma_start3A_48 = tpu.memref_slice %arg6[%dma_start3A, %dma_start3A_47] : memref<8x128xi32, #tpu.memory_space<vmem>> -> memref<1x128xi32, #tpu.memory_space<vmem>>
      %dma_start3A_49 = tpu.memref_squeeze %dma_start3A_48 : memref<1x128xi32, #tpu.memory_space<vmem>> -> memref<128xi32, #tpu.memory_space<vmem>>
      %dma_start3A_50 = arith.constant 0 : i32
      %dma_start3A_51 = arith.constant 0 : i32
      %dma_start3A_52 = tpu.memref_slice %arg2[%dma_start3A_50, %dma_start3A_51] : memref<10240x128xf32, #tpu.memory_space<hbm>> -> memref<10240x128xf32, #tpu.memory_space<hbm>>
      tpu.enqueue_indirect_dma source(%dma_start3A_52 : memref<10240x128xf32, #tpu.memory_space<hbm>>) target(%arg8 : memref<128x128xf32, #tpu.memory_space<vmem>>) offsets(%dma_start3A_49 : memref<128xi32, #tpu.memory_space<vmem>>) semaphore(%arg11 : memref<!tpu.dma_semaphore, #tpu.memory_space<semaphore_mem>>)
      %dma_start3A_53 = arith.constant 1 : i32
      %dma_start3A_54 = arith.constant 0 : i32
      %dma_start3A_55 = tpu.memref_slice %arg6[%dma_start3A_53, %dma_start3A_54] : memref<8x128xi32, #tpu.memory_space<vmem>> -> memref<1x128xi32, #tpu.memory_space<vmem>>
      %dma_start3A_56 = tpu.memref_squeeze %dma_start3A_55 : memref<1x128xi32, #tpu.memory_space<vmem>> -> memref<128xi32, #tpu.memory_space<vmem>>
      %dma_start3A_57 = arith.constant 0 : i32
      %dma_start3A_58 = arith.constant 0 : i32
      %dma_start3A_59 = tpu.memref_slice %arg2[%dma_start3A_57, %dma_start3A_58] : memref<10240x128xf32, #tpu.memory_space<hbm>> -> memref<10240x128xf32, #tpu.memory_space<hbm>>
      tpu.enqueue_indirect_dma source(%dma_start3A_59 : memref<10240x128xf32, #tpu.memory_space<hbm>>) target(%arg9 : memref<128x128xf32, #tpu.memory_space<vmem>>) offsets(%dma_start3A_56 : memref<128xi32, #tpu.memory_space<vmem>>) semaphore(%arg11 : memref<!tpu.dma_semaphore, #tpu.memory_space<semaphore_mem>>)
      %dma_wait3A = arith.constant 0 : i32
      %dma_wait3A_60 = arith.constant 0 : i32
      %dma_wait3A_61 = tpu.memref_slice %arg6[%dma_wait3A, %dma_wait3A_60] : memref<8x128xi32, #tpu.memory_space<vmem>> -> memref<1x128xi32, #tpu.memory_space<vmem>>
      %dma_wait3A_62 = tpu.memref_squeeze %dma_wait3A_61 : memref<1x128xi32, #tpu.memory_space<vmem>> -> memref<128xi32, #tpu.memory_space<vmem>>
      %dma_wait3A_63 = arith.constant 0 : i32
      %dma_wait3A_64 = arith.constant 0 : i32
      %dma_wait3A_65 = tpu.memref_slice %arg2[%dma_wait3A_63, %dma_wait3A_64] : memref<10240x128xf32, #tpu.memory_space<hbm>> -> memref<10240x128xf32, #tpu.memory_space<hbm>>
      tpu.wait_indirect_dma semaphore(%arg11 : memref<!tpu.dma_semaphore, #tpu.memory_space<semaphore_mem>>) src(%dma_wait3A_65 : memref<10240x128xf32, #tpu.memory_space<hbm>>) dst(%arg8 : memref<128x128xf32, #tpu.memory_space<vmem>>)
      %dma_start3A_66 = arith.constant 0 : i32
      %dma_start3A_67 = arith.constant 0 : i32
      %dma_start3A_68 = tpu.memref_slice %arg7[%dma_start3A_66, %dma_start3A_67] : memref<8x128xi32, #tpu.memory_space<vmem>> -> memref<1x128xi32, #tpu.memory_space<vmem>>
      %dma_start3A_69 = tpu.memref_squeeze %dma_start3A_68 : memref<1x128xi32, #tpu.memory_space<vmem>> -> memref<128xi32, #tpu.memory_space<vmem>>
      %dma_start3A_70 = arith.constant 0 : i32
      %dma_start3A_71 = arith.constant 0 : i32
      %dma_start3A_72 = tpu.memref_slice %arg10[%dma_start3A_70, %dma_start3A_71] : memref<10240x128xf32, #tpu.memory_space<vmem_shared>> -> memref<10240x128xf32, #tpu.memory_space<vmem_shared>>
      tpu.enqueue_indirect_dma source(%arg8 : memref<128x128xf32, #tpu.memory_space<vmem>>) target(%dma_start3A_72 : memref<10240x128xf32, #tpu.memory_space<vmem_shared>>) offsets(%dma_start3A_69 : memref<128xi32, #tpu.memory_space<vmem>>) semaphore(%arg12 : memref<!tpu.dma_semaphore, #tpu.memory_space<semaphore_mem>>) {add = true}
      %dma_wait3A_73 = arith.constant 1 : i32
      %dma_wait3A_74 = arith.constant 0 : i32
      %dma_wait3A_75 = tpu.memref_slice %arg6[%dma_wait3A_73, %dma_wait3A_74] : memref<8x128xi32, #tpu.memory_space<vmem>> -> memref<1x128xi32, #tpu.memory_space<vmem>>
      %dma_wait3A_76 = tpu.memref_squeeze %dma_wait3A_75 : memref<1x128xi32, #tpu.memory_space<vmem>> -> memref<128xi32, #tpu.memory_space<vmem>>
      %dma_wait3A_77 = arith.constant 0 : i32
      %dma_wait3A_78 = arith.constant 0 : i32
      %dma_wait3A_79 = tpu.memref_slice %arg2[%dma_wait3A_77, %dma_wait3A_78] : memref<10240x128xf32, #tpu.memory_space<hbm>> -> memref<10240x128xf32, #tpu.memory_space<hbm>>
      tpu.wait_indirect_dma semaphore(%arg11 : memref<!tpu.dma_semaphore, #tpu.memory_space<semaphore_mem>>) src(%dma_wait3A_79 : memref<10240x128xf32, #tpu.memory_space<hbm>>) dst(%arg9 : memref<128x128xf32, #tpu.memory_space<vmem>>)
      %dma_start3A_80 = arith.constant 1 : i32
      %dma_start3A_81 = arith.constant 0 : i32
      %dma_start3A_82 = tpu.memref_slice %arg7[%dma_start3A_80, %dma_start3A_81] : memref<8x128xi32, #tpu.memory_space<vmem>> -> memref<1x128xi32, #tpu.memory_space<vmem>>
      %dma_start3A_83 = tpu.memref_squeeze %dma_start3A_82 : memref<1x128xi32, #tpu.memory_space<vmem>> -> memref<128xi32, #tpu.memory_space<vmem>>
      %dma_start3A_84 = arith.constant 0 : i32
      %dma_start3A_85 = arith.constant 0 : i32
      %dma_start3A_86 = tpu.memref_slice %arg10[%dma_start3A_84, %dma_start3A_85] : memref<10240x128xf32, #tpu.memory_space<vmem_shared>> -> memref<10240x128xf32, #tpu.memory_space<vmem_shared>>
      tpu.enqueue_indirect_dma source(%arg9 : memref<128x128xf32, #tpu.memory_space<vmem>>) target(%dma_start3A_86 : memref<10240x128xf32, #tpu.memory_space<vmem_shared>>) offsets(%dma_start3A_83 : memref<128xi32, #tpu.memory_space<vmem>>) semaphore(%arg12 : memref<!tpu.dma_semaphore, #tpu.memory_space<semaphore_mem>>) {add = true}
      %dma_wait3A_87 = arith.constant 0 : i32
      %dma_wait3A_88 = arith.constant 0 : i32
      %dma_wait3A_89 = tpu.memref_slice %arg7[%dma_wait3A_87, %dma_wait3A_88] : memref<8x128xi32, #tpu.memory_space<vmem>> -> memref<1x128xi32, #tpu.memory_space<vmem>>
      %dma_wait3A_90 = tpu.memref_squeeze %dma_wait3A_89 : memref<1x128xi32, #tpu.memory_space<vmem>> -> memref<128xi32, #tpu.memory_space<vmem>>
      %dma_wait3A_91 = arith.constant 0 : i32
      %dma_wait3A_92 = arith.constant 0 : i32
      %dma_wait3A_93 = tpu.memref_slice %arg10[%dma_wait3A_91, %dma_wait3A_92] : memref<10240x128xf32, #tpu.memory_space<vmem_shared>> -> memref<10240x128xf32, #tpu.memory_space<vmem_shared>>
      tpu.wait_indirect_dma semaphore(%arg12 : memref<!tpu.dma_semaphore, #tpu.memory_space<semaphore_mem>>) src(%arg8 : memref<128x128xf32, #tpu.memory_space<vmem>>) dst(%dma_wait3A_93 : memref<10240x128xf32, #tpu.memory_space<vmem_shared>>)
      %dma_wait3A_94 = arith.constant 1 : i32
      %dma_wait3A_95 = arith.constant 0 : i32
      %dma_wait3A_96 = tpu.memref_slice %arg7[%dma_wait3A_94, %dma_wait3A_95] : memref<8x128xi32, #tpu.memory_space<vmem>> -> memref<1x128xi32, #tpu.memory_space<vmem>>
      %dma_wait3A_97 = tpu.memref_squeeze %dma_wait3A_96 : memref<1x128xi32, #tpu.memory_space<vmem>> -> memref<128xi32, #tpu.memory_space<vmem>>
      %dma_wait3A_98 = arith.constant 0 : i32
      %dma_wait3A_99 = arith.constant 0 : i32
      %dma_wait3A_100 = tpu.memref_slice %arg10[%dma_wait3A_98, %dma_wait3A_99] : memref<10240x128xf32, #tpu.memory_space<vmem_shared>> -> memref<10240x128xf32, #tpu.memory_space<vmem_shared>>
      tpu.wait_indirect_dma semaphore(%arg12 : memref<!tpu.dma_semaphore, #tpu.memory_space<semaphore_mem>>) src(%arg9 : memref<128x128xf32, #tpu.memory_space<vmem>>) dst(%dma_wait3A_100 : memref<10240x128xf32, #tpu.memory_space<vmem_shared>>)
      %dma_start3A_101 = arith.constant 2 : i32
      %dma_start3A_102 = arith.constant 0 : i32
      %dma_start3A_103 = tpu.memref_slice %arg6[%dma_start3A_101, %dma_start3A_102] : memref<8x128xi32, #tpu.memory_space<vmem>> -> memref<1x128xi32, #tpu.memory_space<vmem>>
      %dma_start3A_104 = tpu.memref_squeeze %dma_start3A_103 : memref<1x128xi32, #tpu.memory_space<vmem>> -> memref<128xi32, #tpu.memory_space<vmem>>
      %dma_start3A_105 = arith.constant 0 : i32
      %dma_start3A_106 = arith.constant 0 : i32
      %dma_start3A_107 = tpu.memref_slice %arg2[%dma_start3A_105, %dma_start3A_106] : memref<10240x128xf32, #tpu.memory_space<hbm>> -> memref<10240x128xf32, #tpu.memory_space<hbm>>
      tpu.enqueue_indirect_dma source(%dma_start3A_107 : memref<10240x128xf32, #tpu.memory_space<hbm>>) target(%arg8 : memref<128x128xf32, #tpu.memory_space<vmem>>) offsets(%dma_start3A_104 : memref<128xi32, #tpu.memory_space<vmem>>) semaphore(%arg11 : memref<!tpu.dma_semaphore, #tpu.memory_space<semaphore_mem>>)
      %dma_start3A_108 = arith.constant 3 : i32
      %dma_start3A_109 = arith.constant 0 : i32
      %dma_start3A_110 = tpu.memref_slice %arg6[%dma_start3A_108, %dma_start3A_109] : memref<8x128xi32, #tpu.memory_space<vmem>> -> memref<1x128xi32, #tpu.memory_space<vmem>>
      %dma_start3A_111 = tpu.memref_squeeze %dma_start3A_110 : memref<1x128xi32, #tpu.memory_space<vmem>> -> memref<128xi32, #tpu.memory_space<vmem>>
      %dma_start3A_112 = arith.constant 0 : i32
      %dma_start3A_113 = arith.constant 0 : i32
      %dma_start3A_114 = tpu.memref_slice %arg2[%dma_start3A_112, %dma_start3A_113] : memref<10240x128xf32, #tpu.memory_space<hbm>> -> memref<10240x128xf32, #tpu.memory_space<hbm>>
      tpu.enqueue_indirect_dma source(%dma_start3A_114 : memref<10240x128xf32, #tpu.memory_space<hbm>>) target(%arg9 : memref<128x128xf32, #tpu.memory_space<vmem>>) offsets(%dma_start3A_111 : memref<128xi32, #tpu.memory_space<vmem>>) semaphore(%arg11 : memref<!tpu.dma_semaphore, #tpu.memory_space<semaphore_mem>>)
      %dma_wait3A_115 = arith.constant 2 : i32
      %dma_wait3A_116 = arith.constant 0 : i32
      %dma_wait3A_117 = tpu.memref_slice %arg6[%dma_wait3A_115, %dma_wait3A_116] : memref<8x128xi32, #tpu.memory_space<vmem>> -> memref<1x128xi32, #tpu.memory_space<vmem>>
      %dma_wait3A_118 = tpu.memref_squeeze %dma_wait3A_117 : memref<1x128xi32, #tpu.memory_space<vmem>> -> memref<128xi32, #tpu.memory_space<vmem>>
      %dma_wait3A_119 = arith.constant 0 : i32
      %dma_wait3A_120 = arith.constant 0 : i32
      %dma_wait3A_121 = tpu.memref_slice %arg2[%dma_wait3A_119, %dma_wait3A_120] : memref<10240x128xf32, #tpu.memory_space<hbm>> -> memref<10240x128xf32, #tpu.memory_space<hbm>>
      tpu.wait_indirect_dma semaphore(%arg11 : memref<!tpu.dma_semaphore, #tpu.memory_space<semaphore_mem>>) src(%dma_wait3A_121 : memref<10240x128xf32, #tpu.memory_space<hbm>>) dst(%arg8 : memref<128x128xf32, #tpu.memory_space<vmem>>)
      %dma_start3A_122 = arith.constant 2 : i32
      %dma_start3A_123 = arith.constant 0 : i32
      %dma_start3A_124 = tpu.memref_slice %arg7[%dma_start3A_122, %dma_start3A_123] : memref<8x128xi32, #tpu.memory_space<vmem>> -> memref<1x128xi32, #tpu.memory_space<vmem>>
      %dma_start3A_125 = tpu.memref_squeeze %dma_start3A_124 : memref<1x128xi32, #tpu.memory_space<vmem>> -> memref<128xi32, #tpu.memory_space<vmem>>
      %dma_start3A_126 = arith.constant 0 : i32
      %dma_start3A_127 = arith.constant 0 : i32
      %dma_start3A_128 = tpu.memref_slice %arg10[%dma_start3A_126, %dma_start3A_127] : memref<10240x128xf32, #tpu.memory_space<vmem_shared>> -> memref<10240x128xf32, #tpu.memory_space<vmem_shared>>
      tpu.enqueue_indirect_dma source(%arg8 : memref<128x128xf32, #tpu.memory_space<vmem>>) target(%dma_start3A_128 : memref<10240x128xf32, #tpu.memory_space<vmem_shared>>) offsets(%dma_start3A_125 : memref<128xi32, #tpu.memory_space<vmem>>) semaphore(%arg12 : memref<!tpu.dma_semaphore, #tpu.memory_space<semaphore_mem>>) {add = true}
      %dma_wait3A_129 = arith.constant 3 : i32
      %dma_wait3A_130 = arith.constant 0 : i32
      %dma_wait3A_131 = tpu.memref_slice %arg6[%dma_wait3A_129, %dma_wait3A_130] : memref<8x128xi32, #tpu.memory_space<vmem>> -> memref<1x128xi32, #tpu.memory_space<vmem>>
      %dma_wait3A_132 = tpu.memref_squeeze %dma_wait3A_131 : memref<1x128xi32, #tpu.memory_space<vmem>> -> memref<128xi32, #tpu.memory_space<vmem>>
      %dma_wait3A_133 = arith.constant 0 : i32
      %dma_wait3A_134 = arith.constant 0 : i32
      %dma_wait3A_135 = tpu.memref_slice %arg2[%dma_wait3A_133, %dma_wait3A_134] : memref<10240x128xf32, #tpu.memory_space<hbm>> -> memref<10240x128xf32, #tpu.memory_space<hbm>>
      tpu.wait_indirect_dma semaphore(%arg11 : memref<!tpu.dma_semaphore, #tpu.memory_space<semaphore_mem>>) src(%dma_wait3A_135 : memref<10240x128xf32, #tpu.memory_space<hbm>>) dst(%arg9 : memref<128x128xf32, #tpu.memory_space<vmem>>)
      %dma_start3A_136 = arith.constant 3 : i32
      %dma_start3A_137 = arith.constant 0 : i32
      %dma_start3A_138 = tpu.memref_slice %arg7[%dma_start3A_136, %dma_start3A_137] : memref<8x128xi32, #tpu.memory_space<vmem>> -> memref<1x128xi32, #tpu.memory_space<vmem>>
      %dma_start3A_139 = tpu.memref_squeeze %dma_start3A_138 : memref<1x128xi32, #tpu.memory_space<vmem>> -> memref<128xi32, #tpu.memory_space<vmem>>
      %dma_start3A_140 = arith.constant 0 : i32
      %dma_start3A_141 = arith.constant 0 : i32
      %dma_start3A_142 = tpu.memref_slice %arg10[%dma_start3A_140, %dma_start3A_141] : memref<10240x128xf32, #tpu.memory_space<vmem_shared>> -> memref<10240x128xf32, #tpu.memory_space<vmem_shared>>
      tpu.enqueue_indirect_dma source(%arg9 : memref<128x128xf32, #tpu.memory_space<vmem>>) target(%dma_start3A_142 : memref<10240x128xf32, #tpu.memory_space<vmem_shared>>) offsets(%dma_start3A_139 : memref<128xi32, #tpu.memory_space<vmem>>) semaphore(%arg12 : memref<!tpu.dma_semaphore, #tpu.memory_space<semaphore_mem>>) {add = true}
      %dma_wait3A_143 = arith.constant 2 : i32
      %dma_wait3A_144 = arith.constant 0 : i32
      %dma_wait3A_145 = tpu.memref_slice %arg7[%dma_wait3A_143, %dma_wait3A_144] : memref<8x128xi32, #tpu.memory_space<vmem>> -> memref<1x128xi32, #tpu.memory_space<vmem>>
      %dma_wait3A_146 = tpu.memref_squeeze %dma_wait3A_145 : memref<1x128xi32, #tpu.memory_space<vmem>> -> memref<128xi32, #tpu.memory_space<vmem>>
      %dma_wait3A_147 = arith.constant 0 : i32
      %dma_wait3A_148 = arith.constant 0 : i32
      %dma_wait3A_149 = tpu.memref_slice %arg10[%dma_wait3A_147, %dma_wait3A_148] : memref<10240x128xf32, #tpu.memory_space<vmem_shared>> -> memref<10240x128xf32, #tpu.memory_space<vmem_shared>>
      tpu.wait_indirect_dma semaphore(%arg12 : memref<!tpu.dma_semaphore, #tpu.memory_space<semaphore_mem>>) src(%arg8 : memref<128x128xf32, #tpu.memory_space<vmem>>) dst(%dma_wait3A_149 : memref<10240x128xf32, #tpu.memory_space<vmem_shared>>)
      %dma_wait3A_150 = arith.constant 3 : i32
      %dma_wait3A_151 = arith.constant 0 : i32
      %dma_wait3A_152 = tpu.memref_slice %arg7[%dma_wait3A_150, %dma_wait3A_151] : memref<8x128xi32, #tpu.memory_space<vmem>> -> memref<1x128xi32, #tpu.memory_space<vmem>>
      %dma_wait3A_153 = tpu.memref_squeeze %dma_wait3A_152 : memref<1x128xi32, #tpu.memory_space<vmem>> -> memref<128xi32, #tpu.memory_space<vmem>>
      %dma_wait3A_154 = arith.constant 0 : i32
      %dma_wait3A_155 = arith.constant 0 : i32
      %dma_wait3A_156 = tpu.memref_slice %arg10[%dma_wait3A_154, %dma_wait3A_155] : memref<10240x128xf32, #tpu.memory_space<vmem_shared>> -> memref<10240x128xf32, #tpu.memory_space<vmem_shared>>
      tpu.wait_indirect_dma semaphore(%arg12 : memref<!tpu.dma_semaphore, #tpu.memory_space<semaphore_mem>>) src(%arg9 : memref<128x128xf32, #tpu.memory_space<vmem>>) dst(%dma_wait3A_156 : memref<10240x128xf32, #tpu.memory_space<vmem_shared>>)
      %dma_start3A_157 = arith.constant 4 : i32
      %dma_start3A_158 = arith.constant 0 : i32
      %dma_start3A_159 = tpu.memref_slice %arg6[%dma_start3A_157, %dma_start3A_158] : memref<8x128xi32, #tpu.memory_space<vmem>> -> memref<1x128xi32, #tpu.memory_space<vmem>>
      %dma_start3A_160 = tpu.memref_squeeze %dma_start3A_159 : memref<1x128xi32, #tpu.memory_space<vmem>> -> memref<128xi32, #tpu.memory_space<vmem>>
      %dma_start3A_161 = arith.constant 0 : i32
      %dma_start3A_162 = arith.constant 0 : i32
      %dma_start3A_163 = tpu.memref_slice %arg2[%dma_start3A_161, %dma_start3A_162] : memref<10240x128xf32, #tpu.memory_space<hbm>> -> memref<10240x128xf32, #tpu.memory_space<hbm>>
      tpu.enqueue_indirect_dma source(%dma_start3A_163 : memref<10240x128xf32, #tpu.memory_space<hbm>>) target(%arg8 : memref<128x128xf32, #tpu.memory_space<vmem>>) offsets(%dma_start3A_160 : memref<128xi32, #tpu.memory_space<vmem>>) semaphore(%arg11 : memref<!tpu.dma_semaphore, #tpu.memory_space<semaphore_mem>>)
      %dma_start3A_164 = arith.constant 5 : i32
      %dma_start3A_165 = arith.constant 0 : i32
      %dma_start3A_166 = tpu.memref_slice %arg6[%dma_start3A_164, %dma_start3A_165] : memref<8x128xi32, #tpu.memory_space<vmem>> -> memref<1x128xi32, #tpu.memory_space<vmem>>
      %dma_start3A_167 = tpu.memref_squeeze %dma_start3A_166 : memref<1x128xi32, #tpu.memory_space<vmem>> -> memref<128xi32, #tpu.memory_space<vmem>>
      %dma_start3A_168 = arith.constant 0 : i32
      %dma_start3A_169 = arith.constant 0 : i32
      %dma_start3A_170 = tpu.memref_slice %arg2[%dma_start3A_168, %dma_start3A_169] : memref<10240x128xf32, #tpu.memory_space<hbm>> -> memref<10240x128xf32, #tpu.memory_space<hbm>>
      tpu.enqueue_indirect_dma source(%dma_start3A_170 : memref<10240x128xf32, #tpu.memory_space<hbm>>) target(%arg9 : memref<128x128xf32, #tpu.memory_space<vmem>>) offsets(%dma_start3A_167 : memref<128xi32, #tpu.memory_space<vmem>>) semaphore(%arg11 : memref<!tpu.dma_semaphore, #tpu.memory_space<semaphore_mem>>)
      %dma_wait3A_171 = arith.constant 4 : i32
      %dma_wait3A_172 = arith.constant 0 : i32
      %dma_wait3A_173 = tpu.memref_slice %arg6[%dma_wait3A_171, %dma_wait3A_172] : memref<8x128xi32, #tpu.memory_space<vmem>> -> memref<1x128xi32, #tpu.memory_space<vmem>>
      %dma_wait3A_174 = tpu.memref_squeeze %dma_wait3A_173 : memref<1x128xi32, #tpu.memory_space<vmem>> -> memref<128xi32, #tpu.memory_space<vmem>>
      %dma_wait3A_175 = arith.constant 0 : i32
      %dma_wait3A_176 = arith.constant 0 : i32
      %dma_wait3A_177 = tpu.memref_slice %arg2[%dma_wait3A_175, %dma_wait3A_176] : memref<10240x128xf32, #tpu.memory_space<hbm>> -> memref<10240x128xf32, #tpu.memory_space<hbm>>
      tpu.wait_indirect_dma semaphore(%arg11 : memref<!tpu.dma_semaphore, #tpu.memory_space<semaphore_mem>>) src(%dma_wait3A_177 : memref<10240x128xf32, #tpu.memory_space<hbm>>) dst(%arg8 : memref<128x128xf32, #tpu.memory_space<vmem>>)
      %dma_start3A_178 = arith.constant 4 : i32
      %dma_start3A_179 = arith.constant 0 : i32
      %dma_start3A_180 = tpu.memref_slice %arg7[%dma_start3A_178, %dma_start3A_179] : memref<8x128xi32, #tpu.memory_space<vmem>> -> memref<1x128xi32, #tpu.memory_space<vmem>>
      %dma_start3A_181 = tpu.memref_squeeze %dma_start3A_180 : memref<1x128xi32, #tpu.memory_space<vmem>> -> memref<128xi32, #tpu.memory_space<vmem>>
      %dma_start3A_182 = arith.constant 0 : i32
      %dma_start3A_183 = arith.constant 0 : i32
      %dma_start3A_184 = tpu.memref_slice %arg10[%dma_start3A_182, %dma_start3A_183] : memref<10240x128xf32, #tpu.memory_space<vmem_shared>> -> memref<10240x128xf32, #tpu.memory_space<vmem_shared>>
      tpu.enqueue_indirect_dma source(%arg8 : memref<128x128xf32, #tpu.memory_space<vmem>>) target(%dma_start3A_184 : memref<10240x128xf32, #tpu.memory_space<vmem_shared>>) offsets(%dma_start3A_181 : memref<128xi32, #tpu.memory_space<vmem>>) semaphore(%arg12 : memref<!tpu.dma_semaphore, #tpu.memory_space<semaphore_mem>>) {add = true}
      %dma_wait3A_185 = arith.constant 5 : i32
      %dma_wait3A_186 = arith.constant 0 : i32
      %dma_wait3A_187 = tpu.memref_slice %arg6[%dma_wait3A_185, %dma_wait3A_186] : memref<8x128xi32, #tpu.memory_space<vmem>> -> memref<1x128xi32, #tpu.memory_space<vmem>>
      %dma_wait3A_188 = tpu.memref_squeeze %dma_wait3A_187 : memref<1x128xi32, #tpu.memory_space<vmem>> -> memref<128xi32, #tpu.memory_space<vmem>>
      %dma_wait3A_189 = arith.constant 0 : i32
      %dma_wait3A_190 = arith.constant 0 : i32
      %dma_wait3A_191 = tpu.memref_slice %arg2[%dma_wait3A_189, %dma_wait3A_190] : memref<10240x128xf32, #tpu.memory_space<hbm>> -> memref<10240x128xf32, #tpu.memory_space<hbm>>
      tpu.wait_indirect_dma semaphore(%arg11 : memref<!tpu.dma_semaphore, #tpu.memory_space<semaphore_mem>>) src(%dma_wait3A_191 : memref<10240x128xf32, #tpu.memory_space<hbm>>) dst(%arg9 : memref<128x128xf32, #tpu.memory_space<vmem>>)
      %dma_start3A_192 = arith.constant 5 : i32
      %dma_start3A_193 = arith.constant 0 : i32
      %dma_start3A_194 = tpu.memref_slice %arg7[%dma_start3A_192, %dma_start3A_193] : memref<8x128xi32, #tpu.memory_space<vmem>> -> memref<1x128xi32, #tpu.memory_space<vmem>>
      %dma_start3A_195 = tpu.memref_squeeze %dma_start3A_194 : memref<1x128xi32, #tpu.memory_space<vmem>> -> memref<128xi32, #tpu.memory_space<vmem>>
      %dma_start3A_196 = arith.constant 0 : i32
      %dma_start3A_197 = arith.constant 0 : i32
      %dma_start3A_198 = tpu.memref_slice %arg10[%dma_start3A_196, %dma_start3A_197] : memref<10240x128xf32, #tpu.memory_space<vmem_shared>> -> memref<10240x128xf32, #tpu.memory_space<vmem_shared>>
      tpu.enqueue_indirect_dma source(%arg9 : memref<128x128xf32, #tpu.memory_space<vmem>>) target(%dma_start3A_198 : memref<10240x128xf32, #tpu.memory_space<vmem_shared>>) offsets(%dma_start3A_195 : memref<128xi32, #tpu.memory_space<vmem>>) semaphore(%arg12 : memref<!tpu.dma_semaphore, #tpu.memory_space<semaphore_mem>>) {add = true}
      %dma_wait3A_199 = arith.constant 4 : i32
      %dma_wait3A_200 = arith.constant 0 : i32
      %dma_wait3A_201 = tpu.memref_slice %arg7[%dma_wait3A_199, %dma_wait3A_200] : memref<8x128xi32, #tpu.memory_space<vmem>> -> memref<1x128xi32, #tpu.memory_space<vmem>>
      %dma_wait3A_202 = tpu.memref_squeeze %dma_wait3A_201 : memref<1x128xi32, #tpu.memory_space<vmem>> -> memref<128xi32, #tpu.memory_space<vmem>>
      %dma_wait3A_203 = arith.constant 0 : i32
      %dma_wait3A_204 = arith.constant 0 : i32
      %dma_wait3A_205 = tpu.memref_slice %arg10[%dma_wait3A_203, %dma_wait3A_204] : memref<10240x128xf32, #tpu.memory_space<vmem_shared>> -> memref<10240x128xf32, #tpu.memory_space<vmem_shared>>
      tpu.wait_indirect_dma semaphore(%arg12 : memref<!tpu.dma_semaphore, #tpu.memory_space<semaphore_mem>>) src(%arg8 : memref<128x128xf32, #tpu.memory_space<vmem>>) dst(%dma_wait3A_205 : memref<10240x128xf32, #tpu.memory_space<vmem_shared>>)
      %dma_wait3A_206 = arith.constant 5 : i32
      %dma_wait3A_207 = arith.constant 0 : i32
      %dma_wait3A_208 = tpu.memref_slice %arg7[%dma_wait3A_206, %dma_wait3A_207] : memref<8x128xi32, #tpu.memory_space<vmem>> -> memref<1x128xi32, #tpu.memory_space<vmem>>
      %dma_wait3A_209 = tpu.memref_squeeze %dma_wait3A_208 : memref<1x128xi32, #tpu.memory_space<vmem>> -> memref<128xi32, #tpu.memory_space<vmem>>
      %dma_wait3A_210 = arith.constant 0 : i32
      %dma_wait3A_211 = arith.constant 0 : i32
      %dma_wait3A_212 = tpu.memref_slice %arg10[%dma_wait3A_210, %dma_wait3A_211] : memref<10240x128xf32, #tpu.memory_space<vmem_shared>> -> memref<10240x128xf32, #tpu.memory_space<vmem_shared>>
      tpu.wait_indirect_dma semaphore(%arg12 : memref<!tpu.dma_semaphore, #tpu.memory_space<semaphore_mem>>) src(%arg9 : memref<128x128xf32, #tpu.memory_space<vmem>>) dst(%dma_wait3A_212 : memref<10240x128xf32, #tpu.memory_space<vmem_shared>>)
      %dma_start3A_213 = arith.constant 6 : i32
      %dma_start3A_214 = arith.constant 0 : i32
      %dma_start3A_215 = tpu.memref_slice %arg6[%dma_start3A_213, %dma_start3A_214] : memref<8x128xi32, #tpu.memory_space<vmem>> -> memref<1x128xi32, #tpu.memory_space<vmem>>
      %dma_start3A_216 = tpu.memref_squeeze %dma_start3A_215 : memref<1x128xi32, #tpu.memory_space<vmem>> -> memref<128xi32, #tpu.memory_space<vmem>>
      %dma_start3A_217 = arith.constant 0 : i32
      %dma_start3A_218 = arith.constant 0 : i32
      %dma_start3A_219 = tpu.memref_slice %arg2[%dma_start3A_217, %dma_start3A_218] : memref<10240x128xf32, #tpu.memory_space<hbm>> -> memref<10240x128xf32, #tpu.memory_space<hbm>>
      tpu.enqueue_indirect_dma source(%dma_start3A_219 : memref<10240x128xf32, #tpu.memory_space<hbm>>) target(%arg8 : memref<128x128xf32, #tpu.memory_space<vmem>>) offsets(%dma_start3A_216 : memref<128xi32, #tpu.memory_space<vmem>>) semaphore(%arg11 : memref<!tpu.dma_semaphore, #tpu.memory_space<semaphore_mem>>)
      %dma_start3A_220 = arith.constant 7 : i32
      %dma_start3A_221 = arith.constant 0 : i32
      %dma_start3A_222 = tpu.memref_slice %arg6[%dma_start3A_220, %dma_start3A_221] : memref<8x128xi32, #tpu.memory_space<vmem>> -> memref<1x128xi32, #tpu.memory_space<vmem>>
      %dma_start3A_223 = tpu.memref_squeeze %dma_start3A_222 : memref<1x128xi32, #tpu.memory_space<vmem>> -> memref<128xi32, #tpu.memory_space<vmem>>
      %dma_start3A_224 = arith.constant 0 : i32
      %dma_start3A_225 = arith.constant 0 : i32
      %dma_start3A_226 = tpu.memref_slice %arg2[%dma_start3A_224, %dma_start3A_225] : memref<10240x128xf32, #tpu.memory_space<hbm>> -> memref<10240x128xf32, #tpu.memory_space<hbm>>
      tpu.enqueue_indirect_dma source(%dma_start3A_226 : memref<10240x128xf32, #tpu.memory_space<hbm>>) target(%arg9 : memref<128x128xf32, #tpu.memory_space<vmem>>) offsets(%dma_start3A_223 : memref<128xi32, #tpu.memory_space<vmem>>) semaphore(%arg11 : memref<!tpu.dma_semaphore, #tpu.memory_space<semaphore_mem>>)
      %dma_wait3A_227 = arith.constant 6 : i32
      %dma_wait3A_228 = arith.constant 0 : i32
      %dma_wait3A_229 = tpu.memref_slice %arg6[%dma_wait3A_227, %dma_wait3A_228] : memref<8x128xi32, #tpu.memory_space<vmem>> -> memref<1x128xi32, #tpu.memory_space<vmem>>
      %dma_wait3A_230 = tpu.memref_squeeze %dma_wait3A_229 : memref<1x128xi32, #tpu.memory_space<vmem>> -> memref<128xi32, #tpu.memory_space<vmem>>
      %dma_wait3A_231 = arith.constant 0 : i32
      %dma_wait3A_232 = arith.constant 0 : i32
      %dma_wait3A_233 = tpu.memref_slice %arg2[%dma_wait3A_231, %dma_wait3A_232] : memref<10240x128xf32, #tpu.memory_space<hbm>> -> memref<10240x128xf32, #tpu.memory_space<hbm>>
      tpu.wait_indirect_dma semaphore(%arg11 : memref<!tpu.dma_semaphore, #tpu.memory_space<semaphore_mem>>) src(%dma_wait3A_233 : memref<10240x128xf32, #tpu.memory_space<hbm>>) dst(%arg8 : memref<128x128xf32, #tpu.memory_space<vmem>>)
      %dma_start3A_234 = arith.constant 6 : i32
      %dma_start3A_235 = arith.constant 0 : i32
      %dma_start3A_236 = tpu.memref_slice %arg7[%dma_start3A_234, %dma_start3A_235] : memref<8x128xi32, #tpu.memory_space<vmem>> -> memref<1x128xi32, #tpu.memory_space<vmem>>
      %dma_start3A_237 = tpu.memref_squeeze %dma_start3A_236 : memref<1x128xi32, #tpu.memory_space<vmem>> -> memref<128xi32, #tpu.memory_space<vmem>>
      %dma_start3A_238 = arith.constant 0 : i32
      %dma_start3A_239 = arith.constant 0 : i32
      %dma_start3A_240 = tpu.memref_slice %arg10[%dma_start3A_238, %dma_start3A_239] : memref<10240x128xf32, #tpu.memory_space<vmem_shared>> -> memref<10240x128xf32, #tpu.memory_space<vmem_shared>>
      tpu.enqueue_indirect_dma source(%arg8 : memref<128x128xf32, #tpu.memory_space<vmem>>) target(%dma_start3A_240 : memref<10240x128xf32, #tpu.memory_space<vmem_shared>>) offsets(%dma_start3A_237 : memref<128xi32, #tpu.memory_space<vmem>>) semaphore(%arg12 : memref<!tpu.dma_semaphore, #tpu.memory_space<semaphore_mem>>) {add = true}
      %dma_wait3A_241 = arith.constant 7 : i32
      %dma_wait3A_242 = arith.constant 0 : i32
      %dma_wait3A_243 = tpu.memref_slice %arg6[%dma_wait3A_241, %dma_wait3A_242] : memref<8x128xi32, #tpu.memory_space<vmem>> -> memref<1x128xi32, #tpu.memory_space<vmem>>
      %dma_wait3A_244 = tpu.memref_squeeze %dma_wait3A_243 : memref<1x128xi32, #tpu.memory_space<vmem>> -> memref<128xi32, #tpu.memory_space<vmem>>
      %dma_wait3A_245 = arith.constant 0 : i32
      %dma_wait3A_246 = arith.constant 0 : i32
      %dma_wait3A_247 = tpu.memref_slice %arg2[%dma_wait3A_245, %dma_wait3A_246] : memref<10240x128xf32, #tpu.memory_space<hbm>> -> memref<10240x128xf32, #tpu.memory_space<hbm>>
      tpu.wait_indirect_dma semaphore(%arg11 : memref<!tpu.dma_semaphore, #tpu.memory_space<semaphore_mem>>) src(%dma_wait3A_247 : memref<10240x128xf32, #tpu.memory_space<hbm>>) dst(%arg9 : memref<128x128xf32, #tpu.memory_space<vmem>>)
      %dma_start3A_248 = arith.constant 7 : i32
      %dma_start3A_249 = arith.constant 0 : i32
      %dma_start3A_250 = tpu.memref_slice %arg7[%dma_start3A_248, %dma_start3A_249] : memref<8x128xi32, #tpu.memory_space<vmem>> -> memref<1x128xi32, #tpu.memory_space<vmem>>
      %dma_start3A_251 = tpu.memref_squeeze %dma_start3A_250 : memref<1x128xi32, #tpu.memory_space<vmem>> -> memref<128xi32, #tpu.memory_space<vmem>>
      %dma_start3A_252 = arith.constant 0 : i32
      %dma_start3A_253 = arith.constant 0 : i32
      %dma_start3A_254 = tpu.memref_slice %arg10[%dma_start3A_252, %dma_start3A_253] : memref<10240x128xf32, #tpu.memory_space<vmem_shared>> -> memref<10240x128xf32, #tpu.memory_space<vmem_shared>>
      tpu.enqueue_indirect_dma source(%arg9 : memref<128x128xf32, #tpu.memory_space<vmem>>) target(%dma_start3A_254 : memref<10240x128xf32, #tpu.memory_space<vmem_shared>>) offsets(%dma_start3A_251 : memref<128xi32, #tpu.memory_space<vmem>>) semaphore(%arg12 : memref<!tpu.dma_semaphore, #tpu.memory_space<semaphore_mem>>) {add = true}
      %dma_wait3A_255 = arith.constant 6 : i32
      %dma_wait3A_256 = arith.constant 0 : i32
      %dma_wait3A_257 = tpu.memref_slice %arg7[%dma_wait3A_255, %dma_wait3A_256] : memref<8x128xi32, #tpu.memory_space<vmem>> -> memref<1x128xi32, #tpu.memory_space<vmem>>
      %dma_wait3A_258 = tpu.memref_squeeze %dma_wait3A_257 : memref<1x128xi32, #tpu.memory_space<vmem>> -> memref<128xi32, #tpu.memory_space<vmem>>
      %dma_wait3A_259 = arith.constant 0 : i32
      %dma_wait3A_260 = arith.constant 0 : i32
      %dma_wait3A_261 = tpu.memref_slice %arg10[%dma_wait3A_259, %dma_wait3A_260] : memref<10240x128xf32, #tpu.memory_space<vmem_shared>> -> memref<10240x128xf32, #tpu.memory_space<vmem_shared>>
      tpu.wait_indirect_dma semaphore(%arg12 : memref<!tpu.dma_semaphore, #tpu.memory_space<semaphore_mem>>) src(%arg8 : memref<128x128xf32, #tpu.memory_space<vmem>>) dst(%dma_wait3A_261 : memref<10240x128xf32, #tpu.memory_space<vmem_shared>>)
      %dma_wait3A_262 = arith.constant 7 : i32
      %dma_wait3A_263 = arith.constant 0 : i32
      %dma_wait3A_264 = tpu.memref_slice %arg7[%dma_wait3A_262, %dma_wait3A_263] : memref<8x128xi32, #tpu.memory_space<vmem>> -> memref<1x128xi32, #tpu.memory_space<vmem>>
      %dma_wait3A_265 = tpu.memref_squeeze %dma_wait3A_264 : memref<1x128xi32, #tpu.memory_space<vmem>> -> memref<128xi32, #tpu.memory_space<vmem>>
      %dma_wait3A_266 = arith.constant 0 : i32
      %dma_wait3A_267 = arith.constant 0 : i32
      %dma_wait3A_268 = tpu.memref_slice %arg10[%dma_wait3A_266, %dma_wait3A_267] : memref<10240x128xf32, #tpu.memory_space<vmem_shared>> -> memref<10240x128xf32, #tpu.memory_space<vmem_shared>>
      tpu.wait_indirect_dma semaphore(%arg12 : memref<!tpu.dma_semaphore, #tpu.memory_space<semaphore_mem>>) src(%arg9 : memref<128x128xf32, #tpu.memory_space<vmem>>) dst(%dma_wait3A_268 : memref<10240x128xf32, #tpu.memory_space<vmem_shared>>)
      %while3A_269 = arith.constant 0 : i32
      scf.yield %while3A_269 : i32
    }
    %barrier3A_38 = arith.constant 0 : index
    tpu.barrier barrier_id(%barrier3A_38)
    "tpu.region"() ({
      %run_scoped3A = tpu.sem_alloc : memref<!tpu.dma_semaphore, #tpu.memory_space<semaphore_mem>>
      %dma_start3A = arith.constant 0 : i32
      %dma_start3A_39 = tpu.memref_slice %arg5[%arg0, %mul3A_6, %dma_start3A] : memref<2x10240x128xf32, #tpu.memory_space<hbm>> -> memref<1x640x128xf32, #tpu.memory_space<hbm>>
      %dma_start3A_40 = tpu.memref_squeeze %dma_start3A_39 : memref<1x640x128xf32, #tpu.memory_space<hbm>> -> memref<640x128xf32, #tpu.memory_space<hbm>>
      %dma_start3A_41 = arith.constant 0 : i32
      %dma_start3A_42 = tpu.memref_slice %arg10[%mul3A_6, %dma_start3A_41] : memref<10240x128xf32, #tpu.memory_space<vmem_shared>> -> memref<640x128xf32, #tpu.memory_space<vmem_shared>>
      tpu.enqueue_dma source(%dma_start3A_42 : memref<640x128xf32, #tpu.memory_space<vmem_shared>>) target(%dma_start3A_40 : memref<640x128xf32, #tpu.memory_space<hbm>>) target_semaphore(%run_scoped3A : memref<!tpu.dma_semaphore, #tpu.memory_space<semaphore_mem>>)
      %dma_wait3A = arith.constant 0 : i32
      %dma_wait3A_43 = tpu.memref_slice %arg5[%arg0, %mul3A_6, %dma_wait3A] : memref<2x10240x128xf32, #tpu.memory_space<hbm>> -> memref<1x640x128xf32, #tpu.memory_space<hbm>>
      %dma_wait3A_44 = tpu.memref_squeeze %dma_wait3A_43 : memref<1x640x128xf32, #tpu.memory_space<hbm>> -> memref<640x128xf32, #tpu.memory_space<hbm>>
      %dma_wait3A_45 = arith.constant 0 : i32
      %dma_wait3A_46 = tpu.memref_slice %arg10[%mul3A_6, %dma_wait3A_45] : memref<10240x128xf32, #tpu.memory_space<vmem_shared>> -> memref<640x128xf32, #tpu.memory_space<vmem_shared>>
      tpu.wait_dma2 semaphore(%run_scoped3A : memref<!tpu.dma_semaphore, #tpu.memory_space<semaphore_mem>>) src(%dma_wait3A_46 : memref<640x128xf32, #tpu.memory_space<vmem_shared>>) dst(%dma_wait3A_44 : memref<640x128xf32, #tpu.memory_space<hbm>>)
      tpu.yield
    }) : () -> ()
    return
  }
}

#map = affine_map<(d0, d1) -> (0, 0)>
#map1 = affine_map<(d0, d1) -> (0, 0, 0)>
module attributes {stable_mosaic.version = 14 : i64} {
  func.func @_deg_body(%arg0: i32, %arg1: i32, %arg2: memref<2560x128xi32, #tpu.memory_space<hbm>>, %arg3: memref<2560x128xi32, #tpu.memory_space<hbm>>, %arg4: memref<2x10240x128xf32, #tpu.memory_space<hbm>>, %arg5: memref<2x10240x128xf32, #tpu.memory_space<hbm>>, %arg6: memref<80x128xi32, #tpu.memory_space<vmem>>, %arg7: memref<128x128xf32, #tpu.memory_space<vmem>>, %arg8: memref<10240x128xf32, #tpu.memory_space<vmem_shared>>) attributes {dimension_semantics = [#tpu.dimension_semantics<core_parallel>, #tpu.dimension_semantics<subcore_parallel>], iteration_bounds = array<i64: 2, 16>, scalar_prefetch = 0 : i64, scratch_operands = 3 : i64, tpu.core_type = #tpu.core_type<sc_vector_subcore>, window_params = [{transform_indices = #map}, {transform_indices = #map}, {transform_indices = #map1}, {transform_indices = #map1}]} {
    %mul3A = arith.constant 16 : i32
    %mul3A_0 = arith.muli %arg0, %mul3A : i32
    %add3A = arith.addi %mul3A_0, %arg1 : i32
    %mul3A_1 = arith.constant 640 : i32
    %mul3A_2 = arith.muli %arg1, %mul3A_1 : i32
    %scan3A = arith.constant 0 : i32
    %scan3A_3 = arith.constant 0 : i32
    %scan3A_4 = arith.constant 128 : i32
    %scan3A_5 = arith.addi %scan3A_3, %scan3A_4 : i32
    %scan3A_6 = arith.constant 1 : i32
    %scan3A_7 = scf.for %scan3A_73 = %scan3A_3 to %scan3A_5 step %scan3A_6 iter_args(%scan3A_74 = %scan3A) -> (i32)  : i32 {
      %broadcast_in_dim3A = arith.constant 0.000000e+00 : f32
      %broadcast_in_dim3A_75 = vector.broadcast %broadcast_in_dim3A : f32 to vector<16xf32>
      %swap3A = arith.index_cast %scan3A_73 : i32 to index
      %swap3A_76 = arith.constant 0 : index
      %swap3A_77 = tpu.vector_load %arg7[%swap3A, %swap3A_76] {strides = array<i32>} : memref<128x128xf32, #tpu.memory_space<vmem>>, vector<1x16xf32>,
      %swap3A_78 = vector.shape_cast %swap3A_77 : vector<1x16xf32> to vector<16xf32>
      %swap3A_79 = vector.shape_cast %broadcast_in_dim3A_75 : vector<16xf32> to vector<1x16xf32>
      tpu.vector_store %arg7[%swap3A, %swap3A_76], %swap3A_79 {strides = array<i32>} : memref<128x128xf32, #tpu.memory_space<vmem>>, vector<1x16xf32>,
      %broadcast_in_dim3A_80 = arith.constant 0.000000e+00 : f32
      %broadcast_in_dim3A_81 = vector.broadcast %broadcast_in_dim3A_80 : f32 to vector<16xf32>
      %swap3A_82 = arith.index_cast %scan3A_73 : i32 to index
      %swap3A_83 = arith.constant 16 : index
      %swap3A_84 = tpu.vector_load %arg7[%swap3A_82, %swap3A_83] {strides = array<i32>} : memref<128x128xf32, #tpu.memory_space<vmem>>, vector<1x16xf32>,
      %swap3A_85 = vector.shape_cast %swap3A_84 : vector<1x16xf32> to vector<16xf32>
      %swap3A_86 = vector.shape_cast %broadcast_in_dim3A_81 : vector<16xf32> to vector<1x16xf32>
      tpu.vector_store %arg7[%swap3A_82, %swap3A_83], %swap3A_86 {strides = array<i32>} : memref<128x128xf32, #tpu.memory_space<vmem>>, vector<1x16xf32>,
      %broadcast_in_dim3A_87 = arith.constant 0.000000e+00 : f32
      %broadcast_in_dim3A_88 = vector.broadcast %broadcast_in_dim3A_87 : f32 to vector<16xf32>
      %swap3A_89 = arith.index_cast %scan3A_73 : i32 to index
      %swap3A_90 = arith.constant 32 : index
      %swap3A_91 = tpu.vector_load %arg7[%swap3A_89, %swap3A_90] {strides = array<i32>} : memref<128x128xf32, #tpu.memory_space<vmem>>, vector<1x16xf32>,
      %swap3A_92 = vector.shape_cast %swap3A_91 : vector<1x16xf32> to vector<16xf32>
      %swap3A_93 = vector.shape_cast %broadcast_in_dim3A_88 : vector<16xf32> to vector<1x16xf32>
      tpu.vector_store %arg7[%swap3A_89, %swap3A_90], %swap3A_93 {strides = array<i32>} : memref<128x128xf32, #tpu.memory_space<vmem>>, vector<1x16xf32>,
      %broadcast_in_dim3A_94 = arith.constant 0.000000e+00 : f32
      %broadcast_in_dim3A_95 = vector.broadcast %broadcast_in_dim3A_94 : f32 to vector<16xf32>
      %swap3A_96 = arith.index_cast %scan3A_73 : i32 to index
      %swap3A_97 = arith.constant 48 : index
      %swap3A_98 = tpu.vector_load %arg7[%swap3A_96, %swap3A_97] {strides = array<i32>} : memref<128x128xf32, #tpu.memory_space<vmem>>, vector<1x16xf32>,
      %swap3A_99 = vector.shape_cast %swap3A_98 : vector<1x16xf32> to vector<16xf32>
      %swap3A_100 = vector.shape_cast %broadcast_in_dim3A_95 : vector<16xf32> to vector<1x16xf32>
      tpu.vector_store %arg7[%swap3A_96, %swap3A_97], %swap3A_100 {strides = array<i32>} : memref<128x128xf32, #tpu.memory_space<vmem>>, vector<1x16xf32>,
      %broadcast_in_dim3A_101 = arith.constant 0.000000e+00 : f32
      %broadcast_in_dim3A_102 = vector.broadcast %broadcast_in_dim3A_101 : f32 to vector<16xf32>
      %swap3A_103 = arith.index_cast %scan3A_73 : i32 to index
      %swap3A_104 = arith.constant 64 : index
      %swap3A_105 = tpu.vector_load %arg7[%swap3A_103, %swap3A_104] {strides = array<i32>} : memref<128x128xf32, #tpu.memory_space<vmem>>, vector<1x16xf32>,
      %swap3A_106 = vector.shape_cast %swap3A_105 : vector<1x16xf32> to vector<16xf32>
      %swap3A_107 = vector.shape_cast %broadcast_in_dim3A_102 : vector<16xf32> to vector<1x16xf32>
      tpu.vector_store %arg7[%swap3A_103, %swap3A_104], %swap3A_107 {strides = array<i32>} : memref<128x128xf32, #tpu.memory_space<vmem>>, vector<1x16xf32>,
      %broadcast_in_dim3A_108 = arith.constant 0.000000e+00 : f32
      %broadcast_in_dim3A_109 = vector.broadcast %broadcast_in_dim3A_108 : f32 to vector<16xf32>
      %swap3A_110 = arith.index_cast %scan3A_73 : i32 to index
      %swap3A_111 = arith.constant 80 : index
      %swap3A_112 = tpu.vector_load %arg7[%swap3A_110, %swap3A_111] {strides = array<i32>} : memref<128x128xf32, #tpu.memory_space<vmem>>, vector<1x16xf32>,
      %swap3A_113 = vector.shape_cast %swap3A_112 : vector<1x16xf32> to vector<16xf32>
      %swap3A_114 = vector.shape_cast %broadcast_in_dim3A_109 : vector<16xf32> to vector<1x16xf32>
      tpu.vector_store %arg7[%swap3A_110, %swap3A_111], %swap3A_114 {strides = array<i32>} : memref<128x128xf32, #tpu.memory_space<vmem>>, vector<1x16xf32>,
      %broadcast_in_dim3A_115 = arith.constant 0.000000e+00 : f32
      %broadcast_in_dim3A_116 = vector.broadcast %broadcast_in_dim3A_115 : f32 to vector<16xf32>
      %swap3A_117 = arith.index_cast %scan3A_73 : i32 to index
      %swap3A_118 = arith.constant 96 : index
      %swap3A_119 = tpu.vector_load %arg7[%swap3A_117, %swap3A_118] {strides = array<i32>} : memref<128x128xf32, #tpu.memory_space<vmem>>, vector<1x16xf32>,
      %swap3A_120 = vector.shape_cast %swap3A_119 : vector<1x16xf32> to vector<16xf32>
      %swap3A_121 = vector.shape_cast %broadcast_in_dim3A_116 : vector<16xf32> to vector<1x16xf32>
      tpu.vector_store %arg7[%swap3A_117, %swap3A_118], %swap3A_121 {strides = array<i32>} : memref<128x128xf32, #tpu.memory_space<vmem>>, vector<1x16xf32>,
      %broadcast_in_dim3A_122 = arith.constant 0.000000e+00 : f32
      %broadcast_in_dim3A_123 = vector.broadcast %broadcast_in_dim3A_122 : f32 to vector<16xf32>
      %swap3A_124 = arith.index_cast %scan3A_73 : i32 to index
      %swap3A_125 = arith.constant 112 : index
      %swap3A_126 = tpu.vector_load %arg7[%swap3A_124, %swap3A_125] {strides = array<i32>} : memref<128x128xf32, #tpu.memory_space<vmem>>, vector<1x16xf32>,
      %swap3A_127 = vector.shape_cast %swap3A_126 : vector<1x16xf32> to vector<16xf32>
      %swap3A_128 = vector.shape_cast %broadcast_in_dim3A_123 : vector<16xf32> to vector<1x16xf32>
      tpu.vector_store %arg7[%swap3A_124, %swap3A_125], %swap3A_128 {strides = array<i32>} : memref<128x128xf32, #tpu.memory_space<vmem>>, vector<1x16xf32>,
      %scan3A_129 = arith.constant 0 : i32
      scf.yield %scan3A_129 : i32
    }
    %scan3A_8 = arith.constant 128 : i32
    %add3A_9 = arith.constant 0 : i32
    %add3A_10 = arith.addi %mul3A_2, %add3A_9 : i32
    "tpu.region"() ({
      %run_scoped3A = tpu.sem_alloc : memref<!tpu.dma_semaphore, #tpu.memory_space<semaphore_mem>>
      %dma_start3A = arith.constant 0 : i32
      %dma_start3A_73 = tpu.memref_slice %arg8[%add3A_10, %dma_start3A] : memref<10240x128xf32, #tpu.memory_space<vmem_shared>> -> memref<128x128xf32, #tpu.memory_space<vmem_shared>>
      %dma_start3A_74 = arith.constant 0 : i32
      %dma_start3A_75 = tpu.memref_slice %arg8[%add3A_10, %dma_start3A_74] : memref<10240x128xf32, #tpu.memory_space<vmem_shared>> -> memref<128x128xf32, #tpu.memory_space<vmem_shared>>
      tpu.enqueue_dma source(%arg7 : memref<128x128xf32, #tpu.memory_space<vmem>>) target(%dma_start3A_75 : memref<128x128xf32, #tpu.memory_space<vmem_shared>>) target_semaphore(%run_scoped3A : memref<!tpu.dma_semaphore, #tpu.memory_space<semaphore_mem>>)
      %dma_wait3A = arith.constant 0 : i32
      %dma_wait3A_76 = tpu.memref_slice %arg8[%add3A_10, %dma_wait3A] : memref<10240x128xf32, #tpu.memory_space<vmem_shared>> -> memref<128x128xf32, #tpu.memory_space<vmem_shared>>
      %dma_wait3A_77 = arith.constant 0 : i32
      %dma_wait3A_78 = tpu.memref_slice %arg8[%add3A_10, %dma_wait3A_77] : memref<10240x128xf32, #tpu.memory_space<vmem_shared>> -> memref<128x128xf32, #tpu.memory_space<vmem_shared>>
      tpu.wait_dma2 semaphore(%run_scoped3A : memref<!tpu.dma_semaphore, #tpu.memory_space<semaphore_mem>>) src(%arg7 : memref<128x128xf32, #tpu.memory_space<vmem>>) dst(%dma_wait3A_78 : memref<128x128xf32, #tpu.memory_space<vmem_shared>>)
      tpu.yield
    }) : () -> ()
    %add3A_11 = arith.constant 128 : i32
    %add3A_12 = arith.addi %mul3A_2, %add3A_11 : i32
    "tpu.region"() ({
      %run_scoped3A = tpu.sem_alloc : memref<!tpu.dma_semaphore, #tpu.memory_space<semaphore_mem>>
      %dma_start3A = arith.constant 0 : i32
      %dma_start3A_73 = tpu.memref_slice %arg8[%add3A_12, %dma_start3A] : memref<10240x128xf32, #tpu.memory_space<vmem_shared>> -> memref<128x128xf32, #tpu.memory_space<vmem_shared>>
      %dma_start3A_74 = arith.constant 0 : i32
      %dma_start3A_75 = tpu.memref_slice %arg8[%add3A_12, %dma_start3A_74] : memref<10240x128xf32, #tpu.memory_space<vmem_shared>> -> memref<128x128xf32, #tpu.memory_space<vmem_shared>>
      tpu.enqueue_dma source(%arg7 : memref<128x128xf32, #tpu.memory_space<vmem>>) target(%dma_start3A_75 : memref<128x128xf32, #tpu.memory_space<vmem_shared>>) target_semaphore(%run_scoped3A : memref<!tpu.dma_semaphore, #tpu.memory_space<semaphore_mem>>)
      %dma_wait3A = arith.constant 0 : i32
      %dma_wait3A_76 = tpu.memref_slice %arg8[%add3A_12, %dma_wait3A] : memref<10240x128xf32, #tpu.memory_space<vmem_shared>> -> memref<128x128xf32, #tpu.memory_space<vmem_shared>>
      %dma_wait3A_77 = arith.constant 0 : i32
      %dma_wait3A_78 = tpu.memref_slice %arg8[%add3A_12, %dma_wait3A_77] : memref<10240x128xf32, #tpu.memory_space<vmem_shared>> -> memref<128x128xf32, #tpu.memory_space<vmem_shared>>
      tpu.wait_dma2 semaphore(%run_scoped3A : memref<!tpu.dma_semaphore, #tpu.memory_space<semaphore_mem>>) src(%arg7 : memref<128x128xf32, #tpu.memory_space<vmem>>) dst(%dma_wait3A_78 : memref<128x128xf32, #tpu.memory_space<vmem_shared>>)
      tpu.yield
    }) : () -> ()
    %add3A_13 = arith.constant 256 : i32
    %add3A_14 = arith.addi %mul3A_2, %add3A_13 : i32
    "tpu.region"() ({
      %run_scoped3A = tpu.sem_alloc : memref<!tpu.dma_semaphore, #tpu.memory_space<semaphore_mem>>
      %dma_start3A = arith.constant 0 : i32
      %dma_start3A_73 = tpu.memref_slice %arg8[%add3A_14, %dma_start3A] : memref<10240x128xf32, #tpu.memory_space<vmem_shared>> -> memref<128x128xf32, #tpu.memory_space<vmem_shared>>
      %dma_start3A_74 = arith.constant 0 : i32
      %dma_start3A_75 = tpu.memref_slice %arg8[%add3A_14, %dma_start3A_74] : memref<10240x128xf32, #tpu.memory_space<vmem_shared>> -> memref<128x128xf32, #tpu.memory_space<vmem_shared>>
      tpu.enqueue_dma source(%arg7 : memref<128x128xf32, #tpu.memory_space<vmem>>) target(%dma_start3A_75 : memref<128x128xf32, #tpu.memory_space<vmem_shared>>) target_semaphore(%run_scoped3A : memref<!tpu.dma_semaphore, #tpu.memory_space<semaphore_mem>>)
      %dma_wait3A = arith.constant 0 : i32
      %dma_wait3A_76 = tpu.memref_slice %arg8[%add3A_14, %dma_wait3A] : memref<10240x128xf32, #tpu.memory_space<vmem_shared>> -> memref<128x128xf32, #tpu.memory_space<vmem_shared>>
      %dma_wait3A_77 = arith.constant 0 : i32
      %dma_wait3A_78 = tpu.memref_slice %arg8[%add3A_14, %dma_wait3A_77] : memref<10240x128xf32, #tpu.memory_space<vmem_shared>> -> memref<128x128xf32, #tpu.memory_space<vmem_shared>>
      tpu.wait_dma2 semaphore(%run_scoped3A : memref<!tpu.dma_semaphore, #tpu.memory_space<semaphore_mem>>) src(%arg7 : memref<128x128xf32, #tpu.memory_space<vmem>>) dst(%dma_wait3A_78 : memref<128x128xf32, #tpu.memory_space<vmem_shared>>)
      tpu.yield
    }) : () -> ()
    %add3A_15 = arith.constant 384 : i32
    %add3A_16 = arith.addi %mul3A_2, %add3A_15 : i32
    "tpu.region"() ({
      %run_scoped3A = tpu.sem_alloc : memref<!tpu.dma_semaphore, #tpu.memory_space<semaphore_mem>>
      %dma_start3A = arith.constant 0 : i32
      %dma_start3A_73 = tpu.memref_slice %arg8[%add3A_16, %dma_start3A] : memref<10240x128xf32, #tpu.memory_space<vmem_shared>> -> memref<128x128xf32, #tpu.memory_space<vmem_shared>>
      %dma_start3A_74 = arith.constant 0 : i32
      %dma_start3A_75 = tpu.memref_slice %arg8[%add3A_16, %dma_start3A_74] : memref<10240x128xf32, #tpu.memory_space<vmem_shared>> -> memref<128x128xf32, #tpu.memory_space<vmem_shared>>
      tpu.enqueue_dma source(%arg7 : memref<128x128xf32, #tpu.memory_space<vmem>>) target(%dma_start3A_75 : memref<128x128xf32, #tpu.memory_space<vmem_shared>>) target_semaphore(%run_scoped3A : memref<!tpu.dma_semaphore, #tpu.memory_space<semaphore_mem>>)
      %dma_wait3A = arith.constant 0 : i32
      %dma_wait3A_76 = tpu.memref_slice %arg8[%add3A_16, %dma_wait3A] : memref<10240x128xf32, #tpu.memory_space<vmem_shared>> -> memref<128x128xf32, #tpu.memory_space<vmem_shared>>
      %dma_wait3A_77 = arith.constant 0 : i32
      %dma_wait3A_78 = tpu.memref_slice %arg8[%add3A_16, %dma_wait3A_77] : memref<10240x128xf32, #tpu.memory_space<vmem_shared>> -> memref<128x128xf32, #tpu.memory_space<vmem_shared>>
      tpu.wait_dma2 semaphore(%run_scoped3A : memref<!tpu.dma_semaphore, #tpu.memory_space<semaphore_mem>>) src(%arg7 : memref<128x128xf32, #tpu.memory_space<vmem>>) dst(%dma_wait3A_78 : memref<128x128xf32, #tpu.memory_space<vmem_shared>>)
      tpu.yield
    }) : () -> ()
    %add3A_17 = arith.constant 512 : i32
    %add3A_18 = arith.addi %mul3A_2, %add3A_17 : i32
    "tpu.region"() ({
      %run_scoped3A = tpu.sem_alloc : memref<!tpu.dma_semaphore, #tpu.memory_space<semaphore_mem>>
      %dma_start3A = arith.constant 0 : i32
      %dma_start3A_73 = tpu.memref_slice %arg8[%add3A_18, %dma_start3A] : memref<10240x128xf32, #tpu.memory_space<vmem_shared>> -> memref<128x128xf32, #tpu.memory_space<vmem_shared>>
      %dma_start3A_74 = arith.constant 0 : i32
      %dma_start3A_75 = tpu.memref_slice %arg8[%add3A_18, %dma_start3A_74] : memref<10240x128xf32, #tpu.memory_space<vmem_shared>> -> memref<128x128xf32, #tpu.memory_space<vmem_shared>>
      tpu.enqueue_dma source(%arg7 : memref<128x128xf32, #tpu.memory_space<vmem>>) target(%dma_start3A_75 : memref<128x128xf32, #tpu.memory_space<vmem_shared>>) target_semaphore(%run_scoped3A : memref<!tpu.dma_semaphore, #tpu.memory_space<semaphore_mem>>)
      %dma_wait3A = arith.constant 0 : i32
      %dma_wait3A_76 = tpu.memref_slice %arg8[%add3A_18, %dma_wait3A] : memref<10240x128xf32, #tpu.memory_space<vmem_shared>> -> memref<128x128xf32, #tpu.memory_space<vmem_shared>>
      %dma_wait3A_77 = arith.constant 0 : i32
      %dma_wait3A_78 = tpu.memref_slice %arg8[%add3A_18, %dma_wait3A_77] : memref<10240x128xf32, #tpu.memory_space<vmem_shared>> -> memref<128x128xf32, #tpu.memory_space<vmem_shared>>
      tpu.wait_dma2 semaphore(%run_scoped3A : memref<!tpu.dma_semaphore, #tpu.memory_space<semaphore_mem>>) src(%arg7 : memref<128x128xf32, #tpu.memory_space<vmem>>) dst(%dma_wait3A_78 : memref<128x128xf32, #tpu.memory_space<vmem_shared>>)
      tpu.yield
    }) : () -> ()
    %barrier3A = arith.constant 0 : index
    tpu.barrier barrier_id(%barrier3A)
    %scan3A_19 = arith.constant 0 : i32
    %scan3A_20 = arith.constant 0 : i32
    %scan3A_21 = arith.constant 128 : i32
    %scan3A_22 = arith.addi %scan3A_20, %scan3A_21 : i32
    %scan3A_23 = arith.constant 1 : i32
    %scan3A_24 = scf.for %scan3A_73 = %scan3A_20 to %scan3A_22 step %scan3A_23 iter_args(%scan3A_74 = %scan3A_19) -> (i32)  : i32 {
      %broadcast_in_dim3A = arith.constant 1.000000e+00 : f32
      %broadcast_in_dim3A_75 = vector.broadcast %broadcast_in_dim3A : f32 to vector<16xf32>
      %swap3A = arith.index_cast %scan3A_73 : i32 to index
      %swap3A_76 = arith.constant 0 : index
      %swap3A_77 = tpu.vector_load %arg7[%swap3A, %swap3A_76] {strides = array<i32>} : memref<128x128xf32, #tpu.memory_space<vmem>>, vector<1x16xf32>,
      %swap3A_78 = vector.shape_cast %swap3A_77 : vector<1x16xf32> to vector<16xf32>
      %swap3A_79 = vector.shape_cast %broadcast_in_dim3A_75 : vector<16xf32> to vector<1x16xf32>
      tpu.vector_store %arg7[%swap3A, %swap3A_76], %swap3A_79 {strides = array<i32>} : memref<128x128xf32, #tpu.memory_space<vmem>>, vector<1x16xf32>,
      %broadcast_in_dim3A_80 = arith.constant 1.000000e+00 : f32
      %broadcast_in_dim3A_81 = vector.broadcast %broadcast_in_dim3A_80 : f32 to vector<16xf32>
      %swap3A_82 = arith.index_cast %scan3A_73 : i32 to index
      %swap3A_83 = arith.constant 16 : index
      %swap3A_84 = tpu.vector_load %arg7[%swap3A_82, %swap3A_83] {strides = array<i32>} : memref<128x128xf32, #tpu.memory_space<vmem>>, vector<1x16xf32>,
      %swap3A_85 = vector.shape_cast %swap3A_84 : vector<1x16xf32> to vector<16xf32>
      %swap3A_86 = vector.shape_cast %broadcast_in_dim3A_81 : vector<16xf32> to vector<1x16xf32>
      tpu.vector_store %arg7[%swap3A_82, %swap3A_83], %swap3A_86 {strides = array<i32>} : memref<128x128xf32, #tpu.memory_space<vmem>>, vector<1x16xf32>,
      %broadcast_in_dim3A_87 = arith.constant 1.000000e+00 : f32
      %broadcast_in_dim3A_88 = vector.broadcast %broadcast_in_dim3A_87 : f32 to vector<16xf32>
      %swap3A_89 = arith.index_cast %scan3A_73 : i32 to index
      %swap3A_90 = arith.constant 32 : index
      %swap3A_91 = tpu.vector_load %arg7[%swap3A_89, %swap3A_90] {strides = array<i32>} : memref<128x128xf32, #tpu.memory_space<vmem>>, vector<1x16xf32>,
      %swap3A_92 = vector.shape_cast %swap3A_91 : vector<1x16xf32> to vector<16xf32>
      %swap3A_93 = vector.shape_cast %broadcast_in_dim3A_88 : vector<16xf32> to vector<1x16xf32>
      tpu.vector_store %arg7[%swap3A_89, %swap3A_90], %swap3A_93 {strides = array<i32>} : memref<128x128xf32, #tpu.memory_space<vmem>>, vector<1x16xf32>,
      %broadcast_in_dim3A_94 = arith.constant 1.000000e+00 : f32
      %broadcast_in_dim3A_95 = vector.broadcast %broadcast_in_dim3A_94 : f32 to vector<16xf32>
      %swap3A_96 = arith.index_cast %scan3A_73 : i32 to index
      %swap3A_97 = arith.constant 48 : index
      %swap3A_98 = tpu.vector_load %arg7[%swap3A_96, %swap3A_97] {strides = array<i32>} : memref<128x128xf32, #tpu.memory_space<vmem>>, vector<1x16xf32>,
      %swap3A_99 = vector.shape_cast %swap3A_98 : vector<1x16xf32> to vector<16xf32>
      %swap3A_100 = vector.shape_cast %broadcast_in_dim3A_95 : vector<16xf32> to vector<1x16xf32>
      tpu.vector_store %arg7[%swap3A_96, %swap3A_97], %swap3A_100 {strides = array<i32>} : memref<128x128xf32, #tpu.memory_space<vmem>>, vector<1x16xf32>,
      %broadcast_in_dim3A_101 = arith.constant 1.000000e+00 : f32
      %broadcast_in_dim3A_102 = vector.broadcast %broadcast_in_dim3A_101 : f32 to vector<16xf32>
      %swap3A_103 = arith.index_cast %scan3A_73 : i32 to index
      %swap3A_104 = arith.constant 64 : index
      %swap3A_105 = tpu.vector_load %arg7[%swap3A_103, %swap3A_104] {strides = array<i32>} : memref<128x128xf32, #tpu.memory_space<vmem>>, vector<1x16xf32>,
      %swap3A_106 = vector.shape_cast %swap3A_105 : vector<1x16xf32> to vector<16xf32>
      %swap3A_107 = vector.shape_cast %broadcast_in_dim3A_102 : vector<16xf32> to vector<1x16xf32>
      tpu.vector_store %arg7[%swap3A_103, %swap3A_104], %swap3A_107 {strides = array<i32>} : memref<128x128xf32, #tpu.memory_space<vmem>>, vector<1x16xf32>,
      %broadcast_in_dim3A_108 = arith.constant 1.000000e+00 : f32
      %broadcast_in_dim3A_109 = vector.broadcast %broadcast_in_dim3A_108 : f32 to vector<16xf32>
      %swap3A_110 = arith.index_cast %scan3A_73 : i32 to index
      %swap3A_111 = arith.constant 80 : index
      %swap3A_112 = tpu.vector_load %arg7[%swap3A_110, %swap3A_111] {strides = array<i32>} : memref<128x128xf32, #tpu.memory_space<vmem>>, vector<1x16xf32>,
      %swap3A_113 = vector.shape_cast %swap3A_112 : vector<1x16xf32> to vector<16xf32>
      %swap3A_114 = vector.shape_cast %broadcast_in_dim3A_109 : vector<16xf32> to vector<1x16xf32>
      tpu.vector_store %arg7[%swap3A_110, %swap3A_111], %swap3A_114 {strides = array<i32>} : memref<128x128xf32, #tpu.memory_space<vmem>>, vector<1x16xf32>,
      %broadcast_in_dim3A_115 = arith.constant 1.000000e+00 : f32
      %broadcast_in_dim3A_116 = vector.broadcast %broadcast_in_dim3A_115 : f32 to vector<16xf32>
      %swap3A_117 = arith.index_cast %scan3A_73 : i32 to index
      %swap3A_118 = arith.constant 96 : index
      %swap3A_119 = tpu.vector_load %arg7[%swap3A_117, %swap3A_118] {strides = array<i32>} : memref<128x128xf32, #tpu.memory_space<vmem>>, vector<1x16xf32>,
      %swap3A_120 = vector.shape_cast %swap3A_119 : vector<1x16xf32> to vector<16xf32>
      %swap3A_121 = vector.shape_cast %broadcast_in_dim3A_116 : vector<16xf32> to vector<1x16xf32>
      tpu.vector_store %arg7[%swap3A_117, %swap3A_118], %swap3A_121 {strides = array<i32>} : memref<128x128xf32, #tpu.memory_space<vmem>>, vector<1x16xf32>,
      %broadcast_in_dim3A_122 = arith.constant 1.000000e+00 : f32
      %broadcast_in_dim3A_123 = vector.broadcast %broadcast_in_dim3A_122 : f32 to vector<16xf32>
      %swap3A_124 = arith.index_cast %scan3A_73 : i32 to index
      %swap3A_125 = arith.constant 112 : index
      %swap3A_126 = tpu.vector_load %arg7[%swap3A_124, %swap3A_125] {strides = array<i32>} : memref<128x128xf32, #tpu.memory_space<vmem>>, vector<1x16xf32>,
      %swap3A_127 = vector.shape_cast %swap3A_126 : vector<1x16xf32> to vector<16xf32>
      %swap3A_128 = vector.shape_cast %broadcast_in_dim3A_123 : vector<16xf32> to vector<1x16xf32>
      tpu.vector_store %arg7[%swap3A_124, %swap3A_125], %swap3A_128 {strides = array<i32>} : memref<128x128xf32, #tpu.memory_space<vmem>>, vector<1x16xf32>,
      %scan3A_129 = arith.constant 0 : i32
      scf.yield %scan3A_129 : i32
    }
    %scan3A_25 = arith.constant 128 : i32
    %mul3A_26 = arith.constant 80 : i32
    %mul3A_27 = arith.muli %add3A, %mul3A_26 : i32
    "tpu.region"() ({
      %run_scoped3A = tpu.sem_alloc : memref<!tpu.dma_semaphore, #tpu.memory_space<semaphore_mem>>
      %dma_start3A = arith.constant 0 : i32
      %dma_start3A_73 = tpu.memref_slice %arg2[%mul3A_27, %dma_start3A] : memref<2560x128xi32, #tpu.memory_space<hbm>> -> memref<80x128xi32, #tpu.memory_space<hbm>>
      %dma_start3A_74 = arith.constant 0 : i32
      %dma_start3A_75 = tpu.memref_slice %arg2[%mul3A_27, %dma_start3A_74] : memref<2560x128xi32, #tpu.memory_space<hbm>> -> memref<80x128xi32, #tpu.memory_space<hbm>>
      tpu.enqueue_dma source(%dma_start3A_75 : memref<80x128xi32, #tpu.memory_space<hbm>>) target(%arg6 : memref<80x128xi32, #tpu.memory_space<vmem>>) target_semaphore(%run_scoped3A : memref<!tpu.dma_semaphore, #tpu.memory_space<semaphore_mem>>)
      %dma_wait3A = arith.constant 0 : i32
      %dma_wait3A_76 = tpu.memref_slice %arg2[%mul3A_27, %dma_wait3A] : memref<2560x128xi32, #tpu.memory_space<hbm>> -> memref<80x128xi32, #tpu.memory_space<hbm>>
      %dma_wait3A_77 = arith.constant 0 : i32
      %dma_wait3A_78 = tpu.memref_slice %arg2[%mul3A_27, %dma_wait3A_77] : memref<2560x128xi32, #tpu.memory_space<hbm>> -> memref<80x128xi32, #tpu.memory_space<hbm>>
      tpu.wait_dma2 semaphore(%run_scoped3A : memref<!tpu.dma_semaphore, #tpu.memory_space<semaphore_mem>>) src(%dma_wait3A_78 : memref<80x128xi32, #tpu.memory_space<hbm>>) dst(%arg6 : memref<80x128xi32, #tpu.memory_space<vmem>>)
      tpu.yield
    }) : () -> ()
    %scan3A_28 = arith.constant 0 : i32
    %scan3A_29 = arith.constant 0 : i32
    %scan3A_30 = arith.constant 80 : i32
    %scan3A_31 = arith.addi %scan3A_29, %scan3A_30 : i32
    %scan3A_32 = arith.constant 1 : i32
    %scan3A_33 = scf.for %scan3A_73 = %scan3A_29 to %scan3A_31 step %scan3A_32 iter_args(%scan3A_74 = %scan3A_28) -> (i32)  : i32 {
      "tpu.region"() ({
        %run_scoped3A = tpu.sem_alloc : memref<!tpu.dma_semaphore, #tpu.memory_space<semaphore_mem>>
        %dma_start3A = arith.constant 0 : i32
        %dma_start3A_76 = tpu.memref_slice %arg6[%scan3A_73, %dma_start3A] : memref<80x128xi32, #tpu.memory_space<vmem>> -> memref<1x128xi32, #tpu.memory_space<vmem>>
        %dma_start3A_77 = tpu.memref_squeeze %dma_start3A_76 : memref<1x128xi32, #tpu.memory_space<vmem>> -> memref<128xi32, #tpu.memory_space<vmem>>
        %dma_start3A_78 = arith.constant 0 : i32
        %dma_start3A_79 = arith.constant 0 : i32
        %dma_start3A_80 = tpu.memref_slice %arg8[%dma_start3A_78, %dma_start3A_79] : memref<10240x128xf32, #tpu.memory_space<vmem_shared>> -> memref<10240x128xf32, #tpu.memory_space<vmem_shared>>
        tpu.enqueue_indirect_dma source(%arg7 : memref<128x128xf32, #tpu.memory_space<vmem>>) target(%dma_start3A_80 : memref<10240x128xf32, #tpu.memory_space<vmem_shared>>) offsets(%dma_start3A_77 : memref<128xi32, #tpu.memory_space<vmem>>) semaphore(%run_scoped3A : memref<!tpu.dma_semaphore, #tpu.memory_space<semaphore_mem>>) {add = true}
        %dma_wait3A = arith.constant 0 : i32
        %dma_wait3A_81 = tpu.memref_slice %arg6[%scan3A_73, %dma_wait3A] : memref<80x128xi32, #tpu.memory_space<vmem>> -> memref<1x128xi32, #tpu.memory_space<vmem>>
        %dma_wait3A_82 = tpu.memref_squeeze %dma_wait3A_81 : memref<1x128xi32, #tpu.memory_space<vmem>> -> memref<128xi32, #tpu.memory_space<vmem>>
        %dma_wait3A_83 = arith.constant 0 : i32
        %dma_wait3A_84 = arith.constant 0 : i32
        %dma_wait3A_85 = tpu.memref_slice %arg8[%dma_wait3A_83, %dma_wait3A_84] : memref<10240x128xf32, #tpu.memory_space<vmem_shared>> -> memref<10240x128xf32, #tpu.memory_space<vmem_shared>>
        tpu.wait_indirect_dma semaphore(%run_scoped3A : memref<!tpu.dma_semaphore, #tpu.memory_space<semaphore_mem>>) src(%arg7 : memref<128x128xf32, #tpu.memory_space<vmem>>) dst(%dma_wait3A_85 : memref<10240x128xf32, #tpu.memory_space<vmem_shared>>)
        tpu.yield
      }) : () -> ()
      %scan3A_75 = arith.constant 0 : i32
      scf.yield %scan3A_75 : i32
    }
    %scan3A_34 = arith.constant 80 : i32
    %barrier3A_35 = arith.constant 0 : index
    tpu.barrier barrier_id(%barrier3A_35)
    "tpu.region"() ({
      %run_scoped3A = tpu.sem_alloc : memref<!tpu.dma_semaphore, #tpu.memory_space<semaphore_mem>>
      %dma_start3A = arith.constant 0 : i32
      %dma_start3A_73 = tpu.memref_slice %arg4[%arg0, %mul3A_2, %dma_start3A] : memref<2x10240x128xf32, #tpu.memory_space<hbm>> -> memref<1x640x128xf32, #tpu.memory_space<hbm>>
      %dma_start3A_74 = tpu.memref_squeeze %dma_start3A_73 : memref<1x640x128xf32, #tpu.memory_space<hbm>> -> memref<640x128xf32, #tpu.memory_space<hbm>>
      %dma_start3A_75 = arith.constant 0 : i32
      %dma_start3A_76 = tpu.memref_slice %arg8[%mul3A_2, %dma_start3A_75] : memref<10240x128xf32, #tpu.memory_space<vmem_shared>> -> memref<640x128xf32, #tpu.memory_space<vmem_shared>>
      tpu.enqueue_dma source(%dma_start3A_76 : memref<640x128xf32, #tpu.memory_space<vmem_shared>>) target(%dma_start3A_74 : memref<640x128xf32, #tpu.memory_space<hbm>>) target_semaphore(%run_scoped3A : memref<!tpu.dma_semaphore, #tpu.memory_space<semaphore_mem>>)
      %dma_wait3A = arith.constant 0 : i32
      %dma_wait3A_77 = tpu.memref_slice %arg4[%arg0, %mul3A_2, %dma_wait3A] : memref<2x10240x128xf32, #tpu.memory_space<hbm>> -> memref<1x640x128xf32, #tpu.memory_space<hbm>>
      %dma_wait3A_78 = tpu.memref_squeeze %dma_wait3A_77 : memref<1x640x128xf32, #tpu.memory_space<hbm>> -> memref<640x128xf32, #tpu.memory_space<hbm>>
      %dma_wait3A_79 = arith.constant 0 : i32
      %dma_wait3A_80 = tpu.memref_slice %arg8[%mul3A_2, %dma_wait3A_79] : memref<10240x128xf32, #tpu.memory_space<vmem_shared>> -> memref<640x128xf32, #tpu.memory_space<vmem_shared>>
      tpu.wait_dma2 semaphore(%run_scoped3A : memref<!tpu.dma_semaphore, #tpu.memory_space<semaphore_mem>>) src(%dma_wait3A_80 : memref<640x128xf32, #tpu.memory_space<vmem_shared>>) dst(%dma_wait3A_78 : memref<640x128xf32, #tpu.memory_space<hbm>>)
      tpu.yield
    }) : () -> ()
    %barrier3A_36 = arith.constant 0 : index
    tpu.barrier barrier_id(%barrier3A_36)
    %scan3A_37 = arith.constant 0 : i32
    %scan3A_38 = arith.constant 0 : i32
    %scan3A_39 = arith.constant 128 : i32
    %scan3A_40 = arith.addi %scan3A_38, %scan3A_39 : i32
    %scan3A_41 = arith.constant 1 : i32
    %scan3A_42 = scf.for %scan3A_73 = %scan3A_38 to %scan3A_40 step %scan3A_41 iter_args(%scan3A_74 = %scan3A_37) -> (i32)  : i32 {
      %broadcast_in_dim3A = arith.constant 0.000000e+00 : f32
      %broadcast_in_dim3A_75 = vector.broadcast %broadcast_in_dim3A : f32 to vector<16xf32>
      %swap3A = arith.index_cast %scan3A_73 : i32 to index
      %swap3A_76 = arith.constant 0 : index
      %swap3A_77 = tpu.vector_load %arg7[%swap3A, %swap3A_76] {strides = array<i32>} : memref<128x128xf32, #tpu.memory_space<vmem>>, vector<1x16xf32>,
      %swap3A_78 = vector.shape_cast %swap3A_77 : vector<1x16xf32> to vector<16xf32>
      %swap3A_79 = vector.shape_cast %broadcast_in_dim3A_75 : vector<16xf32> to vector<1x16xf32>
      tpu.vector_store %arg7[%swap3A, %swap3A_76], %swap3A_79 {strides = array<i32>} : memref<128x128xf32, #tpu.memory_space<vmem>>, vector<1x16xf32>,
      %broadcast_in_dim3A_80 = arith.constant 0.000000e+00 : f32
      %broadcast_in_dim3A_81 = vector.broadcast %broadcast_in_dim3A_80 : f32 to vector<16xf32>
      %swap3A_82 = arith.index_cast %scan3A_73 : i32 to index
      %swap3A_83 = arith.constant 16 : index
      %swap3A_84 = tpu.vector_load %arg7[%swap3A_82, %swap3A_83] {strides = array<i32>} : memref<128x128xf32, #tpu.memory_space<vmem>>, vector<1x16xf32>,
      %swap3A_85 = vector.shape_cast %swap3A_84 : vector<1x16xf32> to vector<16xf32>
      %swap3A_86 = vector.shape_cast %broadcast_in_dim3A_81 : vector<16xf32> to vector<1x16xf32>
      tpu.vector_store %arg7[%swap3A_82, %swap3A_83], %swap3A_86 {strides = array<i32>} : memref<128x128xf32, #tpu.memory_space<vmem>>, vector<1x16xf32>,
      %broadcast_in_dim3A_87 = arith.constant 0.000000e+00 : f32
      %broadcast_in_dim3A_88 = vector.broadcast %broadcast_in_dim3A_87 : f32 to vector<16xf32>
      %swap3A_89 = arith.index_cast %scan3A_73 : i32 to index
      %swap3A_90 = arith.constant 32 : index
      %swap3A_91 = tpu.vector_load %arg7[%swap3A_89, %swap3A_90] {strides = array<i32>} : memref<128x128xf32, #tpu.memory_space<vmem>>, vector<1x16xf32>,
      %swap3A_92 = vector.shape_cast %swap3A_91 : vector<1x16xf32> to vector<16xf32>
      %swap3A_93 = vector.shape_cast %broadcast_in_dim3A_88 : vector<16xf32> to vector<1x16xf32>
      tpu.vector_store %arg7[%swap3A_89, %swap3A_90], %swap3A_93 {strides = array<i32>} : memref<128x128xf32, #tpu.memory_space<vmem>>, vector<1x16xf32>,
      %broadcast_in_dim3A_94 = arith.constant 0.000000e+00 : f32
      %broadcast_in_dim3A_95 = vector.broadcast %broadcast_in_dim3A_94 : f32 to vector<16xf32>
      %swap3A_96 = arith.index_cast %scan3A_73 : i32 to index
      %swap3A_97 = arith.constant 48 : index
      %swap3A_98 = tpu.vector_load %arg7[%swap3A_96, %swap3A_97] {strides = array<i32>} : memref<128x128xf32, #tpu.memory_space<vmem>>, vector<1x16xf32>,
      %swap3A_99 = vector.shape_cast %swap3A_98 : vector<1x16xf32> to vector<16xf32>
      %swap3A_100 = vector.shape_cast %broadcast_in_dim3A_95 : vector<16xf32> to vector<1x16xf32>
      tpu.vector_store %arg7[%swap3A_96, %swap3A_97], %swap3A_100 {strides = array<i32>} : memref<128x128xf32, #tpu.memory_space<vmem>>, vector<1x16xf32>,
      %broadcast_in_dim3A_101 = arith.constant 0.000000e+00 : f32
      %broadcast_in_dim3A_102 = vector.broadcast %broadcast_in_dim3A_101 : f32 to vector<16xf32>
      %swap3A_103 = arith.index_cast %scan3A_73 : i32 to index
      %swap3A_104 = arith.constant 64 : index
      %swap3A_105 = tpu.vector_load %arg7[%swap3A_103, %swap3A_104] {strides = array<i32>} : memref<128x128xf32, #tpu.memory_space<vmem>>, vector<1x16xf32>,
      %swap3A_106 = vector.shape_cast %swap3A_105 : vector<1x16xf32> to vector<16xf32>
      %swap3A_107 = vector.shape_cast %broadcast_in_dim3A_102 : vector<16xf32> to vector<1x16xf32>
      tpu.vector_store %arg7[%swap3A_103, %swap3A_104], %swap3A_107 {strides = array<i32>} : memref<128x128xf32, #tpu.memory_space<vmem>>, vector<1x16xf32>,
      %broadcast_in_dim3A_108 = arith.constant 0.000000e+00 : f32
      %broadcast_in_dim3A_109 = vector.broadcast %broadcast_in_dim3A_108 : f32 to vector<16xf32>
      %swap3A_110 = arith.index_cast %scan3A_73 : i32 to index
      %swap3A_111 = arith.constant 80 : index
      %swap3A_112 = tpu.vector_load %arg7[%swap3A_110, %swap3A_111] {strides = array<i32>} : memref<128x128xf32, #tpu.memory_space<vmem>>, vector<1x16xf32>,
      %swap3A_113 = vector.shape_cast %swap3A_112 : vector<1x16xf32> to vector<16xf32>
      %swap3A_114 = vector.shape_cast %broadcast_in_dim3A_109 : vector<16xf32> to vector<1x16xf32>
      tpu.vector_store %arg7[%swap3A_110, %swap3A_111], %swap3A_114 {strides = array<i32>} : memref<128x128xf32, #tpu.memory_space<vmem>>, vector<1x16xf32>,
      %broadcast_in_dim3A_115 = arith.constant 0.000000e+00 : f32
      %broadcast_in_dim3A_116 = vector.broadcast %broadcast_in_dim3A_115 : f32 to vector<16xf32>
      %swap3A_117 = arith.index_cast %scan3A_73 : i32 to index
      %swap3A_118 = arith.constant 96 : index
      %swap3A_119 = tpu.vector_load %arg7[%swap3A_117, %swap3A_118] {strides = array<i32>} : memref<128x128xf32, #tpu.memory_space<vmem>>, vector<1x16xf32>,
      %swap3A_120 = vector.shape_cast %swap3A_119 : vector<1x16xf32> to vector<16xf32>
      %swap3A_121 = vector.shape_cast %broadcast_in_dim3A_116 : vector<16xf32> to vector<1x16xf32>
      tpu.vector_store %arg7[%swap3A_117, %swap3A_118], %swap3A_121 {strides = array<i32>} : memref<128x128xf32, #tpu.memory_space<vmem>>, vector<1x16xf32>,
      %broadcast_in_dim3A_122 = arith.constant 0.000000e+00 : f32
      %broadcast_in_dim3A_123 = vector.broadcast %broadcast_in_dim3A_122 : f32 to vector<16xf32>
      %swap3A_124 = arith.index_cast %scan3A_73 : i32 to index
      %swap3A_125 = arith.constant 112 : index
      %swap3A_126 = tpu.vector_load %arg7[%swap3A_124, %swap3A_125] {strides = array<i32>} : memref<128x128xf32, #tpu.memory_space<vmem>>, vector<1x16xf32>,
      %swap3A_127 = vector.shape_cast %swap3A_126 : vector<1x16xf32> to vector<16xf32>
      %swap3A_128 = vector.shape_cast %broadcast_in_dim3A_123 : vector<16xf32> to vector<1x16xf32>
      tpu.vector_store %arg7[%swap3A_124, %swap3A_125], %swap3A_128 {strides = array<i32>} : memref<128x128xf32, #tpu.memory_space<vmem>>, vector<1x16xf32>,
      %scan3A_129 = arith.constant 0 : i32
      scf.yield %scan3A_129 : i32
    }
    %scan3A_43 = arith.constant 128 : i32
    %add3A_44 = arith.constant 0 : i32
    %add3A_45 = arith.addi %mul3A_2, %add3A_44 : i32
    "tpu.region"() ({
      %run_scoped3A = tpu.sem_alloc : memref<!tpu.dma_semaphore, #tpu.memory_space<semaphore_mem>>
      %dma_start3A = arith.constant 0 : i32
      %dma_start3A_73 = tpu.memref_slice %arg8[%add3A_45, %dma_start3A] : memref<10240x128xf32, #tpu.memory_space<vmem_shared>> -> memref<128x128xf32, #tpu.memory_space<vmem_shared>>
      %dma_start3A_74 = arith.constant 0 : i32
      %dma_start3A_75 = tpu.memref_slice %arg8[%add3A_45, %dma_start3A_74] : memref<10240x128xf32, #tpu.memory_space<vmem_shared>> -> memref<128x128xf32, #tpu.memory_space<vmem_shared>>
      tpu.enqueue_dma source(%arg7 : memref<128x128xf32, #tpu.memory_space<vmem>>) target(%dma_start3A_75 : memref<128x128xf32, #tpu.memory_space<vmem_shared>>) target_semaphore(%run_scoped3A : memref<!tpu.dma_semaphore, #tpu.memory_space<semaphore_mem>>)
      %dma_wait3A = arith.constant 0 : i32
      %dma_wait3A_76 = tpu.memref_slice %arg8[%add3A_45, %dma_wait3A] : memref<10240x128xf32, #tpu.memory_space<vmem_shared>> -> memref<128x128xf32, #tpu.memory_space<vmem_shared>>
      %dma_wait3A_77 = arith.constant 0 : i32
      %dma_wait3A_78 = tpu.memref_slice %arg8[%add3A_45, %dma_wait3A_77] : memref<10240x128xf32, #tpu.memory_space<vmem_shared>> -> memref<128x128xf32, #tpu.memory_space<vmem_shared>>
      tpu.wait_dma2 semaphore(%run_scoped3A : memref<!tpu.dma_semaphore, #tpu.memory_space<semaphore_mem>>) src(%arg7 : memref<128x128xf32, #tpu.memory_space<vmem>>) dst(%dma_wait3A_78 : memref<128x128xf32, #tpu.memory_space<vmem_shared>>)
      tpu.yield
    }) : () -> ()
    %add3A_46 = arith.constant 128 : i32
    %add3A_47 = arith.addi %mul3A_2, %add3A_46 : i32
    "tpu.region"() ({
      %run_scoped3A = tpu.sem_alloc : memref<!tpu.dma_semaphore, #tpu.memory_space<semaphore_mem>>
      %dma_start3A = arith.constant 0 : i32
      %dma_start3A_73 = tpu.memref_slice %arg8[%add3A_47, %dma_start3A] : memref<10240x128xf32, #tpu.memory_space<vmem_shared>> -> memref<128x128xf32, #tpu.memory_space<vmem_shared>>
      %dma_start3A_74 = arith.constant 0 : i32
      %dma_start3A_75 = tpu.memref_slice %arg8[%add3A_47, %dma_start3A_74] : memref<10240x128xf32, #tpu.memory_space<vmem_shared>> -> memref<128x128xf32, #tpu.memory_space<vmem_shared>>
      tpu.enqueue_dma source(%arg7 : memref<128x128xf32, #tpu.memory_space<vmem>>) target(%dma_start3A_75 : memref<128x128xf32, #tpu.memory_space<vmem_shared>>) target_semaphore(%run_scoped3A : memref<!tpu.dma_semaphore, #tpu.memory_space<semaphore_mem>>)
      %dma_wait3A = arith.constant 0 : i32
      %dma_wait3A_76 = tpu.memref_slice %arg8[%add3A_47, %dma_wait3A] : memref<10240x128xf32, #tpu.memory_space<vmem_shared>> -> memref<128x128xf32, #tpu.memory_space<vmem_shared>>
      %dma_wait3A_77 = arith.constant 0 : i32
      %dma_wait3A_78 = tpu.memref_slice %arg8[%add3A_47, %dma_wait3A_77] : memref<10240x128xf32, #tpu.memory_space<vmem_shared>> -> memref<128x128xf32, #tpu.memory_space<vmem_shared>>
      tpu.wait_dma2 semaphore(%run_scoped3A : memref<!tpu.dma_semaphore, #tpu.memory_space<semaphore_mem>>) src(%arg7 : memref<128x128xf32, #tpu.memory_space<vmem>>) dst(%dma_wait3A_78 : memref<128x128xf32, #tpu.memory_space<vmem_shared>>)
      tpu.yield
    }) : () -> ()
    %add3A_48 = arith.constant 256 : i32
    %add3A_49 = arith.addi %mul3A_2, %add3A_48 : i32
    "tpu.region"() ({
      %run_scoped3A = tpu.sem_alloc : memref<!tpu.dma_semaphore, #tpu.memory_space<semaphore_mem>>
      %dma_start3A = arith.constant 0 : i32
      %dma_start3A_73 = tpu.memref_slice %arg8[%add3A_49, %dma_start3A] : memref<10240x128xf32, #tpu.memory_space<vmem_shared>> -> memref<128x128xf32, #tpu.memory_space<vmem_shared>>
      %dma_start3A_74 = arith.constant 0 : i32
      %dma_start3A_75 = tpu.memref_slice %arg8[%add3A_49, %dma_start3A_74] : memref<10240x128xf32, #tpu.memory_space<vmem_shared>> -> memref<128x128xf32, #tpu.memory_space<vmem_shared>>
      tpu.enqueue_dma source(%arg7 : memref<128x128xf32, #tpu.memory_space<vmem>>) target(%dma_start3A_75 : memref<128x128xf32, #tpu.memory_space<vmem_shared>>) target_semaphore(%run_scoped3A : memref<!tpu.dma_semaphore, #tpu.memory_space<semaphore_mem>>)
      %dma_wait3A = arith.constant 0 : i32
      %dma_wait3A_76 = tpu.memref_slice %arg8[%add3A_49, %dma_wait3A] : memref<10240x128xf32, #tpu.memory_space<vmem_shared>> -> memref<128x128xf32, #tpu.memory_space<vmem_shared>>
      %dma_wait3A_77 = arith.constant 0 : i32
      %dma_wait3A_78 = tpu.memref_slice %arg8[%add3A_49, %dma_wait3A_77] : memref<10240x128xf32, #tpu.memory_space<vmem_shared>> -> memref<128x128xf32, #tpu.memory_space<vmem_shared>>
      tpu.wait_dma2 semaphore(%run_scoped3A : memref<!tpu.dma_semaphore, #tpu.memory_space<semaphore_mem>>) src(%arg7 : memref<128x128xf32, #tpu.memory_space<vmem>>) dst(%dma_wait3A_78 : memref<128x128xf32, #tpu.memory_space<vmem_shared>>)
      tpu.yield
    }) : () -> ()
    %add3A_50 = arith.constant 384 : i32
    %add3A_51 = arith.addi %mul3A_2, %add3A_50 : i32
    "tpu.region"() ({
      %run_scoped3A = tpu.sem_alloc : memref<!tpu.dma_semaphore, #tpu.memory_space<semaphore_mem>>
      %dma_start3A = arith.constant 0 : i32
      %dma_start3A_73 = tpu.memref_slice %arg8[%add3A_51, %dma_start3A] : memref<10240x128xf32, #tpu.memory_space<vmem_shared>> -> memref<128x128xf32, #tpu.memory_space<vmem_shared>>
      %dma_start3A_74 = arith.constant 0 : i32
      %dma_start3A_75 = tpu.memref_slice %arg8[%add3A_51, %dma_start3A_74] : memref<10240x128xf32, #tpu.memory_space<vmem_shared>> -> memref<128x128xf32, #tpu.memory_space<vmem_shared>>
      tpu.enqueue_dma source(%arg7 : memref<128x128xf32, #tpu.memory_space<vmem>>) target(%dma_start3A_75 : memref<128x128xf32, #tpu.memory_space<vmem_shared>>) target_semaphore(%run_scoped3A : memref<!tpu.dma_semaphore, #tpu.memory_space<semaphore_mem>>)
      %dma_wait3A = arith.constant 0 : i32
      %dma_wait3A_76 = tpu.memref_slice %arg8[%add3A_51, %dma_wait3A] : memref<10240x128xf32, #tpu.memory_space<vmem_shared>> -> memref<128x128xf32, #tpu.memory_space<vmem_shared>>
      %dma_wait3A_77 = arith.constant 0 : i32
      %dma_wait3A_78 = tpu.memref_slice %arg8[%add3A_51, %dma_wait3A_77] : memref<10240x128xf32, #tpu.memory_space<vmem_shared>> -> memref<128x128xf32, #tpu.memory_space<vmem_shared>>
      tpu.wait_dma2 semaphore(%run_scoped3A : memref<!tpu.dma_semaphore, #tpu.memory_space<semaphore_mem>>) src(%arg7 : memref<128x128xf32, #tpu.memory_space<vmem>>) dst(%dma_wait3A_78 : memref<128x128xf32, #tpu.memory_space<vmem_shared>>)
      tpu.yield
    }) : () -> ()
    %add3A_52 = arith.constant 512 : i32
    %add3A_53 = arith.addi %mul3A_2, %add3A_52 : i32
    "tpu.region"() ({
      %run_scoped3A = tpu.sem_alloc : memref<!tpu.dma_semaphore, #tpu.memory_space<semaphore_mem>>
      %dma_start3A = arith.constant 0 : i32
      %dma_start3A_73 = tpu.memref_slice %arg8[%add3A_53, %dma_start3A] : memref<10240x128xf32, #tpu.memory_space<vmem_shared>> -> memref<128x128xf32, #tpu.memory_space<vmem_shared>>
      %dma_start3A_74 = arith.constant 0 : i32
      %dma_start3A_75 = tpu.memref_slice %arg8[%add3A_53, %dma_start3A_74] : memref<10240x128xf32, #tpu.memory_space<vmem_shared>> -> memref<128x128xf32, #tpu.memory_space<vmem_shared>>
      tpu.enqueue_dma source(%arg7 : memref<128x128xf32, #tpu.memory_space<vmem>>) target(%dma_start3A_75 : memref<128x128xf32, #tpu.memory_space<vmem_shared>>) target_semaphore(%run_scoped3A : memref<!tpu.dma_semaphore, #tpu.memory_space<semaphore_mem>>)
      %dma_wait3A = arith.constant 0 : i32
      %dma_wait3A_76 = tpu.memref_slice %arg8[%add3A_53, %dma_wait3A] : memref<10240x128xf32, #tpu.memory_space<vmem_shared>> -> memref<128x128xf32, #tpu.memory_space<vmem_shared>>
      %dma_wait3A_77 = arith.constant 0 : i32
      %dma_wait3A_78 = tpu.memref_slice %arg8[%add3A_53, %dma_wait3A_77] : memref<10240x128xf32, #tpu.memory_space<vmem_shared>> -> memref<128x128xf32, #tpu.memory_space<vmem_shared>>
      tpu.wait_dma2 semaphore(%run_scoped3A : memref<!tpu.dma_semaphore, #tpu.memory_space<semaphore_mem>>) src(%arg7 : memref<128x128xf32, #tpu.memory_space<vmem>>) dst(%dma_wait3A_78 : memref<128x128xf32, #tpu.memory_space<vmem_shared>>)
      tpu.yield
    }) : () -> ()
    %barrier3A_54 = arith.constant 0 : index
    tpu.barrier barrier_id(%barrier3A_54)
    %scan3A_55 = arith.constant 0 : i32
    %scan3A_56 = arith.constant 0 : i32
    %scan3A_57 = arith.constant 128 : i32
    %scan3A_58 = arith.addi %scan3A_56, %scan3A_57 : i32
    %scan3A_59 = arith.constant 1 : i32
    %scan3A_60 = scf.for %scan3A_73 = %scan3A_56 to %scan3A_58 step %scan3A_59 iter_args(%scan3A_74 = %scan3A_55) -> (i32)  : i32 {
      %broadcast_in_dim3A = arith.constant 1.000000e+00 : f32
      %broadcast_in_dim3A_75 = vector.broadcast %broadcast_in_dim3A : f32 to vector<16xf32>
      %swap3A = arith.index_cast %scan3A_73 : i32 to index
      %swap3A_76 = arith.constant 0 : index
      %swap3A_77 = tpu.vector_load %arg7[%swap3A, %swap3A_76] {strides = array<i32>} : memref<128x128xf32, #tpu.memory_space<vmem>>, vector<1x16xf32>,
      %swap3A_78 = vector.shape_cast %swap3A_77 : vector<1x16xf32> to vector<16xf32>
      %swap3A_79 = vector.shape_cast %broadcast_in_dim3A_75 : vector<16xf32> to vector<1x16xf32>
      tpu.vector_store %arg7[%swap3A, %swap3A_76], %swap3A_79 {strides = array<i32>} : memref<128x128xf32, #tpu.memory_space<vmem>>, vector<1x16xf32>,
      %broadcast_in_dim3A_80 = arith.constant 1.000000e+00 : f32
      %broadcast_in_dim3A_81 = vector.broadcast %broadcast_in_dim3A_80 : f32 to vector<16xf32>
      %swap3A_82 = arith.index_cast %scan3A_73 : i32 to index
      %swap3A_83 = arith.constant 16 : index
      %swap3A_84 = tpu.vector_load %arg7[%swap3A_82, %swap3A_83] {strides = array<i32>} : memref<128x128xf32, #tpu.memory_space<vmem>>, vector<1x16xf32>,
      %swap3A_85 = vector.shape_cast %swap3A_84 : vector<1x16xf32> to vector<16xf32>
      %swap3A_86 = vector.shape_cast %broadcast_in_dim3A_81 : vector<16xf32> to vector<1x16xf32>
      tpu.vector_store %arg7[%swap3A_82, %swap3A_83], %swap3A_86 {strides = array<i32>} : memref<128x128xf32, #tpu.memory_space<vmem>>, vector<1x16xf32>,
      %broadcast_in_dim3A_87 = arith.constant 1.000000e+00 : f32
      %broadcast_in_dim3A_88 = vector.broadcast %broadcast_in_dim3A_87 : f32 to vector<16xf32>
      %swap3A_89 = arith.index_cast %scan3A_73 : i32 to index
      %swap3A_90 = arith.constant 32 : index
      %swap3A_91 = tpu.vector_load %arg7[%swap3A_89, %swap3A_90] {strides = array<i32>} : memref<128x128xf32, #tpu.memory_space<vmem>>, vector<1x16xf32>,
      %swap3A_92 = vector.shape_cast %swap3A_91 : vector<1x16xf32> to vector<16xf32>
      %swap3A_93 = vector.shape_cast %broadcast_in_dim3A_88 : vector<16xf32> to vector<1x16xf32>
      tpu.vector_store %arg7[%swap3A_89, %swap3A_90], %swap3A_93 {strides = array<i32>} : memref<128x128xf32, #tpu.memory_space<vmem>>, vector<1x16xf32>,
      %broadcast_in_dim3A_94 = arith.constant 1.000000e+00 : f32
      %broadcast_in_dim3A_95 = vector.broadcast %broadcast_in_dim3A_94 : f32 to vector<16xf32>
      %swap3A_96 = arith.index_cast %scan3A_73 : i32 to index
      %swap3A_97 = arith.constant 48 : index
      %swap3A_98 = tpu.vector_load %arg7[%swap3A_96, %swap3A_97] {strides = array<i32>} : memref<128x128xf32, #tpu.memory_space<vmem>>, vector<1x16xf32>,
      %swap3A_99 = vector.shape_cast %swap3A_98 : vector<1x16xf32> to vector<16xf32>
      %swap3A_100 = vector.shape_cast %broadcast_in_dim3A_95 : vector<16xf32> to vector<1x16xf32>
      tpu.vector_store %arg7[%swap3A_96, %swap3A_97], %swap3A_100 {strides = array<i32>} : memref<128x128xf32, #tpu.memory_space<vmem>>, vector<1x16xf32>,
      %broadcast_in_dim3A_101 = arith.constant 1.000000e+00 : f32
      %broadcast_in_dim3A_102 = vector.broadcast %broadcast_in_dim3A_101 : f32 to vector<16xf32>
      %swap3A_103 = arith.index_cast %scan3A_73 : i32 to index
      %swap3A_104 = arith.constant 64 : index
      %swap3A_105 = tpu.vector_load %arg7[%swap3A_103, %swap3A_104] {strides = array<i32>} : memref<128x128xf32, #tpu.memory_space<vmem>>, vector<1x16xf32>,
      %swap3A_106 = vector.shape_cast %swap3A_105 : vector<1x16xf32> to vector<16xf32>
      %swap3A_107 = vector.shape_cast %broadcast_in_dim3A_102 : vector<16xf32> to vector<1x16xf32>
      tpu.vector_store %arg7[%swap3A_103, %swap3A_104], %swap3A_107 {strides = array<i32>} : memref<128x128xf32, #tpu.memory_space<vmem>>, vector<1x16xf32>,
      %broadcast_in_dim3A_108 = arith.constant 1.000000e+00 : f32
      %broadcast_in_dim3A_109 = vector.broadcast %broadcast_in_dim3A_108 : f32 to vector<16xf32>
      %swap3A_110 = arith.index_cast %scan3A_73 : i32 to index
      %swap3A_111 = arith.constant 80 : index
      %swap3A_112 = tpu.vector_load %arg7[%swap3A_110, %swap3A_111] {strides = array<i32>} : memref<128x128xf32, #tpu.memory_space<vmem>>, vector<1x16xf32>,
      %swap3A_113 = vector.shape_cast %swap3A_112 : vector<1x16xf32> to vector<16xf32>
      %swap3A_114 = vector.shape_cast %broadcast_in_dim3A_109 : vector<16xf32> to vector<1x16xf32>
      tpu.vector_store %arg7[%swap3A_110, %swap3A_111], %swap3A_114 {strides = array<i32>} : memref<128x128xf32, #tpu.memory_space<vmem>>, vector<1x16xf32>,
      %broadcast_in_dim3A_115 = arith.constant 1.000000e+00 : f32
      %broadcast_in_dim3A_116 = vector.broadcast %broadcast_in_dim3A_115 : f32 to vector<16xf32>
      %swap3A_117 = arith.index_cast %scan3A_73 : i32 to index
      %swap3A_118 = arith.constant 96 : index
      %swap3A_119 = tpu.vector_load %arg7[%swap3A_117, %swap3A_118] {strides = array<i32>} : memref<128x128xf32, #tpu.memory_space<vmem>>, vector<1x16xf32>,
      %swap3A_120 = vector.shape_cast %swap3A_119 : vector<1x16xf32> to vector<16xf32>
      %swap3A_121 = vector.shape_cast %broadcast_in_dim3A_116 : vector<16xf32> to vector<1x16xf32>
      tpu.vector_store %arg7[%swap3A_117, %swap3A_118], %swap3A_121 {strides = array<i32>} : memref<128x128xf32, #tpu.memory_space<vmem>>, vector<1x16xf32>,
      %broadcast_in_dim3A_122 = arith.constant 1.000000e+00 : f32
      %broadcast_in_dim3A_123 = vector.broadcast %broadcast_in_dim3A_122 : f32 to vector<16xf32>
      %swap3A_124 = arith.index_cast %scan3A_73 : i32 to index
      %swap3A_125 = arith.constant 112 : index
      %swap3A_126 = tpu.vector_load %arg7[%swap3A_124, %swap3A_125] {strides = array<i32>} : memref<128x128xf32, #tpu.memory_space<vmem>>, vector<1x16xf32>,
      %swap3A_127 = vector.shape_cast %swap3A_126 : vector<1x16xf32> to vector<16xf32>
      %swap3A_128 = vector.shape_cast %broadcast_in_dim3A_123 : vector<16xf32> to vector<1x16xf32>
      tpu.vector_store %arg7[%swap3A_124, %swap3A_125], %swap3A_128 {strides = array<i32>} : memref<128x128xf32, #tpu.memory_space<vmem>>, vector<1x16xf32>,
      %scan3A_129 = arith.constant 0 : i32
      scf.yield %scan3A_129 : i32
    }
    %scan3A_61 = arith.constant 128 : i32
    %mul3A_62 = arith.constant 80 : i32
    %mul3A_63 = arith.muli %add3A, %mul3A_62 : i32
    "tpu.region"() ({
      %run_scoped3A = tpu.sem_alloc : memref<!tpu.dma_semaphore, #tpu.memory_space<semaphore_mem>>
      %dma_start3A = arith.constant 0 : i32
      %dma_start3A_73 = tpu.memref_slice %arg3[%mul3A_63, %dma_start3A] : memref<2560x128xi32, #tpu.memory_space<hbm>> -> memref<80x128xi32, #tpu.memory_space<hbm>>
      %dma_start3A_74 = arith.constant 0 : i32
      %dma_start3A_75 = tpu.memref_slice %arg3[%mul3A_63, %dma_start3A_74] : memref<2560x128xi32, #tpu.memory_space<hbm>> -> memref<80x128xi32, #tpu.memory_space<hbm>>
      tpu.enqueue_dma source(%dma_start3A_75 : memref<80x128xi32, #tpu.memory_space<hbm>>) target(%arg6 : memref<80x128xi32, #tpu.memory_space<vmem>>) target_semaphore(%run_scoped3A : memref<!tpu.dma_semaphore, #tpu.memory_space<semaphore_mem>>)
      %dma_wait3A = arith.constant 0 : i32
      %dma_wait3A_76 = tpu.memref_slice %arg3[%mul3A_63, %dma_wait3A] : memref<2560x128xi32, #tpu.memory_space<hbm>> -> memref<80x128xi32, #tpu.memory_space<hbm>>
      %dma_wait3A_77 = arith.constant 0 : i32
      %dma_wait3A_78 = tpu.memref_slice %arg3[%mul3A_63, %dma_wait3A_77] : memref<2560x128xi32, #tpu.memory_space<hbm>> -> memref<80x128xi32, #tpu.memory_space<hbm>>
      tpu.wait_dma2 semaphore(%run_scoped3A : memref<!tpu.dma_semaphore, #tpu.memory_space<semaphore_mem>>) src(%dma_wait3A_78 : memref<80x128xi32, #tpu.memory_space<hbm>>) dst(%arg6 : memref<80x128xi32, #tpu.memory_space<vmem>>)
      tpu.yield
    }) : () -> ()
    %scan3A_64 = arith.constant 0 : i32
    %scan3A_65 = arith.constant 0 : i32
    %scan3A_66 = arith.constant 80 : i32
    %scan3A_67 = arith.addi %scan3A_65, %scan3A_66 : i32
    %scan3A_68 = arith.constant 1 : i32
    %scan3A_69 = scf.for %scan3A_73 = %scan3A_65 to %scan3A_67 step %scan3A_68 iter_args(%scan3A_74 = %scan3A_64) -> (i32)  : i32 {
      "tpu.region"() ({
        %run_scoped3A = tpu.sem_alloc : memref<!tpu.dma_semaphore, #tpu.memory_space<semaphore_mem>>
        %dma_start3A = arith.constant 0 : i32
        %dma_start3A_76 = tpu.memref_slice %arg6[%scan3A_73, %dma_start3A] : memref<80x128xi32, #tpu.memory_space<vmem>> -> memref<1x128xi32, #tpu.memory_space<vmem>>
        %dma_start3A_77 = tpu.memref_squeeze %dma_start3A_76 : memref<1x128xi32, #tpu.memory_space<vmem>> -> memref<128xi32, #tpu.memory_space<vmem>>
        %dma_start3A_78 = arith.constant 0 : i32
        %dma_start3A_79 = arith.constant 0 : i32
        %dma_start3A_80 = tpu.memref_slice %arg8[%dma_start3A_78, %dma_start3A_79] : memref<10240x128xf32, #tpu.memory_space<vmem_shared>> -> memref<10240x128xf32, #tpu.memory_space<vmem_shared>>
        tpu.enqueue_indirect_dma source(%arg7 : memref<128x128xf32, #tpu.memory_space<vmem>>) target(%dma_start3A_80 : memref<10240x128xf32, #tpu.memory_space<vmem_shared>>) offsets(%dma_start3A_77 : memref<128xi32, #tpu.memory_space<vmem>>) semaphore(%run_scoped3A : memref<!tpu.dma_semaphore, #tpu.memory_space<semaphore_mem>>) {add = true}
        %dma_wait3A = arith.constant 0 : i32
        %dma_wait3A_81 = tpu.memref_slice %arg6[%scan3A_73, %dma_wait3A] : memref<80x128xi32, #tpu.memory_space<vmem>> -> memref<1x128xi32, #tpu.memory_space<vmem>>
        %dma_wait3A_82 = tpu.memref_squeeze %dma_wait3A_81 : memref<1x128xi32, #tpu.memory_space<vmem>> -> memref<128xi32, #tpu.memory_space<vmem>>
        %dma_wait3A_83 = arith.constant 0 : i32
        %dma_wait3A_84 = arith.constant 0 : i32
        %dma_wait3A_85 = tpu.memref_slice %arg8[%dma_wait3A_83, %dma_wait3A_84] : memref<10240x128xf32, #tpu.memory_space<vmem_shared>> -> memref<10240x128xf32, #tpu.memory_space<vmem_shared>>
        tpu.wait_indirect_dma semaphore(%run_scoped3A : memref<!tpu.dma_semaphore, #tpu.memory_space<semaphore_mem>>) src(%arg7 : memref<128x128xf32, #tpu.memory_space<vmem>>) dst(%dma_wait3A_85 : memref<10240x128xf32, #tpu.memory_space<vmem_shared>>)
        tpu.yield
      }) : () -> ()
      %scan3A_75 = arith.constant 0 : i32
      scf.yield %scan3A_75 : i32
    }
    %scan3A_70 = arith.constant 80 : i32
    %barrier3A_71 = arith.constant 0 : index
    tpu.barrier barrier_id(%barrier3A_71)
    "tpu.region"() ({
      %run_scoped3A = tpu.sem_alloc : memref<!tpu.dma_semaphore, #tpu.memory_space<semaphore_mem>>
      %dma_start3A = arith.constant 0 : i32
      %dma_start3A_73 = tpu.memref_slice %arg5[%arg0, %mul3A_2, %dma_start3A] : memref<2x10240x128xf32, #tpu.memory_space<hbm>> -> memref<1x640x128xf32, #tpu.memory_space<hbm>>
      %dma_start3A_74 = tpu.memref_squeeze %dma_start3A_73 : memref<1x640x128xf32, #tpu.memory_space<hbm>> -> memref<640x128xf32, #tpu.memory_space<hbm>>
      %dma_start3A_75 = arith.constant 0 : i32
      %dma_start3A_76 = tpu.memref_slice %arg8[%mul3A_2, %dma_start3A_75] : memref<10240x128xf32, #tpu.memory_space<vmem_shared>> -> memref<640x128xf32, #tpu.memory_space<vmem_shared>>
      tpu.enqueue_dma source(%dma_start3A_76 : memref<640x128xf32, #tpu.memory_space<vmem_shared>>) target(%dma_start3A_74 : memref<640x128xf32, #tpu.memory_space<hbm>>) target_semaphore(%run_scoped3A : memref<!tpu.dma_semaphore, #tpu.memory_space<semaphore_mem>>)
      %dma_wait3A = arith.constant 0 : i32
      %dma_wait3A_77 = tpu.memref_slice %arg5[%arg0, %mul3A_2, %dma_wait3A] : memref<2x10240x128xf32, #tpu.memory_space<hbm>> -> memref<1x640x128xf32, #tpu.memory_space<hbm>>
      %dma_wait3A_78 = tpu.memref_squeeze %dma_wait3A_77 : memref<1x640x128xf32, #tpu.memory_space<hbm>> -> memref<640x128xf32, #tpu.memory_space<hbm>>
      %dma_wait3A_79 = arith.constant 0 : i32
      %dma_wait3A_80 = tpu.memref_slice %arg8[%mul3A_2, %dma_wait3A_79] : memref<10240x128xf32, #tpu.memory_space<vmem_shared>> -> memref<640x128xf32, #tpu.memory_space<vmem_shared>>
      tpu.wait_dma2 semaphore(%run_scoped3A : memref<!tpu.dma_semaphore, #tpu.memory_space<semaphore_mem>>) src(%dma_wait3A_80 : memref<640x128xf32, #tpu.memory_space<vmem_shared>>) dst(%dma_wait3A_78 : memref<640x128xf32, #tpu.memory_space<hbm>>)
      tpu.yield
    }) : () -> ()
    %barrier3A_72 = arith.constant 0 : index
    tpu.barrier barrier_id(%barrier3A_72)
    return
  }
}

#map = affine_map<(d0, d1) -> (0, 0)>
#map1 = affine_map<(d0, d1) -> (0, 0, 0)>
module attributes {stable_mosaic.version = 14 : i64} {
  func.func @_agg_body(%arg0: i32, %arg1: i32, %arg2: memref<10240x128xf32, #tpu.memory_space<hbm>>, %arg3: memref<2560x128xi32, #tpu.memory_space<hbm>>, %arg4: memref<2560x128xi32, #tpu.memory_space<hbm>>, %arg5: memref<2x10240x128xf32, #tpu.memory_space<hbm>>, %arg6: memref<8x128xi32, #tpu.memory_space<vmem>>, %arg7: memref<8x128xi32, #tpu.memory_space<vmem>>, %arg8: memref<128x128xf32, #tpu.memory_space<vmem>>, %arg9: memref<128x128xf32, #tpu.memory_space<vmem>>, %arg10: memref<10240x128xf32, #tpu.memory_space<vmem_shared>>, %arg11: memref<!tpu.dma_semaphore, #tpu.memory_space<semaphore_mem>>, %arg12: memref<!tpu.dma_semaphore, #tpu.memory_space<semaphore_mem>>) attributes {dimension_semantics = [#tpu.dimension_semantics<core_parallel>, #tpu.dimension_semantics<subcore_parallel>], iteration_bounds = array<i64: 2, 16>, scalar_prefetch = 0 : i64, scratch_operands = 7 : i64, tpu.core_type = #tpu.core_type<sc_vector_subcore>, window_params = [{transform_indices = #map}, {transform_indices = #map}, {transform_indices = #map}, {transform_indices = #map1}]} {
    %scan3A = arith.constant 0 : i32
    %scan3A_0 = arith.constant 0 : i32
    %scan3A_1 = arith.constant 128 : i32
    %scan3A_2 = arith.addi %scan3A_0, %scan3A_1 : i32
    %scan3A_3 = arith.constant 1 : i32
    %scan3A_4 = scf.for %scan3A_39 = %scan3A_0 to %scan3A_2 step %scan3A_3 iter_args(%scan3A_40 = %scan3A) -> (i32)  : i32 {
      %broadcast_in_dim3A = arith.constant 0.000000e+00 : f32
      %broadcast_in_dim3A_41 = vector.broadcast %broadcast_in_dim3A : f32 to vector<16xf32>
      %swap3A = arith.index_cast %scan3A_39 : i32 to index
      %swap3A_42 = arith.constant 0 : index
      %swap3A_43 = tpu.vector_load %arg8[%swap3A, %swap3A_42] {strides = array<i32>} : memref<128x128xf32, #tpu.memory_space<vmem>>, vector<1x16xf32>,
      %swap3A_44 = vector.shape_cast %swap3A_43 : vector<1x16xf32> to vector<16xf32>
      %swap3A_45 = vector.shape_cast %broadcast_in_dim3A_41 : vector<16xf32> to vector<1x16xf32>
      tpu.vector_store %arg8[%swap3A, %swap3A_42], %swap3A_45 {strides = array<i32>} : memref<128x128xf32, #tpu.memory_space<vmem>>, vector<1x16xf32>,
      %broadcast_in_dim3A_46 = arith.constant 0.000000e+00 : f32
      %broadcast_in_dim3A_47 = vector.broadcast %broadcast_in_dim3A_46 : f32 to vector<16xf32>
      %swap3A_48 = arith.index_cast %scan3A_39 : i32 to index
      %swap3A_49 = arith.constant 16 : index
      %swap3A_50 = tpu.vector_load %arg8[%swap3A_48, %swap3A_49] {strides = array<i32>} : memref<128x128xf32, #tpu.memory_space<vmem>>, vector<1x16xf32>,
      %swap3A_51 = vector.shape_cast %swap3A_50 : vector<1x16xf32> to vector<16xf32>
      %swap3A_52 = vector.shape_cast %broadcast_in_dim3A_47 : vector<16xf32> to vector<1x16xf32>
      tpu.vector_store %arg8[%swap3A_48, %swap3A_49], %swap3A_52 {strides = array<i32>} : memref<128x128xf32, #tpu.memory_space<vmem>>, vector<1x16xf32>,
      %broadcast_in_dim3A_53 = arith.constant 0.000000e+00 : f32
      %broadcast_in_dim3A_54 = vector.broadcast %broadcast_in_dim3A_53 : f32 to vector<16xf32>
      %swap3A_55 = arith.index_cast %scan3A_39 : i32 to index
      %swap3A_56 = arith.constant 32 : index
      %swap3A_57 = tpu.vector_load %arg8[%swap3A_55, %swap3A_56] {strides = array<i32>} : memref<128x128xf32, #tpu.memory_space<vmem>>, vector<1x16xf32>,
      %swap3A_58 = vector.shape_cast %swap3A_57 : vector<1x16xf32> to vector<16xf32>
      %swap3A_59 = vector.shape_cast %broadcast_in_dim3A_54 : vector<16xf32> to vector<1x16xf32>
      tpu.vector_store %arg8[%swap3A_55, %swap3A_56], %swap3A_59 {strides = array<i32>} : memref<128x128xf32, #tpu.memory_space<vmem>>, vector<1x16xf32>,
      %broadcast_in_dim3A_60 = arith.constant 0.000000e+00 : f32
      %broadcast_in_dim3A_61 = vector.broadcast %broadcast_in_dim3A_60 : f32 to vector<16xf32>
      %swap3A_62 = arith.index_cast %scan3A_39 : i32 to index
      %swap3A_63 = arith.constant 48 : index
      %swap3A_64 = tpu.vector_load %arg8[%swap3A_62, %swap3A_63] {strides = array<i32>} : memref<128x128xf32, #tpu.memory_space<vmem>>, vector<1x16xf32>,
      %swap3A_65 = vector.shape_cast %swap3A_64 : vector<1x16xf32> to vector<16xf32>
      %swap3A_66 = vector.shape_cast %broadcast_in_dim3A_61 : vector<16xf32> to vector<1x16xf32>
      tpu.vector_store %arg8[%swap3A_62, %swap3A_63], %swap3A_66 {strides = array<i32>} : memref<128x128xf32, #tpu.memory_space<vmem>>, vector<1x16xf32>,
      %broadcast_in_dim3A_67 = arith.constant 0.000000e+00 : f32
      %broadcast_in_dim3A_68 = vector.broadcast %broadcast_in_dim3A_67 : f32 to vector<16xf32>
      %swap3A_69 = arith.index_cast %scan3A_39 : i32 to index
      %swap3A_70 = arith.constant 64 : index
      %swap3A_71 = tpu.vector_load %arg8[%swap3A_69, %swap3A_70] {strides = array<i32>} : memref<128x128xf32, #tpu.memory_space<vmem>>, vector<1x16xf32>,
      %swap3A_72 = vector.shape_cast %swap3A_71 : vector<1x16xf32> to vector<16xf32>
      %swap3A_73 = vector.shape_cast %broadcast_in_dim3A_68 : vector<16xf32> to vector<1x16xf32>
      tpu.vector_store %arg8[%swap3A_69, %swap3A_70], %swap3A_73 {strides = array<i32>} : memref<128x128xf32, #tpu.memory_space<vmem>>, vector<1x16xf32>,
      %broadcast_in_dim3A_74 = arith.constant 0.000000e+00 : f32
      %broadcast_in_dim3A_75 = vector.broadcast %broadcast_in_dim3A_74 : f32 to vector<16xf32>
      %swap3A_76 = arith.index_cast %scan3A_39 : i32 to index
      %swap3A_77 = arith.constant 80 : index
      %swap3A_78 = tpu.vector_load %arg8[%swap3A_76, %swap3A_77] {strides = array<i32>} : memref<128x128xf32, #tpu.memory_space<vmem>>, vector<1x16xf32>,
      %swap3A_79 = vector.shape_cast %swap3A_78 : vector<1x16xf32> to vector<16xf32>
      %swap3A_80 = vector.shape_cast %broadcast_in_dim3A_75 : vector<16xf32> to vector<1x16xf32>
      tpu.vector_store %arg8[%swap3A_76, %swap3A_77], %swap3A_80 {strides = array<i32>} : memref<128x128xf32, #tpu.memory_space<vmem>>, vector<1x16xf32>,
      %broadcast_in_dim3A_81 = arith.constant 0.000000e+00 : f32
      %broadcast_in_dim3A_82 = vector.broadcast %broadcast_in_dim3A_81 : f32 to vector<16xf32>
      %swap3A_83 = arith.index_cast %scan3A_39 : i32 to index
      %swap3A_84 = arith.constant 96 : index
      %swap3A_85 = tpu.vector_load %arg8[%swap3A_83, %swap3A_84] {strides = array<i32>} : memref<128x128xf32, #tpu.memory_space<vmem>>, vector<1x16xf32>,
      %swap3A_86 = vector.shape_cast %swap3A_85 : vector<1x16xf32> to vector<16xf32>
      %swap3A_87 = vector.shape_cast %broadcast_in_dim3A_82 : vector<16xf32> to vector<1x16xf32>
      tpu.vector_store %arg8[%swap3A_83, %swap3A_84], %swap3A_87 {strides = array<i32>} : memref<128x128xf32, #tpu.memory_space<vmem>>, vector<1x16xf32>,
      %broadcast_in_dim3A_88 = arith.constant 0.000000e+00 : f32
      %broadcast_in_dim3A_89 = vector.broadcast %broadcast_in_dim3A_88 : f32 to vector<16xf32>
      %swap3A_90 = arith.index_cast %scan3A_39 : i32 to index
      %swap3A_91 = arith.constant 112 : index
      %swap3A_92 = tpu.vector_load %arg8[%swap3A_90, %swap3A_91] {strides = array<i32>} : memref<128x128xf32, #tpu.memory_space<vmem>>, vector<1x16xf32>,
      %swap3A_93 = vector.shape_cast %swap3A_92 : vector<1x16xf32> to vector<16xf32>
      %swap3A_94 = vector.shape_cast %broadcast_in_dim3A_89 : vector<16xf32> to vector<1x16xf32>
      tpu.vector_store %arg8[%swap3A_90, %swap3A_91], %swap3A_94 {strides = array<i32>} : memref<128x128xf32, #tpu.memory_space<vmem>>, vector<1x16xf32>,
      %scan3A_95 = arith.constant 0 : i32
      scf.yield %scan3A_95 : i32
    }
    %scan3A_5 = arith.constant 128 : i32
    %mul3A = arith.constant 640 : i32
    %mul3A_6 = arith.muli %arg1, %mul3A : i32
    %add3A = arith.constant 0 : i32
    %add3A_7 = arith.addi %mul3A_6, %add3A : i32
    "tpu.region"() ({
      %run_scoped3A = tpu.sem_alloc : memref<!tpu.dma_semaphore, #tpu.memory_space<semaphore_mem>>
      %dma_start3A = arith.constant 0 : i32
      %dma_start3A_39 = tpu.memref_slice %arg10[%add3A_7, %dma_start3A] : memref<10240x128xf32, #tpu.memory_space<vmem_shared>> -> memref<128x128xf32, #tpu.memory_space<vmem_shared>>
      %dma_start3A_40 = arith.constant 0 : i32
      %dma_start3A_41 = tpu.memref_slice %arg10[%add3A_7, %dma_start3A_40] : memref<10240x128xf32, #tpu.memory_space<vmem_shared>> -> memref<128x128xf32, #tpu.memory_space<vmem_shared>>
      tpu.enqueue_dma source(%arg8 : memref<128x128xf32, #tpu.memory_space<vmem>>) target(%dma_start3A_41 : memref<128x128xf32, #tpu.memory_space<vmem_shared>>) target_semaphore(%run_scoped3A : memref<!tpu.dma_semaphore, #tpu.memory_space<semaphore_mem>>)
      %dma_wait3A = arith.constant 0 : i32
      %dma_wait3A_42 = tpu.memref_slice %arg10[%add3A_7, %dma_wait3A] : memref<10240x128xf32, #tpu.memory_space<vmem_shared>> -> memref<128x128xf32, #tpu.memory_space<vmem_shared>>
      %dma_wait3A_43 = arith.constant 0 : i32
      %dma_wait3A_44 = tpu.memref_slice %arg10[%add3A_7, %dma_wait3A_43] : memref<10240x128xf32, #tpu.memory_space<vmem_shared>> -> memref<128x128xf32, #tpu.memory_space<vmem_shared>>
      tpu.wait_dma2 semaphore(%run_scoped3A : memref<!tpu.dma_semaphore, #tpu.memory_space<semaphore_mem>>) src(%arg8 : memref<128x128xf32, #tpu.memory_space<vmem>>) dst(%dma_wait3A_44 : memref<128x128xf32, #tpu.memory_space<vmem_shared>>)
      tpu.yield
    }) : () -> ()
    %add3A_8 = arith.constant 128 : i32
    %add3A_9 = arith.addi %mul3A_6, %add3A_8 : i32
    "tpu.region"() ({
      %run_scoped3A = tpu.sem_alloc : memref<!tpu.dma_semaphore, #tpu.memory_space<semaphore_mem>>
      %dma_start3A = arith.constant 0 : i32
      %dma_start3A_39 = tpu.memref_slice %arg10[%add3A_9, %dma_start3A] : memref<10240x128xf32, #tpu.memory_space<vmem_shared>> -> memref<128x128xf32, #tpu.memory_space<vmem_shared>>
      %dma_start3A_40 = arith.constant 0 : i32
      %dma_start3A_41 = tpu.memref_slice %arg10[%add3A_9, %dma_start3A_40] : memref<10240x128xf32, #tpu.memory_space<vmem_shared>> -> memref<128x128xf32, #tpu.memory_space<vmem_shared>>
      tpu.enqueue_dma source(%arg8 : memref<128x128xf32, #tpu.memory_space<vmem>>) target(%dma_start3A_41 : memref<128x128xf32, #tpu.memory_space<vmem_shared>>) target_semaphore(%run_scoped3A : memref<!tpu.dma_semaphore, #tpu.memory_space<semaphore_mem>>)
      %dma_wait3A = arith.constant 0 : i32
      %dma_wait3A_42 = tpu.memref_slice %arg10[%add3A_9, %dma_wait3A] : memref<10240x128xf32, #tpu.memory_space<vmem_shared>> -> memref<128x128xf32, #tpu.memory_space<vmem_shared>>
      %dma_wait3A_43 = arith.constant 0 : i32
      %dma_wait3A_44 = tpu.memref_slice %arg10[%add3A_9, %dma_wait3A_43] : memref<10240x128xf32, #tpu.memory_space<vmem_shared>> -> memref<128x128xf32, #tpu.memory_space<vmem_shared>>
      tpu.wait_dma2 semaphore(%run_scoped3A : memref<!tpu.dma_semaphore, #tpu.memory_space<semaphore_mem>>) src(%arg8 : memref<128x128xf32, #tpu.memory_space<vmem>>) dst(%dma_wait3A_44 : memref<128x128xf32, #tpu.memory_space<vmem_shared>>)
      tpu.yield
    }) : () -> ()
    %add3A_10 = arith.constant 256 : i32
    %add3A_11 = arith.addi %mul3A_6, %add3A_10 : i32
    "tpu.region"() ({
      %run_scoped3A = tpu.sem_alloc : memref<!tpu.dma_semaphore, #tpu.memory_space<semaphore_mem>>
      %dma_start3A = arith.constant 0 : i32
      %dma_start3A_39 = tpu.memref_slice %arg10[%add3A_11, %dma_start3A] : memref<10240x128xf32, #tpu.memory_space<vmem_shared>> -> memref<128x128xf32, #tpu.memory_space<vmem_shared>>
      %dma_start3A_40 = arith.constant 0 : i32
      %dma_start3A_41 = tpu.memref_slice %arg10[%add3A_11, %dma_start3A_40] : memref<10240x128xf32, #tpu.memory_space<vmem_shared>> -> memref<128x128xf32, #tpu.memory_space<vmem_shared>>
      tpu.enqueue_dma source(%arg8 : memref<128x128xf32, #tpu.memory_space<vmem>>) target(%dma_start3A_41 : memref<128x128xf32, #tpu.memory_space<vmem_shared>>) target_semaphore(%run_scoped3A : memref<!tpu.dma_semaphore, #tpu.memory_space<semaphore_mem>>)
      %dma_wait3A = arith.constant 0 : i32
      %dma_wait3A_42 = tpu.memref_slice %arg10[%add3A_11, %dma_wait3A] : memref<10240x128xf32, #tpu.memory_space<vmem_shared>> -> memref<128x128xf32, #tpu.memory_space<vmem_shared>>
      %dma_wait3A_43 = arith.constant 0 : i32
      %dma_wait3A_44 = tpu.memref_slice %arg10[%add3A_11, %dma_wait3A_43] : memref<10240x128xf32, #tpu.memory_space<vmem_shared>> -> memref<128x128xf32, #tpu.memory_space<vmem_shared>>
      tpu.wait_dma2 semaphore(%run_scoped3A : memref<!tpu.dma_semaphore, #tpu.memory_space<semaphore_mem>>) src(%arg8 : memref<128x128xf32, #tpu.memory_space<vmem>>) dst(%dma_wait3A_44 : memref<128x128xf32, #tpu.memory_space<vmem_shared>>)
      tpu.yield
    }) : () -> ()
    %add3A_12 = arith.constant 384 : i32
    %add3A_13 = arith.addi %mul3A_6, %add3A_12 : i32
    "tpu.region"() ({
      %run_scoped3A = tpu.sem_alloc : memref<!tpu.dma_semaphore, #tpu.memory_space<semaphore_mem>>
      %dma_start3A = arith.constant 0 : i32
      %dma_start3A_39 = tpu.memref_slice %arg10[%add3A_13, %dma_start3A] : memref<10240x128xf32, #tpu.memory_space<vmem_shared>> -> memref<128x128xf32, #tpu.memory_space<vmem_shared>>
      %dma_start3A_40 = arith.constant 0 : i32
      %dma_start3A_41 = tpu.memref_slice %arg10[%add3A_13, %dma_start3A_40] : memref<10240x128xf32, #tpu.memory_space<vmem_shared>> -> memref<128x128xf32, #tpu.memory_space<vmem_shared>>
      tpu.enqueue_dma source(%arg8 : memref<128x128xf32, #tpu.memory_space<vmem>>) target(%dma_start3A_41 : memref<128x128xf32, #tpu.memory_space<vmem_shared>>) target_semaphore(%run_scoped3A : memref<!tpu.dma_semaphore, #tpu.memory_space<semaphore_mem>>)
      %dma_wait3A = arith.constant 0 : i32
      %dma_wait3A_42 = tpu.memref_slice %arg10[%add3A_13, %dma_wait3A] : memref<10240x128xf32, #tpu.memory_space<vmem_shared>> -> memref<128x128xf32, #tpu.memory_space<vmem_shared>>
      %dma_wait3A_43 = arith.constant 0 : i32
      %dma_wait3A_44 = tpu.memref_slice %arg10[%add3A_13, %dma_wait3A_43] : memref<10240x128xf32, #tpu.memory_space<vmem_shared>> -> memref<128x128xf32, #tpu.memory_space<vmem_shared>>
      tpu.wait_dma2 semaphore(%run_scoped3A : memref<!tpu.dma_semaphore, #tpu.memory_space<semaphore_mem>>) src(%arg8 : memref<128x128xf32, #tpu.memory_space<vmem>>) dst(%dma_wait3A_44 : memref<128x128xf32, #tpu.memory_space<vmem_shared>>)
      tpu.yield
    }) : () -> ()
    %add3A_14 = arith.constant 512 : i32
    %add3A_15 = arith.addi %mul3A_6, %add3A_14 : i32
    "tpu.region"() ({
      %run_scoped3A = tpu.sem_alloc : memref<!tpu.dma_semaphore, #tpu.memory_space<semaphore_mem>>
      %dma_start3A = arith.constant 0 : i32
      %dma_start3A_39 = tpu.memref_slice %arg10[%add3A_15, %dma_start3A] : memref<10240x128xf32, #tpu.memory_space<vmem_shared>> -> memref<128x128xf32, #tpu.memory_space<vmem_shared>>
      %dma_start3A_40 = arith.constant 0 : i32
      %dma_start3A_41 = tpu.memref_slice %arg10[%add3A_15, %dma_start3A_40] : memref<10240x128xf32, #tpu.memory_space<vmem_shared>> -> memref<128x128xf32, #tpu.memory_space<vmem_shared>>
      tpu.enqueue_dma source(%arg8 : memref<128x128xf32, #tpu.memory_space<vmem>>) target(%dma_start3A_41 : memref<128x128xf32, #tpu.memory_space<vmem_shared>>) target_semaphore(%run_scoped3A : memref<!tpu.dma_semaphore, #tpu.memory_space<semaphore_mem>>)
      %dma_wait3A = arith.constant 0 : i32
      %dma_wait3A_42 = tpu.memref_slice %arg10[%add3A_15, %dma_wait3A] : memref<10240x128xf32, #tpu.memory_space<vmem_shared>> -> memref<128x128xf32, #tpu.memory_space<vmem_shared>>
      %dma_wait3A_43 = arith.constant 0 : i32
      %dma_wait3A_44 = tpu.memref_slice %arg10[%add3A_15, %dma_wait3A_43] : memref<10240x128xf32, #tpu.memory_space<vmem_shared>> -> memref<128x128xf32, #tpu.memory_space<vmem_shared>>
      tpu.wait_dma2 semaphore(%run_scoped3A : memref<!tpu.dma_semaphore, #tpu.memory_space<semaphore_mem>>) src(%arg8 : memref<128x128xf32, #tpu.memory_space<vmem>>) dst(%dma_wait3A_44 : memref<128x128xf32, #tpu.memory_space<vmem_shared>>)
      tpu.yield
    }) : () -> ()
    %barrier3A = arith.constant 0 : index
    tpu.barrier barrier_id(%barrier3A)
    %eq3A = arith.constant 0 : i32
    %eq3A_16 = arith.cmpi eq, %arg0, %eq3A : i32
    %mul3A_17 = arith.constant 152 : i32
    %mul3A_18 = arith.muli %arg1, %mul3A_17 : i32
    %mul3A_19 = arith.constant 8 : i32
    %mul3A_20 = arith.muli %arg1, %mul3A_19 : i32
    %add3A_21 = arith.constant 2432 : i32
    %add3A_22 = arith.addi %add3A_21, %mul3A_20 : i32
    %select_n3A = arith.select %eq3A_16, %mul3A_18, %add3A_22 : i32
    %eq3A_23 = arith.constant 0 : i32
    %eq3A_24 = arith.cmpi eq, %arg0, %eq3A_23 : i32
    %jit3A = arith.constant 19 : i32
    %jit3A_25 = arith.constant 1 : i32
    %select_n3A_26 = arith.select %eq3A_24, %jit3A, %jit3A_25 : i32
    %while3A = arith.constant 0 : i32
    %while3A_27 = arith.constant 0 : i32
    %while3A_28 = arith.subi %select_n3A_26, %while3A : i32
    %while3A_29 = arith.addi %while3A, %while3A_28 : i32
    %while3A_30 = arith.constant 1 : i32
    %while3A_31 = arith.divsi %while3A_28, %while3A_30 : i32
    %while3A_32 = arith.muli %while3A_31, %while3A_30 : i32
    %while3A_33 = arith.addi %while3A, %while3A_32 : i32
    %while3A_34 = arith.constant 1 : i32
    %while3A_35 = scf.for %while3A_39 = %while3A to %while3A_33 step %while3A_34 iter_args(%while3A_40 = %while3A_27) -> (i32)  : i32 {
      %mul3A_41 = arith.constant 8 : i32
      %mul3A_42 = arith.muli %while3A_39, %mul3A_41 : i32
      %add3A_43 = arith.addi %select_n3A, %mul3A_42 : i32
      "tpu.region"() ({
        %run_scoped3A = tpu.sem_alloc : memref<!tpu.dma_semaphore, #tpu.memory_space<semaphore_mem>>
        %dma_start3A_270 = arith.constant 0 : i32
        %dma_start3A_271 = tpu.memref_slice %arg3[%add3A_43, %dma_start3A_270] : memref<2560x128xi32, #tpu.memory_space<hbm>> -> memref<8x128xi32, #tpu.memory_space<hbm>>
        %dma_start3A_272 = arith.constant 0 : i32
        %dma_start3A_273 = tpu.memref_slice %arg3[%add3A_43, %dma_start3A_272] : memref<2560x128xi32, #tpu.memory_space<hbm>> -> memref<8x128xi32, #tpu.memory_space<hbm>>
        tpu.enqueue_dma source(%dma_start3A_273 : memref<8x128xi32, #tpu.memory_space<hbm>>) target(%arg6 : memref<8x128xi32, #tpu.memory_space<vmem>>) target_semaphore(%run_scoped3A : memref<!tpu.dma_semaphore, #tpu.memory_space<semaphore_mem>>)
        %dma_wait3A_274 = arith.constant 0 : i32
        %dma_wait3A_275 = tpu.memref_slice %arg3[%add3A_43, %dma_wait3A_274] : memref<2560x128xi32, #tpu.memory_space<hbm>> -> memref<8x128xi32, #tpu.memory_space<hbm>>
        %dma_wait3A_276 = arith.constant 0 : i32
        %dma_wait3A_277 = tpu.memref_slice %arg3[%add3A_43, %dma_wait3A_276] : memref<2560x128xi32, #tpu.memory_space<hbm>> -> memref<8x128xi32, #tpu.memory_space<hbm>>
        tpu.wait_dma2 semaphore(%run_scoped3A : memref<!tpu.dma_semaphore, #tpu.memory_space<semaphore_mem>>) src(%dma_wait3A_277 : memref<8x128xi32, #tpu.memory_space<hbm>>) dst(%arg6 : memref<8x128xi32, #tpu.memory_space<vmem>>)
        tpu.yield
      }) : () -> ()
      %mul3A_44 = arith.constant 8 : i32
      %mul3A_45 = arith.muli %while3A_39, %mul3A_44 : i32
      %add3A_46 = arith.addi %select_n3A, %mul3A_45 : i32
      "tpu.region"() ({
        %run_scoped3A = tpu.sem_alloc : memref<!tpu.dma_semaphore, #tpu.memory_space<semaphore_mem>>
        %dma_start3A_270 = arith.constant 0 : i32
        %dma_start3A_271 = tpu.memref_slice %arg4[%add3A_46, %dma_start3A_270] : memref<2560x128xi32, #tpu.memory_space<hbm>> -> memref<8x128xi32, #tpu.memory_space<hbm>>
        %dma_start3A_272 = arith.constant 0 : i32
        %dma_start3A_273 = tpu.memref_slice %arg4[%add3A_46, %dma_start3A_272] : memref<2560x128xi32, #tpu.memory_space<hbm>> -> memref<8x128xi32, #tpu.memory_space<hbm>>
        tpu.enqueue_dma source(%dma_start3A_273 : memref<8x128xi32, #tpu.memory_space<hbm>>) target(%arg7 : memref<8x128xi32, #tpu.memory_space<vmem>>) target_semaphore(%run_scoped3A : memref<!tpu.dma_semaphore, #tpu.memory_space<semaphore_mem>>)
        %dma_wait3A_274 = arith.constant 0 : i32
        %dma_wait3A_275 = tpu.memref_slice %arg4[%add3A_46, %dma_wait3A_274] : memref<2560x128xi32, #tpu.memory_space<hbm>> -> memref<8x128xi32, #tpu.memory_space<hbm>>
        %dma_wait3A_276 = arith.constant 0 : i32
        %dma_wait3A_277 = tpu.memref_slice %arg4[%add3A_46, %dma_wait3A_276] : memref<2560x128xi32, #tpu.memory_space<hbm>> -> memref<8x128xi32, #tpu.memory_space<hbm>>
        tpu.wait_dma2 semaphore(%run_scoped3A : memref<!tpu.dma_semaphore, #tpu.memory_space<semaphore_mem>>) src(%dma_wait3A_277 : memref<8x128xi32, #tpu.memory_space<hbm>>) dst(%arg7 : memref<8x128xi32, #tpu.memory_space<vmem>>)
        tpu.yield
      }) : () -> ()
      %dma_start3A = arith.constant 0 : i32
      %dma_start3A_47 = arith.constant 0 : i32
      %dma_start3A_48 = tpu.memref_slice %arg6[%dma_start3A, %dma_start3A_47] : memref<8x128xi32, #tpu.memory_space<vmem>> -> memref<1x128xi32, #tpu.memory_space<vmem>>
      %dma_start3A_49 = tpu.memref_squeeze %dma_start3A_48 : memref<1x128xi32, #tpu.memory_space<vmem>> -> memref<128xi32, #tpu.memory_space<vmem>>
      %dma_start3A_50 = arith.constant 0 : i32
      %dma_start3A_51 = arith.constant 0 : i32
      %dma_start3A_52 = tpu.memref_slice %arg2[%dma_start3A_50, %dma_start3A_51] : memref<10240x128xf32, #tpu.memory_space<hbm>> -> memref<10240x128xf32, #tpu.memory_space<hbm>>
      tpu.enqueue_indirect_dma source(%dma_start3A_52 : memref<10240x128xf32, #tpu.memory_space<hbm>>) target(%arg8 : memref<128x128xf32, #tpu.memory_space<vmem>>) offsets(%dma_start3A_49 : memref<128xi32, #tpu.memory_space<vmem>>) semaphore(%arg11 : memref<!tpu.dma_semaphore, #tpu.memory_space<semaphore_mem>>)
      %dma_start3A_53 = arith.constant 1 : i32
      %dma_start3A_54 = arith.constant 0 : i32
      %dma_start3A_55 = tpu.memref_slice %arg6[%dma_start3A_53, %dma_start3A_54] : memref<8x128xi32, #tpu.memory_space<vmem>> -> memref<1x128xi32, #tpu.memory_space<vmem>>
      %dma_start3A_56 = tpu.memref_squeeze %dma_start3A_55 : memref<1x128xi32, #tpu.memory_space<vmem>> -> memref<128xi32, #tpu.memory_space<vmem>>
      %dma_start3A_57 = arith.constant 0 : i32
      %dma_start3A_58 = arith.constant 0 : i32
      %dma_start3A_59 = tpu.memref_slice %arg2[%dma_start3A_57, %dma_start3A_58] : memref<10240x128xf32, #tpu.memory_space<hbm>> -> memref<10240x128xf32, #tpu.memory_space<hbm>>
      tpu.enqueue_indirect_dma source(%dma_start3A_59 : memref<10240x128xf32, #tpu.memory_space<hbm>>) target(%arg9 : memref<128x128xf32, #tpu.memory_space<vmem>>) offsets(%dma_start3A_56 : memref<128xi32, #tpu.memory_space<vmem>>) semaphore(%arg11 : memref<!tpu.dma_semaphore, #tpu.memory_space<semaphore_mem>>)
      %dma_wait3A = arith.constant 0 : i32
      %dma_wait3A_60 = arith.constant 0 : i32
      %dma_wait3A_61 = tpu.memref_slice %arg6[%dma_wait3A, %dma_wait3A_60] : memref<8x128xi32, #tpu.memory_space<vmem>> -> memref<1x128xi32, #tpu.memory_space<vmem>>
      %dma_wait3A_62 = tpu.memref_squeeze %dma_wait3A_61 : memref<1x128xi32, #tpu.memory_space<vmem>> -> memref<128xi32, #tpu.memory_space<vmem>>
      %dma_wait3A_63 = arith.constant 0 : i32
      %dma_wait3A_64 = arith.constant 0 : i32
      %dma_wait3A_65 = tpu.memref_slice %arg2[%dma_wait3A_63, %dma_wait3A_64] : memref<10240x128xf32, #tpu.memory_space<hbm>> -> memref<10240x128xf32, #tpu.memory_space<hbm>>
      tpu.wait_indirect_dma semaphore(%arg11 : memref<!tpu.dma_semaphore, #tpu.memory_space<semaphore_mem>>) src(%dma_wait3A_65 : memref<10240x128xf32, #tpu.memory_space<hbm>>) dst(%arg8 : memref<128x128xf32, #tpu.memory_space<vmem>>)
      %dma_start3A_66 = arith.constant 0 : i32
      %dma_start3A_67 = arith.constant 0 : i32
      %dma_start3A_68 = tpu.memref_slice %arg7[%dma_start3A_66, %dma_start3A_67] : memref<8x128xi32, #tpu.memory_space<vmem>> -> memref<1x128xi32, #tpu.memory_space<vmem>>
      %dma_start3A_69 = tpu.memref_squeeze %dma_start3A_68 : memref<1x128xi32, #tpu.memory_space<vmem>> -> memref<128xi32, #tpu.memory_space<vmem>>
      %dma_start3A_70 = arith.constant 0 : i32
      %dma_start3A_71 = arith.constant 0 : i32
      %dma_start3A_72 = tpu.memref_slice %arg10[%dma_start3A_70, %dma_start3A_71] : memref<10240x128xf32, #tpu.memory_space<vmem_shared>> -> memref<10240x128xf32, #tpu.memory_space<vmem_shared>>
      tpu.enqueue_indirect_dma source(%arg8 : memref<128x128xf32, #tpu.memory_space<vmem>>) target(%dma_start3A_72 : memref<10240x128xf32, #tpu.memory_space<vmem_shared>>) offsets(%dma_start3A_69 : memref<128xi32, #tpu.memory_space<vmem>>) semaphore(%arg12 : memref<!tpu.dma_semaphore, #tpu.memory_space<semaphore_mem>>) {add = true}
      %dma_wait3A_73 = arith.constant 1 : i32
      %dma_wait3A_74 = arith.constant 0 : i32
      %dma_wait3A_75 = tpu.memref_slice %arg6[%dma_wait3A_73, %dma_wait3A_74] : memref<8x128xi32, #tpu.memory_space<vmem>> -> memref<1x128xi32, #tpu.memory_space<vmem>>
      %dma_wait3A_76 = tpu.memref_squeeze %dma_wait3A_75 : memref<1x128xi32, #tpu.memory_space<vmem>> -> memref<128xi32, #tpu.memory_space<vmem>>
      %dma_wait3A_77 = arith.constant 0 : i32
      %dma_wait3A_78 = arith.constant 0 : i32
      %dma_wait3A_79 = tpu.memref_slice %arg2[%dma_wait3A_77, %dma_wait3A_78] : memref<10240x128xf32, #tpu.memory_space<hbm>> -> memref<10240x128xf32, #tpu.memory_space<hbm>>
      tpu.wait_indirect_dma semaphore(%arg11 : memref<!tpu.dma_semaphore, #tpu.memory_space<semaphore_mem>>) src(%dma_wait3A_79 : memref<10240x128xf32, #tpu.memory_space<hbm>>) dst(%arg9 : memref<128x128xf32, #tpu.memory_space<vmem>>)
      %dma_start3A_80 = arith.constant 1 : i32
      %dma_start3A_81 = arith.constant 0 : i32
      %dma_start3A_82 = tpu.memref_slice %arg7[%dma_start3A_80, %dma_start3A_81] : memref<8x128xi32, #tpu.memory_space<vmem>> -> memref<1x128xi32, #tpu.memory_space<vmem>>
      %dma_start3A_83 = tpu.memref_squeeze %dma_start3A_82 : memref<1x128xi32, #tpu.memory_space<vmem>> -> memref<128xi32, #tpu.memory_space<vmem>>
      %dma_start3A_84 = arith.constant 0 : i32
      %dma_start3A_85 = arith.constant 0 : i32
      %dma_start3A_86 = tpu.memref_slice %arg10[%dma_start3A_84, %dma_start3A_85] : memref<10240x128xf32, #tpu.memory_space<vmem_shared>> -> memref<10240x128xf32, #tpu.memory_space<vmem_shared>>
      tpu.enqueue_indirect_dma source(%arg9 : memref<128x128xf32, #tpu.memory_space<vmem>>) target(%dma_start3A_86 : memref<10240x128xf32, #tpu.memory_space<vmem_shared>>) offsets(%dma_start3A_83 : memref<128xi32, #tpu.memory_space<vmem>>) semaphore(%arg12 : memref<!tpu.dma_semaphore, #tpu.memory_space<semaphore_mem>>) {add = true}
      %dma_wait3A_87 = arith.constant 0 : i32
      %dma_wait3A_88 = arith.constant 0 : i32
      %dma_wait3A_89 = tpu.memref_slice %arg7[%dma_wait3A_87, %dma_wait3A_88] : memref<8x128xi32, #tpu.memory_space<vmem>> -> memref<1x128xi32, #tpu.memory_space<vmem>>
      %dma_wait3A_90 = tpu.memref_squeeze %dma_wait3A_89 : memref<1x128xi32, #tpu.memory_space<vmem>> -> memref<128xi32, #tpu.memory_space<vmem>>
      %dma_wait3A_91 = arith.constant 0 : i32
      %dma_wait3A_92 = arith.constant 0 : i32
      %dma_wait3A_93 = tpu.memref_slice %arg10[%dma_wait3A_91, %dma_wait3A_92] : memref<10240x128xf32, #tpu.memory_space<vmem_shared>> -> memref<10240x128xf32, #tpu.memory_space<vmem_shared>>
      tpu.wait_indirect_dma semaphore(%arg12 : memref<!tpu.dma_semaphore, #tpu.memory_space<semaphore_mem>>) src(%arg8 : memref<128x128xf32, #tpu.memory_space<vmem>>) dst(%dma_wait3A_93 : memref<10240x128xf32, #tpu.memory_space<vmem_shared>>)
      %dma_wait3A_94 = arith.constant 1 : i32
      %dma_wait3A_95 = arith.constant 0 : i32
      %dma_wait3A_96 = tpu.memref_slice %arg7[%dma_wait3A_94, %dma_wait3A_95] : memref<8x128xi32, #tpu.memory_space<vmem>> -> memref<1x128xi32, #tpu.memory_space<vmem>>
      %dma_wait3A_97 = tpu.memref_squeeze %dma_wait3A_96 : memref<1x128xi32, #tpu.memory_space<vmem>> -> memref<128xi32, #tpu.memory_space<vmem>>
      %dma_wait3A_98 = arith.constant 0 : i32
      %dma_wait3A_99 = arith.constant 0 : i32
      %dma_wait3A_100 = tpu.memref_slice %arg10[%dma_wait3A_98, %dma_wait3A_99] : memref<10240x128xf32, #tpu.memory_space<vmem_shared>> -> memref<10240x128xf32, #tpu.memory_space<vmem_shared>>
      tpu.wait_indirect_dma semaphore(%arg12 : memref<!tpu.dma_semaphore, #tpu.memory_space<semaphore_mem>>) src(%arg9 : memref<128x128xf32, #tpu.memory_space<vmem>>) dst(%dma_wait3A_100 : memref<10240x128xf32, #tpu.memory_space<vmem_shared>>)
      %dma_start3A_101 = arith.constant 2 : i32
      %dma_start3A_102 = arith.constant 0 : i32
      %dma_start3A_103 = tpu.memref_slice %arg6[%dma_start3A_101, %dma_start3A_102] : memref<8x128xi32, #tpu.memory_space<vmem>> -> memref<1x128xi32, #tpu.memory_space<vmem>>
      %dma_start3A_104 = tpu.memref_squeeze %dma_start3A_103 : memref<1x128xi32, #tpu.memory_space<vmem>> -> memref<128xi32, #tpu.memory_space<vmem>>
      %dma_start3A_105 = arith.constant 0 : i32
      %dma_start3A_106 = arith.constant 0 : i32
      %dma_start3A_107 = tpu.memref_slice %arg2[%dma_start3A_105, %dma_start3A_106] : memref<10240x128xf32, #tpu.memory_space<hbm>> -> memref<10240x128xf32, #tpu.memory_space<hbm>>
      tpu.enqueue_indirect_dma source(%dma_start3A_107 : memref<10240x128xf32, #tpu.memory_space<hbm>>) target(%arg8 : memref<128x128xf32, #tpu.memory_space<vmem>>) offsets(%dma_start3A_104 : memref<128xi32, #tpu.memory_space<vmem>>) semaphore(%arg11 : memref<!tpu.dma_semaphore, #tpu.memory_space<semaphore_mem>>)
      %dma_start3A_108 = arith.constant 3 : i32
      %dma_start3A_109 = arith.constant 0 : i32
      %dma_start3A_110 = tpu.memref_slice %arg6[%dma_start3A_108, %dma_start3A_109] : memref<8x128xi32, #tpu.memory_space<vmem>> -> memref<1x128xi32, #tpu.memory_space<vmem>>
      %dma_start3A_111 = tpu.memref_squeeze %dma_start3A_110 : memref<1x128xi32, #tpu.memory_space<vmem>> -> memref<128xi32, #tpu.memory_space<vmem>>
      %dma_start3A_112 = arith.constant 0 : i32
      %dma_start3A_113 = arith.constant 0 : i32
      %dma_start3A_114 = tpu.memref_slice %arg2[%dma_start3A_112, %dma_start3A_113] : memref<10240x128xf32, #tpu.memory_space<hbm>> -> memref<10240x128xf32, #tpu.memory_space<hbm>>
      tpu.enqueue_indirect_dma source(%dma_start3A_114 : memref<10240x128xf32, #tpu.memory_space<hbm>>) target(%arg9 : memref<128x128xf32, #tpu.memory_space<vmem>>) offsets(%dma_start3A_111 : memref<128xi32, #tpu.memory_space<vmem>>) semaphore(%arg11 : memref<!tpu.dma_semaphore, #tpu.memory_space<semaphore_mem>>)
      %dma_wait3A_115 = arith.constant 2 : i32
      %dma_wait3A_116 = arith.constant 0 : i32
      %dma_wait3A_117 = tpu.memref_slice %arg6[%dma_wait3A_115, %dma_wait3A_116] : memref<8x128xi32, #tpu.memory_space<vmem>> -> memref<1x128xi32, #tpu.memory_space<vmem>>
      %dma_wait3A_118 = tpu.memref_squeeze %dma_wait3A_117 : memref<1x128xi32, #tpu.memory_space<vmem>> -> memref<128xi32, #tpu.memory_space<vmem>>
      %dma_wait3A_119 = arith.constant 0 : i32
      %dma_wait3A_120 = arith.constant 0 : i32
      %dma_wait3A_121 = tpu.memref_slice %arg2[%dma_wait3A_119, %dma_wait3A_120] : memref<10240x128xf32, #tpu.memory_space<hbm>> -> memref<10240x128xf32, #tpu.memory_space<hbm>>
      tpu.wait_indirect_dma semaphore(%arg11 : memref<!tpu.dma_semaphore, #tpu.memory_space<semaphore_mem>>) src(%dma_wait3A_121 : memref<10240x128xf32, #tpu.memory_space<hbm>>) dst(%arg8 : memref<128x128xf32, #tpu.memory_space<vmem>>)
      %dma_start3A_122 = arith.constant 2 : i32
      %dma_start3A_123 = arith.constant 0 : i32
      %dma_start3A_124 = tpu.memref_slice %arg7[%dma_start3A_122, %dma_start3A_123] : memref<8x128xi32, #tpu.memory_space<vmem>> -> memref<1x128xi32, #tpu.memory_space<vmem>>
      %dma_start3A_125 = tpu.memref_squeeze %dma_start3A_124 : memref<1x128xi32, #tpu.memory_space<vmem>> -> memref<128xi32, #tpu.memory_space<vmem>>
      %dma_start3A_126 = arith.constant 0 : i32
      %dma_start3A_127 = arith.constant 0 : i32
      %dma_start3A_128 = tpu.memref_slice %arg10[%dma_start3A_126, %dma_start3A_127] : memref<10240x128xf32, #tpu.memory_space<vmem_shared>> -> memref<10240x128xf32, #tpu.memory_space<vmem_shared>>
      tpu.enqueue_indirect_dma source(%arg8 : memref<128x128xf32, #tpu.memory_space<vmem>>) target(%dma_start3A_128 : memref<10240x128xf32, #tpu.memory_space<vmem_shared>>) offsets(%dma_start3A_125 : memref<128xi32, #tpu.memory_space<vmem>>) semaphore(%arg12 : memref<!tpu.dma_semaphore, #tpu.memory_space<semaphore_mem>>) {add = true}
      %dma_wait3A_129 = arith.constant 3 : i32
      %dma_wait3A_130 = arith.constant 0 : i32
      %dma_wait3A_131 = tpu.memref_slice %arg6[%dma_wait3A_129, %dma_wait3A_130] : memref<8x128xi32, #tpu.memory_space<vmem>> -> memref<1x128xi32, #tpu.memory_space<vmem>>
      %dma_wait3A_132 = tpu.memref_squeeze %dma_wait3A_131 : memref<1x128xi32, #tpu.memory_space<vmem>> -> memref<128xi32, #tpu.memory_space<vmem>>
      %dma_wait3A_133 = arith.constant 0 : i32
      %dma_wait3A_134 = arith.constant 0 : i32
      %dma_wait3A_135 = tpu.memref_slice %arg2[%dma_wait3A_133, %dma_wait3A_134] : memref<10240x128xf32, #tpu.memory_space<hbm>> -> memref<10240x128xf32, #tpu.memory_space<hbm>>
      tpu.wait_indirect_dma semaphore(%arg11 : memref<!tpu.dma_semaphore, #tpu.memory_space<semaphore_mem>>) src(%dma_wait3A_135 : memref<10240x128xf32, #tpu.memory_space<hbm>>) dst(%arg9 : memref<128x128xf32, #tpu.memory_space<vmem>>)
      %dma_start3A_136 = arith.constant 3 : i32
      %dma_start3A_137 = arith.constant 0 : i32
      %dma_start3A_138 = tpu.memref_slice %arg7[%dma_start3A_136, %dma_start3A_137] : memref<8x128xi32, #tpu.memory_space<vmem>> -> memref<1x128xi32, #tpu.memory_space<vmem>>
      %dma_start3A_139 = tpu.memref_squeeze %dma_start3A_138 : memref<1x128xi32, #tpu.memory_space<vmem>> -> memref<128xi32, #tpu.memory_space<vmem>>
      %dma_start3A_140 = arith.constant 0 : i32
      %dma_start3A_141 = arith.constant 0 : i32
      %dma_start3A_142 = tpu.memref_slice %arg10[%dma_start3A_140, %dma_start3A_141] : memref<10240x128xf32, #tpu.memory_space<vmem_shared>> -> memref<10240x128xf32, #tpu.memory_space<vmem_shared>>
      tpu.enqueue_indirect_dma source(%arg9 : memref<128x128xf32, #tpu.memory_space<vmem>>) target(%dma_start3A_142 : memref<10240x128xf32, #tpu.memory_space<vmem_shared>>) offsets(%dma_start3A_139 : memref<128xi32, #tpu.memory_space<vmem>>) semaphore(%arg12 : memref<!tpu.dma_semaphore, #tpu.memory_space<semaphore_mem>>) {add = true}
      %dma_wait3A_143 = arith.constant 2 : i32
      %dma_wait3A_144 = arith.constant 0 : i32
      %dma_wait3A_145 = tpu.memref_slice %arg7[%dma_wait3A_143, %dma_wait3A_144] : memref<8x128xi32, #tpu.memory_space<vmem>> -> memref<1x128xi32, #tpu.memory_space<vmem>>
      %dma_wait3A_146 = tpu.memref_squeeze %dma_wait3A_145 : memref<1x128xi32, #tpu.memory_space<vmem>> -> memref<128xi32, #tpu.memory_space<vmem>>
      %dma_wait3A_147 = arith.constant 0 : i32
      %dma_wait3A_148 = arith.constant 0 : i32
      %dma_wait3A_149 = tpu.memref_slice %arg10[%dma_wait3A_147, %dma_wait3A_148] : memref<10240x128xf32, #tpu.memory_space<vmem_shared>> -> memref<10240x128xf32, #tpu.memory_space<vmem_shared>>
      tpu.wait_indirect_dma semaphore(%arg12 : memref<!tpu.dma_semaphore, #tpu.memory_space<semaphore_mem>>) src(%arg8 : memref<128x128xf32, #tpu.memory_space<vmem>>) dst(%dma_wait3A_149 : memref<10240x128xf32, #tpu.memory_space<vmem_shared>>)
      %dma_wait3A_150 = arith.constant 3 : i32
      %dma_wait3A_151 = arith.constant 0 : i32
      %dma_wait3A_152 = tpu.memref_slice %arg7[%dma_wait3A_150, %dma_wait3A_151] : memref<8x128xi32, #tpu.memory_space<vmem>> -> memref<1x128xi32, #tpu.memory_space<vmem>>
      %dma_wait3A_153 = tpu.memref_squeeze %dma_wait3A_152 : memref<1x128xi32, #tpu.memory_space<vmem>> -> memref<128xi32, #tpu.memory_space<vmem>>
      %dma_wait3A_154 = arith.constant 0 : i32
      %dma_wait3A_155 = arith.constant 0 : i32
      %dma_wait3A_156 = tpu.memref_slice %arg10[%dma_wait3A_154, %dma_wait3A_155] : memref<10240x128xf32, #tpu.memory_space<vmem_shared>> -> memref<10240x128xf32, #tpu.memory_space<vmem_shared>>
      tpu.wait_indirect_dma semaphore(%arg12 : memref<!tpu.dma_semaphore, #tpu.memory_space<semaphore_mem>>) src(%arg9 : memref<128x128xf32, #tpu.memory_space<vmem>>) dst(%dma_wait3A_156 : memref<10240x128xf32, #tpu.memory_space<vmem_shared>>)
      %dma_start3A_157 = arith.constant 4 : i32
      %dma_start3A_158 = arith.constant 0 : i32
      %dma_start3A_159 = tpu.memref_slice %arg6[%dma_start3A_157, %dma_start3A_158] : memref<8x128xi32, #tpu.memory_space<vmem>> -> memref<1x128xi32, #tpu.memory_space<vmem>>
      %dma_start3A_160 = tpu.memref_squeeze %dma_start3A_159 : memref<1x128xi32, #tpu.memory_space<vmem>> -> memref<128xi32, #tpu.memory_space<vmem>>
      %dma_start3A_161 = arith.constant 0 : i32
      %dma_start3A_162 = arith.constant 0 : i32
      %dma_start3A_163 = tpu.memref_slice %arg2[%dma_start3A_161, %dma_start3A_162] : memref<10240x128xf32, #tpu.memory_space<hbm>> -> memref<10240x128xf32, #tpu.memory_space<hbm>>
      tpu.enqueue_indirect_dma source(%dma_start3A_163 : memref<10240x128xf32, #tpu.memory_space<hbm>>) target(%arg8 : memref<128x128xf32, #tpu.memory_space<vmem>>) offsets(%dma_start3A_160 : memref<128xi32, #tpu.memory_space<vmem>>) semaphore(%arg11 : memref<!tpu.dma_semaphore, #tpu.memory_space<semaphore_mem>>)
      %dma_start3A_164 = arith.constant 5 : i32
      %dma_start3A_165 = arith.constant 0 : i32
      %dma_start3A_166 = tpu.memref_slice %arg6[%dma_start3A_164, %dma_start3A_165] : memref<8x128xi32, #tpu.memory_space<vmem>> -> memref<1x128xi32, #tpu.memory_space<vmem>>
      %dma_start3A_167 = tpu.memref_squeeze %dma_start3A_166 : memref<1x128xi32, #tpu.memory_space<vmem>> -> memref<128xi32, #tpu.memory_space<vmem>>
      %dma_start3A_168 = arith.constant 0 : i32
      %dma_start3A_169 = arith.constant 0 : i32
      %dma_start3A_170 = tpu.memref_slice %arg2[%dma_start3A_168, %dma_start3A_169] : memref<10240x128xf32, #tpu.memory_space<hbm>> -> memref<10240x128xf32, #tpu.memory_space<hbm>>
      tpu.enqueue_indirect_dma source(%dma_start3A_170 : memref<10240x128xf32, #tpu.memory_space<hbm>>) target(%arg9 : memref<128x128xf32, #tpu.memory_space<vmem>>) offsets(%dma_start3A_167 : memref<128xi32, #tpu.memory_space<vmem>>) semaphore(%arg11 : memref<!tpu.dma_semaphore, #tpu.memory_space<semaphore_mem>>)
      %dma_wait3A_171 = arith.constant 4 : i32
      %dma_wait3A_172 = arith.constant 0 : i32
      %dma_wait3A_173 = tpu.memref_slice %arg6[%dma_wait3A_171, %dma_wait3A_172] : memref<8x128xi32, #tpu.memory_space<vmem>> -> memref<1x128xi32, #tpu.memory_space<vmem>>
      %dma_wait3A_174 = tpu.memref_squeeze %dma_wait3A_173 : memref<1x128xi32, #tpu.memory_space<vmem>> -> memref<128xi32, #tpu.memory_space<vmem>>
      %dma_wait3A_175 = arith.constant 0 : i32
      %dma_wait3A_176 = arith.constant 0 : i32
      %dma_wait3A_177 = tpu.memref_slice %arg2[%dma_wait3A_175, %dma_wait3A_176] : memref<10240x128xf32, #tpu.memory_space<hbm>> -> memref<10240x128xf32, #tpu.memory_space<hbm>>
      tpu.wait_indirect_dma semaphore(%arg11 : memref<!tpu.dma_semaphore, #tpu.memory_space<semaphore_mem>>) src(%dma_wait3A_177 : memref<10240x128xf32, #tpu.memory_space<hbm>>) dst(%arg8 : memref<128x128xf32, #tpu.memory_space<vmem>>)
      %dma_start3A_178 = arith.constant 4 : i32
      %dma_start3A_179 = arith.constant 0 : i32
      %dma_start3A_180 = tpu.memref_slice %arg7[%dma_start3A_178, %dma_start3A_179] : memref<8x128xi32, #tpu.memory_space<vmem>> -> memref<1x128xi32, #tpu.memory_space<vmem>>
      %dma_start3A_181 = tpu.memref_squeeze %dma_start3A_180 : memref<1x128xi32, #tpu.memory_space<vmem>> -> memref<128xi32, #tpu.memory_space<vmem>>
      %dma_start3A_182 = arith.constant 0 : i32
      %dma_start3A_183 = arith.constant 0 : i32
      %dma_start3A_184 = tpu.memref_slice %arg10[%dma_start3A_182, %dma_start3A_183] : memref<10240x128xf32, #tpu.memory_space<vmem_shared>> -> memref<10240x128xf32, #tpu.memory_space<vmem_shared>>
      tpu.enqueue_indirect_dma source(%arg8 : memref<128x128xf32, #tpu.memory_space<vmem>>) target(%dma_start3A_184 : memref<10240x128xf32, #tpu.memory_space<vmem_shared>>) offsets(%dma_start3A_181 : memref<128xi32, #tpu.memory_space<vmem>>) semaphore(%arg12 : memref<!tpu.dma_semaphore, #tpu.memory_space<semaphore_mem>>) {add = true}
      %dma_wait3A_185 = arith.constant 5 : i32
      %dma_wait3A_186 = arith.constant 0 : i32
      %dma_wait3A_187 = tpu.memref_slice %arg6[%dma_wait3A_185, %dma_wait3A_186] : memref<8x128xi32, #tpu.memory_space<vmem>> -> memref<1x128xi32, #tpu.memory_space<vmem>>
      %dma_wait3A_188 = tpu.memref_squeeze %dma_wait3A_187 : memref<1x128xi32, #tpu.memory_space<vmem>> -> memref<128xi32, #tpu.memory_space<vmem>>
      %dma_wait3A_189 = arith.constant 0 : i32
      %dma_wait3A_190 = arith.constant 0 : i32
      %dma_wait3A_191 = tpu.memref_slice %arg2[%dma_wait3A_189, %dma_wait3A_190] : memref<10240x128xf32, #tpu.memory_space<hbm>> -> memref<10240x128xf32, #tpu.memory_space<hbm>>
      tpu.wait_indirect_dma semaphore(%arg11 : memref<!tpu.dma_semaphore, #tpu.memory_space<semaphore_mem>>) src(%dma_wait3A_191 : memref<10240x128xf32, #tpu.memory_space<hbm>>) dst(%arg9 : memref<128x128xf32, #tpu.memory_space<vmem>>)
      %dma_start3A_192 = arith.constant 5 : i32
      %dma_start3A_193 = arith.constant 0 : i32
      %dma_start3A_194 = tpu.memref_slice %arg7[%dma_start3A_192, %dma_start3A_193] : memref<8x128xi32, #tpu.memory_space<vmem>> -> memref<1x128xi32, #tpu.memory_space<vmem>>
      %dma_start3A_195 = tpu.memref_squeeze %dma_start3A_194 : memref<1x128xi32, #tpu.memory_space<vmem>> -> memref<128xi32, #tpu.memory_space<vmem>>
      %dma_start3A_196 = arith.constant 0 : i32
      %dma_start3A_197 = arith.constant 0 : i32
      %dma_start3A_198 = tpu.memref_slice %arg10[%dma_start3A_196, %dma_start3A_197] : memref<10240x128xf32, #tpu.memory_space<vmem_shared>> -> memref<10240x128xf32, #tpu.memory_space<vmem_shared>>
      tpu.enqueue_indirect_dma source(%arg9 : memref<128x128xf32, #tpu.memory_space<vmem>>) target(%dma_start3A_198 : memref<10240x128xf32, #tpu.memory_space<vmem_shared>>) offsets(%dma_start3A_195 : memref<128xi32, #tpu.memory_space<vmem>>) semaphore(%arg12 : memref<!tpu.dma_semaphore, #tpu.memory_space<semaphore_mem>>) {add = true}
      %dma_wait3A_199 = arith.constant 4 : i32
      %dma_wait3A_200 = arith.constant 0 : i32
      %dma_wait3A_201 = tpu.memref_slice %arg7[%dma_wait3A_199, %dma_wait3A_200] : memref<8x128xi32, #tpu.memory_space<vmem>> -> memref<1x128xi32, #tpu.memory_space<vmem>>
      %dma_wait3A_202 = tpu.memref_squeeze %dma_wait3A_201 : memref<1x128xi32, #tpu.memory_space<vmem>> -> memref<128xi32, #tpu.memory_space<vmem>>
      %dma_wait3A_203 = arith.constant 0 : i32
      %dma_wait3A_204 = arith.constant 0 : i32
      %dma_wait3A_205 = tpu.memref_slice %arg10[%dma_wait3A_203, %dma_wait3A_204] : memref<10240x128xf32, #tpu.memory_space<vmem_shared>> -> memref<10240x128xf32, #tpu.memory_space<vmem_shared>>
      tpu.wait_indirect_dma semaphore(%arg12 : memref<!tpu.dma_semaphore, #tpu.memory_space<semaphore_mem>>) src(%arg8 : memref<128x128xf32, #tpu.memory_space<vmem>>) dst(%dma_wait3A_205 : memref<10240x128xf32, #tpu.memory_space<vmem_shared>>)
      %dma_wait3A_206 = arith.constant 5 : i32
      %dma_wait3A_207 = arith.constant 0 : i32
      %dma_wait3A_208 = tpu.memref_slice %arg7[%dma_wait3A_206, %dma_wait3A_207] : memref<8x128xi32, #tpu.memory_space<vmem>> -> memref<1x128xi32, #tpu.memory_space<vmem>>
      %dma_wait3A_209 = tpu.memref_squeeze %dma_wait3A_208 : memref<1x128xi32, #tpu.memory_space<vmem>> -> memref<128xi32, #tpu.memory_space<vmem>>
      %dma_wait3A_210 = arith.constant 0 : i32
      %dma_wait3A_211 = arith.constant 0 : i32
      %dma_wait3A_212 = tpu.memref_slice %arg10[%dma_wait3A_210, %dma_wait3A_211] : memref<10240x128xf32, #tpu.memory_space<vmem_shared>> -> memref<10240x128xf32, #tpu.memory_space<vmem_shared>>
      tpu.wait_indirect_dma semaphore(%arg12 : memref<!tpu.dma_semaphore, #tpu.memory_space<semaphore_mem>>) src(%arg9 : memref<128x128xf32, #tpu.memory_space<vmem>>) dst(%dma_wait3A_212 : memref<10240x128xf32, #tpu.memory_space<vmem_shared>>)
      %dma_start3A_213 = arith.constant 6 : i32
      %dma_start3A_214 = arith.constant 0 : i32
      %dma_start3A_215 = tpu.memref_slice %arg6[%dma_start3A_213, %dma_start3A_214] : memref<8x128xi32, #tpu.memory_space<vmem>> -> memref<1x128xi32, #tpu.memory_space<vmem>>
      %dma_start3A_216 = tpu.memref_squeeze %dma_start3A_215 : memref<1x128xi32, #tpu.memory_space<vmem>> -> memref<128xi32, #tpu.memory_space<vmem>>
      %dma_start3A_217 = arith.constant 0 : i32
      %dma_start3A_218 = arith.constant 0 : i32
      %dma_start3A_219 = tpu.memref_slice %arg2[%dma_start3A_217, %dma_start3A_218] : memref<10240x128xf32, #tpu.memory_space<hbm>> -> memref<10240x128xf32, #tpu.memory_space<hbm>>
      tpu.enqueue_indirect_dma source(%dma_start3A_219 : memref<10240x128xf32, #tpu.memory_space<hbm>>) target(%arg8 : memref<128x128xf32, #tpu.memory_space<vmem>>) offsets(%dma_start3A_216 : memref<128xi32, #tpu.memory_space<vmem>>) semaphore(%arg11 : memref<!tpu.dma_semaphore, #tpu.memory_space<semaphore_mem>>)
      %dma_start3A_220 = arith.constant 7 : i32
      %dma_start3A_221 = arith.constant 0 : i32
      %dma_start3A_222 = tpu.memref_slice %arg6[%dma_start3A_220, %dma_start3A_221] : memref<8x128xi32, #tpu.memory_space<vmem>> -> memref<1x128xi32, #tpu.memory_space<vmem>>
      %dma_start3A_223 = tpu.memref_squeeze %dma_start3A_222 : memref<1x128xi32, #tpu.memory_space<vmem>> -> memref<128xi32, #tpu.memory_space<vmem>>
      %dma_start3A_224 = arith.constant 0 : i32
      %dma_start3A_225 = arith.constant 0 : i32
      %dma_start3A_226 = tpu.memref_slice %arg2[%dma_start3A_224, %dma_start3A_225] : memref<10240x128xf32, #tpu.memory_space<hbm>> -> memref<10240x128xf32, #tpu.memory_space<hbm>>
      tpu.enqueue_indirect_dma source(%dma_start3A_226 : memref<10240x128xf32, #tpu.memory_space<hbm>>) target(%arg9 : memref<128x128xf32, #tpu.memory_space<vmem>>) offsets(%dma_start3A_223 : memref<128xi32, #tpu.memory_space<vmem>>) semaphore(%arg11 : memref<!tpu.dma_semaphore, #tpu.memory_space<semaphore_mem>>)
      %dma_wait3A_227 = arith.constant 6 : i32
      %dma_wait3A_228 = arith.constant 0 : i32
      %dma_wait3A_229 = tpu.memref_slice %arg6[%dma_wait3A_227, %dma_wait3A_228] : memref<8x128xi32, #tpu.memory_space<vmem>> -> memref<1x128xi32, #tpu.memory_space<vmem>>
      %dma_wait3A_230 = tpu.memref_squeeze %dma_wait3A_229 : memref<1x128xi32, #tpu.memory_space<vmem>> -> memref<128xi32, #tpu.memory_space<vmem>>
      %dma_wait3A_231 = arith.constant 0 : i32
      %dma_wait3A_232 = arith.constant 0 : i32
      %dma_wait3A_233 = tpu.memref_slice %arg2[%dma_wait3A_231, %dma_wait3A_232] : memref<10240x128xf32, #tpu.memory_space<hbm>> -> memref<10240x128xf32, #tpu.memory_space<hbm>>
      tpu.wait_indirect_dma semaphore(%arg11 : memref<!tpu.dma_semaphore, #tpu.memory_space<semaphore_mem>>) src(%dma_wait3A_233 : memref<10240x128xf32, #tpu.memory_space<hbm>>) dst(%arg8 : memref<128x128xf32, #tpu.memory_space<vmem>>)
      %dma_start3A_234 = arith.constant 6 : i32
      %dma_start3A_235 = arith.constant 0 : i32
      %dma_start3A_236 = tpu.memref_slice %arg7[%dma_start3A_234, %dma_start3A_235] : memref<8x128xi32, #tpu.memory_space<vmem>> -> memref<1x128xi32, #tpu.memory_space<vmem>>
      %dma_start3A_237 = tpu.memref_squeeze %dma_start3A_236 : memref<1x128xi32, #tpu.memory_space<vmem>> -> memref<128xi32, #tpu.memory_space<vmem>>
      %dma_start3A_238 = arith.constant 0 : i32
      %dma_start3A_239 = arith.constant 0 : i32
      %dma_start3A_240 = tpu.memref_slice %arg10[%dma_start3A_238, %dma_start3A_239] : memref<10240x128xf32, #tpu.memory_space<vmem_shared>> -> memref<10240x128xf32, #tpu.memory_space<vmem_shared>>
      tpu.enqueue_indirect_dma source(%arg8 : memref<128x128xf32, #tpu.memory_space<vmem>>) target(%dma_start3A_240 : memref<10240x128xf32, #tpu.memory_space<vmem_shared>>) offsets(%dma_start3A_237 : memref<128xi32, #tpu.memory_space<vmem>>) semaphore(%arg12 : memref<!tpu.dma_semaphore, #tpu.memory_space<semaphore_mem>>) {add = true}
      %dma_wait3A_241 = arith.constant 7 : i32
      %dma_wait3A_242 = arith.constant 0 : i32
      %dma_wait3A_243 = tpu.memref_slice %arg6[%dma_wait3A_241, %dma_wait3A_242] : memref<8x128xi32, #tpu.memory_space<vmem>> -> memref<1x128xi32, #tpu.memory_space<vmem>>
      %dma_wait3A_244 = tpu.memref_squeeze %dma_wait3A_243 : memref<1x128xi32, #tpu.memory_space<vmem>> -> memref<128xi32, #tpu.memory_space<vmem>>
      %dma_wait3A_245 = arith.constant 0 : i32
      %dma_wait3A_246 = arith.constant 0 : i32
      %dma_wait3A_247 = tpu.memref_slice %arg2[%dma_wait3A_245, %dma_wait3A_246] : memref<10240x128xf32, #tpu.memory_space<hbm>> -> memref<10240x128xf32, #tpu.memory_space<hbm>>
      tpu.wait_indirect_dma semaphore(%arg11 : memref<!tpu.dma_semaphore, #tpu.memory_space<semaphore_mem>>) src(%dma_wait3A_247 : memref<10240x128xf32, #tpu.memory_space<hbm>>) dst(%arg9 : memref<128x128xf32, #tpu.memory_space<vmem>>)
      %dma_start3A_248 = arith.constant 7 : i32
      %dma_start3A_249 = arith.constant 0 : i32
      %dma_start3A_250 = tpu.memref_slice %arg7[%dma_start3A_248, %dma_start3A_249] : memref<8x128xi32, #tpu.memory_space<vmem>> -> memref<1x128xi32, #tpu.memory_space<vmem>>
      %dma_start3A_251 = tpu.memref_squeeze %dma_start3A_250 : memref<1x128xi32, #tpu.memory_space<vmem>> -> memref<128xi32, #tpu.memory_space<vmem>>
      %dma_start3A_252 = arith.constant 0 : i32
      %dma_start3A_253 = arith.constant 0 : i32
      %dma_start3A_254 = tpu.memref_slice %arg10[%dma_start3A_252, %dma_start3A_253] : memref<10240x128xf32, #tpu.memory_space<vmem_shared>> -> memref<10240x128xf32, #tpu.memory_space<vmem_shared>>
      tpu.enqueue_indirect_dma source(%arg9 : memref<128x128xf32, #tpu.memory_space<vmem>>) target(%dma_start3A_254 : memref<10240x128xf32, #tpu.memory_space<vmem_shared>>) offsets(%dma_start3A_251 : memref<128xi32, #tpu.memory_space<vmem>>) semaphore(%arg12 : memref<!tpu.dma_semaphore, #tpu.memory_space<semaphore_mem>>) {add = true}
      %dma_wait3A_255 = arith.constant 6 : i32
      %dma_wait3A_256 = arith.constant 0 : i32
      %dma_wait3A_257 = tpu.memref_slice %arg7[%dma_wait3A_255, %dma_wait3A_256] : memref<8x128xi32, #tpu.memory_space<vmem>> -> memref<1x128xi32, #tpu.memory_space<vmem>>
      %dma_wait3A_258 = tpu.memref_squeeze %dma_wait3A_257 : memref<1x128xi32, #tpu.memory_space<vmem>> -> memref<128xi32, #tpu.memory_space<vmem>>
      %dma_wait3A_259 = arith.constant 0 : i32
      %dma_wait3A_260 = arith.constant 0 : i32
      %dma_wait3A_261 = tpu.memref_slice %arg10[%dma_wait3A_259, %dma_wait3A_260] : memref<10240x128xf32, #tpu.memory_space<vmem_shared>> -> memref<10240x128xf32, #tpu.memory_space<vmem_shared>>
      tpu.wait_indirect_dma semaphore(%arg12 : memref<!tpu.dma_semaphore, #tpu.memory_space<semaphore_mem>>) src(%arg8 : memref<128x128xf32, #tpu.memory_space<vmem>>) dst(%dma_wait3A_261 : memref<10240x128xf32, #tpu.memory_space<vmem_shared>>)
      %dma_wait3A_262 = arith.constant 7 : i32
      %dma_wait3A_263 = arith.constant 0 : i32
      %dma_wait3A_264 = tpu.memref_slice %arg7[%dma_wait3A_262, %dma_wait3A_263] : memref<8x128xi32, #tpu.memory_space<vmem>> -> memref<1x128xi32, #tpu.memory_space<vmem>>
      %dma_wait3A_265 = tpu.memref_squeeze %dma_wait3A_264 : memref<1x128xi32, #tpu.memory_space<vmem>> -> memref<128xi32, #tpu.memory_space<vmem>>
      %dma_wait3A_266 = arith.constant 0 : i32
      %dma_wait3A_267 = arith.constant 0 : i32
      %dma_wait3A_268 = tpu.memref_slice %arg10[%dma_wait3A_266, %dma_wait3A_267] : memref<10240x128xf32, #tpu.memory_space<vmem_shared>> -> memref<10240x128xf32, #tpu.memory_space<vmem_shared>>
      tpu.wait_indirect_dma semaphore(%arg12 : memref<!tpu.dma_semaphore, #tpu.memory_space<semaphore_mem>>) src(%arg9 : memref<128x128xf32, #tpu.memory_space<vmem>>) dst(%dma_wait3A_268 : memref<10240x128xf32, #tpu.memory_space<vmem_shared>>)
      %while3A_269 = arith.constant 0 : i32
      scf.yield %while3A_269 : i32
    }
    %while3A_36 = arith.constant 1 : i32
    %while3A_37 = scf.for %while3A_39 = %while3A_33 to %while3A_29 step %while3A_36 iter_args(%while3A_40 = %while3A_35) -> (i32)  : i32 {
      %mul3A_41 = arith.constant 8 : i32
      %mul3A_42 = arith.muli %while3A_39, %mul3A_41 : i32
      %add3A_43 = arith.addi %select_n3A, %mul3A_42 : i32
      "tpu.region"() ({
        %run_scoped3A = tpu.sem_alloc : memref<!tpu.dma_semaphore, #tpu.memory_space<semaphore_mem>>
        %dma_start3A_270 = arith.constant 0 : i32
        %dma_start3A_271 = tpu.memref_slice %arg3[%add3A_43, %dma_start3A_270] : memref<2560x128xi32, #tpu.memory_space<hbm>> -> memref<8x128xi32, #tpu.memory_space<hbm>>
        %dma_start3A_272 = arith.constant 0 : i32
        %dma_start3A_273 = tpu.memref_slice %arg3[%add3A_43, %dma_start3A_272] : memref<2560x128xi32, #tpu.memory_space<hbm>> -> memref<8x128xi32, #tpu.memory_space<hbm>>
        tpu.enqueue_dma source(%dma_start3A_273 : memref<8x128xi32, #tpu.memory_space<hbm>>) target(%arg6 : memref<8x128xi32, #tpu.memory_space<vmem>>) target_semaphore(%run_scoped3A : memref<!tpu.dma_semaphore, #tpu.memory_space<semaphore_mem>>)
        %dma_wait3A_274 = arith.constant 0 : i32
        %dma_wait3A_275 = tpu.memref_slice %arg3[%add3A_43, %dma_wait3A_274] : memref<2560x128xi32, #tpu.memory_space<hbm>> -> memref<8x128xi32, #tpu.memory_space<hbm>>
        %dma_wait3A_276 = arith.constant 0 : i32
        %dma_wait3A_277 = tpu.memref_slice %arg3[%add3A_43, %dma_wait3A_276] : memref<2560x128xi32, #tpu.memory_space<hbm>> -> memref<8x128xi32, #tpu.memory_space<hbm>>
        tpu.wait_dma2 semaphore(%run_scoped3A : memref<!tpu.dma_semaphore, #tpu.memory_space<semaphore_mem>>) src(%dma_wait3A_277 : memref<8x128xi32, #tpu.memory_space<hbm>>) dst(%arg6 : memref<8x128xi32, #tpu.memory_space<vmem>>)
        tpu.yield
      }) : () -> ()
      %mul3A_44 = arith.constant 8 : i32
      %mul3A_45 = arith.muli %while3A_39, %mul3A_44 : i32
      %add3A_46 = arith.addi %select_n3A, %mul3A_45 : i32
      "tpu.region"() ({
        %run_scoped3A = tpu.sem_alloc : memref<!tpu.dma_semaphore, #tpu.memory_space<semaphore_mem>>
        %dma_start3A_270 = arith.constant 0 : i32
        %dma_start3A_271 = tpu.memref_slice %arg4[%add3A_46, %dma_start3A_270] : memref<2560x128xi32, #tpu.memory_space<hbm>> -> memref<8x128xi32, #tpu.memory_space<hbm>>
        %dma_start3A_272 = arith.constant 0 : i32
        %dma_start3A_273 = tpu.memref_slice %arg4[%add3A_46, %dma_start3A_272] : memref<2560x128xi32, #tpu.memory_space<hbm>> -> memref<8x128xi32, #tpu.memory_space<hbm>>
        tpu.enqueue_dma source(%dma_start3A_273 : memref<8x128xi32, #tpu.memory_space<hbm>>) target(%arg7 : memref<8x128xi32, #tpu.memory_space<vmem>>) target_semaphore(%run_scoped3A : memref<!tpu.dma_semaphore, #tpu.memory_space<semaphore_mem>>)
        %dma_wait3A_274 = arith.constant 0 : i32
        %dma_wait3A_275 = tpu.memref_slice %arg4[%add3A_46, %dma_wait3A_274] : memref<2560x128xi32, #tpu.memory_space<hbm>> -> memref<8x128xi32, #tpu.memory_space<hbm>>
        %dma_wait3A_276 = arith.constant 0 : i32
        %dma_wait3A_277 = tpu.memref_slice %arg4[%add3A_46, %dma_wait3A_276] : memref<2560x128xi32, #tpu.memory_space<hbm>> -> memref<8x128xi32, #tpu.memory_space<hbm>>
        tpu.wait_dma2 semaphore(%run_scoped3A : memref<!tpu.dma_semaphore, #tpu.memory_space<semaphore_mem>>) src(%dma_wait3A_277 : memref<8x128xi32, #tpu.memory_space<hbm>>) dst(%arg7 : memref<8x128xi32, #tpu.memory_space<vmem>>)
        tpu.yield
      }) : () -> ()
      %dma_start3A = arith.constant 0 : i32
      %dma_start3A_47 = arith.constant 0 : i32
      %dma_start3A_48 = tpu.memref_slice %arg6[%dma_start3A, %dma_start3A_47] : memref<8x128xi32, #tpu.memory_space<vmem>> -> memref<1x128xi32, #tpu.memory_space<vmem>>
      %dma_start3A_49 = tpu.memref_squeeze %dma_start3A_48 : memref<1x128xi32, #tpu.memory_space<vmem>> -> memref<128xi32, #tpu.memory_space<vmem>>
      %dma_start3A_50 = arith.constant 0 : i32
      %dma_start3A_51 = arith.constant 0 : i32
      %dma_start3A_52 = tpu.memref_slice %arg2[%dma_start3A_50, %dma_start3A_51] : memref<10240x128xf32, #tpu.memory_space<hbm>> -> memref<10240x128xf32, #tpu.memory_space<hbm>>
      tpu.enqueue_indirect_dma source(%dma_start3A_52 : memref<10240x128xf32, #tpu.memory_space<hbm>>) target(%arg8 : memref<128x128xf32, #tpu.memory_space<vmem>>) offsets(%dma_start3A_49 : memref<128xi32, #tpu.memory_space<vmem>>) semaphore(%arg11 : memref<!tpu.dma_semaphore, #tpu.memory_space<semaphore_mem>>)
      %dma_start3A_53 = arith.constant 1 : i32
      %dma_start3A_54 = arith.constant 0 : i32
      %dma_start3A_55 = tpu.memref_slice %arg6[%dma_start3A_53, %dma_start3A_54] : memref<8x128xi32, #tpu.memory_space<vmem>> -> memref<1x128xi32, #tpu.memory_space<vmem>>
      %dma_start3A_56 = tpu.memref_squeeze %dma_start3A_55 : memref<1x128xi32, #tpu.memory_space<vmem>> -> memref<128xi32, #tpu.memory_space<vmem>>
      %dma_start3A_57 = arith.constant 0 : i32
      %dma_start3A_58 = arith.constant 0 : i32
      %dma_start3A_59 = tpu.memref_slice %arg2[%dma_start3A_57, %dma_start3A_58] : memref<10240x128xf32, #tpu.memory_space<hbm>> -> memref<10240x128xf32, #tpu.memory_space<hbm>>
      tpu.enqueue_indirect_dma source(%dma_start3A_59 : memref<10240x128xf32, #tpu.memory_space<hbm>>) target(%arg9 : memref<128x128xf32, #tpu.memory_space<vmem>>) offsets(%dma_start3A_56 : memref<128xi32, #tpu.memory_space<vmem>>) semaphore(%arg11 : memref<!tpu.dma_semaphore, #tpu.memory_space<semaphore_mem>>)
      %dma_wait3A = arith.constant 0 : i32
      %dma_wait3A_60 = arith.constant 0 : i32
      %dma_wait3A_61 = tpu.memref_slice %arg6[%dma_wait3A, %dma_wait3A_60] : memref<8x128xi32, #tpu.memory_space<vmem>> -> memref<1x128xi32, #tpu.memory_space<vmem>>
      %dma_wait3A_62 = tpu.memref_squeeze %dma_wait3A_61 : memref<1x128xi32, #tpu.memory_space<vmem>> -> memref<128xi32, #tpu.memory_space<vmem>>
      %dma_wait3A_63 = arith.constant 0 : i32
      %dma_wait3A_64 = arith.constant 0 : i32
      %dma_wait3A_65 = tpu.memref_slice %arg2[%dma_wait3A_63, %dma_wait3A_64] : memref<10240x128xf32, #tpu.memory_space<hbm>> -> memref<10240x128xf32, #tpu.memory_space<hbm>>
      tpu.wait_indirect_dma semaphore(%arg11 : memref<!tpu.dma_semaphore, #tpu.memory_space<semaphore_mem>>) src(%dma_wait3A_65 : memref<10240x128xf32, #tpu.memory_space<hbm>>) dst(%arg8 : memref<128x128xf32, #tpu.memory_space<vmem>>)
      %dma_start3A_66 = arith.constant 0 : i32
      %dma_start3A_67 = arith.constant 0 : i32
      %dma_start3A_68 = tpu.memref_slice %arg7[%dma_start3A_66, %dma_start3A_67] : memref<8x128xi32, #tpu.memory_space<vmem>> -> memref<1x128xi32, #tpu.memory_space<vmem>>
      %dma_start3A_69 = tpu.memref_squeeze %dma_start3A_68 : memref<1x128xi32, #tpu.memory_space<vmem>> -> memref<128xi32, #tpu.memory_space<vmem>>
      %dma_start3A_70 = arith.constant 0 : i32
      %dma_start3A_71 = arith.constant 0 : i32
      %dma_start3A_72 = tpu.memref_slice %arg10[%dma_start3A_70, %dma_start3A_71] : memref<10240x128xf32, #tpu.memory_space<vmem_shared>> -> memref<10240x128xf32, #tpu.memory_space<vmem_shared>>
      tpu.enqueue_indirect_dma source(%arg8 : memref<128x128xf32, #tpu.memory_space<vmem>>) target(%dma_start3A_72 : memref<10240x128xf32, #tpu.memory_space<vmem_shared>>) offsets(%dma_start3A_69 : memref<128xi32, #tpu.memory_space<vmem>>) semaphore(%arg12 : memref<!tpu.dma_semaphore, #tpu.memory_space<semaphore_mem>>) {add = true}
      %dma_wait3A_73 = arith.constant 1 : i32
      %dma_wait3A_74 = arith.constant 0 : i32
      %dma_wait3A_75 = tpu.memref_slice %arg6[%dma_wait3A_73, %dma_wait3A_74] : memref<8x128xi32, #tpu.memory_space<vmem>> -> memref<1x128xi32, #tpu.memory_space<vmem>>
      %dma_wait3A_76 = tpu.memref_squeeze %dma_wait3A_75 : memref<1x128xi32, #tpu.memory_space<vmem>> -> memref<128xi32, #tpu.memory_space<vmem>>
      %dma_wait3A_77 = arith.constant 0 : i32
      %dma_wait3A_78 = arith.constant 0 : i32
      %dma_wait3A_79 = tpu.memref_slice %arg2[%dma_wait3A_77, %dma_wait3A_78] : memref<10240x128xf32, #tpu.memory_space<hbm>> -> memref<10240x128xf32, #tpu.memory_space<hbm>>
      tpu.wait_indirect_dma semaphore(%arg11 : memref<!tpu.dma_semaphore, #tpu.memory_space<semaphore_mem>>) src(%dma_wait3A_79 : memref<10240x128xf32, #tpu.memory_space<hbm>>) dst(%arg9 : memref<128x128xf32, #tpu.memory_space<vmem>>)
      %dma_start3A_80 = arith.constant 1 : i32
      %dma_start3A_81 = arith.constant 0 : i32
      %dma_start3A_82 = tpu.memref_slice %arg7[%dma_start3A_80, %dma_start3A_81] : memref<8x128xi32, #tpu.memory_space<vmem>> -> memref<1x128xi32, #tpu.memory_space<vmem>>
      %dma_start3A_83 = tpu.memref_squeeze %dma_start3A_82 : memref<1x128xi32, #tpu.memory_space<vmem>> -> memref<128xi32, #tpu.memory_space<vmem>>
      %dma_start3A_84 = arith.constant 0 : i32
      %dma_start3A_85 = arith.constant 0 : i32
      %dma_start3A_86 = tpu.memref_slice %arg10[%dma_start3A_84, %dma_start3A_85] : memref<10240x128xf32, #tpu.memory_space<vmem_shared>> -> memref<10240x128xf32, #tpu.memory_space<vmem_shared>>
      tpu.enqueue_indirect_dma source(%arg9 : memref<128x128xf32, #tpu.memory_space<vmem>>) target(%dma_start3A_86 : memref<10240x128xf32, #tpu.memory_space<vmem_shared>>) offsets(%dma_start3A_83 : memref<128xi32, #tpu.memory_space<vmem>>) semaphore(%arg12 : memref<!tpu.dma_semaphore, #tpu.memory_space<semaphore_mem>>) {add = true}
      %dma_wait3A_87 = arith.constant 0 : i32
      %dma_wait3A_88 = arith.constant 0 : i32
      %dma_wait3A_89 = tpu.memref_slice %arg7[%dma_wait3A_87, %dma_wait3A_88] : memref<8x128xi32, #tpu.memory_space<vmem>> -> memref<1x128xi32, #tpu.memory_space<vmem>>
      %dma_wait3A_90 = tpu.memref_squeeze %dma_wait3A_89 : memref<1x128xi32, #tpu.memory_space<vmem>> -> memref<128xi32, #tpu.memory_space<vmem>>
      %dma_wait3A_91 = arith.constant 0 : i32
      %dma_wait3A_92 = arith.constant 0 : i32
      %dma_wait3A_93 = tpu.memref_slice %arg10[%dma_wait3A_91, %dma_wait3A_92] : memref<10240x128xf32, #tpu.memory_space<vmem_shared>> -> memref<10240x128xf32, #tpu.memory_space<vmem_shared>>
      tpu.wait_indirect_dma semaphore(%arg12 : memref<!tpu.dma_semaphore, #tpu.memory_space<semaphore_mem>>) src(%arg8 : memref<128x128xf32, #tpu.memory_space<vmem>>) dst(%dma_wait3A_93 : memref<10240x128xf32, #tpu.memory_space<vmem_shared>>)
      %dma_wait3A_94 = arith.constant 1 : i32
      %dma_wait3A_95 = arith.constant 0 : i32
      %dma_wait3A_96 = tpu.memref_slice %arg7[%dma_wait3A_94, %dma_wait3A_95] : memref<8x128xi32, #tpu.memory_space<vmem>> -> memref<1x128xi32, #tpu.memory_space<vmem>>
      %dma_wait3A_97 = tpu.memref_squeeze %dma_wait3A_96 : memref<1x128xi32, #tpu.memory_space<vmem>> -> memref<128xi32, #tpu.memory_space<vmem>>
      %dma_wait3A_98 = arith.constant 0 : i32
      %dma_wait3A_99 = arith.constant 0 : i32
      %dma_wait3A_100 = tpu.memref_slice %arg10[%dma_wait3A_98, %dma_wait3A_99] : memref<10240x128xf32, #tpu.memory_space<vmem_shared>> -> memref<10240x128xf32, #tpu.memory_space<vmem_shared>>
      tpu.wait_indirect_dma semaphore(%arg12 : memref<!tpu.dma_semaphore, #tpu.memory_space<semaphore_mem>>) src(%arg9 : memref<128x128xf32, #tpu.memory_space<vmem>>) dst(%dma_wait3A_100 : memref<10240x128xf32, #tpu.memory_space<vmem_shared>>)
      %dma_start3A_101 = arith.constant 2 : i32
      %dma_start3A_102 = arith.constant 0 : i32
      %dma_start3A_103 = tpu.memref_slice %arg6[%dma_start3A_101, %dma_start3A_102] : memref<8x128xi32, #tpu.memory_space<vmem>> -> memref<1x128xi32, #tpu.memory_space<vmem>>
      %dma_start3A_104 = tpu.memref_squeeze %dma_start3A_103 : memref<1x128xi32, #tpu.memory_space<vmem>> -> memref<128xi32, #tpu.memory_space<vmem>>
      %dma_start3A_105 = arith.constant 0 : i32
      %dma_start3A_106 = arith.constant 0 : i32
      %dma_start3A_107 = tpu.memref_slice %arg2[%dma_start3A_105, %dma_start3A_106] : memref<10240x128xf32, #tpu.memory_space<hbm>> -> memref<10240x128xf32, #tpu.memory_space<hbm>>
      tpu.enqueue_indirect_dma source(%dma_start3A_107 : memref<10240x128xf32, #tpu.memory_space<hbm>>) target(%arg8 : memref<128x128xf32, #tpu.memory_space<vmem>>) offsets(%dma_start3A_104 : memref<128xi32, #tpu.memory_space<vmem>>) semaphore(%arg11 : memref<!tpu.dma_semaphore, #tpu.memory_space<semaphore_mem>>)
      %dma_start3A_108 = arith.constant 3 : i32
      %dma_start3A_109 = arith.constant 0 : i32
      %dma_start3A_110 = tpu.memref_slice %arg6[%dma_start3A_108, %dma_start3A_109] : memref<8x128xi32, #tpu.memory_space<vmem>> -> memref<1x128xi32, #tpu.memory_space<vmem>>
      %dma_start3A_111 = tpu.memref_squeeze %dma_start3A_110 : memref<1x128xi32, #tpu.memory_space<vmem>> -> memref<128xi32, #tpu.memory_space<vmem>>
      %dma_start3A_112 = arith.constant 0 : i32
      %dma_start3A_113 = arith.constant 0 : i32
      %dma_start3A_114 = tpu.memref_slice %arg2[%dma_start3A_112, %dma_start3A_113] : memref<10240x128xf32, #tpu.memory_space<hbm>> -> memref<10240x128xf32, #tpu.memory_space<hbm>>
      tpu.enqueue_indirect_dma source(%dma_start3A_114 : memref<10240x128xf32, #tpu.memory_space<hbm>>) target(%arg9 : memref<128x128xf32, #tpu.memory_space<vmem>>) offsets(%dma_start3A_111 : memref<128xi32, #tpu.memory_space<vmem>>) semaphore(%arg11 : memref<!tpu.dma_semaphore, #tpu.memory_space<semaphore_mem>>)
      %dma_wait3A_115 = arith.constant 2 : i32
      %dma_wait3A_116 = arith.constant 0 : i32
      %dma_wait3A_117 = tpu.memref_slice %arg6[%dma_wait3A_115, %dma_wait3A_116] : memref<8x128xi32, #tpu.memory_space<vmem>> -> memref<1x128xi32, #tpu.memory_space<vmem>>
      %dma_wait3A_118 = tpu.memref_squeeze %dma_wait3A_117 : memref<1x128xi32, #tpu.memory_space<vmem>> -> memref<128xi32, #tpu.memory_space<vmem>>
      %dma_wait3A_119 = arith.constant 0 : i32
      %dma_wait3A_120 = arith.constant 0 : i32
      %dma_wait3A_121 = tpu.memref_slice %arg2[%dma_wait3A_119, %dma_wait3A_120] : memref<10240x128xf32, #tpu.memory_space<hbm>> -> memref<10240x128xf32, #tpu.memory_space<hbm>>
      tpu.wait_indirect_dma semaphore(%arg11 : memref<!tpu.dma_semaphore, #tpu.memory_space<semaphore_mem>>) src(%dma_wait3A_121 : memref<10240x128xf32, #tpu.memory_space<hbm>>) dst(%arg8 : memref<128x128xf32, #tpu.memory_space<vmem>>)
      %dma_start3A_122 = arith.constant 2 : i32
      %dma_start3A_123 = arith.constant 0 : i32
      %dma_start3A_124 = tpu.memref_slice %arg7[%dma_start3A_122, %dma_start3A_123] : memref<8x128xi32, #tpu.memory_space<vmem>> -> memref<1x128xi32, #tpu.memory_space<vmem>>
      %dma_start3A_125 = tpu.memref_squeeze %dma_start3A_124 : memref<1x128xi32, #tpu.memory_space<vmem>> -> memref<128xi32, #tpu.memory_space<vmem>>
      %dma_start3A_126 = arith.constant 0 : i32
      %dma_start3A_127 = arith.constant 0 : i32
      %dma_start3A_128 = tpu.memref_slice %arg10[%dma_start3A_126, %dma_start3A_127] : memref<10240x128xf32, #tpu.memory_space<vmem_shared>> -> memref<10240x128xf32, #tpu.memory_space<vmem_shared>>
      tpu.enqueue_indirect_dma source(%arg8 : memref<128x128xf32, #tpu.memory_space<vmem>>) target(%dma_start3A_128 : memref<10240x128xf32, #tpu.memory_space<vmem_shared>>) offsets(%dma_start3A_125 : memref<128xi32, #tpu.memory_space<vmem>>) semaphore(%arg12 : memref<!tpu.dma_semaphore, #tpu.memory_space<semaphore_mem>>) {add = true}
      %dma_wait3A_129 = arith.constant 3 : i32
      %dma_wait3A_130 = arith.constant 0 : i32
      %dma_wait3A_131 = tpu.memref_slice %arg6[%dma_wait3A_129, %dma_wait3A_130] : memref<8x128xi32, #tpu.memory_space<vmem>> -> memref<1x128xi32, #tpu.memory_space<vmem>>
      %dma_wait3A_132 = tpu.memref_squeeze %dma_wait3A_131 : memref<1x128xi32, #tpu.memory_space<vmem>> -> memref<128xi32, #tpu.memory_space<vmem>>
      %dma_wait3A_133 = arith.constant 0 : i32
      %dma_wait3A_134 = arith.constant 0 : i32
      %dma_wait3A_135 = tpu.memref_slice %arg2[%dma_wait3A_133, %dma_wait3A_134] : memref<10240x128xf32, #tpu.memory_space<hbm>> -> memref<10240x128xf32, #tpu.memory_space<hbm>>
      tpu.wait_indirect_dma semaphore(%arg11 : memref<!tpu.dma_semaphore, #tpu.memory_space<semaphore_mem>>) src(%dma_wait3A_135 : memref<10240x128xf32, #tpu.memory_space<hbm>>) dst(%arg9 : memref<128x128xf32, #tpu.memory_space<vmem>>)
      %dma_start3A_136 = arith.constant 3 : i32
      %dma_start3A_137 = arith.constant 0 : i32
      %dma_start3A_138 = tpu.memref_slice %arg7[%dma_start3A_136, %dma_start3A_137] : memref<8x128xi32, #tpu.memory_space<vmem>> -> memref<1x128xi32, #tpu.memory_space<vmem>>
      %dma_start3A_139 = tpu.memref_squeeze %dma_start3A_138 : memref<1x128xi32, #tpu.memory_space<vmem>> -> memref<128xi32, #tpu.memory_space<vmem>>
      %dma_start3A_140 = arith.constant 0 : i32
      %dma_start3A_141 = arith.constant 0 : i32
      %dma_start3A_142 = tpu.memref_slice %arg10[%dma_start3A_140, %dma_start3A_141] : memref<10240x128xf32, #tpu.memory_space<vmem_shared>> -> memref<10240x128xf32, #tpu.memory_space<vmem_shared>>
      tpu.enqueue_indirect_dma source(%arg9 : memref<128x128xf32, #tpu.memory_space<vmem>>) target(%dma_start3A_142 : memref<10240x128xf32, #tpu.memory_space<vmem_shared>>) offsets(%dma_start3A_139 : memref<128xi32, #tpu.memory_space<vmem>>) semaphore(%arg12 : memref<!tpu.dma_semaphore, #tpu.memory_space<semaphore_mem>>) {add = true}
      %dma_wait3A_143 = arith.constant 2 : i32
      %dma_wait3A_144 = arith.constant 0 : i32
      %dma_wait3A_145 = tpu.memref_slice %arg7[%dma_wait3A_143, %dma_wait3A_144] : memref<8x128xi32, #tpu.memory_space<vmem>> -> memref<1x128xi32, #tpu.memory_space<vmem>>
      %dma_wait3A_146 = tpu.memref_squeeze %dma_wait3A_145 : memref<1x128xi32, #tpu.memory_space<vmem>> -> memref<128xi32, #tpu.memory_space<vmem>>
      %dma_wait3A_147 = arith.constant 0 : i32
      %dma_wait3A_148 = arith.constant 0 : i32
      %dma_wait3A_149 = tpu.memref_slice %arg10[%dma_wait3A_147, %dma_wait3A_148] : memref<10240x128xf32, #tpu.memory_space<vmem_shared>> -> memref<10240x128xf32, #tpu.memory_space<vmem_shared>>
      tpu.wait_indirect_dma semaphore(%arg12 : memref<!tpu.dma_semaphore, #tpu.memory_space<semaphore_mem>>) src(%arg8 : memref<128x128xf32, #tpu.memory_space<vmem>>) dst(%dma_wait3A_149 : memref<10240x128xf32, #tpu.memory_space<vmem_shared>>)
      %dma_wait3A_150 = arith.constant 3 : i32
      %dma_wait3A_151 = arith.constant 0 : i32
      %dma_wait3A_152 = tpu.memref_slice %arg7[%dma_wait3A_150, %dma_wait3A_151] : memref<8x128xi32, #tpu.memory_space<vmem>> -> memref<1x128xi32, #tpu.memory_space<vmem>>
      %dma_wait3A_153 = tpu.memref_squeeze %dma_wait3A_152 : memref<1x128xi32, #tpu.memory_space<vmem>> -> memref<128xi32, #tpu.memory_space<vmem>>
      %dma_wait3A_154 = arith.constant 0 : i32
      %dma_wait3A_155 = arith.constant 0 : i32
      %dma_wait3A_156 = tpu.memref_slice %arg10[%dma_wait3A_154, %dma_wait3A_155] : memref<10240x128xf32, #tpu.memory_space<vmem_shared>> -> memref<10240x128xf32, #tpu.memory_space<vmem_shared>>
      tpu.wait_indirect_dma semaphore(%arg12 : memref<!tpu.dma_semaphore, #tpu.memory_space<semaphore_mem>>) src(%arg9 : memref<128x128xf32, #tpu.memory_space<vmem>>) dst(%dma_wait3A_156 : memref<10240x128xf32, #tpu.memory_space<vmem_shared>>)
      %dma_start3A_157 = arith.constant 4 : i32
      %dma_start3A_158 = arith.constant 0 : i32
      %dma_start3A_159 = tpu.memref_slice %arg6[%dma_start3A_157, %dma_start3A_158] : memref<8x128xi32, #tpu.memory_space<vmem>> -> memref<1x128xi32, #tpu.memory_space<vmem>>
      %dma_start3A_160 = tpu.memref_squeeze %dma_start3A_159 : memref<1x128xi32, #tpu.memory_space<vmem>> -> memref<128xi32, #tpu.memory_space<vmem>>
      %dma_start3A_161 = arith.constant 0 : i32
      %dma_start3A_162 = arith.constant 0 : i32
      %dma_start3A_163 = tpu.memref_slice %arg2[%dma_start3A_161, %dma_start3A_162] : memref<10240x128xf32, #tpu.memory_space<hbm>> -> memref<10240x128xf32, #tpu.memory_space<hbm>>
      tpu.enqueue_indirect_dma source(%dma_start3A_163 : memref<10240x128xf32, #tpu.memory_space<hbm>>) target(%arg8 : memref<128x128xf32, #tpu.memory_space<vmem>>) offsets(%dma_start3A_160 : memref<128xi32, #tpu.memory_space<vmem>>) semaphore(%arg11 : memref<!tpu.dma_semaphore, #tpu.memory_space<semaphore_mem>>)
      %dma_start3A_164 = arith.constant 5 : i32
      %dma_start3A_165 = arith.constant 0 : i32
      %dma_start3A_166 = tpu.memref_slice %arg6[%dma_start3A_164, %dma_start3A_165] : memref<8x128xi32, #tpu.memory_space<vmem>> -> memref<1x128xi32, #tpu.memory_space<vmem>>
      %dma_start3A_167 = tpu.memref_squeeze %dma_start3A_166 : memref<1x128xi32, #tpu.memory_space<vmem>> -> memref<128xi32, #tpu.memory_space<vmem>>
      %dma_start3A_168 = arith.constant 0 : i32
      %dma_start3A_169 = arith.constant 0 : i32
      %dma_start3A_170 = tpu.memref_slice %arg2[%dma_start3A_168, %dma_start3A_169] : memref<10240x128xf32, #tpu.memory_space<hbm>> -> memref<10240x128xf32, #tpu.memory_space<hbm>>
      tpu.enqueue_indirect_dma source(%dma_start3A_170 : memref<10240x128xf32, #tpu.memory_space<hbm>>) target(%arg9 : memref<128x128xf32, #tpu.memory_space<vmem>>) offsets(%dma_start3A_167 : memref<128xi32, #tpu.memory_space<vmem>>) semaphore(%arg11 : memref<!tpu.dma_semaphore, #tpu.memory_space<semaphore_mem>>)
      %dma_wait3A_171 = arith.constant 4 : i32
      %dma_wait3A_172 = arith.constant 0 : i32
      %dma_wait3A_173 = tpu.memref_slice %arg6[%dma_wait3A_171, %dma_wait3A_172] : memref<8x128xi32, #tpu.memory_space<vmem>> -> memref<1x128xi32, #tpu.memory_space<vmem>>
      %dma_wait3A_174 = tpu.memref_squeeze %dma_wait3A_173 : memref<1x128xi32, #tpu.memory_space<vmem>> -> memref<128xi32, #tpu.memory_space<vmem>>
      %dma_wait3A_175 = arith.constant 0 : i32
      %dma_wait3A_176 = arith.constant 0 : i32
      %dma_wait3A_177 = tpu.memref_slice %arg2[%dma_wait3A_175, %dma_wait3A_176] : memref<10240x128xf32, #tpu.memory_space<hbm>> -> memref<10240x128xf32, #tpu.memory_space<hbm>>
      tpu.wait_indirect_dma semaphore(%arg11 : memref<!tpu.dma_semaphore, #tpu.memory_space<semaphore_mem>>) src(%dma_wait3A_177 : memref<10240x128xf32, #tpu.memory_space<hbm>>) dst(%arg8 : memref<128x128xf32, #tpu.memory_space<vmem>>)
      %dma_start3A_178 = arith.constant 4 : i32
      %dma_start3A_179 = arith.constant 0 : i32
      %dma_start3A_180 = tpu.memref_slice %arg7[%dma_start3A_178, %dma_start3A_179] : memref<8x128xi32, #tpu.memory_space<vmem>> -> memref<1x128xi32, #tpu.memory_space<vmem>>
      %dma_start3A_181 = tpu.memref_squeeze %dma_start3A_180 : memref<1x128xi32, #tpu.memory_space<vmem>> -> memref<128xi32, #tpu.memory_space<vmem>>
      %dma_start3A_182 = arith.constant 0 : i32
      %dma_start3A_183 = arith.constant 0 : i32
      %dma_start3A_184 = tpu.memref_slice %arg10[%dma_start3A_182, %dma_start3A_183] : memref<10240x128xf32, #tpu.memory_space<vmem_shared>> -> memref<10240x128xf32, #tpu.memory_space<vmem_shared>>
      tpu.enqueue_indirect_dma source(%arg8 : memref<128x128xf32, #tpu.memory_space<vmem>>) target(%dma_start3A_184 : memref<10240x128xf32, #tpu.memory_space<vmem_shared>>) offsets(%dma_start3A_181 : memref<128xi32, #tpu.memory_space<vmem>>) semaphore(%arg12 : memref<!tpu.dma_semaphore, #tpu.memory_space<semaphore_mem>>) {add = true}
      %dma_wait3A_185 = arith.constant 5 : i32
      %dma_wait3A_186 = arith.constant 0 : i32
      %dma_wait3A_187 = tpu.memref_slice %arg6[%dma_wait3A_185, %dma_wait3A_186] : memref<8x128xi32, #tpu.memory_space<vmem>> -> memref<1x128xi32, #tpu.memory_space<vmem>>
      %dma_wait3A_188 = tpu.memref_squeeze %dma_wait3A_187 : memref<1x128xi32, #tpu.memory_space<vmem>> -> memref<128xi32, #tpu.memory_space<vmem>>
      %dma_wait3A_189 = arith.constant 0 : i32
      %dma_wait3A_190 = arith.constant 0 : i32
      %dma_wait3A_191 = tpu.memref_slice %arg2[%dma_wait3A_189, %dma_wait3A_190] : memref<10240x128xf32, #tpu.memory_space<hbm>> -> memref<10240x128xf32, #tpu.memory_space<hbm>>
      tpu.wait_indirect_dma semaphore(%arg11 : memref<!tpu.dma_semaphore, #tpu.memory_space<semaphore_mem>>) src(%dma_wait3A_191 : memref<10240x128xf32, #tpu.memory_space<hbm>>) dst(%arg9 : memref<128x128xf32, #tpu.memory_space<vmem>>)
      %dma_start3A_192 = arith.constant 5 : i32
      %dma_start3A_193 = arith.constant 0 : i32
      %dma_start3A_194 = tpu.memref_slice %arg7[%dma_start3A_192, %dma_start3A_193] : memref<8x128xi32, #tpu.memory_space<vmem>> -> memref<1x128xi32, #tpu.memory_space<vmem>>
      %dma_start3A_195 = tpu.memref_squeeze %dma_start3A_194 : memref<1x128xi32, #tpu.memory_space<vmem>> -> memref<128xi32, #tpu.memory_space<vmem>>
      %dma_start3A_196 = arith.constant 0 : i32
      %dma_start3A_197 = arith.constant 0 : i32
      %dma_start3A_198 = tpu.memref_slice %arg10[%dma_start3A_196, %dma_start3A_197] : memref<10240x128xf32, #tpu.memory_space<vmem_shared>> -> memref<10240x128xf32, #tpu.memory_space<vmem_shared>>
      tpu.enqueue_indirect_dma source(%arg9 : memref<128x128xf32, #tpu.memory_space<vmem>>) target(%dma_start3A_198 : memref<10240x128xf32, #tpu.memory_space<vmem_shared>>) offsets(%dma_start3A_195 : memref<128xi32, #tpu.memory_space<vmem>>) semaphore(%arg12 : memref<!tpu.dma_semaphore, #tpu.memory_space<semaphore_mem>>) {add = true}
      %dma_wait3A_199 = arith.constant 4 : i32
      %dma_wait3A_200 = arith.constant 0 : i32
      %dma_wait3A_201 = tpu.memref_slice %arg7[%dma_wait3A_199, %dma_wait3A_200] : memref<8x128xi32, #tpu.memory_space<vmem>> -> memref<1x128xi32, #tpu.memory_space<vmem>>
      %dma_wait3A_202 = tpu.memref_squeeze %dma_wait3A_201 : memref<1x128xi32, #tpu.memory_space<vmem>> -> memref<128xi32, #tpu.memory_space<vmem>>
      %dma_wait3A_203 = arith.constant 0 : i32
      %dma_wait3A_204 = arith.constant 0 : i32
      %dma_wait3A_205 = tpu.memref_slice %arg10[%dma_wait3A_203, %dma_wait3A_204] : memref<10240x128xf32, #tpu.memory_space<vmem_shared>> -> memref<10240x128xf32, #tpu.memory_space<vmem_shared>>
      tpu.wait_indirect_dma semaphore(%arg12 : memref<!tpu.dma_semaphore, #tpu.memory_space<semaphore_mem>>) src(%arg8 : memref<128x128xf32, #tpu.memory_space<vmem>>) dst(%dma_wait3A_205 : memref<10240x128xf32, #tpu.memory_space<vmem_shared>>)
      %dma_wait3A_206 = arith.constant 5 : i32
      %dma_wait3A_207 = arith.constant 0 : i32
      %dma_wait3A_208 = tpu.memref_slice %arg7[%dma_wait3A_206, %dma_wait3A_207] : memref<8x128xi32, #tpu.memory_space<vmem>> -> memref<1x128xi32, #tpu.memory_space<vmem>>
      %dma_wait3A_209 = tpu.memref_squeeze %dma_wait3A_208 : memref<1x128xi32, #tpu.memory_space<vmem>> -> memref<128xi32, #tpu.memory_space<vmem>>
      %dma_wait3A_210 = arith.constant 0 : i32
      %dma_wait3A_211 = arith.constant 0 : i32
      %dma_wait3A_212 = tpu.memref_slice %arg10[%dma_wait3A_210, %dma_wait3A_211] : memref<10240x128xf32, #tpu.memory_space<vmem_shared>> -> memref<10240x128xf32, #tpu.memory_space<vmem_shared>>
      tpu.wait_indirect_dma semaphore(%arg12 : memref<!tpu.dma_semaphore, #tpu.memory_space<semaphore_mem>>) src(%arg9 : memref<128x128xf32, #tpu.memory_space<vmem>>) dst(%dma_wait3A_212 : memref<10240x128xf32, #tpu.memory_space<vmem_shared>>)
      %dma_start3A_213 = arith.constant 6 : i32
      %dma_start3A_214 = arith.constant 0 : i32
      %dma_start3A_215 = tpu.memref_slice %arg6[%dma_start3A_213, %dma_start3A_214] : memref<8x128xi32, #tpu.memory_space<vmem>> -> memref<1x128xi32, #tpu.memory_space<vmem>>
      %dma_start3A_216 = tpu.memref_squeeze %dma_start3A_215 : memref<1x128xi32, #tpu.memory_space<vmem>> -> memref<128xi32, #tpu.memory_space<vmem>>
      %dma_start3A_217 = arith.constant 0 : i32
      %dma_start3A_218 = arith.constant 0 : i32
      %dma_start3A_219 = tpu.memref_slice %arg2[%dma_start3A_217, %dma_start3A_218] : memref<10240x128xf32, #tpu.memory_space<hbm>> -> memref<10240x128xf32, #tpu.memory_space<hbm>>
      tpu.enqueue_indirect_dma source(%dma_start3A_219 : memref<10240x128xf32, #tpu.memory_space<hbm>>) target(%arg8 : memref<128x128xf32, #tpu.memory_space<vmem>>) offsets(%dma_start3A_216 : memref<128xi32, #tpu.memory_space<vmem>>) semaphore(%arg11 : memref<!tpu.dma_semaphore, #tpu.memory_space<semaphore_mem>>)
      %dma_start3A_220 = arith.constant 7 : i32
      %dma_start3A_221 = arith.constant 0 : i32
      %dma_start3A_222 = tpu.memref_slice %arg6[%dma_start3A_220, %dma_start3A_221] : memref<8x128xi32, #tpu.memory_space<vmem>> -> memref<1x128xi32, #tpu.memory_space<vmem>>
      %dma_start3A_223 = tpu.memref_squeeze %dma_start3A_222 : memref<1x128xi32, #tpu.memory_space<vmem>> -> memref<128xi32, #tpu.memory_space<vmem>>
      %dma_start3A_224 = arith.constant 0 : i32
      %dma_start3A_225 = arith.constant 0 : i32
      %dma_start3A_226 = tpu.memref_slice %arg2[%dma_start3A_224, %dma_start3A_225] : memref<10240x128xf32, #tpu.memory_space<hbm>> -> memref<10240x128xf32, #tpu.memory_space<hbm>>
      tpu.enqueue_indirect_dma source(%dma_start3A_226 : memref<10240x128xf32, #tpu.memory_space<hbm>>) target(%arg9 : memref<128x128xf32, #tpu.memory_space<vmem>>) offsets(%dma_start3A_223 : memref<128xi32, #tpu.memory_space<vmem>>) semaphore(%arg11 : memref<!tpu.dma_semaphore, #tpu.memory_space<semaphore_mem>>)
      %dma_wait3A_227 = arith.constant 6 : i32
      %dma_wait3A_228 = arith.constant 0 : i32
      %dma_wait3A_229 = tpu.memref_slice %arg6[%dma_wait3A_227, %dma_wait3A_228] : memref<8x128xi32, #tpu.memory_space<vmem>> -> memref<1x128xi32, #tpu.memory_space<vmem>>
      %dma_wait3A_230 = tpu.memref_squeeze %dma_wait3A_229 : memref<1x128xi32, #tpu.memory_space<vmem>> -> memref<128xi32, #tpu.memory_space<vmem>>
      %dma_wait3A_231 = arith.constant 0 : i32
      %dma_wait3A_232 = arith.constant 0 : i32
      %dma_wait3A_233 = tpu.memref_slice %arg2[%dma_wait3A_231, %dma_wait3A_232] : memref<10240x128xf32, #tpu.memory_space<hbm>> -> memref<10240x128xf32, #tpu.memory_space<hbm>>
      tpu.wait_indirect_dma semaphore(%arg11 : memref<!tpu.dma_semaphore, #tpu.memory_space<semaphore_mem>>) src(%dma_wait3A_233 : memref<10240x128xf32, #tpu.memory_space<hbm>>) dst(%arg8 : memref<128x128xf32, #tpu.memory_space<vmem>>)
      %dma_start3A_234 = arith.constant 6 : i32
      %dma_start3A_235 = arith.constant 0 : i32
      %dma_start3A_236 = tpu.memref_slice %arg7[%dma_start3A_234, %dma_start3A_235] : memref<8x128xi32, #tpu.memory_space<vmem>> -> memref<1x128xi32, #tpu.memory_space<vmem>>
      %dma_start3A_237 = tpu.memref_squeeze %dma_start3A_236 : memref<1x128xi32, #tpu.memory_space<vmem>> -> memref<128xi32, #tpu.memory_space<vmem>>
      %dma_start3A_238 = arith.constant 0 : i32
      %dma_start3A_239 = arith.constant 0 : i32
      %dma_start3A_240 = tpu.memref_slice %arg10[%dma_start3A_238, %dma_start3A_239] : memref<10240x128xf32, #tpu.memory_space<vmem_shared>> -> memref<10240x128xf32, #tpu.memory_space<vmem_shared>>
      tpu.enqueue_indirect_dma source(%arg8 : memref<128x128xf32, #tpu.memory_space<vmem>>) target(%dma_start3A_240 : memref<10240x128xf32, #tpu.memory_space<vmem_shared>>) offsets(%dma_start3A_237 : memref<128xi32, #tpu.memory_space<vmem>>) semaphore(%arg12 : memref<!tpu.dma_semaphore, #tpu.memory_space<semaphore_mem>>) {add = true}
      %dma_wait3A_241 = arith.constant 7 : i32
      %dma_wait3A_242 = arith.constant 0 : i32
      %dma_wait3A_243 = tpu.memref_slice %arg6[%dma_wait3A_241, %dma_wait3A_242] : memref<8x128xi32, #tpu.memory_space<vmem>> -> memref<1x128xi32, #tpu.memory_space<vmem>>
      %dma_wait3A_244 = tpu.memref_squeeze %dma_wait3A_243 : memref<1x128xi32, #tpu.memory_space<vmem>> -> memref<128xi32, #tpu.memory_space<vmem>>
      %dma_wait3A_245 = arith.constant 0 : i32
      %dma_wait3A_246 = arith.constant 0 : i32
      %dma_wait3A_247 = tpu.memref_slice %arg2[%dma_wait3A_245, %dma_wait3A_246] : memref<10240x128xf32, #tpu.memory_space<hbm>> -> memref<10240x128xf32, #tpu.memory_space<hbm>>
      tpu.wait_indirect_dma semaphore(%arg11 : memref<!tpu.dma_semaphore, #tpu.memory_space<semaphore_mem>>) src(%dma_wait3A_247 : memref<10240x128xf32, #tpu.memory_space<hbm>>) dst(%arg9 : memref<128x128xf32, #tpu.memory_space<vmem>>)
      %dma_start3A_248 = arith.constant 7 : i32
      %dma_start3A_249 = arith.constant 0 : i32
      %dma_start3A_250 = tpu.memref_slice %arg7[%dma_start3A_248, %dma_start3A_249] : memref<8x128xi32, #tpu.memory_space<vmem>> -> memref<1x128xi32, #tpu.memory_space<vmem>>
      %dma_start3A_251 = tpu.memref_squeeze %dma_start3A_250 : memref<1x128xi32, #tpu.memory_space<vmem>> -> memref<128xi32, #tpu.memory_space<vmem>>
      %dma_start3A_252 = arith.constant 0 : i32
      %dma_start3A_253 = arith.constant 0 : i32
      %dma_start3A_254 = tpu.memref_slice %arg10[%dma_start3A_252, %dma_start3A_253] : memref<10240x128xf32, #tpu.memory_space<vmem_shared>> -> memref<10240x128xf32, #tpu.memory_space<vmem_shared>>
      tpu.enqueue_indirect_dma source(%arg9 : memref<128x128xf32, #tpu.memory_space<vmem>>) target(%dma_start3A_254 : memref<10240x128xf32, #tpu.memory_space<vmem_shared>>) offsets(%dma_start3A_251 : memref<128xi32, #tpu.memory_space<vmem>>) semaphore(%arg12 : memref<!tpu.dma_semaphore, #tpu.memory_space<semaphore_mem>>) {add = true}
      %dma_wait3A_255 = arith.constant 6 : i32
      %dma_wait3A_256 = arith.constant 0 : i32
      %dma_wait3A_257 = tpu.memref_slice %arg7[%dma_wait3A_255, %dma_wait3A_256] : memref<8x128xi32, #tpu.memory_space<vmem>> -> memref<1x128xi32, #tpu.memory_space<vmem>>
      %dma_wait3A_258 = tpu.memref_squeeze %dma_wait3A_257 : memref<1x128xi32, #tpu.memory_space<vmem>> -> memref<128xi32, #tpu.memory_space<vmem>>
      %dma_wait3A_259 = arith.constant 0 : i32
      %dma_wait3A_260 = arith.constant 0 : i32
      %dma_wait3A_261 = tpu.memref_slice %arg10[%dma_wait3A_259, %dma_wait3A_260] : memref<10240x128xf32, #tpu.memory_space<vmem_shared>> -> memref<10240x128xf32, #tpu.memory_space<vmem_shared>>
      tpu.wait_indirect_dma semaphore(%arg12 : memref<!tpu.dma_semaphore, #tpu.memory_space<semaphore_mem>>) src(%arg8 : memref<128x128xf32, #tpu.memory_space<vmem>>) dst(%dma_wait3A_261 : memref<10240x128xf32, #tpu.memory_space<vmem_shared>>)
      %dma_wait3A_262 = arith.constant 7 : i32
      %dma_wait3A_263 = arith.constant 0 : i32
      %dma_wait3A_264 = tpu.memref_slice %arg7[%dma_wait3A_262, %dma_wait3A_263] : memref<8x128xi32, #tpu.memory_space<vmem>> -> memref<1x128xi32, #tpu.memory_space<vmem>>
      %dma_wait3A_265 = tpu.memref_squeeze %dma_wait3A_264 : memref<1x128xi32, #tpu.memory_space<vmem>> -> memref<128xi32, #tpu.memory_space<vmem>>
      %dma_wait3A_266 = arith.constant 0 : i32
      %dma_wait3A_267 = arith.constant 0 : i32
      %dma_wait3A_268 = tpu.memref_slice %arg10[%dma_wait3A_266, %dma_wait3A_267] : memref<10240x128xf32, #tpu.memory_space<vmem_shared>> -> memref<10240x128xf32, #tpu.memory_space<vmem_shared>>
      tpu.wait_indirect_dma semaphore(%arg12 : memref<!tpu.dma_semaphore, #tpu.memory_space<semaphore_mem>>) src(%arg9 : memref<128x128xf32, #tpu.memory_space<vmem>>) dst(%dma_wait3A_268 : memref<10240x128xf32, #tpu.memory_space<vmem_shared>>)
      %while3A_269 = arith.constant 0 : i32
      scf.yield %while3A_269 : i32
    }
    %barrier3A_38 = arith.constant 0 : index
    tpu.barrier barrier_id(%barrier3A_38)
    "tpu.region"() ({
      %run_scoped3A = tpu.sem_alloc : memref<!tpu.dma_semaphore, #tpu.memory_space<semaphore_mem>>
      %dma_start3A = arith.constant 0 : i32
      %dma_start3A_39 = tpu.memref_slice %arg5[%arg0, %mul3A_6, %dma_start3A] : memref<2x10240x128xf32, #tpu.memory_space<hbm>> -> memref<1x640x128xf32, #tpu.memory_space<hbm>>
      %dma_start3A_40 = tpu.memref_squeeze %dma_start3A_39 : memref<1x640x128xf32, #tpu.memory_space<hbm>> -> memref<640x128xf32, #tpu.memory_space<hbm>>
      %dma_start3A_41 = arith.constant 0 : i32
      %dma_start3A_42 = tpu.memref_slice %arg10[%mul3A_6, %dma_start3A_41] : memref<10240x128xf32, #tpu.memory_space<vmem_shared>> -> memref<640x128xf32, #tpu.memory_space<vmem_shared>>
      tpu.enqueue_dma source(%dma_start3A_42 : memref<640x128xf32, #tpu.memory_space<vmem_shared>>) target(%dma_start3A_40 : memref<640x128xf32, #tpu.memory_space<hbm>>) target_semaphore(%run_scoped3A : memref<!tpu.dma_semaphore, #tpu.memory_space<semaphore_mem>>)
      %dma_wait3A = arith.constant 0 : i32
      %dma_wait3A_43 = tpu.memref_slice %arg5[%arg0, %mul3A_6, %dma_wait3A] : memref<2x10240x128xf32, #tpu.memory_space<hbm>> -> memref<1x640x128xf32, #tpu.memory_space<hbm>>
      %dma_wait3A_44 = tpu.memref_squeeze %dma_wait3A_43 : memref<1x640x128xf32, #tpu.memory_space<hbm>> -> memref<640x128xf32, #tpu.memory_space<hbm>>
      %dma_wait3A_45 = arith.constant 0 : i32
      %dma_wait3A_46 = tpu.memref_slice %arg10[%mul3A_6, %dma_wait3A_45] : memref<10240x128xf32, #tpu.memory_space<vmem_shared>> -> memref<640x128xf32, #tpu.memory_space<vmem_shared>>
      tpu.wait_dma2 semaphore(%run_scoped3A : memref<!tpu.dma_semaphore, #tpu.memory_space<semaphore_mem>>) src(%dma_wait3A_46 : memref<640x128xf32, #tpu.memory_space<vmem_shared>>) dst(%dma_wait3A_44 : memref<640x128xf32, #tpu.memory_space<hbm>>)
      tpu.yield
    }) : () -> ()
    return
  }
}

module attributes {stable_mosaic.version = 14 : i64} {
  func.func @_tc1_body(%arg0: i32, %arg1: memref<2x512x1xf32, #tpu.memory_space<vmem>>, %arg2: memref<512x128xf32, #tpu.memory_space<vmem>>, %arg3: memref<128x128xf32, #tpu.memory_space<vmem>>, %arg4: memref<512x128xf32, #tpu.memory_space<vmem>>) attributes {dimension_semantics = [#tpu.dimension_semantics<arbitrary>], iteration_bounds = array<i64: 20>, scalar_prefetch = 0 : i64, scratch_operands = 0 : i64, tpu.core_type = #tpu.core_type<tc>, window_params = [{transform_indices = @transform_0, window_bounds = array<i64: 2, 512, 1>}, {transform_indices = @transform_1, window_bounds = array<i64: 512, 128>}, {pipeline_mode = #tpu.pipeline_mode<synchronous>, transform_indices = @transform_2, window_bounds = array<i64: 128, 128>}, {transform_indices = @transform_3, window_bounds = array<i64: 512, 128>}]} {
    %get3A = arith.constant 0 : index
    %get3A_0 = arith.constant 0 : index
    %get3A_1 = arith.constant 0 : index
    %get3A_2 = vector.load %arg1[%get3A, %get3A_0, %get3A_1] : memref<2x512x1xf32, #tpu.memory_space<vmem>>, vector<2x512x1xf32>
    %reduce_sum3A = arith.constant dense<0.000000e+00> : vector<512x1xf32>
    %reduce_sum3A_3 = vector.multi_reduction <add>, %get3A_2, %reduce_sum3A [0] : vector<2x512x1xf32> to vector<512x1xf32>
    %max3A = arith.constant 1.000000e+00 : f32
    %max3A_4 = vector.broadcast %max3A : f32 to vector<512x1xf32>
    %max3A_5 = arith.maximumf %reduce_sum3A_3, %max3A_4 : vector<512x1xf32>
    %rsqrt3A = math.rsqrt %max3A_5 : vector<512x1xf32>
    %get3A_6 = arith.constant 0 : index
    %get3A_7 = arith.constant 0 : index
    %get3A_8 = vector.load %arg2[%get3A_6, %get3A_7] : memref<512x128xf32, #tpu.memory_space<vmem>>, vector<512x128xf32>
    %get3A_9 = arith.constant 0 : index
    %get3A_10 = arith.constant 0 : index
    %get3A_11 = vector.load %arg3[%get3A_9, %get3A_10] : memref<128x128xf32, #tpu.memory_space<vmem>>, vector<128x128xf32>
    %dot_general3A = arith.constant dense<0.000000e+00> : vector<512x128xf32>
    %dot_general3A_12 = tpu.matmul %get3A_8, %get3A_11, %dot_general3A {dimension_numbers = #tpu.dot_dimension_numbers<[1], [0], [0], [1], [0, 0, 1, 1], [], []>, transpose_lhs_hint = false} : vector<512x128xf32>, vector<128x128xf32>, vector<512x128xf32> -> vector<512x128xf32>
    %mul3A = vector.broadcast %rsqrt3A : vector<512x1xf32> to vector<512x128xf32>
    %mul3A_13 = arith.mulf %dot_general3A_12, %mul3A : vector<512x128xf32>
    %swap3A = arith.constant 0 : index
    %swap3A_14 = arith.constant 0 : index
    %swap3A_15 = vector.load %arg4[%swap3A, %swap3A_14] : memref<512x128xf32, #tpu.memory_space<vmem>>, vector<512x128xf32>
    tpu.vector_store %arg4[%swap3A, %swap3A_14], %mul3A_13 {strides = array<i32>} : memref<512x128xf32, #tpu.memory_space<vmem>>, vector<512x128xf32>,
    return
  }
  func.func @transform_0(%arg0: i32) -> (i32, i32, i32) {
    %c0_i32 = arith.constant 0 : i32
    %c0_i32_0 = arith.constant 0 : i32
    %c0_i32_1 = arith.constant 0 : i32
    return %c0_i32, %arg0, %c0_i32_0 : i32, i32, i32
  }
  func.func @transform_1(%arg0: i32) -> (i32, i32) {
    %c0_i32 = arith.constant 0 : i32
    %c0_i32_0 = arith.constant 0 : i32
    return %arg0, %c0_i32 : i32, i32
  }
  func.func @transform_2(%arg0: i32) -> (i32, i32) {
    %c0_i32 = arith.constant 0 : i32
    %c0_i32_0 = arith.constant 0 : i32
    %c0_i32_1 = arith.constant 0 : i32
    return %c0_i32, %c0_i32_0 : i32, i32
  }
  func.func @transform_3(%arg0: i32) -> (i32, i32) {
    %c0_i32 = arith.constant 0 : i32
    %c0_i32_0 = arith.constant 0 : i32
    return %arg0, %c0_i32 : i32, i32
  }
}

module attributes {stable_mosaic.version = 14 : i64} {
  func.func @_tc3_body(%arg0: i32, %arg1: memref<2x512x128xf32, #tpu.memory_space<vmem>>, %arg2: memref<2x512x1xf32, #tpu.memory_space<vmem>>, %arg3: memref<1x128xf32, #tpu.memory_space<vmem>>, %arg4: memref<512x128xf32, #tpu.memory_space<vmem>>) attributes {dimension_semantics = [#tpu.dimension_semantics<arbitrary>], iteration_bounds = array<i64: 20>, scalar_prefetch = 0 : i64, scratch_operands = 0 : i64, tpu.core_type = #tpu.core_type<tc>, window_params = [{transform_indices = @transform_0, window_bounds = array<i64: 2, 512, 128>}, {transform_indices = @transform_1, window_bounds = array<i64: 2, 512, 1>}, {pipeline_mode = #tpu.pipeline_mode<synchronous>, transform_indices = @transform_2, window_bounds = array<i64: 1, 128>}, {transform_indices = @transform_3, window_bounds = array<i64: 512, 128>}]} {
    %get3A = arith.constant 0 : index
    %get3A_0 = arith.constant 0 : index
    %get3A_1 = arith.constant 0 : index
    %get3A_2 = vector.load %arg2[%get3A, %get3A_0, %get3A_1] : memref<2x512x1xf32, #tpu.memory_space<vmem>>, vector<2x512x1xf32>
    %reduce_sum3A = arith.constant dense<0.000000e+00> : vector<512x1xf32>
    %reduce_sum3A_3 = vector.multi_reduction <add>, %get3A_2, %reduce_sum3A [0] : vector<2x512x1xf32> to vector<512x1xf32>
    %max3A = arith.constant 1.000000e+00 : f32
    %max3A_4 = vector.broadcast %max3A : f32 to vector<512x1xf32>
    %max3A_5 = arith.maximumf %reduce_sum3A_3, %max3A_4 : vector<512x1xf32>
    %rsqrt3A = math.rsqrt %max3A_5 : vector<512x1xf32>
    %get3A_6 = arith.constant 0 : index
    %get3A_7 = arith.constant 0 : index
    %get3A_8 = arith.constant 0 : index
    %get3A_9 = vector.load %arg1[%get3A_6, %get3A_7, %get3A_8] : memref<2x512x128xf32, #tpu.memory_space<vmem>>, vector<1x512x128xf32>
    %get3A_10 = vector.shape_cast %get3A_9 : vector<1x512x128xf32> to vector<512x128xf32>
    %get3A_11 = arith.constant 1 : index
    %get3A_12 = arith.constant 0 : index
    %get3A_13 = arith.constant 0 : index
    %get3A_14 = vector.load %arg1[%get3A_11, %get3A_12, %get3A_13] : memref<2x512x128xf32, #tpu.memory_space<vmem>>, vector<1x512x128xf32>
    %get3A_15 = vector.shape_cast %get3A_14 : vector<1x512x128xf32> to vector<512x128xf32>
    %add3A = arith.addf %get3A_10, %get3A_15 : vector<512x128xf32>
    %mul3A = vector.broadcast %rsqrt3A : vector<512x1xf32> to vector<512x128xf32>
    %mul3A_16 = arith.mulf %add3A, %mul3A : vector<512x128xf32>
    %get3A_17 = arith.constant 0 : index
    %get3A_18 = arith.constant 0 : index
    %get3A_19 = vector.load %arg3[%get3A_17, %get3A_18] : memref<1x128xf32, #tpu.memory_space<vmem>>, vector<1x128xf32>
    %add3A_20 = vector.broadcast %get3A_19 : vector<1x128xf32> to vector<512x128xf32>
    %add3A_21 = arith.addf %mul3A_16, %add3A_20 : vector<512x128xf32>
    %iota3A = tpu.iota {dimensions = array<i32: 1>} : vector<512x128xi32>
    %lt3A = arith.constant 40 : i32
    %lt3A_22 = vector.broadcast %lt3A : i32 to vector<512x128xi32>
    %lt3A_23 = arith.cmpi slt, %iota3A, %lt3A_22 : vector<512x128xi32>
    %jit3A = arith.constant 0xFF800000 : f32
    %broadcast_in_dim3A = vector.broadcast %jit3A : f32 to vector<512x128xf32>
    %select_n3A = arith.select %lt3A_23, %add3A_21, %broadcast_in_dim3A : vector<512x128xi1>, vector<512x128xf32>
    %reduce_max3A = arith.constant dense<0xFF800000> : vector<512xf32>
    %reduce_max3A_24 = vector.multi_reduction <maximumf>, %select_n3A, %reduce_max3A [1] : vector<512x128xf32> to vector<512xf32>
    %broadcast_in_dim3A_25 = vector.shape_cast %reduce_max3A_24 : vector<512xf32> to vector<512x1xf32>
    %sub3A = vector.broadcast %broadcast_in_dim3A_25 : vector<512x1xf32> to vector<512x128xf32>
    %sub3A_26 = arith.subf %add3A_21, %sub3A : vector<512x128xf32>
    %exp3A = math.exp %sub3A_26 : vector<512x128xf32>
    %jit3A_27 = arith.constant 0.000000e+00 : f32
    %broadcast_in_dim3A_28 = vector.broadcast %jit3A_27 : f32 to vector<512x128xf32>
    %select_n3A_29 = arith.select %lt3A_23, %exp3A, %broadcast_in_dim3A_28 : vector<512x128xi1>, vector<512x128xf32>
    %reduce_sum3A_30 = arith.constant dense<0.000000e+00> : vector<512xf32>
    %reduce_sum3A_31 = vector.multi_reduction <add>, %select_n3A_29, %reduce_sum3A_30 [1] : vector<512x128xf32> to vector<512xf32>
    %broadcast_in_dim3A_32 = vector.shape_cast %reduce_sum3A_31 : vector<512xf32> to vector<512x1xf32>
    %log3A = math.log %broadcast_in_dim3A_32 : vector<512x1xf32>
    %sub3A_33 = vector.broadcast %broadcast_in_dim3A_25 : vector<512x1xf32> to vector<512x128xf32>
    %sub3A_34 = arith.subf %add3A_21, %sub3A_33 : vector<512x128xf32>
    %sub3A_35 = vector.broadcast %log3A : vector<512x1xf32> to vector<512x128xf32>
    %sub3A_36 = arith.subf %sub3A_34, %sub3A_35 : vector<512x128xf32>
    %swap3A = arith.constant 0 : index
    %swap3A_37 = arith.constant 0 : index
    %swap3A_38 = vector.load %arg4[%swap3A, %swap3A_37] : memref<512x128xf32, #tpu.memory_space<vmem>>, vector<512x128xf32>
    tpu.vector_store %arg4[%swap3A, %swap3A_37], %sub3A_36 {strides = array<i32>} : memref<512x128xf32, #tpu.memory_space<vmem>>, vector<512x128xf32>,
    return
  }
  func.func @transform_0(%arg0: i32) -> (i32, i32, i32) {
    %c0_i32 = arith.constant 0 : i32
    %c0_i32_0 = arith.constant 0 : i32
    %c0_i32_1 = arith.constant 0 : i32
    return %c0_i32, %arg0, %c0_i32_0 : i32, i32, i32
  }
  func.func @transform_1(%arg0: i32) -> (i32, i32, i32) {
    %c0_i32 = arith.constant 0 : i32
    %c0_i32_0 = arith.constant 0 : i32
    %c0_i32_1 = arith.constant 0 : i32
    return %c0_i32, %arg0, %c0_i32_0 : i32, i32, i32
  }
  func.func @transform_2(%arg0: i32) -> (i32, i32) {
    %c0_i32 = arith.constant 0 : i32
    %c0_i32_0 = arith.constant 0 : i32
    %c0_i32_1 = arith.constant 0 : i32
    return %c0_i32, %c0_i32_0 : i32, i32
  }
  func.func @transform_3(%arg0: i32) -> (i32, i32) {
    %c0_i32 = arith.constant 0 : i32
    %c0_i32_0 = arith.constant 0 : i32
    return %arg0, %c0_i32 : i32, i32
  }
}

module attributes {stable_mosaic.version = 14 : i64} {
  func.func @_tc2_body(%arg0: i32, %arg1: memref<2x512x128xf32, #tpu.memory_space<vmem>>, %arg2: memref<2x512x1xf32, #tpu.memory_space<vmem>>, %arg3: memref<2x512x1xf32, #tpu.memory_space<vmem>>, %arg4: memref<1x128xf32, #tpu.memory_space<vmem>>, %arg5: memref<128x128xf32, #tpu.memory_space<vmem>>, %arg6: memref<512x128xf32, #tpu.memory_space<vmem>>) attributes {dimension_semantics = [#tpu.dimension_semantics<arbitrary>], iteration_bounds = array<i64: 20>, scalar_prefetch = 0 : i64, scratch_operands = 0 : i64, tpu.core_type = #tpu.core_type<tc>, window_params = [{transform_indices = @transform_0, window_bounds = array<i64: 2, 512, 128>}, {transform_indices = @transform_1, window_bounds = array<i64: 2, 512, 1>}, {transform_indices = @transform_2, window_bounds = array<i64: 2, 512, 1>}, {pipeline_mode = #tpu.pipeline_mode<synchronous>, transform_indices = @transform_3, window_bounds = array<i64: 1, 128>}, {pipeline_mode = #tpu.pipeline_mode<synchronous>, transform_indices = @transform_4, window_bounds = array<i64: 128, 128>}, {transform_indices = @transform_5, window_bounds = array<i64: 512, 128>}]} {
    %get3A = arith.constant 0 : index
    %get3A_0 = arith.constant 0 : index
    %get3A_1 = arith.constant 0 : index
    %get3A_2 = vector.load %arg2[%get3A, %get3A_0, %get3A_1] : memref<2x512x1xf32, #tpu.memory_space<vmem>>, vector<2x512x1xf32>
    %reduce_sum3A = arith.constant dense<0.000000e+00> : vector<512x1xf32>
    %reduce_sum3A_3 = vector.multi_reduction <add>, %get3A_2, %reduce_sum3A [0] : vector<2x512x1xf32> to vector<512x1xf32>
    %max3A = arith.constant 1.000000e+00 : f32
    %max3A_4 = vector.broadcast %max3A : f32 to vector<512x1xf32>
    %max3A_5 = arith.maximumf %reduce_sum3A_3, %max3A_4 : vector<512x1xf32>
    %rsqrt3A = math.rsqrt %max3A_5 : vector<512x1xf32>
    %get3A_6 = arith.constant 0 : index
    %get3A_7 = arith.constant 0 : index
    %get3A_8 = arith.constant 0 : index
    %get3A_9 = vector.load %arg3[%get3A_6, %get3A_7, %get3A_8] : memref<2x512x1xf32, #tpu.memory_space<vmem>>, vector<2x512x1xf32>
    %reduce_sum3A_10 = arith.constant dense<0.000000e+00> : vector<512x1xf32>
    %reduce_sum3A_11 = vector.multi_reduction <add>, %get3A_9, %reduce_sum3A_10 [0] : vector<2x512x1xf32> to vector<512x1xf32>
    %max3A_12 = arith.constant 1.000000e+00 : f32
    %max3A_13 = vector.broadcast %max3A_12 : f32 to vector<512x1xf32>
    %max3A_14 = arith.maximumf %reduce_sum3A_11, %max3A_13 : vector<512x1xf32>
    %rsqrt3A_15 = math.rsqrt %max3A_14 : vector<512x1xf32>
    %get3A_16 = arith.constant 0 : index
    %get3A_17 = arith.constant 0 : index
    %get3A_18 = arith.constant 0 : index
    %get3A_19 = vector.load %arg1[%get3A_16, %get3A_17, %get3A_18] : memref<2x512x128xf32, #tpu.memory_space<vmem>>, vector<1x512x128xf32>
    %get3A_20 = vector.shape_cast %get3A_19 : vector<1x512x128xf32> to vector<512x128xf32>
    %get3A_21 = arith.constant 1 : index
    %get3A_22 = arith.constant 0 : index
    %get3A_23 = arith.constant 0 : index
    %get3A_24 = vector.load %arg1[%get3A_21, %get3A_22, %get3A_23] : memref<2x512x128xf32, #tpu.memory_space<vmem>>, vector<1x512x128xf32>
    %get3A_25 = vector.shape_cast %get3A_24 : vector<1x512x128xf32> to vector<512x128xf32>
    %add3A = arith.addf %get3A_20, %get3A_25 : vector<512x128xf32>
    %mul3A = vector.broadcast %rsqrt3A : vector<512x1xf32> to vector<512x128xf32>
    %mul3A_26 = arith.mulf %add3A, %mul3A : vector<512x128xf32>
    %get3A_27 = arith.constant 0 : index
    %get3A_28 = arith.constant 0 : index
    %get3A_29 = vector.load %arg4[%get3A_27, %get3A_28] : memref<1x128xf32, #tpu.memory_space<vmem>>, vector<1x128xf32>
    %add3A_30 = vector.broadcast %get3A_29 : vector<1x128xf32> to vector<512x128xf32>
    %add3A_31 = arith.addf %mul3A_26, %add3A_30 : vector<512x128xf32>
    %max3A_32 = arith.constant 0.000000e+00 : f32
    %max3A_33 = vector.broadcast %max3A_32 : f32 to vector<512x128xf32>
    %max3A_34 = arith.maximumf %add3A_31, %max3A_33 : vector<512x128xf32>
    %get3A_35 = arith.constant 0 : index
    %get3A_36 = arith.constant 0 : index
    %get3A_37 = vector.load %arg5[%get3A_35, %get3A_36] : memref<128x128xf32, #tpu.memory_space<vmem>>, vector<128x128xf32>
    %dot_general3A = arith.constant dense<0.000000e+00> : vector<512x128xf32>
    %dot_general3A_38 = tpu.matmul %max3A_34, %get3A_37, %dot_general3A {dimension_numbers = #tpu.dot_dimension_numbers<[1], [0], [0], [1], [0, 0, 1, 1], [], []>, transpose_lhs_hint = false} : vector<512x128xf32>, vector<128x128xf32>, vector<512x128xf32> -> vector<512x128xf32>
    %mul3A_39 = vector.broadcast %rsqrt3A_15 : vector<512x1xf32> to vector<512x128xf32>
    %mul3A_40 = arith.mulf %dot_general3A_38, %mul3A_39 : vector<512x128xf32>
    %swap3A = arith.constant 0 : index
    %swap3A_41 = arith.constant 0 : index
    %swap3A_42 = vector.load %arg6[%swap3A, %swap3A_41] : memref<512x128xf32, #tpu.memory_space<vmem>>, vector<512x128xf32>
    tpu.vector_store %arg6[%swap3A, %swap3A_41], %mul3A_40 {strides = array<i32>} : memref<512x128xf32, #tpu.memory_space<vmem>>, vector<512x128xf32>,
    return
  }
  func.func @transform_0(%arg0: i32) -> (i32, i32, i32) {
    %c0_i32 = arith.constant 0 : i32
    %c0_i32_0 = arith.constant 0 : i32
    %c0_i32_1 = arith.constant 0 : i32
    return %c0_i32, %arg0, %c0_i32_0 : i32, i32, i32
  }
  func.func @transform_1(%arg0: i32) -> (i32, i32, i32) {
    %c0_i32 = arith.constant 0 : i32
    %c0_i32_0 = arith.constant 0 : i32
    %c0_i32_1 = arith.constant 0 : i32
    return %c0_i32, %arg0, %c0_i32_0 : i32, i32, i32
  }
  func.func @transform_2(%arg0: i32) -> (i32, i32, i32) {
    %c0_i32 = arith.constant 0 : i32
    %c0_i32_0 = arith.constant 0 : i32
    %c0_i32_1 = arith.constant 0 : i32
    return %c0_i32, %arg0, %c0_i32_0 : i32, i32, i32
  }
  func.func @transform_3(%arg0: i32) -> (i32, i32) {
    %c0_i32 = arith.constant 0 : i32
    %c0_i32_0 = arith.constant 0 : i32
    %c0_i32_1 = arith.constant 0 : i32
    return %c0_i32, %c0_i32_0 : i32, i32
  }
  func.func @transform_4(%arg0: i32) -> (i32, i32) {
    %c0_i32 = arith.constant 0 : i32
    %c0_i32_0 = arith.constant 0 : i32
    %c0_i32_1 = arith.constant 0 : i32
    return %c0_i32, %c0_i32_0 : i32, i32
  }
  func.func @transform_5(%arg0: i32) -> (i32, i32) {
    %c0_i32 = arith.constant 0 : i32
    %c0_i32_0 = arith.constant 0 : i32
    return %arg0, %c0_i32 : i32, i32
  }
}

</mosaic_0001>

<sc_bundles>
// kernel: kernel.11.cloned.1.call-start
scs
__scs_entry_jumppad:
0x0: {  	(pc) =	sbr.rel $0x88, $3  }
0x1: {  	(tag) =	ssettag $0x0;
	lr =	simm.s32 $0x1  }
0x2: {  	[smem:$0x3F9B] =	sst lr;
	_ =	strace $0xD0000000  }
0x3: {  	_ = 	snop  }
0x4: {  	_ = 	snop  }
0x5: {  	_ = 	snop  }
0x6: {  	_ = 	snop  }
0x7: {  	_ = 	snop  }
__scs_overlays_trampoline_lowered:
0x8: {  	[smem:$0x3FAA] =	sst s0  }
0x9: {  	[smem:$0x3FAB] =	sst s1  }
0xa: {  	[smem:$0x3FAC] =	sst s2  }
0xb: {  	[smem:$0x3FAD] =	sst s3  }
0xc: {  	[smem:$0x3FAE] =	sst s4  }
0xd: {  	[smem:$0x3FAF] =	sst s5  }
0xe: {  	[smem:$0x3FB0] =	sst s6  }
0xf: {  	[smem:$0x3FB1] =	sst s7  }
0x10: {  	[smem:$0x3FB2] =	sst s8  }
0x11: {  	[smem:$0x3FB3] =	sst s9;
	s0 =	simm.s32 @!p0 $0x0  }
0x12: {  	s1 =	sld [smem:$0x3F99];
	s0 =	simm.s32 @p0 $0x1  }
0x13: {  	[smem:$0x3FB4] =	sst s0;
	s0 =	simm.s32 @!p1 $0x0  }
0x14: {  	s2 =	sld [smem:$0x3F98];
	s0 =	simm.s32 @p1 $0x1  }
0x15: {  	[smem:$0x3FB5] =	sst s0;
	s0 =	simm.s32 @!p2 $0x0  }
0x16: {  	s3 =	sld [smem:$0x3FDB];
	s0 =	simm.s32 @p2 $0x1  }
0x17: {  	s4 =	simm.s32 $0x1BF5;
	[smem:$0x3FB7] =	sst s0  }
0x18: {  	s0 =	sld [smem:$0x3F9A];
	_ =	swait.ge [sflag:s4], $0x0  }
0x19: {  	s7 =	sld [smem:$0x3F9B]  }
0x1a: {  	s8 =	sadd.s32 $0xFFFFE003, lr  }
0x1b: {  	s9 =	sadd.s32 $0xFFFFFEF7, lr;
	s5 =	simm.s32 $0xFFFFFFFF;
	p2 =	slt.u32 s8, $0xFFFFF086  }
0x1c: {  	p1 =	slt.u32 s9, $0xF7A;
	s5 =	simm.s32 @!p2 $0x0  }
0x1d: {  	s5 =	simm.s32 @p1 $0x1;
	p0 =	seq.s32 s7, s2  }
0x1e: {  	s7 =	smul.u32 @!p0 $0xF7A, s2;
	p2 =	seq.s32 @!p0 s5, $0x0  }
0x1f: {  	s9 =	smul.u32 $0xF7A, s1;
	s8 =	simm.s32 @!p0 $0x1BF5;
	p2 =	por !p2, p0  }
0x20: {  	[sflag:s8] =	ssyncset.s32 @!p0 $0xFFFFF086;
	s6 =	sadd.s32 @!p0 s3, s7;
	s7 =	simm.s32 @!p0 $0x108  }
0x21: {  	s3 =	sadd.s32 s3, s9;
	s6 =	sadd.s32 @!p0 $0x88, s6;
	s7 =	simm.s32 @p2 $0x1082  }
0x22: {  	[simem:s7], [sflag:s8] =	dma.local @!p0 [hbm:s6], $0xF7A  }
0x23: {  	s9 =	sor.u32 $0xD0000000, s2;
	s6 =	simm.s32 $0x108;
	_ =	swait.ge @!p0 [sflag:s8], $0x0  }
0x24: {  	s3 =	sadd.s32 $0x88, s3;
	s6 =	simm.s32 @!p1 $0x1082;
	[sflag:s4] =	ssyncset.s32 $0xFFFFF086  }
0x25: {  	[simem:s6], [sflag:s4] =	dma.local [hbm:s3], $0xF7A  }
0x26: {  	[smem:$0x3F9B] =	sst s1;
	(tag) =	ssettag s2;
	_ =	strace s9  }
0x27: {  	s1 =	sld [smem:$0x3FAB]  }
0x28: {  	s2 =	sld [smem:$0x3FAC]  }
0x29: {  	s4 =	sld [smem:$0x3FAE]  }
0x2a: {  	p0 =	seq.s32 s5, $0x0;
	s5 =	sld [smem:$0x3FAF]  }
0x2b: {  	s6 =	sld [smem:$0x3FB0]  }
0x2c: {  	s7 =	sld [smem:$0x3FB1]  }
0x2d: {  	s3 =	simm.s32 $0x108;
	s8 =	sld [smem:$0x3FB2]  }
0x2e: {  	s3 =	simm.s32 @!p0 $0x1082;
	s9 =	sld [smem:$0x3FB3]  }
0x2f: {  	lr =	sadd.s32 s0, s3;
	s0 =	sld [smem:$0x3FAA]  }
0x30: {  	s3 =	sld [smem:$0x3FAD]  }
0x31: {  	[smem:$0x3FB6] =	sst s10  }
0x32: {  	s10 =	sld [smem:$0x3FB4];
	_ =	sdelay $0x3  }
0x33: {  	p0 =	seq.s32 s10, $0x1;
	s10 =	sld [smem:$0x3FB6];
	_ =	sdelay $0x3  }
0x34: {  	[smem:$0x3FB6] =	sst s10  }
0x35: {  	s10 =	sld [smem:$0x3FB5];
	_ =	sdelay $0x3  }
0x36: {  	p1 =	seq.s32 s10, $0x1;
	s10 =	sld [smem:$0x3FB6];
	_ =	sdelay $0x3  }
0x37: {  	[smem:$0x3FB6] =	sst s10  }
0x38: {  	s10 =	sld [smem:$0x3FB7]  }
0x39: {  	_ = 	snop;
	(pc) =	sbr.ind lr, $3  }
0x3a: {  	_ = 	snop  }
0x3b: {  	_ = 	snop  }
0x3c: {  	p2 =	seq.s32 s10, $0x1;
	s10 =	sld [smem:$0x3FB6]  }
0x3d: {  	_ =	shalt  }
0x3e: {  	_ =	shalt  }
0x3f: {  	_ =	shalt  }
0x40: {  	_ =	shalt  }
0x41: {  	_ =	shalt  }
0x42: {  	_ =	shalt  }
0x43: {  	_ =	shalt  }
0x44: {  	_ =	shalt  }
0x45: {  	_ =	shalt  }
0x46: {  	_ =	shalt  }
0x47: {  	_ =	shalt  }
0x48: {  	_ =	shalt  }
0x49: {  	_ =	shalt  }
0x4a: {  	_ =	shalt  }
0x4b: {  	_ =	shalt  }
0x4c: {  	_ =	shalt  }
0x4d: {  	_ =	shalt  }
0x4e: {  	_ =	shalt  }
0x4f: {  	_ =	shalt  }
0x50: {  	_ =	shalt  }
0x51: {  	_ =	shalt  }
0x52: {  	_ =	shalt  }
0x53: {  	_ =	shalt  }
0x54: {  	_ =	shalt  }
0x55: {  	_ =	shalt  }
0x56: {  	_ =	shalt  }
0x57: {  	_ =	shalt  }
0x58: {  	_ =	shalt  }
0x59: {  	_ =	shalt  }
0x5a: {  	_ =	shalt  }
0x5b: {  	_ =	shalt  }
0x5c: {  	_ =	shalt  }
0x5d: {  	_ =	shalt  }
0x5e: {  	_ =	shalt  }
0x5f: {  	_ =	shalt  }
0x60: {  	_ =	shalt  }
0x61: {  	_ =	shalt  }
0x62: {  	_ =	shalt  }
0x63: {  	_ =	shalt  }
0x64: {  	_ =	shalt  }
0x65: {  	_ =	shalt  }
0x66: {  	_ =	shalt  }
0x67: {  	_ =	shalt  }
0x68: {  	_ =	shalt  }
0x69: {  	_ =	shalt  }
0x6a: {  	_ =	shalt  }
0x6b: {  	_ =	shalt  }
0x6c: {  	_ =	shalt  }
0x6d: {  	_ =	shalt  }
0x6e: {  	_ =	shalt  }
0x6f: {  	_ =	shalt  }
0x70: {  	_ =	shalt  }
0x71: {  	_ =	shalt  }
0x72: {  	_ =	shalt  }
0x73: {  	_ =	shalt  }
0x74: {  	_ =	shalt  }
0x75: {  	_ =	shalt  }
0x76: {  	_ =	shalt  }
0x77: {  	_ =	shalt  }
0x78: {  	_ =	shalt  }
0x79: {  	_ =	shalt  }
0x7a: {  	_ =	shalt  }
0x7b: {  	_ =	shalt  }
0x7c: {  	_ =	shalt  }
0x7d: {  	_ =	shalt  }
0x7e: {  	_ =	shalt  }
0x7f: {  	_ =	shalt  }
0x80: {  	_ =	shalt  }
0x81: {  	_ =	shalt  }
0x82: {  	_ =	shalt  }
0x83: {  	_ =	shalt  }
0x84: {  	_ =	shalt  }
0x85: {  	_ =	shalt  }
0x86: {  	_ =	shalt  }
0x87: {  	_ =	shalt  }
.Lfunc_end0:
.L_simem_size_0:
called_computation.1_lowered:
.L_overlay_start_0:
0x88: {  	s2 =	sld [smem:$0x3FD9]  }
0x89: {  	s3 =	sld [smem:$0x3FFE];
	_ =	sdelay $0x1  }
0x8a: {  	s1 =	srdreg.scid  }
0x8b: {  	s0 =	sand.u32 $0x1, s1  }
0x8c: {  	s17 =	sshll.u32 s0, $0xA;
	s2 =	sadd.s32 s3, s2  }
0x8d: {  	s2 =	sadd.s32 s2, s17  }
0x8e: {  	[smem:$0x3FC2] =	sst s2  }
0x8f: {  	_ = 	snop  }
0x90: {  	s2 =	sld [smem:$0x3FD0];
	(tm) =	ssettm $0x1  }
0x91: {  	s18 =	sld [smem:$0x3FFB];
	_ =	sdelay $0x3  }
0x92: {  	_ =	strace s18  }
0x93: {  	s3 =	sld [smem:$0x3FFC];
	_ =	sdelay $0x3  }
0x94: {  	_ =	strace s3  }
0x95: {  	s3 =	sld [smem:$0x3FFD];
	_ =	sdelay $0x3  }
0x96: {  	_ =	strace s3  }
0x97: {  	_ =	strace $0x8FFFFFFF  }
0x98: {  	s19 =	sld [smem:$0x3FDB];
	_ =	sdelay $0x1  }
0x99: {  	s4 =	simm.s32 $_scs_section_size  }
0x9a: {  	s5 =	simm.s32 $_size__tile_overlayer_lowered;
	s6 =	simm.s32 $_tile_overlayer_lowered  }
0x9b: {  	s22 =	simm.s32 $0x1BFF;
	s21 =	sshll.u32 s6, $0x1;
	s3 =	sadd.s32 s4, s19  }
0x9c: {  	s7 =	simm.s32 $0x0;
	s20 =	sshll.u32 s5, $0x1;
	s5 =	sadd.s32 s21, s3  }
0x9d: {  	[timem:s7], [sflag:s22] =	dma.local [hbm:s5], s20  }
0x9e: {  	_ =	swait.ge [sflag:s22], s20  }
0x9f: {  	s4 =	ssub.s32 $0x0, s20;
	[sflag:s22] =	ssyncset.done $0x0  }
0xa0: {  	[sflag:s22] =	ssyncadd.s32 s4;
	_ =	sdelay $0x1  }
0xa1: {  	s23 =	simm.s32 $0x1B8B  }
0xa2: {  	_ =	swait.ge [sflag:s23], $0x1  }
0xa3: {  	[sflag:s23] =	ssyncset.done $0x0  }
0xa4: {  	s25 =	simm.s32 $0x1B8E;
	s24 =	sld [smem:$0x3FFE];
	[sflag:s23] =	ssyncadd.s32 $0xFFFFFFFF  }
0xa5: {  	s26 =	simm.s32 $execute0_lowered;
	[smem:$0x3FD2] =	sst s25  }
0xa6: {  	s5 =	sshll.u32 s26, $0x1;
	_ =	strace $0x80000049;
	[dreg:$0x1] =	wrdreg $0xFFFFFFFF  }
0xa7: {  	s28 =	simm.s32 $_size_execute0_lowered;
	s3 =	sadd.s32 s3, s5;
	[dreg:$0x0] =	wrdreg $0x0  }
0xa8: {  	s5 =	sshll.u32 s28, $0x1;
	[dreg:$0x2] =	wrdreg s3  }
0xa9: {  	[dreg:$0x3] =	wrdreg s5  }
0xaa: {  	[dreg:$0x4] =	wrdreg $0xC0  }
0xab: {  	_ =	task [dreg:s7], $0x5FFFF  }
0xac: {  	[dreg:$0x1] =	wrdreg $0xFFFFFFFF  }
0xad: {  	[dreg:$0x0] =	wrdreg $0x60  }
0xae: {  	[dreg:$0x2] =	wrdreg s24  }
0xaf: {  	[dreg:$0x3] =	wrdreg s2  }
0xb0: {  	[dreg:$0x4] =	wrdreg $0x88000  }
0xb1: {  	[dreg:$0x5] =	wrdreg $0x9  }
0xb2: {  	_ =	task.clear_ibuf [dreg:s7], $0x6FFFF;
	_ =	strace $0x90000049  }
0xb3: {  	s29 =	simm.s32 $0x9;
	_ =	strace $0x8000004B  }
0xb4: {  	_ =	swait.ge [sflag:s29], $0x1  }
0xb5: {  	[sflag:s29] =	ssyncadd.s32 $0xFFFFFFFF  }
0xb6: {  	_ =	strace $0x9000004B  }
0xb7: {  	_ =	sfence  }
0xb8: {  	s30 =	sld [smem:$0x0];
	_ =	sdelay $0x2  }
0xb9: {  	s31 =	sshll.u32 s1, $0xD;
	s1 =	sshrl.u32 s1, $0x2  }
0xba: {  	s3 =	sand.u32 $0x4000, s31;
	s1 =	sadd.s32 s1, s30  }
0xbb: {  	s0 =	sor.u32 s3, s0;
	s1 =	sshll.u32 s1, $0x11  }
0xbc: {  	s0 =	sor.u32 s1, s0  }
0xbd: {  	s0 =	sadd.s32 $0x8F2B, s0  }
0xbe: {  	[sflag:s0] =	ssyncadd.remote.s32 $0x1  }
0xbf: {  	_ =	sfence.sel $0xFFFF  }
0xc0: {  	[dreg:$0x0] =	wrdreg $0xFFFFFFFF;
	(pc) =	sbr.abs _section_cstart, $3  }
0xc1: {  	[dreg:$0x1] =	wrdreg $0xFFFFFFFF  }
0xc2: {  	_ =	task.clear_ibuf [dreg:s7], $0x2FFFF;
	_ =	strace $0x9FFFFFFF  }
0xc3: {  	(tm) =	ssettm $0x7FFFFFFF  }
tec
execute0_lowered:
.L_overlay_start_1:
0x0: {  	(tag) =	ssettag $0x1  }
0x1: {  	s0 =	rddreg [dreg:$0x0]  }
0x2: {  	s2 =	rddreg [dreg:$0x1]  }
0x3: {  	s1 =	rddreg [dreg:$0x2]  }
0x4: {  	s3 =	simm.s32 $0x0;
	s4 =	srdreg.scid;
	s10 =	stileid.u32  }
0x5: {  	s14 =	simm.s32 $0x800;
	s15 =	simm.s32 $0x3;
	s16 =	simm.s32 $0x400  }
0x6: {  	s17 =	simm.s32 $0x80;
	s18 =	simm.s32 $0x4800;
	s28 =	simm.s32 $0x280  }
0x7: {  	s29 =	simm.s32 $0x600;
	s6 =	sand.u32 $0x1, s4;
	s4 =	smul.u32 $0x98, s10  }
0x8: {  	s30 =	simm.s32 $0x680;
	s31 =	simm.s32 $0x300;
	s8 =	smul.u32 $0x14000, s10  }
0x9: {  	[smem:$0x7FF] =	sst s3;
	s5 =	sshll.u32 s10, $0x3;
	s19 =	smul.u32 $0x50000, s10  }
0xa: {  	p0 =	seq.s32 s6, $0x0;
	s5 =	sor.u32 $0x980, s5;
	s7 =	smul.u32 $0x140000, s6  }
0xb: {  	_ =	strace $0x8000004A;
	s21 =	ssub.s32 $0x2, s6;
	s5 =	smov.u32 @p0 s4  }
0xc: {  	s4 =	sadd.s32 $0xAC400, s0;
	s11 =	sshrl.u32 s21, $0x1;
	p0 =	sne.s32 s6, $0x0  }
0xd: {  	s6 =	simm.s32 $0x780;
	s9 =	sshll.u32 s5, $0x4;
	s7 =	sadd.s32 s8, s7  }
0xe: {  	s5 =	sshrl.u32 s19, $0x2;
	s22 =	ssub.s32 s21, s11;
	s19 =	simm.s32 $0x1  }
0xf: {  	s21 =	simm.s32 $0x2;
	s20 =	sadd.s32 s9, s0;
	s7 =	sshrl.u32 s7, $0x3  }
0x10: {  	s5 =	sadd.s32 s5, s1;
	s11 =	smax.u32 s22, $0x1;
	s9 =	sadd.s32 s9, s2  }
0x11: {  	s22 =	simm.s32 $0x100;
	s2 =	simm.s32 $0x700;
	s23 =	sadd.s32 $0x4000, s5  }
0x12: {  	s0 =	sadd.s32 s7, s0;
	s24 =	sadd.s32 $0x8000, s5;
	[dreg:$0x4] =	wrdreg s23  }
0x13: {  	s25 =	sadd.s32 $0xC000, s5;
	s26 =	sadd.s32 $0x10000, s5;
	[dreg:$0x5] =	wrdreg s24  }
0x14: {  	s8 =	sadd.s32 $0x2400, s20;
	s20 =	simm.s32 $0x480;
	[dreg:$0x6] =	wrdreg s25  }
0x15: {  	s7 =	simm.s32 $0x0;
	[dreg:$0x7] =	wrdreg s26;
	s0 =	sadd.s32 $0xD4400, s0  }
0x16: {  	s23 =	simm.s32 $0x180;
	s24 =	simm.s32 $0x500;
	s25 =	simm.s32 $0x580  }
0x17: {  	v0 =	vimm.f32 $0.0e+00;
	s26 =	simm.s32 $0x200;
	[dreg:$0x8] =	wrdreg s0;
	s0 =	simm.s32 $0x380  }
.LBB2_1:
0x18: {  	s10 =	simm.s32 $0x0;
	s12 =	simm.s32 $0x200  }
.LBB2_2:
0x19: {  	p1 =	sne.s32 s12, $0xFE00;
	[tilespmem:s10+$0x870] =	vst v0  }
0x1a: {  	[tilespmem:s10+$0x800] =	vst v0  }
0x1b: {  	[tilespmem:s10+$0x810] =	vst v0  }
.Ltmp0:
0x1c: {  	[tilespmem:s10+$0x820] =	vst v0;
	(pc) =	sbr.rel @p1 .LBB2_2-.Ltmp0, $4  }
0x1d: {  	[tilespmem:s10+$0x830] =	vst v0  }
0x1e: {  	[tilespmem:s10+$0x840] =	vst v0  }
0x1f: {  	[tilespmem:s10+$0x850] =	vst v0  }
0x20: {  	[tilespmem:s10+$0x860] =	vst v0;
	s10 =	sshra.s32 s12, $0x2;
	s12 =	sadd.s32 $0x200, s12  }
0x21: {  	[tilespmem:s10+$0x870] =	vst v0  }
0x22: {  	[tilespmem:s10+$0x800] =	vst v0  }
0x23: {  	[tilespmem:s10+$0x810] =	vst v0  }
0x24: {  	[tilespmem:s10+$0x820] =	vst v0  }
0x25: {  	[tilespmem:s10+$0x830] =	vst v0  }
0x26: {  	[tilespmem:s10+$0x840] =	vst v0  }
0x27: {  	[tilespmem:s10+$0x850] =	vst v0  }
0x28: {  	[tilespmem:s10+$0x860] =	vst v0  }
0x29: {  	[spmem:s5] =	stream.linear.scatter [tilespmem:s14], [sflag:$0x3], $0x4000, $0x38;
	[tilespmem:$0x1C800] =	vst v63  }
0x2a: {  	_ =	swait.ge [sflag:s15], $0x4000  }
0x2b: {  	[sflag:s15] =	ssyncset.done $0x0  }
0x2c: {  	s12 =	rddreg [dreg:$0x4];
	[sflag:s15] =	ssyncadd.s32 $0xFFFFC000  }
0x2d: {  	[spmem:s12] =	stream.linear.scatter [tilespmem:s14], [sflag:$0x3], $0x4000, $0x38;
	[tilespmem:$0x1C800] =	vst v63  }
0x2e: {  	_ =	swait.ge [sflag:s15], $0x4000  }
0x2f: {  	[sflag:s15] =	ssyncset.done $0x0  }
0x30: {  	s13 =	rddreg [dreg:$0x5];
	[sflag:s15] =	ssyncadd.s32 $0xFFFFC000  }
0x31: {  	[spmem:s13] =	stream.linear.scatter [tilespmem:s14], [sflag:$0x3], $0x4000, $0x38;
	[tilespmem:$0x1C800] =	vst v63  }
0x32: {  	_ =	swait.ge [sflag:s15], $0x4000  }
0x33: {  	[sflag:s15] =	ssyncset.done $0x0  }
0x34: {  	s12 =	rddreg [dreg:$0x6];
	[sflag:s15] =	ssyncadd.s32 $0xFFFFC000  }
0x35: {  	[spmem:s12] =	stream.linear.scatter [tilespmem:s14], [sflag:$0x3], $0x4000, $0x38;
	[tilespmem:$0x1C800] =	vst v63  }
0x36: {  	_ =	swait.ge [sflag:s15], $0x4000  }
0x37: {  	[sflag:s15] =	ssyncset.done $0x0  }
0x38: {  	s13 =	rddreg [dreg:$0x7];
	[sflag:s15] =	ssyncadd.s32 $0xFFFFC000  }
0x39: {  	[spmem:s13] =	stream.linear.scatter [tilespmem:s14], [sflag:$0x3], $0x4000, $0x38;
	[tilespmem:$0x1C800] =	vst v63  }
0x3a: {  	_ =	swait.ge [sflag:s15], $0x4000  }
0x3b: {  	[sflag:s15] =	ssyncset.done $0x0  }
0x3c: {  	s10 =	simm.s32 $0x0;
	[sflag:s15] =	ssyncadd.s32 $0xFFFFC000  }
0x3d: {  	s12 =	smov.u32 s9;
	s13 =	smov.u32 s8;
	[bflag:$0x0] =	sbarrier.arrive $0xFFFF  }
.LBB2_4:
0x3e: {  	[tilespmem:s3], [sflag:$0x3] =	stream.linear.gather [hbm4b:s13+s3], $0x400, $0x38;
	[tilespmem:$0x1C800] =	vst v63  }
0x3f: {  	_ =	swait.ge [sflag:s15], $0x400  }
0x40: {  	[sflag:s15] =	ssyncset.done $0x0  }
0x41: {  	[sflag:s15] =	ssyncadd.s32 $0xFFFFFC00  }
0x42: {  	[tilespmem:s16], [sflag:$0x3] =	stream.linear.gather [hbm4b:s12+s3], $0x400, $0x38;
	[tilespmem:$0x1C800] =	vst v63  }
0x43: {  	_ =	swait.ge [sflag:s15], $0x400  }
0x44: {  	[sflag:s15] =	ssyncset.done $0x0  }
0x45: {  	[sflag:s15] =	ssyncadd.s32 $0xFFFFFC00  }
0x46: {  	[tilespmem:s14], [sflag:$0x1] =	stream.indirect.gather [hbm4b:s4+s17], $0x80, s3, s17, $0xb8;
	[tilespmem:$0x1C800] =	vst v63  }
0x47: {  	_ = 	snop  }
0x48: {  	[tilespmem:s18], [sflag:$0x1] =	stream.indirect.gather [hbm4b:s4+s17], $0x80, s17, s17, $0xb8;
	[tilespmem:$0x1C800] =	vst v63  }
0x49: {  	_ =	swait.ge [sflag:s19], $0x4000  }
0x4a: {  	[sflag:s19] =	ssyncset.done $0x0  }
0x4b: {  	[sflag:s19] =	ssyncadd.s32 $0xFFFFC000  }
0x4c: {  	[spmem:s1] =	stream.indirect.scatter.add.f32 [tilespmem:s14], [sflag:$0x2], $0x80, s16, s17, $0xb8;
	[tilespmem:$0x1C800] =	vst v63  }
0x4d: {  	_ =	swait.ge [sflag:s19], $0x4000  }
0x4e: {  	[sflag:s19] =	ssyncset.done $0x0  }
0x4f: {  	[sflag:s19] =	ssyncadd.s32 $0xFFFFC000  }
0x50: {  	[spmem:s1] =	stream.indirect.scatter.add.f32 [tilespmem:s18], [sflag:$0x2], $0x80, s20, s17, $0xb8;
	[tilespmem:$0x1C800] =	vst v63  }
0x51: {  	_ =	swait.ge [sflag:s21], $0x4000  }
0x52: {  	[sflag:s21] =	ssyncset.done $0x0  }
0x53: {  	[sflag:s21] =	ssyncadd.s32 $0xFFFFC000  }
0x54: {  	_ =	swait.ge [sflag:s21], $0x4000  }
0x55: {  	[sflag:s21] =	ssyncset.done $0x0  }
0x56: {  	[sflag:s21] =	ssyncadd.s32 $0xFFFFC000  }
0x57: {  	[tilespmem:s14], [sflag:$0x1] =	stream.indirect.gather [hbm4b:s4+s17], $0x80, s22, s17, $0xb8;
	[tilespmem:$0x1C800] =	vst v63  }
0x58: {  	_ = 	snop  }
0x59: {  	[tilespmem:s18], [sflag:$0x1] =	stream.indirect.gather [hbm4b:s4+s17], $0x80, s23, s17, $0xb8;
	[tilespmem:$0x1C800] =	vst v63  }
0x5a: {  	_ =	swait.ge [sflag:s19], $0x4000  }
0x5b: {  	[sflag:s19] =	ssyncset.done $0x0  }
0x5c: {  	[sflag:s19] =	ssyncadd.s32 $0xFFFFC000  }
0x5d: {  	[spmem:s1] =	stream.indirect.scatter.add.f32 [tilespmem:s14], [sflag:$0x2], $0x80, s24, s17, $0xb8;
	[tilespmem:$0x1C800] =	vst v63  }
0x5e: {  	_ =	swait.ge [sflag:s19], $0x4000  }
0x5f: {  	[sflag:s19] =	ssyncset.done $0x0  }
0x60: {  	[sflag:s19] =	ssyncadd.s32 $0xFFFFC000  }
0x61: {  	[spmem:s1] =	stream.indirect.scatter.add.f32 [tilespmem:s18], [sflag:$0x2], $0x80, s25, s17, $0xb8;
	[tilespmem:$0x1C800] =	vst v63  }
0x62: {  	_ =	swait.ge [sflag:s21], $0x4000  }
0x63: {  	[sflag:s21] =	ssyncset.done $0x0  }
0x64: {  	[sflag:s21] =	ssyncadd.s32 $0xFFFFC000  }
0x65: {  	_ =	swait.ge [sflag:s21], $0x4000  }
0x66: {  	[sflag:s21] =	ssyncset.done $0x0  }
0x67: {  	[sflag:s21] =	ssyncadd.s32 $0xFFFFC000  }
0x68: {  	[tilespmem:s14], [sflag:$0x1] =	stream.indirect.gather [hbm4b:s4+s17], $0x80, s26, s17, $0xb8;
	[tilespmem:$0x1C800] =	vst v63  }
0x69: {  	_ = 	snop  }
0x6a: {  	[tilespmem:s18], [sflag:$0x1] =	stream.indirect.gather [hbm4b:s4+s17], $0x80, s28, s17, $0xb8;
	[tilespmem:$0x1C800] =	vst v63  }
0x6b: {  	_ =	swait.ge [sflag:s19], $0x4000  }
0x6c: {  	[sflag:s19] =	ssyncset.done $0x0  }
0x6d: {  	[sflag:s19] =	ssyncadd.s32 $0xFFFFC000  }
0x6e: {  	[spmem:s1] =	stream.indirect.scatter.add.f32 [tilespmem:s14], [sflag:$0x2], $0x80, s29, s17, $0xb8;
	[tilespmem:$0x1C800] =	vst v63  }
0x6f: {  	_ =	swait.ge [sflag:s19], $0x4000  }
0x70: {  	[sflag:s19] =	ssyncset.done $0x0  }
0x71: {  	[sflag:s19] =	ssyncadd.s32 $0xFFFFC000  }
0x72: {  	[spmem:s1] =	stream.indirect.scatter.add.f32 [tilespmem:s18], [sflag:$0x2], $0x80, s30, s17, $0xb8;
	[tilespmem:$0x1C800] =	vst v63  }
0x73: {  	_ =	swait.ge [sflag:s21], $0x4000  }
0x74: {  	[sflag:s21] =	ssyncset.done $0x0  }
0x75: {  	[sflag:s21] =	ssyncadd.s32 $0xFFFFC000  }
0x76: {  	_ =	swait.ge [sflag:s21], $0x4000  }
0x77: {  	[sflag:s21] =	ssyncset.done $0x0  }
0x78: {  	[sflag:s21] =	ssyncadd.s32 $0xFFFFC000  }
0x79: {  	[tilespmem:s14], [sflag:$0x1] =	stream.indirect.gather [hbm4b:s4+s17], $0x80, s31, s17, $0xb8;
	[tilespmem:$0x1C800] =	vst v63  }
0x7a: {  	_ = 	snop  }
0x7b: {  	[tilespmem:s18], [sflag:$0x1] =	stream.indirect.gather [hbm4b:s4+s17], $0x80, s0, s17, $0xb8;
	[tilespmem:$0x1C800] =	vst v63  }
0x7c: {  	_ =	swait.ge [sflag:s19], $0x4000  }
0x7d: {  	[sflag:s19] =	ssyncset.done $0x0  }
0x7e: {  	[sflag:s19] =	ssyncadd.s32 $0xFFFFC000  }
0x7f: {  	[spmem:s1] =	stream.indirect.scatter.add.f32 [tilespmem:s14], [sflag:$0x2], $0x80, s2, s17, $0xb8;
	[tilespmem:$0x1C800] =	vst v63  }
0x80: {  	_ =	swait.ge [sflag:s19], $0x4000  }
0x81: {  	[sflag:s19] =	ssyncset.done $0x0  }
0x82: {  	p1 =	slt.u32 @!p0 s10, $0x12;
	[sflag:s19] =	ssyncadd.s32 $0xFFFFC000  }
0x83: {  	[spmem:s1] =	stream.indirect.scatter.add.f32 [tilespmem:s18], [sflag:$0x2], $0x80, s6, s17, $0xb8;
	[tilespmem:$0x1C800] =	vst v63  }
0x84: {  	p1 =	por p0, !p1;
	_ =	swait.ge [sflag:s21], $0x4000  }
.Ltmp1:
0x85: {  	[sflag:s21] =	ssyncset.done $0x0;
	(pc) =	sbr.rel @!p1 .LBB2_4-.Ltmp1, $4  }
0x86: {  	[sflag:s21] =	ssyncadd.s32 $0xFFFFC000  }
0x87: {  	_ =	swait.ge [sflag:s21], $0x4000  }
0x88: {  	s10 =	sadd.s32 $0x1, s10;
	[sflag:s21] =	ssyncset.done $0x0  }
0x89: {  	s13 =	sadd.s32 $0x80, s13;
	s12 =	sadd.s32 $0x80, s12;
	[sflag:s21] =	ssyncadd.s32 $0xFFFFC000  }
0x8a: {  	s10 =	stileid.u32;
	[bflag:$0x0] =	sbarrier.arrive $0xFFFF;
	s7 =	sadd.s32 $0x1, s7  }
0x8b: {  	s12 =	sshrl.u32 s5, $0x3;
	s10 =	sshll.u32 s10, $0x6;
	p1 =	sne.s32 s7, s11  }
.Ltmp2:
0x8c: {  	s13 =	rddreg [dreg:$0x8];
	s10 =	sor.u32 $0x1C03, s10;
	(pc) =	sbr.rel @p1 .LBB2_1-.Ltmp2, $4  }
0x8d: {  	[hbm:s13], [sflag:s10] =	dma.local [spmem:s12], $0x2800  }
0x8e: {  	_ =	swait.ge [sflag:s15], $0x2800  }
0x8f: {  	[sflag:s15] =	ssyncset.done $0x0  }
0x90: {  	[sflag:s15] =	ssyncadd.s32 $0xFFFFD800  }
0x91: {  	_ =	sfence.sel $0x180000  }
0x92: {  	[bflag:$0x0] =	sbarrier.arrive $0xFFFF  }
0x93: {  	_ =	strace $0x9000004A  }
0x94: {  	s0 =	stileid.u32;
	[bflag:$0x2] =	sbarrier.arrive $0xFFFF  }
0x95: {  	p0 =	sne.s32 s0, $0x0;
	s0 =	rddreg [dreg:$0x3]  }
0x96: {  	s0 =	sadd.s32 @!p0 $0x100000, s0  }
0x97: {  	[sflag:s0] =	ssyncadd.tile.s32 @!p0 $0x1;
	_ =	shalt  }
.Lfunc_end2:
_tile_overlayer_lowered:
.L_overlay_start_2:
0x98: {  	(tag) =	ssettag $0x2  }
0x99: {  	s0 =	rddreg [dreg:$0x0];
	s2 =	stileid.u32  }
0x9a: {  	s1 =	rddreg [dreg:$0x1];
	p0 =	sne.s32 s2, $0x0  }
0x9b: {  	s3 =	rddreg [dreg:$0x2];
	[bflag:$0x3] =	sbarrier.arrive $0xFFFF;
	s2 =	simm.s32 @!p0 $0x1C03  }
0x9c: {  	[timem:s3], [sflag:s2] =	dma.local @!p0 [hbm:s0], s1  }
0x9d: {  	s0 =	simm.s32 @!p0 $0x3  }
0x9e: {  	_ =	swait.ge @!p0 [sflag:s0], s1  }
0x9f: {  	s1 =	ssub.s32 @!p0 $0x0, s1;
	[sflag:s0] =	ssyncset.done @!p0 $0x0  }
0xa0: {  	[sflag:s0] =	ssyncadd.s32 @!p0 s1  }
0xa1: {  	[bflag:$0x3] =	sbarrier.arrive $0xFFFF  }
0xa2: {  	_ =	shalt  }

// kernel: kernel.14.cloned.1.call-start
scs
__scs_entry_jumppad:
0x0: {  	(pc) =	sbr.rel $0x88, $3  }
0x1: {  	(tag) =	ssettag $0x0;
	lr =	simm.s32 $0x1  }
0x2: {  	[smem:$0x3F9B] =	sst lr;
	_ =	strace $0xD0000000  }
0x3: {  	_ = 	snop  }
0x4: {  	_ = 	snop  }
0x5: {  	_ = 	snop  }
0x6: {  	_ = 	snop  }
0x7: {  	_ = 	snop  }
__scs_overlays_trampoline_lowered:
0x8: {  	[smem:$0x3FAA] =	sst s0  }
0x9: {  	[smem:$0x3FAB] =	sst s1  }
0xa: {  	[smem:$0x3FAC] =	sst s2  }
0xb: {  	[smem:$0x3FAD] =	sst s3  }
0xc: {  	[smem:$0x3FAE] =	sst s4  }
0xd: {  	[smem:$0x3FAF] =	sst s5  }
0xe: {  	[smem:$0x3FB0] =	sst s6  }
0xf: {  	[smem:$0x3FB1] =	sst s7  }
0x10: {  	[smem:$0x3FB2] =	sst s8  }
0x11: {  	[smem:$0x3FB3] =	sst s9;
	s0 =	simm.s32 @!p0 $0x0  }
0x12: {  	s1 =	sld [smem:$0x3F99];
	s0 =	simm.s32 @p0 $0x1  }
0x13: {  	[smem:$0x3FB4] =	sst s0;
	s0 =	simm.s32 @!p1 $0x0  }
0x14: {  	s2 =	sld [smem:$0x3F98];
	s0 =	simm.s32 @p1 $0x1  }
0x15: {  	[smem:$0x3FB5] =	sst s0;
	s0 =	simm.s32 @!p2 $0x0  }
0x16: {  	s3 =	sld [smem:$0x3FDB];
	s0 =	simm.s32 @p2 $0x1  }
0x17: {  	s4 =	simm.s32 $0x1BF5;
	[smem:$0x3FB7] =	sst s0  }
0x18: {  	s0 =	sld [smem:$0x3F9A];
	_ =	swait.ge [sflag:s4], $0x0  }
0x19: {  	s7 =	sld [smem:$0x3F9B]  }
0x1a: {  	s8 =	sadd.s32 $0xFFFFE003, lr  }
0x1b: {  	s9 =	sadd.s32 $0xFFFFFEF7, lr;
	s5 =	simm.s32 $0xFFFFFFFF;
	p2 =	slt.u32 s8, $0xFFFFF086  }
0x1c: {  	p1 =	slt.u32 s9, $0xF7A;
	s5 =	simm.s32 @!p2 $0x0  }
0x1d: {  	s5 =	simm.s32 @p1 $0x1;
	p0 =	seq.s32 s7, s2  }
0x1e: {  	s7 =	smul.u32 @!p0 $0xF7A, s2;
	p2 =	seq.s32 @!p0 s5, $0x0  }
0x1f: {  	s9 =	smul.u32 $0xF7A, s1;
	s8 =	simm.s32 @!p0 $0x1BF5;
	p2 =	por !p2, p0  }
0x20: {  	[sflag:s8] =	ssyncset.s32 @!p0 $0xFFFFF086;
	s6 =	sadd.s32 @!p0 s3, s7;
	s7 =	simm.s32 @!p0 $0x108  }
0x21: {  	s3 =	sadd.s32 s3, s9;
	s6 =	sadd.s32 @!p0 $0x88, s6;
	s7 =	simm.s32 @p2 $0x1082  }
0x22: {  	[simem:s7], [sflag:s8] =	dma.local @!p0 [hbm:s6], $0xF7A  }
0x23: {  	s9 =	sor.u32 $0xD0000000, s2;
	s6 =	simm.s32 $0x108;
	_ =	swait.ge @!p0 [sflag:s8], $0x0  }
0x24: {  	s3 =	sadd.s32 $0x88, s3;
	s6 =	simm.s32 @!p1 $0x1082;
	[sflag:s4] =	ssyncset.s32 $0xFFFFF086  }
0x25: {  	[simem:s6], [sflag:s4] =	dma.local [hbm:s3], $0xF7A  }
0x26: {  	[smem:$0x3F9B] =	sst s1;
	(tag) =	ssettag s2;
	_ =	strace s9  }
0x27: {  	s1 =	sld [smem:$0x3FAB]  }
0x28: {  	s2 =	sld [smem:$0x3FAC]  }
0x29: {  	s4 =	sld [smem:$0x3FAE]  }
0x2a: {  	p0 =	seq.s32 s5, $0x0;
	s5 =	sld [smem:$0x3FAF]  }
0x2b: {  	s6 =	sld [smem:$0x3FB0]  }
0x2c: {  	s7 =	sld [smem:$0x3FB1]  }
0x2d: {  	s3 =	simm.s32 $0x108;
	s8 =	sld [smem:$0x3FB2]  }
0x2e: {  	s3 =	simm.s32 @!p0 $0x1082;
	s9 =	sld [smem:$0x3FB3]  }
0x2f: {  	lr =	sadd.s32 s0, s3;
	s0 =	sld [smem:$0x3FAA]  }
0x30: {  	s3 =	sld [smem:$0x3FAD]  }
0x31: {  	[smem:$0x3FB6] =	sst s10  }
0x32: {  	s10 =	sld [smem:$0x3FB4];
	_ =	sdelay $0x3  }
0x33: {  	p0 =	seq.s32 s10, $0x1;
	s10 =	sld [smem:$0x3FB6];
	_ =	sdelay $0x3  }
0x34: {  	[smem:$0x3FB6] =	sst s10  }
0x35: {  	s10 =	sld [smem:$0x3FB5];
	_ =	sdelay $0x3  }
0x36: {  	p1 =	seq.s32 s10, $0x1;
	s10 =	sld [smem:$0x3FB6];
	_ =	sdelay $0x3  }
0x37: {  	[smem:$0x3FB6] =	sst s10  }
0x38: {  	s10 =	sld [smem:$0x3FB7]  }
0x39: {  	_ = 	snop;
	(pc) =	sbr.ind lr, $3  }
0x3a: {  	_ = 	snop  }
0x3b: {  	_ = 	snop  }
0x3c: {  	p2 =	seq.s32 s10, $0x1;
	s10 =	sld [smem:$0x3FB6]  }
0x3d: {  	_ =	shalt  }
0x3e: {  	_ =	shalt  }
0x3f: {  	_ =	shalt  }
0x40: {  	_ =	shalt  }
0x41: {  	_ =	shalt  }
0x42: {  	_ =	shalt  }
0x43: {  	_ =	shalt  }
0x44: {  	_ =	shalt  }
0x45: {  	_ =	shalt  }
0x46: {  	_ =	shalt  }
0x47: {  	_ =	shalt  }
0x48: {  	_ =	shalt  }
0x49: {  	_ =	shalt  }
0x4a: {  	_ =	shalt  }
0x4b: {  	_ =	shalt  }
0x4c: {  	_ =	shalt  }
0x4d: {  	_ =	shalt  }
0x4e: {  	_ =	shalt  }
0x4f: {  	_ =	shalt  }
0x50: {  	_ =	shalt  }
0x51: {  	_ =	shalt  }
0x52: {  	_ =	shalt  }
0x53: {  	_ =	shalt  }
0x54: {  	_ =	shalt  }
0x55: {  	_ =	shalt  }
0x56: {  	_ =	shalt  }
0x57: {  	_ =	shalt  }
0x58: {  	_ =	shalt  }
0x59: {  	_ =	shalt  }
0x5a: {  	_ =	shalt  }
0x5b: {  	_ =	shalt  }
0x5c: {  	_ =	shalt  }
0x5d: {  	_ =	shalt  }
0x5e: {  	_ =	shalt  }
0x5f: {  	_ =	shalt  }
0x60: {  	_ =	shalt  }
0x61: {  	_ =	shalt  }
0x62: {  	_ =	shalt  }
0x63: {  	_ =	shalt  }
0x64: {  	_ =	shalt  }
0x65: {  	_ =	shalt  }
0x66: {  	_ =	shalt  }
0x67: {  	_ =	shalt  }
0x68: {  	_ =	shalt  }
0x69: {  	_ =	shalt  }
0x6a: {  	_ =	shalt  }
0x6b: {  	_ =	shalt  }
0x6c: {  	_ =	shalt  }
0x6d: {  	_ =	shalt  }
0x6e: {  	_ =	shalt  }
0x6f: {  	_ =	shalt  }
0x70: {  	_ =	shalt  }
0x71: {  	_ =	shalt  }
0x72: {  	_ =	shalt  }
0x73: {  	_ =	shalt  }
0x74: {  	_ =	shalt  }
0x75: {  	_ =	shalt  }
0x76: {  	_ =	shalt  }
0x77: {  	_ =	shalt  }
0x78: {  	_ =	shalt  }
0x79: {  	_ =	shalt  }
0x7a: {  	_ =	shalt  }
0x7b: {  	_ =	shalt  }
0x7c: {  	_ =	shalt  }
0x7d: {  	_ =	shalt  }
0x7e: {  	_ =	shalt  }
0x7f: {  	_ =	shalt  }
0x80: {  	_ =	shalt  }
0x81: {  	_ =	shalt  }
0x82: {  	_ =	shalt  }
0x83: {  	_ =	shalt  }
0x84: {  	_ =	shalt  }
0x85: {  	_ =	shalt  }
0x86: {  	_ =	shalt  }
0x87: {  	_ =	shalt  }
.Lfunc_end0:
.L_simem_size_0:
called_computation.2_lowered:
.L_overlay_start_0:
0x88: {  	s2 =	sld [smem:$0x3FD9]  }
0x89: {  	s3 =	sld [smem:$0x3FFE];
	_ =	sdelay $0x1  }
0x8a: {  	s1 =	srdreg.scid  }
0x8b: {  	s0 =	sand.u32 $0x1, s1  }
0x8c: {  	s17 =	sshll.u32 s0, $0xA;
	s2 =	sadd.s32 s3, s2  }
0x8d: {  	s2 =	sadd.s32 s2, s17  }
0x8e: {  	[smem:$0x3FC2] =	sst s2  }
0x8f: {  	_ = 	snop  }
0x90: {  	s2 =	sld [smem:$0x3FD0];
	(tm) =	ssettm $0x1  }
0x91: {  	s18 =	sld [smem:$0x3FFB];
	_ =	sdelay $0x3  }
0x92: {  	_ =	strace s18  }
0x93: {  	s3 =	sld [smem:$0x3FFC];
	_ =	sdelay $0x3  }
0x94: {  	_ =	strace s3  }
0x95: {  	s3 =	sld [smem:$0x3FFD];
	_ =	sdelay $0x3  }
0x96: {  	_ =	strace s3  }
0x97: {  	_ =	strace $0x8FFFFFFF  }
0x98: {  	s19 =	sld [smem:$0x3FDB];
	_ =	sdelay $0x1  }
0x99: {  	s4 =	simm.s32 $_scs_section_size  }
0x9a: {  	s5 =	simm.s32 $_size__tile_overlayer_lowered;
	s6 =	simm.s32 $_tile_overlayer_lowered  }
0x9b: {  	s22 =	simm.s32 $0x1BFF;
	s21 =	sshll.u32 s6, $0x1;
	s3 =	sadd.s32 s4, s19  }
0x9c: {  	s7 =	simm.s32 $0x0;
	s20 =	sshll.u32 s5, $0x1;
	s5 =	sadd.s32 s21, s3  }
0x9d: {  	[timem:s7], [sflag:s22] =	dma.local [hbm:s5], s20  }
0x9e: {  	_ =	swait.ge [sflag:s22], s20  }
0x9f: {  	s4 =	ssub.s32 $0x0, s20;
	[sflag:s22] =	ssyncset.done $0x0  }
0xa0: {  	[sflag:s22] =	ssyncadd.s32 s4;
	_ =	sdelay $0x1  }
0xa1: {  	s23 =	simm.s32 $0x1B8B  }
0xa2: {  	_ =	swait.ge [sflag:s23], $0x1  }
0xa3: {  	[sflag:s23] =	ssyncset.done $0x0  }
0xa4: {  	s25 =	simm.s32 $0x1B8E;
	s24 =	sld [smem:$0x3FFE];
	[sflag:s23] =	ssyncadd.s32 $0xFFFFFFFF  }
0xa5: {  	s26 =	simm.s32 $execute0_lowered;
	[smem:$0x3FD2] =	sst s25  }
0xa6: {  	s5 =	sshll.u32 s26, $0x1;
	_ =	strace $0x8000004C;
	[dreg:$0x1] =	wrdreg $0xFFFFFFFF  }
0xa7: {  	s28 =	simm.s32 $_size_execute0_lowered;
	s3 =	sadd.s32 s3, s5;
	[dreg:$0x0] =	wrdreg $0x0  }
0xa8: {  	s5 =	sshll.u32 s28, $0x1;
	[dreg:$0x2] =	wrdreg s3  }
0xa9: {  	[dreg:$0x3] =	wrdreg s5  }
0xaa: {  	[dreg:$0x4] =	wrdreg $0xC0  }
0xab: {  	_ =	task [dreg:s7], $0x5FFFF  }
0xac: {  	[dreg:$0x1] =	wrdreg $0xFFFFFFFF  }
0xad: {  	[dreg:$0x0] =	wrdreg $0x60  }
0xae: {  	[dreg:$0x2] =	wrdreg s24  }
0xaf: {  	[dreg:$0x3] =	wrdreg s2  }
0xb0: {  	[dreg:$0x4] =	wrdreg $0x88000  }
0xb1: {  	[dreg:$0x5] =	wrdreg $0x9  }
0xb2: {  	_ =	task.clear_ibuf [dreg:s7], $0x6FFFF;
	_ =	strace $0x9000004C  }
0xb3: {  	s29 =	simm.s32 $0x9;
	_ =	strace $0x8000004E  }
0xb4: {  	_ =	swait.ge [sflag:s29], $0x1  }
0xb5: {  	[sflag:s29] =	ssyncadd.s32 $0xFFFFFFFF  }
0xb6: {  	_ =	strace $0x9000004E  }
0xb7: {  	_ =	sfence  }
0xb8: {  	s30 =	sld [smem:$0x0];
	_ =	sdelay $0x2  }
0xb9: {  	s31 =	sshll.u32 s1, $0xD;
	s1 =	sshrl.u32 s1, $0x2  }
0xba: {  	s3 =	sand.u32 $0x4000, s31;
	s1 =	sadd.s32 s1, s30  }
0xbb: {  	s0 =	sor.u32 s3, s0;
	s1 =	sshll.u32 s1, $0x11  }
0xbc: {  	s0 =	sor.u32 s1, s0  }
0xbd: {  	s0 =	sadd.s32 $0x8F2B, s0  }
0xbe: {  	[sflag:s0] =	ssyncadd.remote.s32 $0x1  }
0xbf: {  	_ =	sfence.sel $0xFFFF  }
0xc0: {  	[dreg:$0x0] =	wrdreg $0xFFFFFFFF;
	(pc) =	sbr.abs _section_cstart, $3  }
0xc1: {  	[dreg:$0x1] =	wrdreg $0xFFFFFFFF  }
0xc2: {  	_ =	task.clear_ibuf [dreg:s7], $0x2FFFF;
	_ =	strace $0x9FFFFFFF  }
0xc3: {  	(tm) =	ssettm $0x7FFFFFFF  }
tec
execute0_lowered:
.L_overlay_start_1:
0x0: {  	(tag) =	ssettag $0x1  }
0x1: {  	s0 =	rddreg [dreg:$0x0]  }
0x2: {  	s2 =	rddreg [dreg:$0x1]  }
0x3: {  	s1 =	rddreg [dreg:$0x2]  }
0x4: {  	s3 =	simm.s32 $0x0;
	s4 =	srdreg.scid;
	s10 =	stileid.u32  }
0x5: {  	s14 =	simm.s32 $0x800;
	s15 =	simm.s32 $0x3;
	s16 =	simm.s32 $0x400  }
0x6: {  	s17 =	simm.s32 $0x80;
	s18 =	simm.s32 $0x4800;
	s28 =	simm.s32 $0x280  }
0x7: {  	s29 =	simm.s32 $0x600;
	s6 =	sand.u32 $0x1, s4;
	s4 =	smul.u32 $0x98, s10  }
0x8: {  	s30 =	simm.s32 $0x680;
	s31 =	simm.s32 $0x300;
	s8 =	smul.u32 $0x14000, s10  }
0x9: {  	[smem:$0x7FF] =	sst s3;
	s5 =	sshll.u32 s10, $0x3;
	s19 =	smul.u32 $0x50000, s10  }
0xa: {  	p0 =	seq.s32 s6, $0x0;
	s5 =	sor.u32 $0x980, s5;
	s7 =	smul.u32 $0x140000, s6  }
0xb: {  	_ =	strace $0x8000004D;
	s21 =	ssub.s32 $0x2, s6;
	s5 =	smov.u32 @p0 s4  }
0xc: {  	s4 =	sadd.s32 $0xC400, s0;
	s11 =	sshrl.u32 s21, $0x1;
	p0 =	sne.s32 s6, $0x0  }
0xd: {  	s6 =	simm.s32 $0x780;
	s9 =	sshll.u32 s5, $0x4;
	s7 =	sadd.s32 s8, s7  }
0xe: {  	s5 =	sshrl.u32 s19, $0x2;
	s22 =	ssub.s32 s21, s11;
	s19 =	simm.s32 $0x1  }
0xf: {  	s21 =	simm.s32 $0x2;
	s20 =	sadd.s32 s9, s0;
	s7 =	sshrl.u32 s7, $0x3  }
0x10: {  	s5 =	sadd.s32 s5, s1;
	s11 =	smax.u32 s22, $0x1;
	s9 =	sadd.s32 s9, s2  }
0x11: {  	s22 =	simm.s32 $0x100;
	s2 =	simm.s32 $0x700;
	s23 =	sadd.s32 $0x4000, s5  }
0x12: {  	s0 =	sadd.s32 s7, s0;
	s24 =	sadd.s32 $0x8000, s5;
	[dreg:$0x4] =	wrdreg s23  }
0x13: {  	s25 =	sadd.s32 $0xC000, s5;
	s26 =	sadd.s32 $0x10000, s5;
	[dreg:$0x5] =	wrdreg s24  }
0x14: {  	s8 =	sadd.s32 $0x2400, s20;
	s20 =	simm.s32 $0x480;
	[dreg:$0x6] =	wrdreg s25  }
0x15: {  	s7 =	simm.s32 $0x0;
	[dreg:$0x7] =	wrdreg s26;
	s0 =	sadd.s32 $0xAC400, s0  }
0x16: {  	s23 =	simm.s32 $0x180;
	s24 =	simm.s32 $0x500;
	s25 =	simm.s32 $0x580  }
0x17: {  	v0 =	vimm.f32 $0.0e+00;
	s26 =	simm.s32 $0x200;
	[dreg:$0x8] =	wrdreg s0;
	s0 =	simm.s32 $0x380  }
.LBB2_1:
0x18: {  	s10 =	simm.s32 $0x0;
	s12 =	simm.s32 $0x200  }
.LBB2_2:
0x19: {  	p1 =	sne.s32 s12, $0xFE00;
	[tilespmem:s10+$0x870] =	vst v0  }
0x1a: {  	[tilespmem:s10+$0x800] =	vst v0  }
0x1b: {  	[tilespmem:s10+$0x810] =	vst v0  }
.Ltmp0:
0x1c: {  	[tilespmem:s10+$0x820] =	vst v0;
	(pc) =	sbr.rel @p1 .LBB2_2-.Ltmp0, $4  }
0x1d: {  	[tilespmem:s10+$0x830] =	vst v0  }
0x1e: {  	[tilespmem:s10+$0x840] =	vst v0  }
0x1f: {  	[tilespmem:s10+$0x850] =	vst v0  }
0x20: {  	[tilespmem:s10+$0x860] =	vst v0;
	s10 =	sshra.s32 s12, $0x2;
	s12 =	sadd.s32 $0x200, s12  }
0x21: {  	[tilespmem:s10+$0x870] =	vst v0  }
0x22: {  	[tilespmem:s10+$0x800] =	vst v0  }
0x23: {  	[tilespmem:s10+$0x810] =	vst v0  }
0x24: {  	[tilespmem:s10+$0x820] =	vst v0  }
0x25: {  	[tilespmem:s10+$0x830] =	vst v0  }
0x26: {  	[tilespmem:s10+$0x840] =	vst v0  }
0x27: {  	[tilespmem:s10+$0x850] =	vst v0  }
0x28: {  	[tilespmem:s10+$0x860] =	vst v0  }
0x29: {  	[spmem:s5] =	stream.linear.scatter [tilespmem:s14], [sflag:$0x3], $0x4000, $0x38;
	[tilespmem:$0x1C800] =	vst v63  }
0x2a: {  	_ =	swait.ge [sflag:s15], $0x4000  }
0x2b: {  	[sflag:s15] =	ssyncset.done $0x0  }
0x2c: {  	s12 =	rddreg [dreg:$0x4];
	[sflag:s15] =	ssyncadd.s32 $0xFFFFC000  }
0x2d: {  	[spmem:s12] =	stream.linear.scatter [tilespmem:s14], [sflag:$0x3], $0x4000, $0x38;
	[tilespmem:$0x1C800] =	vst v63  }
0x2e: {  	_ =	swait.ge [sflag:s15], $0x4000  }
0x2f: {  	[sflag:s15] =	ssyncset.done $0x0  }
0x30: {  	s13 =	rddreg [dreg:$0x5];
	[sflag:s15] =	ssyncadd.s32 $0xFFFFC000  }
0x31: {  	[spmem:s13] =	stream.linear.scatter [tilespmem:s14], [sflag:$0x3], $0x4000, $0x38;
	[tilespmem:$0x1C800] =	vst v63  }
0x32: {  	_ =	swait.ge [sflag:s15], $0x4000  }
0x33: {  	[sflag:s15] =	ssyncset.done $0x0  }
0x34: {  	s12 =	rddreg [dreg:$0x6];
	[sflag:s15] =	ssyncadd.s32 $0xFFFFC000  }
0x35: {  	[spmem:s12] =	stream.linear.scatter [tilespmem:s14], [sflag:$0x3], $0x4000, $0x38;
	[tilespmem:$0x1C800] =	vst v63  }
0x36: {  	_ =	swait.ge [sflag:s15], $0x4000  }
0x37: {  	[sflag:s15] =	ssyncset.done $0x0  }
0x38: {  	s13 =	rddreg [dreg:$0x7];
	[sflag:s15] =	ssyncadd.s32 $0xFFFFC000  }
0x39: {  	[spmem:s13] =	stream.linear.scatter [tilespmem:s14], [sflag:$0x3], $0x4000, $0x38;
	[tilespmem:$0x1C800] =	vst v63  }
0x3a: {  	_ =	swait.ge [sflag:s15], $0x4000  }
0x3b: {  	[sflag:s15] =	ssyncset.done $0x0  }
0x3c: {  	s10 =	simm.s32 $0x0;
	[sflag:s15] =	ssyncadd.s32 $0xFFFFC000  }
0x3d: {  	s12 =	smov.u32 s9;
	s13 =	smov.u32 s8;
	[bflag:$0x0] =	sbarrier.arrive $0xFFFF  }
.LBB2_4:
0x3e: {  	[tilespmem:s3], [sflag:$0x3] =	stream.linear.gather [hbm4b:s13+s3], $0x400, $0x38;
	[tilespmem:$0x1C800] =	vst v63  }
0x3f: {  	_ =	swait.ge [sflag:s15], $0x400  }
0x40: {  	[sflag:s15] =	ssyncset.done $0x0  }
0x41: {  	[sflag:s15] =	ssyncadd.s32 $0xFFFFFC00  }
0x42: {  	[tilespmem:s16], [sflag:$0x3] =	stream.linear.gather [hbm4b:s12+s3], $0x400, $0x38;
	[tilespmem:$0x1C800] =	vst v63  }
0x43: {  	_ =	swait.ge [sflag:s15], $0x400  }
0x44: {  	[sflag:s15] =	ssyncset.done $0x0  }
0x45: {  	[sflag:s15] =	ssyncadd.s32 $0xFFFFFC00  }
0x46: {  	[tilespmem:s14], [sflag:$0x1] =	stream.indirect.gather [hbm4b:s4+s17], $0x80, s3, s17, $0xb8;
	[tilespmem:$0x1C800] =	vst v63  }
0x47: {  	_ = 	snop  }
0x48: {  	[tilespmem:s18], [sflag:$0x1] =	stream.indirect.gather [hbm4b:s4+s17], $0x80, s17, s17, $0xb8;
	[tilespmem:$0x1C800] =	vst v63  }
0x49: {  	_ =	swait.ge [sflag:s19], $0x4000  }
0x4a: {  	[sflag:s19] =	ssyncset.done $0x0  }
0x4b: {  	[sflag:s19] =	ssyncadd.s32 $0xFFFFC000  }
0x4c: {  	[spmem:s1] =	stream.indirect.scatter.add.f32 [tilespmem:s14], [sflag:$0x2], $0x80, s16, s17, $0xb8;
	[tilespmem:$0x1C800] =	vst v63  }
0x4d: {  	_ =	swait.ge [sflag:s19], $0x4000  }
0x4e: {  	[sflag:s19] =	ssyncset.done $0x0  }
0x4f: {  	[sflag:s19] =	ssyncadd.s32 $0xFFFFC000  }
0x50: {  	[spmem:s1] =	stream.indirect.scatter.add.f32 [tilespmem:s18], [sflag:$0x2], $0x80, s20, s17, $0xb8;
	[tilespmem:$0x1C800] =	vst v63  }
0x51: {  	_ =	swait.ge [sflag:s21], $0x4000  }
0x52: {  	[sflag:s21] =	ssyncset.done $0x0  }
0x53: {  	[sflag:s21] =	ssyncadd.s32 $0xFFFFC000  }
0x54: {  	_ =	swait.ge [sflag:s21], $0x4000  }
0x55: {  	[sflag:s21] =	ssyncset.done $0x0  }
0x56: {  	[sflag:s21] =	ssyncadd.s32 $0xFFFFC000  }
0x57: {  	[tilespmem:s14], [sflag:$0x1] =	stream.indirect.gather [hbm4b:s4+s17], $0x80, s22, s17, $0xb8;
	[tilespmem:$0x1C800] =	vst v63  }
0x58: {  	_ = 	snop  }
0x59: {  	[tilespmem:s18], [sflag:$0x1] =	stream.indirect.gather [hbm4b:s4+s17], $0x80, s23, s17, $0xb8;
	[tilespmem:$0x1C800] =	vst v63  }
0x5a: {  	_ =	swait.ge [sflag:s19], $0x4000  }
0x5b: {  	[sflag:s19] =	ssyncset.done $0x0  }
0x5c: {  	[sflag:s19] =	ssyncadd.s32 $0xFFFFC000  }
0x5d: {  	[spmem:s1] =	stream.indirect.scatter.add.f32 [tilespmem:s14], [sflag:$0x2], $0x80, s24, s17, $0xb8;
	[tilespmem:$0x1C800] =	vst v63  }
0x5e: {  	_ =	swait.ge [sflag:s19], $0x4000  }
0x5f: {  	[sflag:s19] =	ssyncset.done $0x0  }
0x60: {  	[sflag:s19] =	ssyncadd.s32 $0xFFFFC000  }
0x61: {  	[spmem:s1] =	stream.indirect.scatter.add.f32 [tilespmem:s18], [sflag:$0x2], $0x80, s25, s17, $0xb8;
	[tilespmem:$0x1C800] =	vst v63  }
0x62: {  	_ =	swait.ge [sflag:s21], $0x4000  }
0x63: {  	[sflag:s21] =	ssyncset.done $0x0  }
0x64: {  	[sflag:s21] =	ssyncadd.s32 $0xFFFFC000  }
0x65: {  	_ =	swait.ge [sflag:s21], $0x4000  }
0x66: {  	[sflag:s21] =	ssyncset.done $0x0  }
0x67: {  	[sflag:s21] =	ssyncadd.s32 $0xFFFFC000  }
0x68: {  	[tilespmem:s14], [sflag:$0x1] =	stream.indirect.gather [hbm4b:s4+s17], $0x80, s26, s17, $0xb8;
	[tilespmem:$0x1C800] =	vst v63  }
0x69: {  	_ = 	snop  }
0x6a: {  	[tilespmem:s18], [sflag:$0x1] =	stream.indirect.gather [hbm4b:s4+s17], $0x80, s28, s17, $0xb8;
	[tilespmem:$0x1C800] =	vst v63  }
0x6b: {  	_ =	swait.ge [sflag:s19], $0x4000  }
0x6c: {  	[sflag:s19] =	ssyncset.done $0x0  }
0x6d: {  	[sflag:s19] =	ssyncadd.s32 $0xFFFFC000  }
0x6e: {  	[spmem:s1] =	stream.indirect.scatter.add.f32 [tilespmem:s14], [sflag:$0x2], $0x80, s29, s17, $0xb8;
	[tilespmem:$0x1C800] =	vst v63  }
0x6f: {  	_ =	swait.ge [sflag:s19], $0x4000  }
0x70: {  	[sflag:s19] =	ssyncset.done $0x0  }
0x71: {  	[sflag:s19] =	ssyncadd.s32 $0xFFFFC000  }
0x72: {  	[spmem:s1] =	stream.indirect.scatter.add.f32 [tilespmem:s18], [sflag:$0x2], $0x80, s30, s17, $0xb8;
	[tilespmem:$0x1C800] =	vst v63  }
0x73: {  	_ =	swait.ge [sflag:s21], $0x4000  }
0x74: {  	[sflag:s21] =	ssyncset.done $0x0  }
0x75: {  	[sflag:s21] =	ssyncadd.s32 $0xFFFFC000  }
0x76: {  	_ =	swait.ge [sflag:s21], $0x4000  }
0x77: {  	[sflag:s21] =	ssyncset.done $0x0  }
0x78: {  	[sflag:s21] =	ssyncadd.s32 $0xFFFFC000  }
0x79: {  	[tilespmem:s14], [sflag:$0x1] =	stream.indirect.gather [hbm4b:s4+s17], $0x80, s31, s17, $0xb8;
	[tilespmem:$0x1C800] =	vst v63  }
0x7a: {  	_ = 	snop  }
0x7b: {  	[tilespmem:s18], [sflag:$0x1] =	stream.indirect.gather [hbm4b:s4+s17], $0x80, s0, s17, $0xb8;
	[tilespmem:$0x1C800] =	vst v63  }
0x7c: {  	_ =	swait.ge [sflag:s19], $0x4000  }
0x7d: {  	[sflag:s19] =	ssyncset.done $0x0  }
0x7e: {  	[sflag:s19] =	ssyncadd.s32 $0xFFFFC000  }
0x7f: {  	[spmem:s1] =	stream.indirect.scatter.add.f32 [tilespmem:s14], [sflag:$0x2], $0x80, s2, s17, $0xb8;
	[tilespmem:$0x1C800] =	vst v63  }
0x80: {  	_ =	swait.ge [sflag:s19], $0x4000  }
0x81: {  	[sflag:s19] =	ssyncset.done $0x0  }
0x82: {  	p1 =	slt.u32 @!p0 s10, $0x12;
	[sflag:s19] =	ssyncadd.s32 $0xFFFFC000  }
0x83: {  	[spmem:s1] =	stream.indirect.scatter.add.f32 [tilespmem:s18], [sflag:$0x2], $0x80, s6, s17, $0xb8;
	[tilespmem:$0x1C800] =	vst v63  }
0x84: {  	p1 =	por p0, !p1;
	_ =	swait.ge [sflag:s21], $0x4000  }
.Ltmp1:
0x85: {  	[sflag:s21] =	ssyncset.done $0x0;
	(pc) =	sbr.rel @!p1 .LBB2_4-.Ltmp1, $4  }
0x86: {  	[sflag:s21] =	ssyncadd.s32 $0xFFFFC000  }
0x87: {  	_ =	swait.ge [sflag:s21], $0x4000  }
0x88: {  	s10 =	sadd.s32 $0x1, s10;
	[sflag:s21] =	ssyncset.done $0x0  }
0x89: {  	s13 =	sadd.s32 $0x80, s13;
	s12 =	sadd.s32 $0x80, s12;
	[sflag:s21] =	ssyncadd.s32 $0xFFFFC000  }
0x8a: {  	s10 =	stileid.u32;
	[bflag:$0x0] =	sbarrier.arrive $0xFFFF;
	s7 =	sadd.s32 $0x1, s7  }
0x8b: {  	s12 =	sshrl.u32 s5, $0x3;
	s10 =	sshll.u32 s10, $0x6;
	p1 =	sne.s32 s7, s11  }
.Ltmp2:
0x8c: {  	s13 =	rddreg [dreg:$0x8];
	s10 =	sor.u32 $0x1C03, s10;
	(pc) =	sbr.rel @p1 .LBB2_1-.Ltmp2, $4  }
0x8d: {  	[hbm:s13], [sflag:s10] =	dma.local [spmem:s12], $0x2800  }
0x8e: {  	_ =	swait.ge [sflag:s15], $0x2800  }
0x8f: {  	[sflag:s15] =	ssyncset.done $0x0  }
0x90: {  	[sflag:s15] =	ssyncadd.s32 $0xFFFFD800  }
0x91: {  	_ =	sfence.sel $0x180000  }
0x92: {  	[bflag:$0x0] =	sbarrier.arrive $0xFFFF  }
0x93: {  	_ =	strace $0x9000004D  }
0x94: {  	s0 =	stileid.u32;
	[bflag:$0x2] =	sbarrier.arrive $0xFFFF  }
0x95: {  	p0 =	sne.s32 s0, $0x0;
	s0 =	rddreg [dreg:$0x3]  }
0x96: {  	s0 =	sadd.s32 @!p0 $0x100000, s0  }
0x97: {  	[sflag:s0] =	ssyncadd.tile.s32 @!p0 $0x1;
	_ =	shalt  }
.Lfunc_end2:
_tile_overlayer_lowered:
.L_overlay_start_2:
0x98: {  	(tag) =	ssettag $0x2  }
0x99: {  	s0 =	rddreg [dreg:$0x0];
	s2 =	stileid.u32  }
0x9a: {  	s1 =	rddreg [dreg:$0x1];
	p0 =	sne.s32 s2, $0x0  }
0x9b: {  	s3 =	rddreg [dreg:$0x2];
	[bflag:$0x3] =	sbarrier.arrive $0xFFFF;
	s2 =	simm.s32 @!p0 $0x1C03  }
0x9c: {  	[timem:s3], [sflag:s2] =	dma.local @!p0 [hbm:s0], s1  }
0x9d: {  	s0 =	simm.s32 @!p0 $0x3  }
0x9e: {  	_ =	swait.ge @!p0 [sflag:s0], s1  }
0x9f: {  	s1 =	ssub.s32 @!p0 $0x0, s1;
	[sflag:s0] =	ssyncset.done @!p0 $0x0  }
0xa0: {  	[sflag:s0] =	ssyncadd.s32 @!p0 s1  }
0xa1: {  	[bflag:$0x3] =	sbarrier.arrive $0xFFFF  }
0xa2: {  	_ =	shalt  }

// kernel: kernel.8.cloned.1.call-start
scs
__scs_entry_jumppad:
0x0: {  	(pc) =	sbr.rel $0x88, $3  }
0x1: {  	(tag) =	ssettag $0x0;
	lr =	simm.s32 $0x1  }
0x2: {  	[smem:$0x3F9B] =	sst lr;
	_ =	strace $0xD0000000  }
0x3: {  	_ = 	snop  }
0x4: {  	_ = 	snop  }
0x5: {  	_ = 	snop  }
0x6: {  	_ = 	snop  }
0x7: {  	_ = 	snop  }
__scs_overlays_trampoline_lowered:
0x8: {  	[smem:$0x3FAA] =	sst s0  }
0x9: {  	[smem:$0x3FAB] =	sst s1  }
0xa: {  	[smem:$0x3FAC] =	sst s2  }
0xb: {  	[smem:$0x3FAD] =	sst s3  }
0xc: {  	[smem:$0x3FAE] =	sst s4  }
0xd: {  	[smem:$0x3FAF] =	sst s5  }
0xe: {  	[smem:$0x3FB0] =	sst s6  }
0xf: {  	[smem:$0x3FB1] =	sst s7  }
0x10: {  	[smem:$0x3FB2] =	sst s8  }
0x11: {  	[smem:$0x3FB3] =	sst s9;
	s0 =	simm.s32 @!p0 $0x0  }
0x12: {  	s1 =	sld [smem:$0x3F99];
	s0 =	simm.s32 @p0 $0x1  }
0x13: {  	[smem:$0x3FB4] =	sst s0;
	s0 =	simm.s32 @!p1 $0x0  }
0x14: {  	s2 =	sld [smem:$0x3F98];
	s0 =	simm.s32 @p1 $0x1  }
0x15: {  	[smem:$0x3FB5] =	sst s0;
	s0 =	simm.s32 @!p2 $0x0  }
0x16: {  	s3 =	sld [smem:$0x3FDB];
	s0 =	simm.s32 @p2 $0x1  }
0x17: {  	s4 =	simm.s32 $0x1BF5;
	[smem:$0x3FB7] =	sst s0  }
0x18: {  	s0 =	sld [smem:$0x3F9A];
	_ =	swait.ge [sflag:s4], $0x0  }
0x19: {  	s7 =	sld [smem:$0x3F9B]  }
0x1a: {  	s8 =	sadd.s32 $0xFFFFE003, lr  }
0x1b: {  	s9 =	sadd.s32 $0xFFFFFEF7, lr;
	s5 =	simm.s32 $0xFFFFFFFF;
	p2 =	slt.u32 s8, $0xFFFFF086  }
0x1c: {  	p1 =	slt.u32 s9, $0xF7A;
	s5 =	simm.s32 @!p2 $0x0  }
0x1d: {  	s5 =	simm.s32 @p1 $0x1;
	p0 =	seq.s32 s7, s2  }
0x1e: {  	s7 =	smul.u32 @!p0 $0xF7A, s2;
	p2 =	seq.s32 @!p0 s5, $0x0  }
0x1f: {  	s9 =	smul.u32 $0xF7A, s1;
	s8 =	simm.s32 @!p0 $0x1BF5;
	p2 =	por !p2, p0  }
0x20: {  	[sflag:s8] =	ssyncset.s32 @!p0 $0xFFFFF086;
	s6 =	sadd.s32 @!p0 s3, s7;
	s7 =	simm.s32 @!p0 $0x108  }
0x21: {  	s3 =	sadd.s32 s3, s9;
	s6 =	sadd.s32 @!p0 $0x88, s6;
	s7 =	simm.s32 @p2 $0x1082  }
0x22: {  	[simem:s7], [sflag:s8] =	dma.local @!p0 [hbm:s6], $0xF7A  }
0x23: {  	s9 =	sor.u32 $0xD0000000, s2;
	s6 =	simm.s32 $0x108;
	_ =	swait.ge @!p0 [sflag:s8], $0x0  }
0x24: {  	s3 =	sadd.s32 $0x88, s3;
	s6 =	simm.s32 @!p1 $0x1082;
	[sflag:s4] =	ssyncset.s32 $0xFFFFF086  }
0x25: {  	[simem:s6], [sflag:s4] =	dma.local [hbm:s3], $0xF7A  }
0x26: {  	[smem:$0x3F9B] =	sst s1;
	(tag) =	ssettag s2;
	_ =	strace s9  }
0x27: {  	s1 =	sld [smem:$0x3FAB]  }
0x28: {  	s2 =	sld [smem:$0x3FAC]  }
0x29: {  	s4 =	sld [smem:$0x3FAE]  }
0x2a: {  	p0 =	seq.s32 s5, $0x0;
	s5 =	sld [smem:$0x3FAF]  }
0x2b: {  	s6 =	sld [smem:$0x3FB0]  }
0x2c: {  	s7 =	sld [smem:$0x3FB1]  }
0x2d: {  	s3 =	simm.s32 $0x108;
	s8 =	sld [smem:$0x3FB2]  }
0x2e: {  	s3 =	simm.s32 @!p0 $0x1082;
	s9 =	sld [smem:$0x3FB3]  }
0x2f: {  	lr =	sadd.s32 s0, s3;
	s0 =	sld [smem:$0x3FAA]  }
0x30: {  	s3 =	sld [smem:$0x3FAD]  }
0x31: {  	[smem:$0x3FB6] =	sst s10  }
0x32: {  	s10 =	sld [smem:$0x3FB4];
	_ =	sdelay $0x3  }
0x33: {  	p0 =	seq.s32 s10, $0x1;
	s10 =	sld [smem:$0x3FB6];
	_ =	sdelay $0x3  }
0x34: {  	[smem:$0x3FB6] =	sst s10  }
0x35: {  	s10 =	sld [smem:$0x3FB5];
	_ =	sdelay $0x3  }
0x36: {  	p1 =	seq.s32 s10, $0x1;
	s10 =	sld [smem:$0x3FB6];
	_ =	sdelay $0x3  }
0x37: {  	[smem:$0x3FB6] =	sst s10  }
0x38: {  	s10 =	sld [smem:$0x3FB7]  }
0x39: {  	_ = 	snop;
	(pc) =	sbr.ind lr, $3  }
0x3a: {  	_ = 	snop  }
0x3b: {  	_ = 	snop  }
0x3c: {  	p2 =	seq.s32 s10, $0x1;
	s10 =	sld [smem:$0x3FB6]  }
0x3d: {  	_ =	shalt  }
0x3e: {  	_ =	shalt  }
0x3f: {  	_ =	shalt  }
0x40: {  	_ =	shalt  }
0x41: {  	_ =	shalt  }
0x42: {  	_ =	shalt  }
0x43: {  	_ =	shalt  }
0x44: {  	_ =	shalt  }
0x45: {  	_ =	shalt  }
0x46: {  	_ =	shalt  }
0x47: {  	_ =	shalt  }
0x48: {  	_ =	shalt  }
0x49: {  	_ =	shalt  }
0x4a: {  	_ =	shalt  }
0x4b: {  	_ =	shalt  }
0x4c: {  	_ =	shalt  }
0x4d: {  	_ =	shalt  }
0x4e: {  	_ =	shalt  }
0x4f: {  	_ =	shalt  }
0x50: {  	_ =	shalt  }
0x51: {  	_ =	shalt  }
0x52: {  	_ =	shalt  }
0x53: {  	_ =	shalt  }
0x54: {  	_ =	shalt  }
0x55: {  	_ =	shalt  }
0x56: {  	_ =	shalt  }
0x57: {  	_ =	shalt  }
0x58: {  	_ =	shalt  }
0x59: {  	_ =	shalt  }
0x5a: {  	_ =	shalt  }
0x5b: {  	_ =	shalt  }
0x5c: {  	_ =	shalt  }
0x5d: {  	_ =	shalt  }
0x5e: {  	_ =	shalt  }
0x5f: {  	_ =	shalt  }
0x60: {  	_ =	shalt  }
0x61: {  	_ =	shalt  }
0x62: {  	_ =	shalt  }
0x63: {  	_ =	shalt  }
0x64: {  	_ =	shalt  }
0x65: {  	_ =	shalt  }
0x66: {  	_ =	shalt  }
0x67: {  	_ =	shalt  }
0x68: {  	_ =	shalt  }
0x69: {  	_ =	shalt  }
0x6a: {  	_ =	shalt  }
0x6b: {  	_ =	shalt  }
0x6c: {  	_ =	shalt  }
0x6d: {  	_ =	shalt  }
0x6e: {  	_ =	shalt  }
0x6f: {  	_ =	shalt  }
0x70: {  	_ =	shalt  }
0x71: {  	_ =	shalt  }
0x72: {  	_ =	shalt  }
0x73: {  	_ =	shalt  }
0x74: {  	_ =	shalt  }
0x75: {  	_ =	shalt  }
0x76: {  	_ =	shalt  }
0x77: {  	_ =	shalt  }
0x78: {  	_ =	shalt  }
0x79: {  	_ =	shalt  }
0x7a: {  	_ =	shalt  }
0x7b: {  	_ =	shalt  }
0x7c: {  	_ =	shalt  }
0x7d: {  	_ =	shalt  }
0x7e: {  	_ =	shalt  }
0x7f: {  	_ =	shalt  }
0x80: {  	_ =	shalt  }
0x81: {  	_ =	shalt  }
0x82: {  	_ =	shalt  }
0x83: {  	_ =	shalt  }
0x84: {  	_ =	shalt  }
0x85: {  	_ =	shalt  }
0x86: {  	_ =	shalt  }
0x87: {  	_ =	shalt  }
.Lfunc_end0:
.L_simem_size_0:
called_computation_lowered:
.L_overlay_start_0:
0x88: {  	s2 =	sld [smem:$0x3FD9]  }
0x89: {  	s3 =	sld [smem:$0x3FFE];
	_ =	sdelay $0x1  }
0x8a: {  	s1 =	srdreg.scid  }
0x8b: {  	s0 =	sand.u32 $0x1, s1  }
0x8c: {  	s17 =	sshll.u32 s0, $0xA;
	s2 =	sadd.s32 s3, s2  }
0x8d: {  	s2 =	sadd.s32 s2, s17  }
0x8e: {  	[smem:$0x3FC2] =	sst s2  }
0x8f: {  	_ = 	snop  }
0x90: {  	s2 =	sld [smem:$0x3FD0];
	(tm) =	ssettm $0x1  }
0x91: {  	s18 =	sld [smem:$0x3FFB];
	_ =	sdelay $0x3  }
0x92: {  	_ =	strace s18  }
0x93: {  	s3 =	sld [smem:$0x3FFC];
	_ =	sdelay $0x3  }
0x94: {  	_ =	strace s3  }
0x95: {  	s3 =	sld [smem:$0x3FFD];
	_ =	sdelay $0x3  }
0x96: {  	_ =	strace s3  }
0x97: {  	_ =	strace $0x8FFFFFFF  }
0x98: {  	s19 =	sld [smem:$0x3FDB];
	_ =	sdelay $0x1  }
0x99: {  	s4 =	simm.s32 $_scs_section_size  }
0x9a: {  	s5 =	simm.s32 $_size__tile_overlayer_lowered;
	s6 =	simm.s32 $_tile_overlayer_lowered  }
0x9b: {  	s22 =	simm.s32 $0x1BFF;
	s21 =	sshll.u32 s6, $0x1;
	s3 =	sadd.s32 s4, s19  }
0x9c: {  	s7 =	simm.s32 $0x0;
	s20 =	sshll.u32 s5, $0x1;
	s5 =	sadd.s32 s21, s3  }
0x9d: {  	[timem:s7], [sflag:s22] =	dma.local [hbm:s5], s20  }
0x9e: {  	_ =	swait.ge [sflag:s22], s20  }
0x9f: {  	s4 =	ssub.s32 $0x0, s20;
	[sflag:s22] =	ssyncset.done $0x0  }
0xa0: {  	[sflag:s22] =	ssyncadd.s32 s4;
	_ =	sdelay $0x1  }
0xa1: {  	s23 =	simm.s32 $0x1B8B  }
0xa2: {  	_ =	swait.ge [sflag:s23], $0x1  }
0xa3: {  	[sflag:s23] =	ssyncset.done $0x0  }
0xa4: {  	s25 =	simm.s32 $0x1B8E;
	s24 =	sld [smem:$0x3FFE];
	[sflag:s23] =	ssyncadd.s32 $0xFFFFFFFF  }
0xa5: {  	s26 =	simm.s32 $execute0_lowered;
	[smem:$0x3FD2] =	sst s25  }
0xa6: {  	s5 =	sshll.u32 s26, $0x1;
	_ =	strace $0x80000046;
	[dreg:$0x1] =	wrdreg $0xFFFFFFFF  }
0xa7: {  	s28 =	simm.s32 $_size_execute0_lowered;
	s3 =	sadd.s32 s3, s5;
	[dreg:$0x0] =	wrdreg $0x0  }
0xa8: {  	s5 =	sshll.u32 s28, $0x1;
	[dreg:$0x2] =	wrdreg s3  }
0xa9: {  	[dreg:$0x3] =	wrdreg s5  }
0xaa: {  	[dreg:$0x4] =	wrdreg $0xC0  }
0xab: {  	_ =	task [dreg:s7], $0x5FFFF  }
0xac: {  	[dreg:$0x1] =	wrdreg $0xFFFFFFFF  }
0xad: {  	[dreg:$0x0] =	wrdreg $0x60  }
0xae: {  	[dreg:$0x2] =	wrdreg s24  }
0xaf: {  	[dreg:$0x3] =	wrdreg s2  }
0xb0: {  	[dreg:$0x4] =	wrdreg $0x68000  }
0xb1: {  	[dreg:$0x5] =	wrdreg $0x9  }
0xb2: {  	_ =	task.clear_ibuf [dreg:s7], $0x6FFFF;
	_ =	strace $0x90000046  }
0xb3: {  	s29 =	simm.s32 $0x9;
	_ =	strace $0x80000048  }
0xb4: {  	_ =	swait.ge [sflag:s29], $0x1  }
0xb5: {  	[sflag:s29] =	ssyncadd.s32 $0xFFFFFFFF  }
0xb6: {  	_ =	strace $0x90000048  }
0xb7: {  	_ =	sfence  }
0xb8: {  	s30 =	sld [smem:$0x0];
	_ =	sdelay $0x2  }
0xb9: {  	s31 =	sshll.u32 s1, $0xD;
	s1 =	sshrl.u32 s1, $0x2  }
0xba: {  	s3 =	sand.u32 $0x4000, s31;
	s1 =	sadd.s32 s1, s30  }
0xbb: {  	s0 =	sor.u32 s3, s0;
	s1 =	sshll.u32 s1, $0x11  }
0xbc: {  	s0 =	sor.u32 s1, s0  }
0xbd: {  	s0 =	sadd.s32 $0x8F2B, s0  }
0xbe: {  	[sflag:s0] =	ssyncadd.remote.s32 $0x1  }
0xbf: {  	_ =	sfence.sel $0xFFFF  }
0xc0: {  	[dreg:$0x0] =	wrdreg $0xFFFFFFFF;
	(pc) =	sbr.abs _section_cstart, $3  }
0xc1: {  	[dreg:$0x1] =	wrdreg $0xFFFFFFFF  }
0xc2: {  	_ =	task.clear_ibuf [dreg:s7], $0x2FFFF;
	_ =	strace $0x9FFFFFFF  }
0xc3: {  	(tm) =	ssettm $0x7FFFFFFF  }
tec
execute0_lowered:
.L_overlay_start_1:
0x0: {  	(tag) =	ssettag $0x1  }
0x1: {  	s5 =	rddreg [dreg:$0x0]  }
0x2: {  	s11 =	rddreg [dreg:$0x1]  }
0x3: {  	s0 =	srdreg.scid;
	s2 =	rddreg [dreg:$0x2]  }
0x4: {  	s3 =	simm.s32 $0x0;
	s15 =	simm.s32 $0x1;
	s4 =	sand.u32 $0x1, s0  }
0x5: {  	s16 =	simm.s32 $0x80;
	s0 =	stileid.u32;
	s6 =	smul.u32 $0x140000, s4  }
0x6: {  	[smem:$0x7FF] =	sst s3;
	s1 =	sshll.u32 s4, $0x4;
	s7 =	smul.u32 $0x14000, s0  }
0x7: {  	s8 =	smul.u32 $0x50000, s0;
	s4 =	ssub.s32 $0x2, s4;
	s1 =	sor.u32 s0, s1  }
0x8: {  	s31 =	sshrl.u32 s4, $0x1;
	s12 =	smul.u32 $0x500, s1;
	s1 =	rddreg [dreg:$0x3]  }
0x9: {  	_ =	strace $0x80000047;
	s6 =	sadd.s32 s7, s6;
	s8 =	sshrl.u32 s8, $0x2  }
0xa: {  	s14 =	ssub.s32 s4, s31;
	s6 =	sshrl.u32 s6, $0x3;
	s4 =	sadd.s32 s8, s2  }
0xb: {  	s9 =	sadd.s32 s12, s5;
	s13 =	sadd.s32 s6, s5;
	s5 =	sadd.s32 $0x4000, s4  }
0xc: {  	s6 =	sadd.s32 $0x8000, s4;
	s7 =	sadd.s32 $0xC000, s4;
	s8 =	sadd.s32 $0x10000, s4  }
0xd: {  	s11 =	sadd.s32 s11, s12;
	s9 =	sadd.s32 $0x2400, s9;
	s10 =	sadd.s32 $0xC400, s13  }
0xe: {  	v0 =	vimm.f32 $0.0e+00;
	v1 =	vimm.f32 $1.000000000e+00;
	s12 =	sadd.s32 $0x5C400, s13;
	s13 =	smax.u32 s14, $0x1;
	s14 =	simm.s32 $0x2800  }
.LBB2_1:
0xf: {  	s17 =	simm.s32 $0x0;
	s18 =	simm.s32 $0x200  }
.LBB2_2:
0x10: {  	p0 =	sne.s32 s18, $0xFE00;
	[tilespmem:s17+$0x2870] =	vst v0  }
0x11: {  	[tilespmem:s17+$0x2800] =	vst v0  }
0x12: {  	[tilespmem:s17+$0x2810] =	vst v0  }
.Ltmp0:
0x13: {  	[tilespmem:s17+$0x2820] =	vst v0;
	(pc) =	sbr.rel @p0 .LBB2_2-.Ltmp0, $4  }
0x14: {  	[tilespmem:s17+$0x2830] =	vst v0  }
0x15: {  	[tilespmem:s17+$0x2840] =	vst v0  }
0x16: {  	[tilespmem:s17+$0x2850] =	vst v0  }
0x17: {  	[tilespmem:s17+$0x2860] =	vst v0;
	s17 =	sshra.s32 s18, $0x2;
	s18 =	sadd.s32 $0x200, s18  }
0x18: {  	[tilespmem:s17+$0x2870] =	vst v0  }
0x19: {  	[tilespmem:s17+$0x2800] =	vst v0  }
0x1a: {  	[tilespmem:s17+$0x2810] =	vst v0  }
0x1b: {  	[tilespmem:s17+$0x2820] =	vst v0  }
0x1c: {  	[tilespmem:s17+$0x2830] =	vst v0  }
0x1d: {  	[tilespmem:s17+$0x2840] =	vst v0  }
0x1e: {  	[tilespmem:s17+$0x2850] =	vst v0  }
0x1f: {  	[tilespmem:s17+$0x2860] =	vst v0  }
0x20: {  	[spmem:s4] =	stream.linear.scatter [tilespmem:s14], [sflag:$0x1], $0x4000, $0x38;
	[tilespmem:$0x1A800] =	vst v63  }
0x21: {  	_ =	swait.ge [sflag:s15], $0x4000  }
0x22: {  	[sflag:s15] =	ssyncset.done $0x0  }
0x23: {  	[sflag:s15] =	ssyncadd.s32 $0xFFFFC000  }
0x24: {  	[spmem:s5] =	stream.linear.scatter [tilespmem:s14], [sflag:$0x1], $0x4000, $0x38;
	[tilespmem:$0x1A800] =	vst v63  }
0x25: {  	_ =	swait.ge [sflag:s15], $0x4000  }
0x26: {  	[sflag:s15] =	ssyncset.done $0x0  }
0x27: {  	[sflag:s15] =	ssyncadd.s32 $0xFFFFC000  }
0x28: {  	[spmem:s6] =	stream.linear.scatter [tilespmem:s14], [sflag:$0x1], $0x4000, $0x38;
	[tilespmem:$0x1A800] =	vst v63  }
0x29: {  	_ =	swait.ge [sflag:s15], $0x4000  }
0x2a: {  	[sflag:s15] =	ssyncset.done $0x0  }
0x2b: {  	[sflag:s15] =	ssyncadd.s32 $0xFFFFC000  }
0x2c: {  	[spmem:s7] =	stream.linear.scatter [tilespmem:s14], [sflag:$0x1], $0x4000, $0x38;
	[tilespmem:$0x1A800] =	vst v63  }
0x2d: {  	_ =	swait.ge [sflag:s15], $0x4000  }
0x2e: {  	[sflag:s15] =	ssyncset.done $0x0  }
0x2f: {  	[sflag:s15] =	ssyncadd.s32 $0xFFFFC000  }
0x30: {  	[spmem:s8] =	stream.linear.scatter [tilespmem:s14], [sflag:$0x1], $0x4000, $0x38;
	[tilespmem:$0x1A800] =	vst v63  }
0x31: {  	_ =	swait.ge [sflag:s15], $0x4000  }
0x32: {  	[sflag:s15] =	ssyncset.done $0x0  }
0x33: {  	[sflag:s15] =	ssyncadd.s32 $0xFFFFC000  }
0x34: {  	s17 =	simm.s32 $0x0;
	s18 =	simm.s32 $0x200;
	[bflag:$0x0] =	sbarrier.arrive $0xFFFF  }
.LBB2_4:
0x35: {  	p0 =	sne.s32 s18, $0xFE00;
	[tilespmem:s17+$0x2870] =	vst v1  }
0x36: {  	[tilespmem:s17+$0x2800] =	vst v1  }
0x37: {  	[tilespmem:s17+$0x2810] =	vst v1  }
.Ltmp1:
0x38: {  	[tilespmem:s17+$0x2820] =	vst v1;
	(pc) =	sbr.rel @p0 .LBB2_4-.Ltmp1, $4  }
0x39: {  	[tilespmem:s17+$0x2830] =	vst v1  }
0x3a: {  	[tilespmem:s17+$0x2840] =	vst v1  }
0x3b: {  	[tilespmem:s17+$0x2850] =	vst v1  }
0x3c: {  	[tilespmem:s17+$0x2860] =	vst v1;
	s17 =	sshra.s32 s18, $0x2;
	s18 =	sadd.s32 $0x200, s18  }
0x3d: {  	[tilespmem:s17+$0x2870] =	vst v1  }
0x3e: {  	[tilespmem:s17+$0x2800] =	vst v1  }
0x3f: {  	[tilespmem:s17+$0x2810] =	vst v1  }
0x40: {  	[tilespmem:s17+$0x2820] =	vst v1  }
0x41: {  	[tilespmem:s17+$0x2830] =	vst v1  }
0x42: {  	[tilespmem:s17+$0x2840] =	vst v1  }
0x43: {  	[tilespmem:s17+$0x2850] =	vst v1  }
0x44: {  	[tilespmem:s17+$0x2860] =	vst v1;
	s30 =	simm.s32 $0x0  }
0x45: {  	[tilespmem:s30], [sflag:$0x1] =	stream.linear.gather [hbm4b:s9+s30], $0x2800, $0x38;
	[tilespmem:$0x1A800] =	vst v63  }
0x46: {  	_ =	swait.ge [sflag:s15], $0x2800  }
0x47: {  	[sflag:s15] =	ssyncset.done $0x0  }
0x48: {  	s31 =	simm.s32 $0x0;
	[sflag:s15] =	ssyncadd.s32 $0xFFFFD800  }
0x49: {  	[spmem:s2] =	stream.indirect.scatter.add.f32 [tilespmem:s14], [sflag:$0x1], $0x80, s31, s16, $0xb8;
	[tilespmem:$0x1A800] =	vst v63  }
0x4a: {  	_ =	swait.ge [sflag:s15], $0x4000  }
0x4b: {  	s17 =	simm.s32 $0x200;
	[sflag:s15] =	ssyncset.done $0x0  }
.LBB2_6:
0x4c: {  	s18 =	sshra.s32 s17, $0x2;
	[sflag:s15] =	ssyncadd.s32 $0xFFFFC000;
	p0 =	sne.s32 s17, $0x9E00  }
0x4d: {  	[spmem:s2] =	stream.indirect.scatter.add.f32 [tilespmem:s14], [sflag:$0x1], $0x80, s18, s16, $0xb8;
	[tilespmem:$0x1A800] =	vst v63  }
.Ltmp2:
0x4e: {  	_ = 	snop;
	(pc) =	sbr.rel @p0 .LBB2_6-.Ltmp2, $4  }
0x4f: {  	_ = 	snop  }
0x50: {  	s17 =	sadd.s32 $0x200, s17  }
0x51: {  	_ =	swait.ge [sflag:s15], $0x4000  }
0x52: {  	[sflag:s15] =	ssyncset.done $0x0  }
0x53: {  	[sflag:s15] =	ssyncadd.s32 $0xFFFFC000;
	s17 =	sshll.u32 s0, $0x6  }
0x54: {  	s18 =	sshrl.u32 s4, $0x3;
	[bflag:$0x0] =	sbarrier.arrive $0xFFFF;
	s17 =	sor.u32 $0x1C01, s17  }
0x55: {  	[hbm:s10], [sflag:s17] =	dma.local [spmem:s18], $0x2800  }
0x56: {  	_ =	swait.ge [sflag:s15], $0x2800  }
0x57: {  	[sflag:s15] =	ssyncset.done $0x0  }
0x58: {  	[sflag:s15] =	ssyncadd.s32 $0xFFFFD800  }
0x59: {  	s19 =	simm.s32 $0x0;
	s20 =	simm.s32 $0x200;
	[bflag:$0x0] =	sbarrier.arrive $0xFFFF  }
.LBB2_8:
0x5a: {  	p0 =	sne.s32 s20, $0xFE00;
	[tilespmem:s19+$0x2870] =	vst v0  }
0x5b: {  	[tilespmem:s19+$0x2800] =	vst v0  }
0x5c: {  	[tilespmem:s19+$0x2810] =	vst v0  }
.Ltmp3:
0x5d: {  	[tilespmem:s19+$0x2820] =	vst v0;
	(pc) =	sbr.rel @p0 .LBB2_8-.Ltmp3, $4  }
0x5e: {  	[tilespmem:s19+$0x2830] =	vst v0  }
0x5f: {  	[tilespmem:s19+$0x2840] =	vst v0  }
0x60: {  	[tilespmem:s19+$0x2850] =	vst v0  }
0x61: {  	[tilespmem:s19+$0x2860] =	vst v0;
	s19 =	sshra.s32 s20, $0x2;
	s20 =	sadd.s32 $0x200, s20  }
0x62: {  	[tilespmem:s19+$0x2870] =	vst v0  }
0x63: {  	[tilespmem:s19+$0x2800] =	vst v0  }
0x64: {  	[tilespmem:s19+$0x2810] =	vst v0  }
0x65: {  	[tilespmem:s19+$0x2820] =	vst v0  }
0x66: {  	[tilespmem:s19+$0x2830] =	vst v0  }
0x67: {  	[tilespmem:s19+$0x2840] =	vst v0  }
0x68: {  	[tilespmem:s19+$0x2850] =	vst v0  }
0x69: {  	[tilespmem:s19+$0x2860] =	vst v0  }
0x6a: {  	[spmem:s4] =	stream.linear.scatter [tilespmem:s14], [sflag:$0x1], $0x4000, $0x38;
	[tilespmem:$0x1A800] =	vst v63  }
0x6b: {  	_ =	swait.ge [sflag:s15], $0x4000  }
0x6c: {  	[sflag:s15] =	ssyncset.done $0x0  }
0x6d: {  	[sflag:s15] =	ssyncadd.s32 $0xFFFFC000  }
0x6e: {  	[spmem:s5] =	stream.linear.scatter [tilespmem:s14], [sflag:$0x1], $0x4000, $0x38;
	[tilespmem:$0x1A800] =	vst v63  }
0x6f: {  	_ =	swait.ge [sflag:s15], $0x4000  }
0x70: {  	[sflag:s15] =	ssyncset.done $0x0  }
0x71: {  	[sflag:s15] =	ssyncadd.s32 $0xFFFFC000  }
0x72: {  	[spmem:s6] =	stream.linear.scatter [tilespmem:s14], [sflag:$0x1], $0x4000, $0x38;
	[tilespmem:$0x1A800] =	vst v63  }
0x73: {  	_ =	swait.ge [sflag:s15], $0x4000  }
0x74: {  	[sflag:s15] =	ssyncset.done $0x0  }
0x75: {  	[sflag:s15] =	ssyncadd.s32 $0xFFFFC000  }
0x76: {  	[spmem:s7] =	stream.linear.scatter [tilespmem:s14], [sflag:$0x1], $0x4000, $0x38;
	[tilespmem:$0x1A800] =	vst v63  }
0x77: {  	_ =	swait.ge [sflag:s15], $0x4000  }
0x78: {  	[sflag:s15] =	ssyncset.done $0x0  }
0x79: {  	[sflag:s15] =	ssyncadd.s32 $0xFFFFC000  }
0x7a: {  	[spmem:s8] =	stream.linear.scatter [tilespmem:s14], [sflag:$0x1], $0x4000, $0x38;
	[tilespmem:$0x1A800] =	vst v63  }
0x7b: {  	_ =	swait.ge [sflag:s15], $0x4000  }
0x7c: {  	[sflag:s15] =	ssyncset.done $0x0  }
0x7d: {  	[sflag:s15] =	ssyncadd.s32 $0xFFFFC000  }
0x7e: {  	s19 =	simm.s32 $0x0;
	s20 =	simm.s32 $0x200;
	[bflag:$0x0] =	sbarrier.arrive $0xFFFF  }
.LBB2_10:
0x7f: {  	p0 =	sne.s32 s20, $0xFE00;
	[tilespmem:s19+$0x2870] =	vst v1  }
0x80: {  	[tilespmem:s19+$0x2800] =	vst v1  }
0x81: {  	[tilespmem:s19+$0x2810] =	vst v1  }
.Ltmp4:
0x82: {  	[tilespmem:s19+$0x2820] =	vst v1;
	(pc) =	sbr.rel @p0 .LBB2_10-.Ltmp4, $4  }
0x83: {  	[tilespmem:s19+$0x2830] =	vst v1  }
0x84: {  	[tilespmem:s19+$0x2840] =	vst v1  }
0x85: {  	[tilespmem:s19+$0x2850] =	vst v1  }
0x86: {  	[tilespmem:s19+$0x2860] =	vst v1;
	s19 =	sshra.s32 s20, $0x2;
	s20 =	sadd.s32 $0x200, s20  }
0x87: {  	[tilespmem:s19+$0x2870] =	vst v1  }
0x88: {  	[tilespmem:s19+$0x2800] =	vst v1  }
0x89: {  	[tilespmem:s19+$0x2810] =	vst v1  }
0x8a: {  	[tilespmem:s19+$0x2820] =	vst v1  }
0x8b: {  	[tilespmem:s19+$0x2830] =	vst v1  }
0x8c: {  	[tilespmem:s19+$0x2840] =	vst v1  }
0x8d: {  	[tilespmem:s19+$0x2850] =	vst v1  }
0x8e: {  	[tilespmem:s19+$0x2860] =	vst v1;
	s30 =	simm.s32 $0x0  }
0x8f: {  	[tilespmem:s30], [sflag:$0x1] =	stream.linear.gather [hbm4b:s11+s30], $0x2800, $0x38;
	[tilespmem:$0x1A800] =	vst v63  }
0x90: {  	_ =	swait.ge [sflag:s15], $0x2800  }
0x91: {  	[sflag:s15] =	ssyncset.done $0x0  }
0x92: {  	s31 =	simm.s32 $0x0;
	[sflag:s15] =	ssyncadd.s32 $0xFFFFD800  }
0x93: {  	[spmem:s2] =	stream.indirect.scatter.add.f32 [tilespmem:s14], [sflag:$0x1], $0x80, s31, s16, $0xb8;
	[tilespmem:$0x1A800] =	vst v63  }
0x94: {  	_ =	swait.ge [sflag:s15], $0x4000  }
0x95: {  	s19 =	simm.s32 $0x200;
	[sflag:s15] =	ssyncset.done $0x0  }
.LBB2_12:
0x96: {  	s20 =	sshra.s32 s19, $0x2;
	[sflag:s15] =	ssyncadd.s32 $0xFFFFC000;
	p0 =	sne.s32 s19, $0x9E00  }
0x97: {  	[spmem:s2] =	stream.indirect.scatter.add.f32 [tilespmem:s14], [sflag:$0x1], $0x80, s20, s16, $0xb8;
	[tilespmem:$0x1A800] =	vst v63  }
.Ltmp5:
0x98: {  	_ = 	snop;
	(pc) =	sbr.rel @p0 .LBB2_12-.Ltmp5, $4  }
0x99: {  	_ = 	snop  }
0x9a: {  	s19 =	sadd.s32 $0x200, s19  }
0x9b: {  	_ =	swait.ge [sflag:s15], $0x4000  }
0x9c: {  	[sflag:s15] =	ssyncset.done $0x0  }
0x9d: {  	[sflag:s15] =	ssyncadd.s32 $0xFFFFC000;
	s3 =	sadd.s32 $0x1, s3  }
0x9e: {  	[bflag:$0x0] =	sbarrier.arrive $0xFFFF;
	p0 =	sne.s32 s3, s13  }
0x9f: {  	[hbm:s12], [sflag:s17] =	dma.local [spmem:s18], $0x2800  }
.Ltmp6:
0xa0: {  	_ =	swait.ge [sflag:s15], $0x2800;
	(pc) =	sbr.rel @p0 .LBB2_1-.Ltmp6, $3  }
0xa1: {  	[sflag:s15] =	ssyncset.done $0x0  }
0xa2: {  	[sflag:s15] =	ssyncadd.s32 $0xFFFFD800  }
0xa3: {  	[bflag:$0x0] =	sbarrier.arrive $0xFFFF;
	_ =	sdelay $0x1  }
0xa4: {  	_ =	sfence.sel $0x180000  }
0xa5: {  	[bflag:$0x0] =	sbarrier.arrive $0xFFFF  }
0xa6: {  	p0 =	sne.s32 s0, $0x0;
	_ =	strace $0x90000047  }
0xa7: {  	s0 =	sadd.s32 @!p0 $0x100000, s1;
	[bflag:$0x2] =	sbarrier.arrive $0xFFFF  }
0xa8: {  	[sflag:s0] =	ssyncadd.tile.s32 @!p0 $0x1;
	_ =	shalt  }
.Lfunc_end2:
_tile_overlayer_lowered:
.L_overlay_start_2:
0xa9: {  	(tag) =	ssettag $0x2  }
0xaa: {  	s0 =	rddreg [dreg:$0x0];
	s2 =	stileid.u32  }
0xab: {  	s1 =	rddreg [dreg:$0x1];
	p0 =	sne.s32 s2, $0x0  }
0xac: {  	s3 =	rddreg [dreg:$0x2];
	[bflag:$0x3] =	sbarrier.arrive $0xFFFF;
	s2 =	simm.s32 @!p0 $0x1C01  }
0xad: {  	[timem:s3], [sflag:s2] =	dma.local @!p0 [hbm:s0], s1  }
0xae: {  	s0 =	simm.s32 @!p0 $0x1  }
0xaf: {  	_ =	swait.ge @!p0 [sflag:s0], s1  }
0xb0: {  	s1 =	ssub.s32 @!p0 $0x0, s1;
	[sflag:s0] =	ssyncset.done @!p0 $0x0  }
0xb1: {  	[sflag:s0] =	ssyncadd.s32 @!p0 s1  }
0xb2: {  	[bflag:$0x3] =	sbarrier.arrive $0xFFFF  }
0xb3: {  	_ =	shalt  }

</sc_bundles>
